<compile_context>
chip_gen: v7x
topology: tpu7x:2x2x1
jax: 0.10.2.dev20260603
libtpu: 0.0.44.dev20260713+nightly
codegen_flags: <defaults>
</compile_context>

<pallas_src>
import functools

import jax
import jax.numpy as jnp
from jax import lax
from jax.experimental import pallas as pl
from jax.experimental.pallas import tpu as pltpu
from jax.experimental.pallas import tpu_sc as plsc

HEIGHT = 1024
WIDTH = 1024
B = 8
N = 262144
HW = HEIGHT * WIDTH
NC = 2
NS = 16
CHUNK = 2048
PER_TILE = N // NS
SLICE = HW // NS
RANK0 = 2621
FRAC = 0.43


def _params_body(x_ref, y_ref, z_ref, o_ref):
    u = jnp.uint32
    inf = jnp.float32(jnp.inf)

    def minmax(ref):
        def mm(k, carry):
            lo, hi = carry
            blk = ref[0, pl.ds(k * 64, 64), :]
            return jnp.minimum(lo, blk), jnp.maximum(hi, blk)

        lo, hi = lax.fori_loop(
            0, 32, mm, (jnp.full((64, 128), inf, jnp.float32),
                        jnp.full((64, 128), -inf, jnp.float32)), unroll=4)
        return jnp.min(lo), jnp.max(hi)

    xmin, xmax = minmax(x_ref)
    ymin, ymax = minmax(y_ref)
    zmin, zmax = minmax(z_ref)
    xspan = xmax - xmin
    yspan = ymax - ymin
    zspan = zmax - zmin

    def tofl(k):
        return lax.bitcast_convert_type(
            jnp.where(k >= u(0x80000000), k ^ u(0x80000000), ~k), jnp.float32)

    def bis(_, carry):
        lo1, hi1 = carry
        mid1 = lo1 + (hi1 - lo1) // u(2)
        midf = tofl(mid1)

        def inner(k, a1):
            blk = z_ref[0, pl.ds(k * 64, 64), :]
            return a1 + (blk <= midf).astype(jnp.int32)

        a1 = lax.fori_loop(0, 32, inner, jnp.zeros((64, 128), jnp.int32),
                           unroll=8)
        c1 = jnp.sum(a1)
        t1 = c1 >= RANK0 + 1
        return (jnp.where(t1, lo1, mid1 + u(1)), jnp.where(t1, mid1, hi1))

    k1, _ = lax.fori_loop(0, 32, bis, (u(0), u(0xFFFFFFFF)))
    z1 = tofl(k1)

    def nxt(k, carry):
        accm, accc = carry
        blk = z_ref[0, pl.ds(k * 64, 64), :]
        gt = blk > z1
        return (jnp.minimum(accm, jnp.where(gt, blk, inf)),
                accc + (~gt).astype(jnp.int32))

    accm, accc = lax.fori_loop(
        0, 32, nxt, (jnp.full((64, 128), inf, jnp.float32),
                     jnp.zeros((64, 128), jnp.int32)), unroll=4)
    z2 = jnp.min(accm)
    z2 = jnp.where(jnp.sum(accc) >= RANK0 + 2, z1,
                   jnp.where(jnp.isfinite(z2), z2, z1))

    d1 = (z1 - zmin) / zspan
    d2 = (z2 - zmin) / zspan
    q = d1 + jnp.float32(FRAC) * (d2 - d1)

    rsc = jnp.float32(1022.0) / xspan
    csc = jnp.float32(1022.0) / yspan
    zsc = jnp.float32(1.0) / zspan
    rows = lax.broadcasted_iota(jnp.int32, (8, 128), 0)
    acc = jnp.zeros((8, 128), jnp.float32)
    for k, p in enumerate([xmin, rsc, ymin, csc, zmin, zsc, q,
                           jnp.float32(0.0)]):
        acc = jnp.where(rows == k, p, acc)
    o_ref[0] = acc


_params_tc = pl.pallas_call(
    _params_body,
    grid=(B,),
    in_specs=[pl.BlockSpec((1, 2048, 128), lambda b: (b, 0, 0))] * 3,
    out_specs=pl.BlockSpec((1, 8, 128), lambda b: (b, 0, 0)),
    out_shape=jax.ShapeDtypeStruct((B, 8, 128), jnp.float32),
)


NSUB = PER_TILE // CHUNK
NROW = 4 * CHUNK // 128


def _splat_body(xs, ys, zs, pr, out, raster, xv, yv, zv, pv, idxb, valb, zb,
                sem_in, sem_sc):
    c = lax.axis_index("c")
    sid = lax.axis_index("s")
    zero16 = jnp.zeros((16,), jnp.float32)

    @pl.loop(0, zb.shape[0] // 16)
    def _zero(i):
        zb[pl.ds(i * 16, 16)] = zero16

    def fire_loads(gb, row0, p):
        src = pl.ds(row0, CHUNK // 128)
        pltpu.async_copy(xs.at[gb, src, :], xv.at[p], sem_in)
        pltpu.async_copy(ys.at[gb, src, :], yv.at[p], sem_in)
        pltpu.async_copy(zs.at[gb, src, :], zv.at[p], sem_in)

    def drain_loads(gb, row0, p):
        src = pl.ds(row0, CHUNK // 128)
        pltpu.make_async_copy(xs.at[gb, src, :], xv.at[p], sem_in).wait()
        pltpu.make_async_copy(ys.at[gb, src, :], yv.at[p], sem_in).wait()
        pltpu.make_async_copy(zs.at[gb, src, :], zv.at[p], sem_in).wait()

    def fire_scatters(p):
        @pl.loop(0, NROW, unroll=4)
        def _f(jj):
            pltpu.async_copy(valb.at[p * NROW + jj],
                             raster.at[idxb.at[p * NROW + jj]],
                             sem_sc, add=True)

    def drain_scatters(p):
        @pl.loop(0, NROW, unroll=4)
        def _d(jj):
            pltpu.make_async_copy(valb.at[p * NROW + jj],
                                  raster.at[idxb.at[p * NROW + jj]],
                                  sem_sc).wait()

    @pl.loop(0, B // NC)
    def _batch(b):
        gb = c * (B // NC) + b
        trow = sid * (PER_TILE // 128)

        @pl.loop(0, SLICE // 8192)
        def _z8(z8):
            pltpu.sync_copy(zb, raster.at[pl.ds(sid * SLICE + z8 * 8192,
                                                8192)])

        plsc.subcore_barrier()

        pltpu.sync_copy(pr.at[pl.ds(gb * 128, 128)], pv)
        xmin = pv[pl.ds(0, 16)]
        rsc = pv[pl.ds(16, 16)]
        ymin = pv[pl.ds(32, 16)]
        csc = pv[pl.ds(48, 16)]
        zmin = pv[pl.ds(64, 16)]
        zsc = pv[pl.ds(80, 16)]
        q = pv[pl.ds(96, 16)]

        fire_loads(gb, trow, 0)

        @pl.loop(0, NSUB)
        def _sub(s8):
            p = s8 & 1
            drain_loads(gb, trow + s8 * (CHUNK // 128), p)

            @pl.when(s8 + 1 < NSUB)
            def _pref():
                fire_loads(gb, trow + (s8 + 1) * (CHUNK // 128), 1 - p)

            @pl.when(s8 >= 2)
            def _dr():
                drain_scatters(p)

            @pl.loop(0, CHUNK // 128)
            def _fill(j):
                for t in range(8):
                    cds = pl.ds(t * 16, 16)
                    x = xv[p, j, cds]
                    y = yv[p, j, cds]
                    z = zv[p, j, cds]
                    r = jnp.minimum((x - xmin) * rsc + 1.0, 1023.0)
                    cc = jnp.minimum((y - ymin) * csc + 1.0, 1023.0)
                    dist = (z - zmin) * zsc
                    s = 1.0 - jnp.maximum(dist, q)
                    flr = r.astype(jnp.int32)
                    flrf = flr.astype(jnp.float32)
                    cer = flr + jnp.where(flrf == r, 0, 1)
                    cerf = cer.astype(jnp.float32)
                    flc = cc.astype(jnp.int32)
                    flcf = flc.astype(jnp.float32)
                    cec = flc + jnp.where(flcf == cc, 0, 1)
                    cecf = cec.astype(jnp.float32)
                    sw0 = s * (r - flrf)
                    sw1 = s * (cerf - r)
                    wc0 = cc - flcf
                    wc1 = cecf - cc
                    r0 = flr * 1024
                    r1 = cer * 1024
                    ds = pl.ds(t * 16, 16)
                    G = CHUNK // 128
                    row = p * NROW + j
                    idxb[row, ds] = r0 + flc
                    idxb[G + row, ds] = r1 + flc
                    idxb[2 * G + row, ds] = r0 + cec
                    idxb[3 * G + row, ds] = r1 + cec
                    valb[row, ds] = sw0 * wc0
                    valb[G + row, ds] = sw1 * wc0
                    valb[2 * G + row, ds] = sw0 * wc1
                    valb[3 * G + row, ds] = sw1 * wc1

            fire_scatters(p)

        drain_scatters(0)
        drain_scatters(1)
        plsc.subcore_barrier()
        for k in range(SLICE // WIDTH):
            pltpu.async_copy(raster.at[pl.ds(sid * SLICE + k * WIDTH, WIDTH)],
                             out.at[gb, sid * (SLICE // WIDTH) + k, :],
                             sem_in)
        for k in range(SLICE // WIDTH):
            pltpu.make_async_copy(
                raster.at[pl.ds(sid * SLICE + k * WIDTH, WIDTH)],
                out.at[gb, sid * (SLICE // WIDTH) + k, :], sem_in).wait()


@functools.cache
def _splat_sc():
    return functools.partial(
        pl.kernel,
        out_type=jax.ShapeDtypeStruct((B, HEIGHT, WIDTH), jnp.float32),
        compiler_params=pltpu.CompilerParams(use_tc_tiling_on_sc=True),
        mesh=plsc.VectorSubcoreMesh(core_axis_name="c", subcore_axis_name="s",
                                    num_cores=NC, num_subcores=NS),
        scratch_types=[
            pltpu.VMEM_SHARED((HW,), jnp.float32),
            pltpu.VMEM((2, CHUNK // 128, 128), jnp.float32),
            pltpu.VMEM((2, CHUNK // 128, 128), jnp.float32),
            pltpu.VMEM((2, CHUNK // 128, 128), jnp.float32),
            pltpu.VMEM((128,), jnp.float32),
            pltpu.VMEM((2 * NROW, 128), jnp.int32),
            pltpu.VMEM((2 * NROW, 128), jnp.float32),
            pltpu.VMEM((8192,), jnp.float32),
            pltpu.SemaphoreType.DMA,
            pltpu.SemaphoreType.DMA,
        ],
    )(_splat_body)


def kernel(point_clouds):
    pct = jnp.swapaxes(point_clouds, 1, 2)
    xs = pct[:, 0, :].reshape(B, 2048, 128)
    ys = pct[:, 1, :].reshape(B, 2048, 128)
    zs = pct[:, 2, :].reshape(B, 2048, 128)
    params = _params_tc(xs, ys, zs)
    params_sc = params[:, :, :16].reshape(-1)
    return _splat_sc()(xs, ys, zs, params_sc)

# --- scband reference (transcript-rebuilt; emitter-appended) ---
"""Pipeline reference for scband-differentiable-raster-10419590660324 (READ-ONLY COPY).

The authoritative reference and input builder live on the scoring server;
editing this copy changes nothing except your own understanding.
"""

import jax, jax.numpy as jnp
import numpy as np

HEIGHT = 1024
WIDTH = 1024


def setup_inputs(seed: int = 0) -> dict:
    key = jax.random.key(seed)
    point_clouds = jax.random.normal(key, (8, 262144, 3), dtype=jnp.float32)
    return {"point_clouds": point_clouds}


def reference(point_clouds):
    B = point_clouds.shape[0]
    pc_t = jnp.swapaxes(point_clouds, 1, 2)  # [B, 3, N] (torch .mT)
    z = pc_t[:, 2, :]
    zmin = jnp.min(z, axis=1, keepdims=True)
    zmax = jnp.max(z, axis=1, keepdims=True)
    dist = (z - zmin) / (zmax - zmin)
    q = jnp.quantile(dist, 0.01, axis=1, keepdims=True)
    dist = jnp.maximum(dist, q)
    strengths = 1.0 - dist  # [B, N]

    idx = pc_t[:, :2, :]  # [B, 2, N]
    idx = idx - jnp.min(idx, axis=2, keepdims=True)
    idx = idx / jnp.max(idx, axis=2, keepdims=True)
    scale = jnp.array([[HEIGHT - 2], [WIDTH - 2]], dtype=point_clouds.dtype)
    idx = idx * scale[None, :, :] + 1.0

    fl = jnp.floor(idx).astype(jnp.int32)
    ce = jnp.ceil(idx).astype(jnp.int32)
    flf = fl.astype(idx.dtype)
    cef = ce.astype(idx.dtype)

    vals_tl = strengths * jnp.prod(idx - flf, axis=1)
    vals_bl = strengths * jnp.prod(jnp.abs(idx - jnp.stack([cef[:, 0, :], flf[:, 1, :]], axis=1)), axis=1)
    vals_tr = strengths * jnp.prod(jnp.abs(idx - jnp.stack([flf[:, 0, :], cef[:, 1, :]], axis=1)), axis=1)
    vals_br = strengths * jnp.prod(cef - idx, axis=1)

    b = jnp.broadcast_to(jnp.arange(B)[:, None], fl[:, 0, :].shape)
    raster = jnp.zeros((B, HEIGHT, WIDTH), dtype=point_clouds.dtype)
    raster = raster.at[b, fl[:, 0, :], fl[:, 1, :]].add(vals_tl)
    raster = raster.at[b, ce[:, 0, :], fl[:, 1, :]].add(vals_bl)
    raster = raster.at[b, fl[:, 0, :], ce[:, 1, :]].add(vals_tr)
    raster = raster.at[b, ce[:, 0, :], ce[:, 1, :]].add(vals_br)
    return raster

if __name__ == "__main__":
    import jax
    _d = setup_inputs()
    print(jax.jit(kernel)(*tuple(_d.values())))

</pallas_src>

<mosaic_0001>
#map = affine_map<(d0, d1) -> (0, 0, 0)>
#map1 = affine_map<(d0, d1) -> (0)>
module attributes {stable_mosaic.version = 14 : i64} {
  func.func @_splat_body(%arg0: i32, %arg1: i32, %arg2: memref<8x2048x128xf32, #tpu.memory_space<hbm>>, %arg3: memref<8x2048x128xf32, #tpu.memory_space<hbm>>, %arg4: memref<8x2048x128xf32, #tpu.memory_space<hbm>>, %arg5: memref<1024xf32, #tpu.memory_space<hbm>>, %arg6: memref<8x1024x1024xf32, #tpu.memory_space<hbm>>, %arg7: memref<1048576xf32, #tpu.memory_space<vmem_shared>>, %arg8: memref<2x16x128xf32, #tpu.memory_space<vmem>>, %arg9: memref<2x16x128xf32, #tpu.memory_space<vmem>>, %arg10: memref<2x16x128xf32, #tpu.memory_space<vmem>>, %arg11: memref<128xf32, #tpu.memory_space<vmem>>, %arg12: memref<128x128xi32, #tpu.memory_space<vmem>>, %arg13: memref<128x128xf32, #tpu.memory_space<vmem>>, %arg14: memref<8192xf32, #tpu.memory_space<vmem>>, %arg15: memref<!tpu.dma_semaphore, #tpu.memory_space<semaphore_mem>>, %arg16: memref<!tpu.dma_semaphore, #tpu.memory_space<semaphore_mem>>) attributes {dimension_semantics = [#tpu.dimension_semantics<core_parallel>, #tpu.dimension_semantics<subcore_parallel>], iteration_bounds = array<i64: 2, 16>, scalar_prefetch = 0 : i64, scratch_operands = 10 : i64, tpu.core_type = #tpu.core_type<sc_vector_subcore>, window_params = [{transform_indices = #map}, {transform_indices = #map}, {transform_indices = #map}, {transform_indices = #map1}, {transform_indices = #map}]} {
    %broadcast_in_dim3A = arith.constant 0.000000e+00 : f32
    %broadcast_in_dim3A_0 = vector.broadcast %broadcast_in_dim3A : f32 to vector<16xf32>
    %scan3A = arith.constant 0 : i32
    %scan3A_1 = arith.constant 512 : i32
    %scan3A_2 = arith.addi %scan3A, %scan3A_1 : i32
    %scan3A_3 = arith.constant 1 : i32
    scf.for %scan3A_10 = %scan3A to %scan3A_2 step %scan3A_3  : i32 {
      %mul3A = arith.constant 1 : i32
      %mul3A_11 = arith.muli %scan3A_10, %mul3A : i32
      %add3A = arith.constant 0 : i32
      %add3A_12 = arith.addi %add3A, %mul3A_11 : i32
      %mul3A_13 = arith.constant 16 : i32
      %mul3A_14 = arith.muli %add3A_12, %mul3A_13 : i32
      %swap3A = arith.index_cast %mul3A_14 : i32 to index
      %swap3A_15 = tpu.vector_load %arg14[%swap3A] {strides = array<i32>} : memref<8192xf32, #tpu.memory_space<vmem>>, vector<16xf32>,
      %swap3A_16 = vector.shape_cast %swap3A_15 : vector<16xf32> to vector<16xf32>
      %swap3A_17 = vector.shape_cast %broadcast_in_dim3A_0 : vector<16xf32> to vector<16xf32>
      tpu.vector_store %arg14[%swap3A], %swap3A_17 {strides = array<i32>} : memref<8192xf32, #tpu.memory_space<vmem>>, vector<16xf32>,
    }
    %scan3A_4 = arith.constant 512 : i32
    %scan3A_5 = arith.constant 0 : i32
    %scan3A_6 = arith.constant 4 : i32
    %scan3A_7 = arith.addi %scan3A_5, %scan3A_6 : i32
    %scan3A_8 = arith.constant 1 : i32
    scf.for %scan3A_10 = %scan3A_5 to %scan3A_7 step %scan3A_8  : i32 {
      %mul3A = arith.constant 1 : i32
      %mul3A_11 = arith.muli %scan3A_10, %mul3A : i32
      %add3A = arith.constant 0 : i32
      %add3A_12 = arith.addi %add3A, %mul3A_11 : i32
      %mul3A_13 = arith.constant 4 : i32
      %mul3A_14 = arith.muli %arg0, %mul3A_13 : i32
      %add3A_15 = arith.addi %mul3A_14, %add3A_12 : i32
      %mul3A_16 = arith.constant 128 : i32
      %mul3A_17 = arith.muli %arg1, %mul3A_16 : i32
      %scan3A_18 = arith.constant 0 : i32
      %scan3A_19 = arith.constant 8 : i32
      %scan3A_20 = arith.addi %scan3A_18, %scan3A_19 : i32
      %scan3A_21 = arith.constant 1 : i32
      scf.for %scan3A_1640 = %scan3A_18 to %scan3A_20 step %scan3A_21  : i32 {
        %mul3A_1641 = arith.constant 1 : i32
        %mul3A_1642 = arith.muli %scan3A_1640, %mul3A_1641 : i32
        %add3A_1643 = arith.constant 0 : i32
        %add3A_1644 = arith.addi %add3A_1643, %mul3A_1642 : i32
        %mul3A_1645 = arith.constant 65536 : i32
        %mul3A_1646 = arith.muli %arg1, %mul3A_1645 : i32
        %mul3A_1647 = arith.constant 8192 : i32
        %mul3A_1648 = arith.muli %add3A_1644, %mul3A_1647 : i32
        %add3A_1649 = arith.addi %mul3A_1646, %mul3A_1648 : i32
        "tpu.region"() ({
          %run_scoped3A = tpu.sem_alloc : memref<!tpu.dma_semaphore, #tpu.memory_space<semaphore_mem>>
          %dma_start3A_1650 = tpu.memref_slice %arg7[%add3A_1649] : memref<1048576xf32, #tpu.memory_space<vmem_shared>> -> memref<8192xf32, #tpu.memory_space<vmem_shared>>
          %dma_start3A_1651 = tpu.memref_slice %arg7[%add3A_1649] : memref<1048576xf32, #tpu.memory_space<vmem_shared>> -> memref<8192xf32, #tpu.memory_space<vmem_shared>>
          tpu.enqueue_dma source(%arg14 : memref<8192xf32, #tpu.memory_space<vmem>>) target(%dma_start3A_1651 : memref<8192xf32, #tpu.memory_space<vmem_shared>>) target_semaphore(%run_scoped3A : memref<!tpu.dma_semaphore, #tpu.memory_space<semaphore_mem>>)
          %dma_wait3A_1652 = tpu.memref_slice %arg7[%add3A_1649] : memref<1048576xf32, #tpu.memory_space<vmem_shared>> -> memref<8192xf32, #tpu.memory_space<vmem_shared>>
          %dma_wait3A_1653 = tpu.memref_slice %arg7[%add3A_1649] : memref<1048576xf32, #tpu.memory_space<vmem_shared>> -> memref<8192xf32, #tpu.memory_space<vmem_shared>>
          tpu.wait_dma2 semaphore(%run_scoped3A : memref<!tpu.dma_semaphore, #tpu.memory_space<semaphore_mem>>) src(%arg14 : memref<8192xf32, #tpu.memory_space<vmem>>) dst(%dma_wait3A_1653 : memref<8192xf32, #tpu.memory_space<vmem_shared>>)
          tpu.yield
        }) : () -> ()
      }
      %scan3A_22 = arith.constant 8 : i32
      %barrier3A = arith.constant 0 : index
      tpu.barrier barrier_id(%barrier3A)
      %mul3A_23 = arith.constant 128 : i32
      %mul3A_24 = arith.muli %add3A_15, %mul3A_23 : i32
      "tpu.region"() ({
        %run_scoped3A = tpu.sem_alloc : memref<!tpu.dma_semaphore, #tpu.memory_space<semaphore_mem>>
        %dma_start3A_1640 = tpu.memref_slice %arg5[%mul3A_24] : memref<1024xf32, #tpu.memory_space<hbm>> -> memref<128xf32, #tpu.memory_space<hbm>>
        %dma_start3A_1641 = tpu.memref_slice %arg5[%mul3A_24] : memref<1024xf32, #tpu.memory_space<hbm>> -> memref<128xf32, #tpu.memory_space<hbm>>
        tpu.enqueue_dma source(%dma_start3A_1641 : memref<128xf32, #tpu.memory_space<hbm>>) target(%arg11 : memref<128xf32, #tpu.memory_space<vmem>>) target_semaphore(%run_scoped3A : memref<!tpu.dma_semaphore, #tpu.memory_space<semaphore_mem>>)
        %dma_wait3A_1642 = tpu.memref_slice %arg5[%mul3A_24] : memref<1024xf32, #tpu.memory_space<hbm>> -> memref<128xf32, #tpu.memory_space<hbm>>
        %dma_wait3A_1643 = tpu.memref_slice %arg5[%mul3A_24] : memref<1024xf32, #tpu.memory_space<hbm>> -> memref<128xf32, #tpu.memory_space<hbm>>
        tpu.wait_dma2 semaphore(%run_scoped3A : memref<!tpu.dma_semaphore, #tpu.memory_space<semaphore_mem>>) src(%dma_wait3A_1643 : memref<128xf32, #tpu.memory_space<hbm>>) dst(%arg11 : memref<128xf32, #tpu.memory_space<vmem>>)
        tpu.yield
      }) : () -> ()
      %get3A = arith.constant 0 : index
      %get3A_25 = tpu.vector_load %arg11[%get3A] {strides = array<i32>} : memref<128xf32, #tpu.memory_space<vmem>>, vector<16xf32>,
      %get3A_26 = vector.shape_cast %get3A_25 : vector<16xf32> to vector<16xf32>
      %get3A_27 = arith.constant 16 : index
      %get3A_28 = tpu.vector_load %arg11[%get3A_27] {strides = array<i32>} : memref<128xf32, #tpu.memory_space<vmem>>, vector<16xf32>,
      %get3A_29 = vector.shape_cast %get3A_28 : vector<16xf32> to vector<16xf32>
      %get3A_30 = arith.constant 32 : index
      %get3A_31 = tpu.vector_load %arg11[%get3A_30] {strides = array<i32>} : memref<128xf32, #tpu.memory_space<vmem>>, vector<16xf32>,
      %get3A_32 = vector.shape_cast %get3A_31 : vector<16xf32> to vector<16xf32>
      %get3A_33 = arith.constant 48 : index
      %get3A_34 = tpu.vector_load %arg11[%get3A_33] {strides = array<i32>} : memref<128xf32, #tpu.memory_space<vmem>>, vector<16xf32>,
      %get3A_35 = vector.shape_cast %get3A_34 : vector<16xf32> to vector<16xf32>
      %get3A_36 = arith.constant 64 : index
      %get3A_37 = tpu.vector_load %arg11[%get3A_36] {strides = array<i32>} : memref<128xf32, #tpu.memory_space<vmem>>, vector<16xf32>,
      %get3A_38 = vector.shape_cast %get3A_37 : vector<16xf32> to vector<16xf32>
      %get3A_39 = arith.constant 80 : index
      %get3A_40 = tpu.vector_load %arg11[%get3A_39] {strides = array<i32>} : memref<128xf32, #tpu.memory_space<vmem>>, vector<16xf32>,
      %get3A_41 = vector.shape_cast %get3A_40 : vector<16xf32> to vector<16xf32>
      %get3A_42 = arith.constant 96 : index
      %get3A_43 = tpu.vector_load %arg11[%get3A_42] {strides = array<i32>} : memref<128xf32, #tpu.memory_space<vmem>>, vector<16xf32>,
      %get3A_44 = vector.shape_cast %get3A_43 : vector<16xf32> to vector<16xf32>
      %dma_start3A = arith.constant 0 : i32
      %dma_start3A_45 = arith.constant 0 : i32
      %dma_start3A_46 = arith.constant 0 : i32
      %dma_start3A_47 = tpu.memref_slice %arg8[%dma_start3A, %dma_start3A_45, %dma_start3A_46] : memref<2x16x128xf32, #tpu.memory_space<vmem>> -> memref<1x16x128xf32, #tpu.memory_space<vmem>>
      %dma_start3A_48 = tpu.memref_squeeze %dma_start3A_47 : memref<1x16x128xf32, #tpu.memory_space<vmem>> -> memref<16x128xf32, #tpu.memory_space<vmem>>
      %dma_start3A_49 = arith.constant 0 : i32
      %dma_start3A_50 = tpu.memref_slice %arg2[%add3A_15, %mul3A_17, %dma_start3A_49] : memref<8x2048x128xf32, #tpu.memory_space<hbm>> -> memref<1x16x128xf32, #tpu.memory_space<hbm>>
      %dma_start3A_51 = tpu.memref_squeeze %dma_start3A_50 : memref<1x16x128xf32, #tpu.memory_space<hbm>> -> memref<16x128xf32, #tpu.memory_space<hbm>>
      %dma_start3A_52 = arith.constant 0 : i32
      %dma_start3A_53 = arith.constant 0 : i32
      %dma_start3A_54 = tpu.memref_slice %arg8[%dma_start3A, %dma_start3A_52, %dma_start3A_53] : memref<2x16x128xf32, #tpu.memory_space<vmem>> -> memref<1x16x128xf32, #tpu.memory_space<vmem>>
      %dma_start3A_55 = tpu.memref_squeeze %dma_start3A_54 : memref<1x16x128xf32, #tpu.memory_space<vmem>> -> memref<16x128xf32, #tpu.memory_space<vmem>>
      %dma_start3A_56 = arith.constant 0 : i32
      %dma_start3A_57 = tpu.memref_slice %arg2[%add3A_15, %mul3A_17, %dma_start3A_56] : memref<8x2048x128xf32, #tpu.memory_space<hbm>> -> memref<1x16x128xf32, #tpu.memory_space<hbm>>
      %dma_start3A_58 = tpu.memref_squeeze %dma_start3A_57 : memref<1x16x128xf32, #tpu.memory_space<hbm>> -> memref<16x128xf32, #tpu.memory_space<hbm>>
      tpu.enqueue_dma source(%dma_start3A_58 : memref<16x128xf32, #tpu.memory_space<hbm>>) target(%dma_start3A_55 : memref<16x128xf32, #tpu.memory_space<vmem>>) target_semaphore(%arg15 : memref<!tpu.dma_semaphore, #tpu.memory_space<semaphore_mem>>)
      %dma_start3A_59 = arith.constant 0 : i32
      %dma_start3A_60 = arith.constant 0 : i32
      %dma_start3A_61 = arith.constant 0 : i32
      %dma_start3A_62 = tpu.memref_slice %arg9[%dma_start3A_59, %dma_start3A_60, %dma_start3A_61] : memref<2x16x128xf32, #tpu.memory_space<vmem>> -> memref<1x16x128xf32, #tpu.memory_space<vmem>>
      %dma_start3A_63 = tpu.memref_squeeze %dma_start3A_62 : memref<1x16x128xf32, #tpu.memory_space<vmem>> -> memref<16x128xf32, #tpu.memory_space<vmem>>
      %dma_start3A_64 = arith.constant 0 : i32
      %dma_start3A_65 = tpu.memref_slice %arg3[%add3A_15, %mul3A_17, %dma_start3A_64] : memref<8x2048x128xf32, #tpu.memory_space<hbm>> -> memref<1x16x128xf32, #tpu.memory_space<hbm>>
      %dma_start3A_66 = tpu.memref_squeeze %dma_start3A_65 : memref<1x16x128xf32, #tpu.memory_space<hbm>> -> memref<16x128xf32, #tpu.memory_space<hbm>>
      %dma_start3A_67 = arith.constant 0 : i32
      %dma_start3A_68 = arith.constant 0 : i32
      %dma_start3A_69 = tpu.memref_slice %arg9[%dma_start3A_59, %dma_start3A_67, %dma_start3A_68] : memref<2x16x128xf32, #tpu.memory_space<vmem>> -> memref<1x16x128xf32, #tpu.memory_space<vmem>>
      %dma_start3A_70 = tpu.memref_squeeze %dma_start3A_69 : memref<1x16x128xf32, #tpu.memory_space<vmem>> -> memref<16x128xf32, #tpu.memory_space<vmem>>
      %dma_start3A_71 = arith.constant 0 : i32
      %dma_start3A_72 = tpu.memref_slice %arg3[%add3A_15, %mul3A_17, %dma_start3A_71] : memref<8x2048x128xf32, #tpu.memory_space<hbm>> -> memref<1x16x128xf32, #tpu.memory_space<hbm>>
      %dma_start3A_73 = tpu.memref_squeeze %dma_start3A_72 : memref<1x16x128xf32, #tpu.memory_space<hbm>> -> memref<16x128xf32, #tpu.memory_space<hbm>>
      tpu.enqueue_dma source(%dma_start3A_73 : memref<16x128xf32, #tpu.memory_space<hbm>>) target(%dma_start3A_70 : memref<16x128xf32, #tpu.memory_space<vmem>>) target_semaphore(%arg15 : memref<!tpu.dma_semaphore, #tpu.memory_space<semaphore_mem>>)
      %dma_start3A_74 = arith.constant 0 : i32
      %dma_start3A_75 = arith.constant 0 : i32
      %dma_start3A_76 = arith.constant 0 : i32
      %dma_start3A_77 = tpu.memref_slice %arg10[%dma_start3A_74, %dma_start3A_75, %dma_start3A_76] : memref<2x16x128xf32, #tpu.memory_space<vmem>> -> memref<1x16x128xf32, #tpu.memory_space<vmem>>
      %dma_start3A_78 = tpu.memref_squeeze %dma_start3A_77 : memref<1x16x128xf32, #tpu.memory_space<vmem>> -> memref<16x128xf32, #tpu.memory_space<vmem>>
      %dma_start3A_79 = arith.constant 0 : i32
      %dma_start3A_80 = tpu.memref_slice %arg4[%add3A_15, %mul3A_17, %dma_start3A_79] : memref<8x2048x128xf32, #tpu.memory_space<hbm>> -> memref<1x16x128xf32, #tpu.memory_space<hbm>>
      %dma_start3A_81 = tpu.memref_squeeze %dma_start3A_80 : memref<1x16x128xf32, #tpu.memory_space<hbm>> -> memref<16x128xf32, #tpu.memory_space<hbm>>
      %dma_start3A_82 = arith.constant 0 : i32
      %dma_start3A_83 = arith.constant 0 : i32
      %dma_start3A_84 = tpu.memref_slice %arg10[%dma_start3A_74, %dma_start3A_82, %dma_start3A_83] : memref<2x16x128xf32, #tpu.memory_space<vmem>> -> memref<1x16x128xf32, #tpu.memory_space<vmem>>
      %dma_start3A_85 = tpu.memref_squeeze %dma_start3A_84 : memref<1x16x128xf32, #tpu.memory_space<vmem>> -> memref<16x128xf32, #tpu.memory_space<vmem>>
      %dma_start3A_86 = arith.constant 0 : i32
      %dma_start3A_87 = tpu.memref_slice %arg4[%add3A_15, %mul3A_17, %dma_start3A_86] : memref<8x2048x128xf32, #tpu.memory_space<hbm>> -> memref<1x16x128xf32, #tpu.memory_space<hbm>>
      %dma_start3A_88 = tpu.memref_squeeze %dma_start3A_87 : memref<1x16x128xf32, #tpu.memory_space<hbm>> -> memref<16x128xf32, #tpu.memory_space<hbm>>
      tpu.enqueue_dma source(%dma_start3A_88 : memref<16x128xf32, #tpu.memory_space<hbm>>) target(%dma_start3A_85 : memref<16x128xf32, #tpu.memory_space<vmem>>) target_semaphore(%arg15 : memref<!tpu.dma_semaphore, #tpu.memory_space<semaphore_mem>>)
      %scan3A_89 = arith.constant 0 : i32
      %scan3A_90 = arith.constant 8 : i32
      %scan3A_91 = arith.addi %scan3A_89, %scan3A_90 : i32
      %scan3A_92 = arith.constant 1 : i32
      scf.for %scan3A_1640 = %scan3A_89 to %scan3A_91 step %scan3A_92  : i32 {
        %mul3A_1641 = arith.constant 1 : i32
        %mul3A_1642 = arith.muli %scan3A_1640, %mul3A_1641 : i32
        %add3A_1643 = arith.constant 0 : i32
        %add3A_1644 = arith.addi %add3A_1643, %mul3A_1642 : i32
        %and3A = arith.constant 1 : i32
        %and3A_1645 = arith.andi %add3A_1644, %and3A : i32
        %mul3A_1646 = arith.constant 16 : i32
        %mul3A_1647 = arith.muli %add3A_1644, %mul3A_1646 : i32
        %add3A_1648 = arith.addi %mul3A_17, %mul3A_1647 : i32
        %dma_wait3A_1649 = arith.constant 0 : i32
        %dma_wait3A_1650 = arith.constant 0 : i32
        %dma_wait3A_1651 = tpu.memref_slice %arg8[%and3A_1645, %dma_wait3A_1649, %dma_wait3A_1650] : memref<2x16x128xf32, #tpu.memory_space<vmem>> -> memref<1x16x128xf32, #tpu.memory_space<vmem>>
        %dma_wait3A_1652 = tpu.memref_squeeze %dma_wait3A_1651 : memref<1x16x128xf32, #tpu.memory_space<vmem>> -> memref<16x128xf32, #tpu.memory_space<vmem>>
        %dma_wait3A_1653 = arith.constant 0 : i32
        %dma_wait3A_1654 = tpu.memref_slice %arg2[%add3A_15, %add3A_1648, %dma_wait3A_1653] : memref<8x2048x128xf32, #tpu.memory_space<hbm>> -> memref<1x16x128xf32, #tpu.memory_space<hbm>>
        %dma_wait3A_1655 = tpu.memref_squeeze %dma_wait3A_1654 : memref<1x16x128xf32, #tpu.memory_space<hbm>> -> memref<16x128xf32, #tpu.memory_space<hbm>>
        %dma_wait3A_1656 = arith.constant 0 : i32
        %dma_wait3A_1657 = arith.constant 0 : i32
        %dma_wait3A_1658 = tpu.memref_slice %arg8[%and3A_1645, %dma_wait3A_1656, %dma_wait3A_1657] : memref<2x16x128xf32, #tpu.memory_space<vmem>> -> memref<1x16x128xf32, #tpu.memory_space<vmem>>
        %dma_wait3A_1659 = tpu.memref_squeeze %dma_wait3A_1658 : memref<1x16x128xf32, #tpu.memory_space<vmem>> -> memref<16x128xf32, #tpu.memory_space<vmem>>
        %dma_wait3A_1660 = arith.constant 0 : i32
        %dma_wait3A_1661 = tpu.memref_slice %arg2[%add3A_15, %add3A_1648, %dma_wait3A_1660] : memref<8x2048x128xf32, #tpu.memory_space<hbm>> -> memref<1x16x128xf32, #tpu.memory_space<hbm>>
        %dma_wait3A_1662 = tpu.memref_squeeze %dma_wait3A_1661 : memref<1x16x128xf32, #tpu.memory_space<hbm>> -> memref<16x128xf32, #tpu.memory_space<hbm>>
        tpu.wait_dma2 semaphore(%arg15 : memref<!tpu.dma_semaphore, #tpu.memory_space<semaphore_mem>>) src(%dma_wait3A_1662 : memref<16x128xf32, #tpu.memory_space<hbm>>) dst(%dma_wait3A_1659 : memref<16x128xf32, #tpu.memory_space<vmem>>)
        %dma_wait3A_1663 = arith.constant 0 : i32
        %dma_wait3A_1664 = arith.constant 0 : i32
        %dma_wait3A_1665 = tpu.memref_slice %arg9[%and3A_1645, %dma_wait3A_1663, %dma_wait3A_1664] : memref<2x16x128xf32, #tpu.memory_space<vmem>> -> memref<1x16x128xf32, #tpu.memory_space<vmem>>
        %dma_wait3A_1666 = tpu.memref_squeeze %dma_wait3A_1665 : memref<1x16x128xf32, #tpu.memory_space<vmem>> -> memref<16x128xf32, #tpu.memory_space<vmem>>
        %dma_wait3A_1667 = arith.constant 0 : i32
        %dma_wait3A_1668 = tpu.memref_slice %arg3[%add3A_15, %add3A_1648, %dma_wait3A_1667] : memref<8x2048x128xf32, #tpu.memory_space<hbm>> -> memref<1x16x128xf32, #tpu.memory_space<hbm>>
        %dma_wait3A_1669 = tpu.memref_squeeze %dma_wait3A_1668 : memref<1x16x128xf32, #tpu.memory_space<hbm>> -> memref<16x128xf32, #tpu.memory_space<hbm>>
        %dma_wait3A_1670 = arith.constant 0 : i32
        %dma_wait3A_1671 = arith.constant 0 : i32
        %dma_wait3A_1672 = tpu.memref_slice %arg9[%and3A_1645, %dma_wait3A_1670, %dma_wait3A_1671] : memref<2x16x128xf32, #tpu.memory_space<vmem>> -> memref<1x16x128xf32, #tpu.memory_space<vmem>>
        %dma_wait3A_1673 = tpu.memref_squeeze %dma_wait3A_1672 : memref<1x16x128xf32, #tpu.memory_space<vmem>> -> memref<16x128xf32, #tpu.memory_space<vmem>>
        %dma_wait3A_1674 = arith.constant 0 : i32
        %dma_wait3A_1675 = tpu.memref_slice %arg3[%add3A_15, %add3A_1648, %dma_wait3A_1674] : memref<8x2048x128xf32, #tpu.memory_space<hbm>> -> memref<1x16x128xf32, #tpu.memory_space<hbm>>
        %dma_wait3A_1676 = tpu.memref_squeeze %dma_wait3A_1675 : memref<1x16x128xf32, #tpu.memory_space<hbm>> -> memref<16x128xf32, #tpu.memory_space<hbm>>
        tpu.wait_dma2 semaphore(%arg15 : memref<!tpu.dma_semaphore, #tpu.memory_space<semaphore_mem>>) src(%dma_wait3A_1676 : memref<16x128xf32, #tpu.memory_space<hbm>>) dst(%dma_wait3A_1673 : memref<16x128xf32, #tpu.memory_space<vmem>>)
        %dma_wait3A_1677 = arith.constant 0 : i32
        %dma_wait3A_1678 = arith.constant 0 : i32
        %dma_wait3A_1679 = tpu.memref_slice %arg10[%and3A_1645, %dma_wait3A_1677, %dma_wait3A_1678] : memref<2x16x128xf32, #tpu.memory_space<vmem>> -> memref<1x16x128xf32, #tpu.memory_space<vmem>>
        %dma_wait3A_1680 = tpu.memref_squeeze %dma_wait3A_1679 : memref<1x16x128xf32, #tpu.memory_space<vmem>> -> memref<16x128xf32, #tpu.memory_space<vmem>>
        %dma_wait3A_1681 = arith.constant 0 : i32
        %dma_wait3A_1682 = tpu.memref_slice %arg4[%add3A_15, %add3A_1648, %dma_wait3A_1681] : memref<8x2048x128xf32, #tpu.memory_space<hbm>> -> memref<1x16x128xf32, #tpu.memory_space<hbm>>
        %dma_wait3A_1683 = tpu.memref_squeeze %dma_wait3A_1682 : memref<1x16x128xf32, #tpu.memory_space<hbm>> -> memref<16x128xf32, #tpu.memory_space<hbm>>
        %dma_wait3A_1684 = arith.constant 0 : i32
        %dma_wait3A_1685 = arith.constant 0 : i32
        %dma_wait3A_1686 = tpu.memref_slice %arg10[%and3A_1645, %dma_wait3A_1684, %dma_wait3A_1685] : memref<2x16x128xf32, #tpu.memory_space<vmem>> -> memref<1x16x128xf32, #tpu.memory_space<vmem>>
        %dma_wait3A_1687 = tpu.memref_squeeze %dma_wait3A_1686 : memref<1x16x128xf32, #tpu.memory_space<vmem>> -> memref<16x128xf32, #tpu.memory_space<vmem>>
        %dma_wait3A_1688 = arith.constant 0 : i32
        %dma_wait3A_1689 = tpu.memref_slice %arg4[%add3A_15, %add3A_1648, %dma_wait3A_1688] : memref<8x2048x128xf32, #tpu.memory_space<hbm>> -> memref<1x16x128xf32, #tpu.memory_space<hbm>>
        %dma_wait3A_1690 = tpu.memref_squeeze %dma_wait3A_1689 : memref<1x16x128xf32, #tpu.memory_space<hbm>> -> memref<16x128xf32, #tpu.memory_space<hbm>>
        tpu.wait_dma2 semaphore(%arg15 : memref<!tpu.dma_semaphore, #tpu.memory_space<semaphore_mem>>) src(%dma_wait3A_1690 : memref<16x128xf32, #tpu.memory_space<hbm>>) dst(%dma_wait3A_1687 : memref<16x128xf32, #tpu.memory_space<vmem>>)
        %add3A_1691 = arith.constant 1 : i32
        %add3A_1692 = arith.addi %add3A_1644, %add3A_1691 : i32
        %lt3A = arith.constant 8 : i32
        %lt3A_1693 = arith.cmpi slt, %add3A_1692, %lt3A : i32
        %convert_element_type3A = arith.extui %lt3A_1693 : i1 to i32
        %cond3A = arith.constant 0 : i32
        %cond3A_1694 = arith.cmpi ne, %convert_element_type3A, %cond3A : i32
        scf.if %cond3A_1694 {
          %add3A_1709 = arith.constant 1 : i32
          %add3A_1710 = arith.addi %add3A_1644, %add3A_1709 : i32
          %mul3A_1711 = arith.constant 16 : i32
          %mul3A_1712 = arith.muli %add3A_1710, %mul3A_1711 : i32
          %add3A_1713 = arith.addi %mul3A_17, %mul3A_1712 : i32
          %sub3A = arith.constant 1 : i32
          %sub3A_1714 = arith.subi %sub3A, %and3A_1645 : i32
          %dma_start3A_1715 = arith.constant 0 : i32
          %dma_start3A_1716 = arith.constant 0 : i32
          %dma_start3A_1717 = tpu.memref_slice %arg8[%sub3A_1714, %dma_start3A_1715, %dma_start3A_1716] : memref<2x16x128xf32, #tpu.memory_space<vmem>> -> memref<1x16x128xf32, #tpu.memory_space<vmem>>
          %dma_start3A_1718 = tpu.memref_squeeze %dma_start3A_1717 : memref<1x16x128xf32, #tpu.memory_space<vmem>> -> memref<16x128xf32, #tpu.memory_space<vmem>>
          %dma_start3A_1719 = arith.constant 0 : i32
          %dma_start3A_1720 = tpu.memref_slice %arg2[%add3A_15, %add3A_1713, %dma_start3A_1719] : memref<8x2048x128xf32, #tpu.memory_space<hbm>> -> memref<1x16x128xf32, #tpu.memory_space<hbm>>
          %dma_start3A_1721 = tpu.memref_squeeze %dma_start3A_1720 : memref<1x16x128xf32, #tpu.memory_space<hbm>> -> memref<16x128xf32, #tpu.memory_space<hbm>>
          %dma_start3A_1722 = arith.constant 0 : i32
          %dma_start3A_1723 = arith.constant 0 : i32
          %dma_start3A_1724 = tpu.memref_slice %arg8[%sub3A_1714, %dma_start3A_1722, %dma_start3A_1723] : memref<2x16x128xf32, #tpu.memory_space<vmem>> -> memref<1x16x128xf32, #tpu.memory_space<vmem>>
          %dma_start3A_1725 = tpu.memref_squeeze %dma_start3A_1724 : memref<1x16x128xf32, #tpu.memory_space<vmem>> -> memref<16x128xf32, #tpu.memory_space<vmem>>
          %dma_start3A_1726 = arith.constant 0 : i32
          %dma_start3A_1727 = tpu.memref_slice %arg2[%add3A_15, %add3A_1713, %dma_start3A_1726] : memref<8x2048x128xf32, #tpu.memory_space<hbm>> -> memref<1x16x128xf32, #tpu.memory_space<hbm>>
          %dma_start3A_1728 = tpu.memref_squeeze %dma_start3A_1727 : memref<1x16x128xf32, #tpu.memory_space<hbm>> -> memref<16x128xf32, #tpu.memory_space<hbm>>
          tpu.enqueue_dma source(%dma_start3A_1728 : memref<16x128xf32, #tpu.memory_space<hbm>>) target(%dma_start3A_1725 : memref<16x128xf32, #tpu.memory_space<vmem>>) target_semaphore(%arg15 : memref<!tpu.dma_semaphore, #tpu.memory_space<semaphore_mem>>)
          %dma_start3A_1729 = arith.constant 0 : i32
          %dma_start3A_1730 = arith.constant 0 : i32
          %dma_start3A_1731 = tpu.memref_slice %arg9[%sub3A_1714, %dma_start3A_1729, %dma_start3A_1730] : memref<2x16x128xf32, #tpu.memory_space<vmem>> -> memref<1x16x128xf32, #tpu.memory_space<vmem>>
          %dma_start3A_1732 = tpu.memref_squeeze %dma_start3A_1731 : memref<1x16x128xf32, #tpu.memory_space<vmem>> -> memref<16x128xf32, #tpu.memory_space<vmem>>
          %dma_start3A_1733 = arith.constant 0 : i32
          %dma_start3A_1734 = tpu.memref_slice %arg3[%add3A_15, %add3A_1713, %dma_start3A_1733] : memref<8x2048x128xf32, #tpu.memory_space<hbm>> -> memref<1x16x128xf32, #tpu.memory_space<hbm>>
          %dma_start3A_1735 = tpu.memref_squeeze %dma_start3A_1734 : memref<1x16x128xf32, #tpu.memory_space<hbm>> -> memref<16x128xf32, #tpu.memory_space<hbm>>
          %dma_start3A_1736 = arith.constant 0 : i32
          %dma_start3A_1737 = arith.constant 0 : i32
          %dma_start3A_1738 = tpu.memref_slice %arg9[%sub3A_1714, %dma_start3A_1736, %dma_start3A_1737] : memref<2x16x128xf32, #tpu.memory_space<vmem>> -> memref<1x16x128xf32, #tpu.memory_space<vmem>>
          %dma_start3A_1739 = tpu.memref_squeeze %dma_start3A_1738 : memref<1x16x128xf32, #tpu.memory_space<vmem>> -> memref<16x128xf32, #tpu.memory_space<vmem>>
          %dma_start3A_1740 = arith.constant 0 : i32
          %dma_start3A_1741 = tpu.memref_slice %arg3[%add3A_15, %add3A_1713, %dma_start3A_1740] : memref<8x2048x128xf32, #tpu.memory_space<hbm>> -> memref<1x16x128xf32, #tpu.memory_space<hbm>>
          %dma_start3A_1742 = tpu.memref_squeeze %dma_start3A_1741 : memref<1x16x128xf32, #tpu.memory_space<hbm>> -> memref<16x128xf32, #tpu.memory_space<hbm>>
          tpu.enqueue_dma source(%dma_start3A_1742 : memref<16x128xf32, #tpu.memory_space<hbm>>) target(%dma_start3A_1739 : memref<16x128xf32, #tpu.memory_space<vmem>>) target_semaphore(%arg15 : memref<!tpu.dma_semaphore, #tpu.memory_space<semaphore_mem>>)
          %dma_start3A_1743 = arith.constant 0 : i32
          %dma_start3A_1744 = arith.constant 0 : i32
          %dma_start3A_1745 = tpu.memref_slice %arg10[%sub3A_1714, %dma_start3A_1743, %dma_start3A_1744] : memref<2x16x128xf32, #tpu.memory_space<vmem>> -> memref<1x16x128xf32, #tpu.memory_space<vmem>>
          %dma_start3A_1746 = tpu.memref_squeeze %dma_start3A_1745 : memref<1x16x128xf32, #tpu.memory_space<vmem>> -> memref<16x128xf32, #tpu.memory_space<vmem>>
          %dma_start3A_1747 = arith.constant 0 : i32
          %dma_start3A_1748 = tpu.memref_slice %arg4[%add3A_15, %add3A_1713, %dma_start3A_1747] : memref<8x2048x128xf32, #tpu.memory_space<hbm>> -> memref<1x16x128xf32, #tpu.memory_space<hbm>>
          %dma_start3A_1749 = tpu.memref_squeeze %dma_start3A_1748 : memref<1x16x128xf32, #tpu.memory_space<hbm>> -> memref<16x128xf32, #tpu.memory_space<hbm>>
          %dma_start3A_1750 = arith.constant 0 : i32
          %dma_start3A_1751 = arith.constant 0 : i32
          %dma_start3A_1752 = tpu.memref_slice %arg10[%sub3A_1714, %dma_start3A_1750, %dma_start3A_1751] : memref<2x16x128xf32, #tpu.memory_space<vmem>> -> memref<1x16x128xf32, #tpu.memory_space<vmem>>
          %dma_start3A_1753 = tpu.memref_squeeze %dma_start3A_1752 : memref<1x16x128xf32, #tpu.memory_space<vmem>> -> memref<16x128xf32, #tpu.memory_space<vmem>>
          %dma_start3A_1754 = arith.constant 0 : i32
          %dma_start3A_1755 = tpu.memref_slice %arg4[%add3A_15, %add3A_1713, %dma_start3A_1754] : memref<8x2048x128xf32, #tpu.memory_space<hbm>> -> memref<1x16x128xf32, #tpu.memory_space<hbm>>
          %dma_start3A_1756 = tpu.memref_squeeze %dma_start3A_1755 : memref<1x16x128xf32, #tpu.memory_space<hbm>> -> memref<16x128xf32, #tpu.memory_space<hbm>>
          tpu.enqueue_dma source(%dma_start3A_1756 : memref<16x128xf32, #tpu.memory_space<hbm>>) target(%dma_start3A_1753 : memref<16x128xf32, #tpu.memory_space<vmem>>) target_semaphore(%arg15 : memref<!tpu.dma_semaphore, #tpu.memory_space<semaphore_mem>>)
        } else {
        }
        %ge3A = arith.constant 2 : i32
        %ge3A_1695 = arith.cmpi sge, %add3A_1644, %ge3A : i32
        %convert_element_type3A_1696 = arith.extui %ge3A_1695 : i1 to i32
        %cond3A_1697 = arith.constant 0 : i32
        %cond3A_1698 = arith.cmpi ne, %convert_element_type3A_1696, %cond3A_1697 : i32
        scf.if %cond3A_1698 {
          %scan3A_1709 = arith.constant 0 : i32
          %scan3A_1710 = arith.constant 64 : i32
          %scan3A_1711 = arith.addi %scan3A_1709, %scan3A_1710 : i32
          %scan3A_1712 = arith.constant 4 : i32
          scf.for %scan3A_1714 = %scan3A_1709 to %scan3A_1711 step %scan3A_1712  : i32 {
            %mul3A_1715 = arith.constant 1 : i32
            %mul3A_1716 = arith.muli %scan3A_1714, %mul3A_1715 : i32
            %add3A_1717 = arith.constant 0 : i32
            %add3A_1718 = arith.addi %add3A_1717, %mul3A_1716 : i32
            %mul3A_1719 = arith.constant 64 : i32
            %mul3A_1720 = arith.muli %and3A_1645, %mul3A_1719 : i32
            %add3A_1721 = arith.addi %mul3A_1720, %add3A_1718 : i32
            %mul3A_1722 = arith.constant 64 : i32
            %mul3A_1723 = arith.muli %and3A_1645, %mul3A_1722 : i32
            %add3A_1724 = arith.addi %mul3A_1723, %add3A_1718 : i32
            %dma_wait3A_1725 = arith.constant 0 : i32
            %dma_wait3A_1726 = tpu.memref_slice %arg13[%add3A_1721, %dma_wait3A_1725] : memref<128x128xf32, #tpu.memory_space<vmem>> -> memref<1x128xf32, #tpu.memory_space<vmem>>
            %dma_wait3A_1727 = tpu.memref_squeeze %dma_wait3A_1726 : memref<1x128xf32, #tpu.memory_space<vmem>> -> memref<128xf32, #tpu.memory_space<vmem>>
            %dma_wait3A_1728 = arith.constant 0 : i32
            %dma_wait3A_1729 = tpu.memref_slice %arg12[%add3A_1724, %dma_wait3A_1728] : memref<128x128xi32, #tpu.memory_space<vmem>> -> memref<1x128xi32, #tpu.memory_space<vmem>>
            %dma_wait3A_1730 = tpu.memref_squeeze %dma_wait3A_1729 : memref<1x128xi32, #tpu.memory_space<vmem>> -> memref<128xi32, #tpu.memory_space<vmem>>
            %dma_wait3A_1731 = arith.constant 0 : i32
            %dma_wait3A_1732 = tpu.memref_slice %arg7[%dma_wait3A_1731] : memref<1048576xf32, #tpu.memory_space<vmem_shared>> -> memref<1048576xf32, #tpu.memory_space<vmem_shared>>
            tpu.wait_indirect_dma semaphore(%arg16 : memref<!tpu.dma_semaphore, #tpu.memory_space<semaphore_mem>>) src(%dma_wait3A_1727 : memref<128xf32, #tpu.memory_space<vmem>>) dst(%dma_wait3A_1732 : memref<1048576xf32, #tpu.memory_space<vmem_shared>>)
            %scan3A_1733 = arith.constant 1 : i32
            %scan3A_1734 = arith.addi %scan3A_1714, %scan3A_1733 : i32
            %mul3A_1735 = arith.constant 1 : i32
            %mul3A_1736 = arith.muli %scan3A_1734, %mul3A_1735 : i32
            %add3A_1737 = arith.constant 0 : i32
            %add3A_1738 = arith.addi %add3A_1737, %mul3A_1736 : i32
            %mul3A_1739 = arith.constant 64 : i32
            %mul3A_1740 = arith.muli %and3A_1645, %mul3A_1739 : i32
            %add3A_1741 = arith.addi %mul3A_1740, %add3A_1738 : i32
            %mul3A_1742 = arith.constant 64 : i32
            %mul3A_1743 = arith.muli %and3A_1645, %mul3A_1742 : i32
            %add3A_1744 = arith.addi %mul3A_1743, %add3A_1738 : i32
            %dma_wait3A_1745 = arith.constant 0 : i32
            %dma_wait3A_1746 = tpu.memref_slice %arg13[%add3A_1741, %dma_wait3A_1745] : memref<128x128xf32, #tpu.memory_space<vmem>> -> memref<1x128xf32, #tpu.memory_space<vmem>>
            %dma_wait3A_1747 = tpu.memref_squeeze %dma_wait3A_1746 : memref<1x128xf32, #tpu.memory_space<vmem>> -> memref<128xf32, #tpu.memory_space<vmem>>
            %dma_wait3A_1748 = arith.constant 0 : i32
            %dma_wait3A_1749 = tpu.memref_slice %arg12[%add3A_1744, %dma_wait3A_1748] : memref<128x128xi32, #tpu.memory_space<vmem>> -> memref<1x128xi32, #tpu.memory_space<vmem>>
            %dma_wait3A_1750 = tpu.memref_squeeze %dma_wait3A_1749 : memref<1x128xi32, #tpu.memory_space<vmem>> -> memref<128xi32, #tpu.memory_space<vmem>>
            %dma_wait3A_1751 = arith.constant 0 : i32
            %dma_wait3A_1752 = tpu.memref_slice %arg7[%dma_wait3A_1751] : memref<1048576xf32, #tpu.memory_space<vmem_shared>> -> memref<1048576xf32, #tpu.memory_space<vmem_shared>>
            tpu.wait_indirect_dma semaphore(%arg16 : memref<!tpu.dma_semaphore, #tpu.memory_space<semaphore_mem>>) src(%dma_wait3A_1747 : memref<128xf32, #tpu.memory_space<vmem>>) dst(%dma_wait3A_1752 : memref<1048576xf32, #tpu.memory_space<vmem_shared>>)
            %scan3A_1753 = arith.constant 2 : i32
            %scan3A_1754 = arith.addi %scan3A_1714, %scan3A_1753 : i32
            %mul3A_1755 = arith.constant 1 : i32
            %mul3A_1756 = arith.muli %scan3A_1754, %mul3A_1755 : i32
            %add3A_1757 = arith.constant 0 : i32
            %add3A_1758 = arith.addi %add3A_1757, %mul3A_1756 : i32
            %mul3A_1759 = arith.constant 64 : i32
            %mul3A_1760 = arith.muli %and3A_1645, %mul3A_1759 : i32
            %add3A_1761 = arith.addi %mul3A_1760, %add3A_1758 : i32
            %mul3A_1762 = arith.constant 64 : i32
            %mul3A_1763 = arith.muli %and3A_1645, %mul3A_1762 : i32
            %add3A_1764 = arith.addi %mul3A_1763, %add3A_1758 : i32
            %dma_wait3A_1765 = arith.constant 0 : i32
            %dma_wait3A_1766 = tpu.memref_slice %arg13[%add3A_1761, %dma_wait3A_1765] : memref<128x128xf32, #tpu.memory_space<vmem>> -> memref<1x128xf32, #tpu.memory_space<vmem>>
            %dma_wait3A_1767 = tpu.memref_squeeze %dma_wait3A_1766 : memref<1x128xf32, #tpu.memory_space<vmem>> -> memref<128xf32, #tpu.memory_space<vmem>>
            %dma_wait3A_1768 = arith.constant 0 : i32
            %dma_wait3A_1769 = tpu.memref_slice %arg12[%add3A_1764, %dma_wait3A_1768] : memref<128x128xi32, #tpu.memory_space<vmem>> -> memref<1x128xi32, #tpu.memory_space<vmem>>
            %dma_wait3A_1770 = tpu.memref_squeeze %dma_wait3A_1769 : memref<1x128xi32, #tpu.memory_space<vmem>> -> memref<128xi32, #tpu.memory_space<vmem>>
            %dma_wait3A_1771 = arith.constant 0 : i32
            %dma_wait3A_1772 = tpu.memref_slice %arg7[%dma_wait3A_1771] : memref<1048576xf32, #tpu.memory_space<vmem_shared>> -> memref<1048576xf32, #tpu.memory_space<vmem_shared>>
            tpu.wait_indirect_dma semaphore(%arg16 : memref<!tpu.dma_semaphore, #tpu.memory_space<semaphore_mem>>) src(%dma_wait3A_1767 : memref<128xf32, #tpu.memory_space<vmem>>) dst(%dma_wait3A_1772 : memref<1048576xf32, #tpu.memory_space<vmem_shared>>)
            %scan3A_1773 = arith.constant 3 : i32
            %scan3A_1774 = arith.addi %scan3A_1714, %scan3A_1773 : i32
            %mul3A_1775 = arith.constant 1 : i32
            %mul3A_1776 = arith.muli %scan3A_1774, %mul3A_1775 : i32
            %add3A_1777 = arith.constant 0 : i32
            %add3A_1778 = arith.addi %add3A_1777, %mul3A_1776 : i32
            %mul3A_1779 = arith.constant 64 : i32
            %mul3A_1780 = arith.muli %and3A_1645, %mul3A_1779 : i32
            %add3A_1781 = arith.addi %mul3A_1780, %add3A_1778 : i32
            %mul3A_1782 = arith.constant 64 : i32
            %mul3A_1783 = arith.muli %and3A_1645, %mul3A_1782 : i32
            %add3A_1784 = arith.addi %mul3A_1783, %add3A_1778 : i32
            %dma_wait3A_1785 = arith.constant 0 : i32
            %dma_wait3A_1786 = tpu.memref_slice %arg13[%add3A_1781, %dma_wait3A_1785] : memref<128x128xf32, #tpu.memory_space<vmem>> -> memref<1x128xf32, #tpu.memory_space<vmem>>
            %dma_wait3A_1787 = tpu.memref_squeeze %dma_wait3A_1786 : memref<1x128xf32, #tpu.memory_space<vmem>> -> memref<128xf32, #tpu.memory_space<vmem>>
            %dma_wait3A_1788 = arith.constant 0 : i32
            %dma_wait3A_1789 = tpu.memref_slice %arg12[%add3A_1784, %dma_wait3A_1788] : memref<128x128xi32, #tpu.memory_space<vmem>> -> memref<1x128xi32, #tpu.memory_space<vmem>>
            %dma_wait3A_1790 = tpu.memref_squeeze %dma_wait3A_1789 : memref<1x128xi32, #tpu.memory_space<vmem>> -> memref<128xi32, #tpu.memory_space<vmem>>
            %dma_wait3A_1791 = arith.constant 0 : i32
            %dma_wait3A_1792 = tpu.memref_slice %arg7[%dma_wait3A_1791] : memref<1048576xf32, #tpu.memory_space<vmem_shared>> -> memref<1048576xf32, #tpu.memory_space<vmem_shared>>
            tpu.wait_indirect_dma semaphore(%arg16 : memref<!tpu.dma_semaphore, #tpu.memory_space<semaphore_mem>>) src(%dma_wait3A_1787 : memref<128xf32, #tpu.memory_space<vmem>>) dst(%dma_wait3A_1792 : memref<1048576xf32, #tpu.memory_space<vmem_shared>>)
          }
          %scan3A_1713 = arith.constant 64 : i32
        } else {
        }
        %scan3A_1699 = arith.constant 0 : i32
        %scan3A_1700 = arith.constant 16 : i32
        %scan3A_1701 = arith.addi %scan3A_1699, %scan3A_1700 : i32
        %scan3A_1702 = arith.constant 1 : i32
        scf.for %scan3A_1709 = %scan3A_1699 to %scan3A_1701 step %scan3A_1702  : i32 {
          %mul3A_1710 = arith.constant 1 : i32
          %mul3A_1711 = arith.muli %scan3A_1709, %mul3A_1710 : i32
          %add3A_1712 = arith.constant 0 : i32
          %add3A_1713 = arith.addi %add3A_1712, %mul3A_1711 : i32
          %get3A_1714 = arith.index_cast %and3A_1645 : i32 to index
          %get3A_1715 = arith.index_cast %add3A_1713 : i32 to index
          %get3A_1716 = arith.constant 0 : index
          %get3A_1717 = tpu.vector_load %arg8[%get3A_1714, %get3A_1715, %get3A_1716] {strides = array<i32>} : memref<2x16x128xf32, #tpu.memory_space<vmem>>, vector<1x1x16xf32>,
          %get3A_1718 = vector.shape_cast %get3A_1717 : vector<1x1x16xf32> to vector<16xf32>
          %get3A_1719 = arith.index_cast %and3A_1645 : i32 to index
          %get3A_1720 = arith.index_cast %add3A_1713 : i32 to index
          %get3A_1721 = arith.constant 0 : index
          %get3A_1722 = tpu.vector_load %arg9[%get3A_1719, %get3A_1720, %get3A_1721] {strides = array<i32>} : memref<2x16x128xf32, #tpu.memory_space<vmem>>, vector<1x1x16xf32>,
          %get3A_1723 = vector.shape_cast %get3A_1722 : vector<1x1x16xf32> to vector<16xf32>
          %get3A_1724 = arith.index_cast %and3A_1645 : i32 to index
          %get3A_1725 = arith.index_cast %add3A_1713 : i32 to index
          %get3A_1726 = arith.constant 0 : index
          %get3A_1727 = tpu.vector_load %arg10[%get3A_1724, %get3A_1725, %get3A_1726] {strides = array<i32>} : memref<2x16x128xf32, #tpu.memory_space<vmem>>, vector<1x1x16xf32>,
          %get3A_1728 = vector.shape_cast %get3A_1727 : vector<1x1x16xf32> to vector<16xf32>
          %sub3A = arith.subf %get3A_1718, %get3A_26 : vector<16xf32>
          %mul3A_1729 = arith.mulf %sub3A, %get3A_29 : vector<16xf32>
          %add3A_1730 = arith.constant 1.000000e+00 : f32
          %add3A_1731 = vector.broadcast %add3A_1730 : f32 to vector<16xf32>
          %add3A_1732 = arith.addf %mul3A_1729, %add3A_1731 : vector<16xf32>
          %min3A = arith.constant 1.023000e+03 : f32
          %min3A_1733 = vector.broadcast %min3A : f32 to vector<16xf32>
          %min3A_1734 = arith.minimumf %add3A_1732, %min3A_1733 : vector<16xf32>
          %sub3A_1735 = arith.subf %get3A_1723, %get3A_32 : vector<16xf32>
          %mul3A_1736 = arith.mulf %sub3A_1735, %get3A_35 : vector<16xf32>
          %add3A_1737 = arith.constant 1.000000e+00 : f32
          %add3A_1738 = vector.broadcast %add3A_1737 : f32 to vector<16xf32>
          %add3A_1739 = arith.addf %mul3A_1736, %add3A_1738 : vector<16xf32>
          %min3A_1740 = arith.constant 1.023000e+03 : f32
          %min3A_1741 = vector.broadcast %min3A_1740 : f32 to vector<16xf32>
          %min3A_1742 = arith.minimumf %add3A_1739, %min3A_1741 : vector<16xf32>
          %sub3A_1743 = arith.subf %get3A_1728, %get3A_38 : vector<16xf32>
          %mul3A_1744 = arith.mulf %sub3A_1743, %get3A_41 : vector<16xf32>
          %max3A = arith.maximumf %mul3A_1744, %get3A_44 : vector<16xf32>
          %sub3A_1745 = arith.constant 1.000000e+00 : f32
          %sub3A_1746 = vector.broadcast %sub3A_1745 : f32 to vector<16xf32>
          %sub3A_1747 = arith.subf %sub3A_1746, %max3A : vector<16xf32>
          %convert_element_type3A_1748 = arith.fptosi %min3A_1734 : vector<16xf32> to vector<16xi32>
          %convert_element_type3A_1749 = arith.sitofp %convert_element_type3A_1748 : vector<16xi32> to vector<16xf32>
          %eq3A = arith.cmpf oeq, %convert_element_type3A_1749, %min3A_1734 : vector<16xf32>
          %jit3A = arith.constant 0 : i32
          %jit3A_1750 = arith.constant 1 : i32
          %broadcast_in_dim3A_1751 = vector.broadcast %jit3A : i32 to vector<16xi32>
          %broadcast_in_dim3A_1752 = vector.broadcast %jit3A_1750 : i32 to vector<16xi32>
          %select_n3A = arith.select %eq3A, %broadcast_in_dim3A_1751, %broadcast_in_dim3A_1752 : vector<16xi1>, vector<16xi32>
          %add3A_1753 = arith.addi %convert_element_type3A_1748, %select_n3A : vector<16xi32>
          %convert_element_type3A_1754 = arith.sitofp %add3A_1753 : vector<16xi32> to vector<16xf32>
          %convert_element_type3A_1755 = arith.fptosi %min3A_1742 : vector<16xf32> to vector<16xi32>
          %convert_element_type3A_1756 = arith.sitofp %convert_element_type3A_1755 : vector<16xi32> to vector<16xf32>
          %eq3A_1757 = arith.cmpf oeq, %convert_element_type3A_1756, %min3A_1742 : vector<16xf32>
          %jit3A_1758 = arith.constant 0 : i32
          %jit3A_1759 = arith.constant 1 : i32
          %broadcast_in_dim3A_1760 = vector.broadcast %jit3A_1758 : i32 to vector<16xi32>
          %broadcast_in_dim3A_1761 = vector.broadcast %jit3A_1759 : i32 to vector<16xi32>
          %select_n3A_1762 = arith.select %eq3A_1757, %broadcast_in_dim3A_1760, %broadcast_in_dim3A_1761 : vector<16xi1>, vector<16xi32>
          %add3A_1763 = arith.addi %convert_element_type3A_1755, %select_n3A_1762 : vector<16xi32>
          %convert_element_type3A_1764 = arith.sitofp %add3A_1763 : vector<16xi32> to vector<16xf32>
          %sub3A_1765 = arith.subf %min3A_1734, %convert_element_type3A_1749 : vector<16xf32>
          %mul3A_1766 = arith.mulf %sub3A_1747, %sub3A_1765 : vector<16xf32>
          %sub3A_1767 = arith.subf %convert_element_type3A_1754, %min3A_1734 : vector<16xf32>
          %mul3A_1768 = arith.mulf %sub3A_1747, %sub3A_1767 : vector<16xf32>
          %sub3A_1769 = arith.subf %min3A_1742, %convert_element_type3A_1756 : vector<16xf32>
          %sub3A_1770 = arith.subf %convert_element_type3A_1764, %min3A_1742 : vector<16xf32>
          %mul3A_1771 = arith.constant 1024 : i32
          %mul3A_1772 = vector.broadcast %mul3A_1771 : i32 to vector<16xi32>
          %mul3A_1773 = arith.muli %convert_element_type3A_1748, %mul3A_1772 : vector<16xi32>
          %mul3A_1774 = arith.constant 1024 : i32
          %mul3A_1775 = vector.broadcast %mul3A_1774 : i32 to vector<16xi32>
          %mul3A_1776 = arith.muli %add3A_1753, %mul3A_1775 : vector<16xi32>
          %mul3A_1777 = arith.constant 64 : i32
          %mul3A_1778 = arith.muli %and3A_1645, %mul3A_1777 : i32
          %add3A_1779 = arith.addi %mul3A_1778, %add3A_1713 : i32
          %add3A_1780 = arith.addi %mul3A_1773, %convert_element_type3A_1755 : vector<16xi32>
          %swap3A = arith.index_cast %add3A_1779 : i32 to index
          %swap3A_1781 = arith.constant 0 : index
          %swap3A_1782 = tpu.vector_load %arg12[%swap3A, %swap3A_1781] {strides = array<i32>} : memref<128x128xi32, #tpu.memory_space<vmem>>, vector<1x16xi32>,
          %swap3A_1783 = vector.shape_cast %swap3A_1782 : vector<1x16xi32> to vector<16xi32>
          %swap3A_1784 = vector.shape_cast %add3A_1780 : vector<16xi32> to vector<1x16xi32>
          tpu.vector_store %arg12[%swap3A, %swap3A_1781], %swap3A_1784 {strides = array<i32>} : memref<128x128xi32, #tpu.memory_space<vmem>>, vector<1x16xi32>,
          %add3A_1785 = arith.addi %mul3A_1776, %convert_element_type3A_1755 : vector<16xi32>
          %add3A_1786 = arith.constant 16 : i32
          %add3A_1787 = arith.addi %add3A_1786, %add3A_1779 : i32
          %swap3A_1788 = arith.index_cast %add3A_1787 : i32 to index
          %swap3A_1789 = arith.constant 0 : index
          %swap3A_1790 = tpu.vector_load %arg12[%swap3A_1788, %swap3A_1789] {strides = array<i32>} : memref<128x128xi32, #tpu.memory_space<vmem>>, vector<1x16xi32>,
          %swap3A_1791 = vector.shape_cast %swap3A_1790 : vector<1x16xi32> to vector<16xi32>
          %swap3A_1792 = vector.shape_cast %add3A_1785 : vector<16xi32> to vector<1x16xi32>
          tpu.vector_store %arg12[%swap3A_1788, %swap3A_1789], %swap3A_1792 {strides = array<i32>} : memref<128x128xi32, #tpu.memory_space<vmem>>, vector<1x16xi32>,
          %add3A_1793 = arith.addi %mul3A_1773, %add3A_1763 : vector<16xi32>
          %add3A_1794 = arith.constant 32 : i32
          %add3A_1795 = arith.addi %add3A_1794, %add3A_1779 : i32
          %swap3A_1796 = arith.index_cast %add3A_1795 : i32 to index
          %swap3A_1797 = arith.constant 0 : index
          %swap3A_1798 = tpu.vector_load %arg12[%swap3A_1796, %swap3A_1797] {strides = array<i32>} : memref<128x128xi32, #tpu.memory_space<vmem>>, vector<1x16xi32>,
          %swap3A_1799 = vector.shape_cast %swap3A_1798 : vector<1x16xi32> to vector<16xi32>
          %swap3A_1800 = vector.shape_cast %add3A_1793 : vector<16xi32> to vector<1x16xi32>
          tpu.vector_store %arg12[%swap3A_1796, %swap3A_1797], %swap3A_1800 {strides = array<i32>} : memref<128x128xi32, #tpu.memory_space<vmem>>, vector<1x16xi32>,
          %add3A_1801 = arith.addi %mul3A_1776, %add3A_1763 : vector<16xi32>
          %add3A_1802 = arith.constant 48 : i32
          %add3A_1803 = arith.addi %add3A_1802, %add3A_1779 : i32
          %swap3A_1804 = arith.index_cast %add3A_1803 : i32 to index
          %swap3A_1805 = arith.constant 0 : index
          %swap3A_1806 = tpu.vector_load %arg12[%swap3A_1804, %swap3A_1805] {strides = array<i32>} : memref<128x128xi32, #tpu.memory_space<vmem>>, vector<1x16xi32>,
          %swap3A_1807 = vector.shape_cast %swap3A_1806 : vector<1x16xi32> to vector<16xi32>
          %swap3A_1808 = vector.shape_cast %add3A_1801 : vector<16xi32> to vector<1x16xi32>
          tpu.vector_store %arg12[%swap3A_1804, %swap3A_1805], %swap3A_1808 {strides = array<i32>} : memref<128x128xi32, #tpu.memory_space<vmem>>, vector<1x16xi32>,
          %mul3A_1809 = arith.mulf %mul3A_1766, %sub3A_1769 : vector<16xf32>
          %swap3A_1810 = arith.index_cast %add3A_1779 : i32 to index
          %swap3A_1811 = arith.constant 0 : index
          %swap3A_1812 = tpu.vector_load %arg13[%swap3A_1810, %swap3A_1811] {strides = array<i32>} : memref<128x128xf32, #tpu.memory_space<vmem>>, vector<1x16xf32>,
          %swap3A_1813 = vector.shape_cast %swap3A_1812 : vector<1x16xf32> to vector<16xf32>
          %swap3A_1814 = vector.shape_cast %mul3A_1809 : vector<16xf32> to vector<1x16xf32>
          tpu.vector_store %arg13[%swap3A_1810, %swap3A_1811], %swap3A_1814 {strides = array<i32>} : memref<128x128xf32, #tpu.memory_space<vmem>>, vector<1x16xf32>,
          %mul3A_1815 = arith.mulf %mul3A_1768, %sub3A_1769 : vector<16xf32>
          %add3A_1816 = arith.constant 16 : i32
          %add3A_1817 = arith.addi %add3A_1816, %add3A_1779 : i32
          %swap3A_1818 = arith.index_cast %add3A_1817 : i32 to index
          %swap3A_1819 = arith.constant 0 : index
          %swap3A_1820 = tpu.vector_load %arg13[%swap3A_1818, %swap3A_1819] {strides = array<i32>} : memref<128x128xf32, #tpu.memory_space<vmem>>, vector<1x16xf32>,
          %swap3A_1821 = vector.shape_cast %swap3A_1820 : vector<1x16xf32> to vector<16xf32>
          %swap3A_1822 = vector.shape_cast %mul3A_1815 : vector<16xf32> to vector<1x16xf32>
          tpu.vector_store %arg13[%swap3A_1818, %swap3A_1819], %swap3A_1822 {strides = array<i32>} : memref<128x128xf32, #tpu.memory_space<vmem>>, vector<1x16xf32>,
          %mul3A_1823 = arith.mulf %mul3A_1766, %sub3A_1770 : vector<16xf32>
          %add3A_1824 = arith.constant 32 : i32
          %add3A_1825 = arith.addi %add3A_1824, %add3A_1779 : i32
          %swap3A_1826 = arith.index_cast %add3A_1825 : i32 to index
          %swap3A_1827 = arith.constant 0 : index
          %swap3A_1828 = tpu.vector_load %arg13[%swap3A_1826, %swap3A_1827] {strides = array<i32>} : memref<128x128xf32, #tpu.memory_space<vmem>>, vector<1x16xf32>,
          %swap3A_1829 = vector.shape_cast %swap3A_1828 : vector<1x16xf32> to vector<16xf32>
          %swap3A_1830 = vector.shape_cast %mul3A_1823 : vector<16xf32> to vector<1x16xf32>
          tpu.vector_store %arg13[%swap3A_1826, %swap3A_1827], %swap3A_1830 {strides = array<i32>} : memref<128x128xf32, #tpu.memory_space<vmem>>, vector<1x16xf32>,
          %mul3A_1831 = arith.mulf %mul3A_1768, %sub3A_1770 : vector<16xf32>
          %add3A_1832 = arith.constant 48 : i32
          %add3A_1833 = arith.addi %add3A_1832, %add3A_1779 : i32
          %swap3A_1834 = arith.index_cast %add3A_1833 : i32 to index
          %swap3A_1835 = arith.constant 0 : index
          %swap3A_1836 = tpu.vector_load %arg13[%swap3A_1834, %swap3A_1835] {strides = array<i32>} : memref<128x128xf32, #tpu.memory_space<vmem>>, vector<1x16xf32>,
          %swap3A_1837 = vector.shape_cast %swap3A_1836 : vector<1x16xf32> to vector<16xf32>
          %swap3A_1838 = vector.shape_cast %mul3A_1831 : vector<16xf32> to vector<1x16xf32>
          tpu.vector_store %arg13[%swap3A_1834, %swap3A_1835], %swap3A_1838 {strides = array<i32>} : memref<128x128xf32, #tpu.memory_space<vmem>>, vector<1x16xf32>,
          %get3A_1839 = arith.index_cast %and3A_1645 : i32 to index
          %get3A_1840 = arith.index_cast %add3A_1713 : i32 to index
          %get3A_1841 = arith.constant 16 : index
          %get3A_1842 = tpu.vector_load %arg8[%get3A_1839, %get3A_1840, %get3A_1841] {strides = array<i32>} : memref<2x16x128xf32, #tpu.memory_space<vmem>>, vector<1x1x16xf32>,
          %get3A_1843 = vector.shape_cast %get3A_1842 : vector<1x1x16xf32> to vector<16xf32>
          %get3A_1844 = arith.index_cast %and3A_1645 : i32 to index
          %get3A_1845 = arith.index_cast %add3A_1713 : i32 to index
          %get3A_1846 = arith.constant 16 : index
          %get3A_1847 = tpu.vector_load %arg9[%get3A_1844, %get3A_1845, %get3A_1846] {strides = array<i32>} : memref<2x16x128xf32, #tpu.memory_space<vmem>>, vector<1x1x16xf32>,
          %get3A_1848 = vector.shape_cast %get3A_1847 : vector<1x1x16xf32> to vector<16xf32>
          %get3A_1849 = arith.index_cast %and3A_1645 : i32 to index
          %get3A_1850 = arith.index_cast %add3A_1713 : i32 to index
          %get3A_1851 = arith.constant 16 : index
          %get3A_1852 = tpu.vector_load %arg10[%get3A_1849, %get3A_1850, %get3A_1851] {strides = array<i32>} : memref<2x16x128xf32, #tpu.memory_space<vmem>>, vector<1x1x16xf32>,
          %get3A_1853 = vector.shape_cast %get3A_1852 : vector<1x1x16xf32> to vector<16xf32>
          %sub3A_1854 = arith.subf %get3A_1843, %get3A_26 : vector<16xf32>
          %mul3A_1855 = arith.mulf %sub3A_1854, %get3A_29 : vector<16xf32>
          %add3A_1856 = arith.constant 1.000000e+00 : f32
          %add3A_1857 = vector.broadcast %add3A_1856 : f32 to vector<16xf32>
          %add3A_1858 = arith.addf %mul3A_1855, %add3A_1857 : vector<16xf32>
          %min3A_1859 = arith.constant 1.023000e+03 : f32
          %min3A_1860 = vector.broadcast %min3A_1859 : f32 to vector<16xf32>
          %min3A_1861 = arith.minimumf %add3A_1858, %min3A_1860 : vector<16xf32>
          %sub3A_1862 = arith.subf %get3A_1848, %get3A_32 : vector<16xf32>
          %mul3A_1863 = arith.mulf %sub3A_1862, %get3A_35 : vector<16xf32>
          %add3A_1864 = arith.constant 1.000000e+00 : f32
          %add3A_1865 = vector.broadcast %add3A_1864 : f32 to vector<16xf32>
          %add3A_1866 = arith.addf %mul3A_1863, %add3A_1865 : vector<16xf32>
          %min3A_1867 = arith.constant 1.023000e+03 : f32
          %min3A_1868 = vector.broadcast %min3A_1867 : f32 to vector<16xf32>
          %min3A_1869 = arith.minimumf %add3A_1866, %min3A_1868 : vector<16xf32>
          %sub3A_1870 = arith.subf %get3A_1853, %get3A_38 : vector<16xf32>
          %mul3A_1871 = arith.mulf %sub3A_1870, %get3A_41 : vector<16xf32>
          %max3A_1872 = arith.maximumf %mul3A_1871, %get3A_44 : vector<16xf32>
          %sub3A_1873 = arith.constant 1.000000e+00 : f32
          %sub3A_1874 = vector.broadcast %sub3A_1873 : f32 to vector<16xf32>
          %sub3A_1875 = arith.subf %sub3A_1874, %max3A_1872 : vector<16xf32>
          %convert_element_type3A_1876 = arith.fptosi %min3A_1861 : vector<16xf32> to vector<16xi32>
          %convert_element_type3A_1877 = arith.sitofp %convert_element_type3A_1876 : vector<16xi32> to vector<16xf32>
          %eq3A_1878 = arith.cmpf oeq, %convert_element_type3A_1877, %min3A_1861 : vector<16xf32>
          %jit3A_1879 = arith.constant 0 : i32
          %jit3A_1880 = arith.constant 1 : i32
          %broadcast_in_dim3A_1881 = vector.broadcast %jit3A_1879 : i32 to vector<16xi32>
          %broadcast_in_dim3A_1882 = vector.broadcast %jit3A_1880 : i32 to vector<16xi32>
          %select_n3A_1883 = arith.select %eq3A_1878, %broadcast_in_dim3A_1881, %broadcast_in_dim3A_1882 : vector<16xi1>, vector<16xi32>
          %add3A_1884 = arith.addi %convert_element_type3A_1876, %select_n3A_1883 : vector<16xi32>
          %convert_element_type3A_1885 = arith.sitofp %add3A_1884 : vector<16xi32> to vector<16xf32>
          %convert_element_type3A_1886 = arith.fptosi %min3A_1869 : vector<16xf32> to vector<16xi32>
          %convert_element_type3A_1887 = arith.sitofp %convert_element_type3A_1886 : vector<16xi32> to vector<16xf32>
          %eq3A_1888 = arith.cmpf oeq, %convert_element_type3A_1887, %min3A_1869 : vector<16xf32>
          %jit3A_1889 = arith.constant 0 : i32
          %jit3A_1890 = arith.constant 1 : i32
          %broadcast_in_dim3A_1891 = vector.broadcast %jit3A_1889 : i32 to vector<16xi32>
          %broadcast_in_dim3A_1892 = vector.broadcast %jit3A_1890 : i32 to vector<16xi32>
          %select_n3A_1893 = arith.select %eq3A_1888, %broadcast_in_dim3A_1891, %broadcast_in_dim3A_1892 : vector<16xi1>, vector<16xi32>
          %add3A_1894 = arith.addi %convert_element_type3A_1886, %select_n3A_1893 : vector<16xi32>
          %convert_element_type3A_1895 = arith.sitofp %add3A_1894 : vector<16xi32> to vector<16xf32>
          %sub3A_1896 = arith.subf %min3A_1861, %convert_element_type3A_1877 : vector<16xf32>
          %mul3A_1897 = arith.mulf %sub3A_1875, %sub3A_1896 : vector<16xf32>
          %sub3A_1898 = arith.subf %convert_element_type3A_1885, %min3A_1861 : vector<16xf32>
          %mul3A_1899 = arith.mulf %sub3A_1875, %sub3A_1898 : vector<16xf32>
          %sub3A_1900 = arith.subf %min3A_1869, %convert_element_type3A_1887 : vector<16xf32>
          %sub3A_1901 = arith.subf %convert_element_type3A_1895, %min3A_1869 : vector<16xf32>
          %mul3A_1902 = arith.constant 1024 : i32
          %mul3A_1903 = vector.broadcast %mul3A_1902 : i32 to vector<16xi32>
          %mul3A_1904 = arith.muli %convert_element_type3A_1876, %mul3A_1903 : vector<16xi32>
          %mul3A_1905 = arith.constant 1024 : i32
          %mul3A_1906 = vector.broadcast %mul3A_1905 : i32 to vector<16xi32>
          %mul3A_1907 = arith.muli %add3A_1884, %mul3A_1906 : vector<16xi32>
          %mul3A_1908 = arith.constant 64 : i32
          %mul3A_1909 = arith.muli %and3A_1645, %mul3A_1908 : i32
          %add3A_1910 = arith.addi %mul3A_1909, %add3A_1713 : i32
          %add3A_1911 = arith.addi %mul3A_1904, %convert_element_type3A_1886 : vector<16xi32>
          %swap3A_1912 = arith.index_cast %add3A_1910 : i32 to index
          %swap3A_1913 = arith.constant 16 : index
          %swap3A_1914 = tpu.vector_load %arg12[%swap3A_1912, %swap3A_1913] {strides = array<i32>} : memref<128x128xi32, #tpu.memory_space<vmem>>, vector<1x16xi32>,
          %swap3A_1915 = vector.shape_cast %swap3A_1914 : vector<1x16xi32> to vector<16xi32>
          %swap3A_1916 = vector.shape_cast %add3A_1911 : vector<16xi32> to vector<1x16xi32>
          tpu.vector_store %arg12[%swap3A_1912, %swap3A_1913], %swap3A_1916 {strides = array<i32>} : memref<128x128xi32, #tpu.memory_space<vmem>>, vector<1x16xi32>,
          %add3A_1917 = arith.addi %mul3A_1907, %convert_element_type3A_1886 : vector<16xi32>
          %add3A_1918 = arith.constant 16 : i32
          %add3A_1919 = arith.addi %add3A_1918, %add3A_1910 : i32
          %swap3A_1920 = arith.index_cast %add3A_1919 : i32 to index
          %swap3A_1921 = arith.constant 16 : index
          %swap3A_1922 = tpu.vector_load %arg12[%swap3A_1920, %swap3A_1921] {strides = array<i32>} : memref<128x128xi32, #tpu.memory_space<vmem>>, vector<1x16xi32>,
          %swap3A_1923 = vector.shape_cast %swap3A_1922 : vector<1x16xi32> to vector<16xi32>
          %swap3A_1924 = vector.shape_cast %add3A_1917 : vector<16xi32> to vector<1x16xi32>
          tpu.vector_store %arg12[%swap3A_1920, %swap3A_1921], %swap3A_1924 {strides = array<i32>} : memref<128x128xi32, #tpu.memory_space<vmem>>, vector<1x16xi32>,
          %add3A_1925 = arith.addi %mul3A_1904, %add3A_1894 : vector<16xi32>
          %add3A_1926 = arith.constant 32 : i32
          %add3A_1927 = arith.addi %add3A_1926, %add3A_1910 : i32
          %swap3A_1928 = arith.index_cast %add3A_1927 : i32 to index
          %swap3A_1929 = arith.constant 16 : index
          %swap3A_1930 = tpu.vector_load %arg12[%swap3A_1928, %swap3A_1929] {strides = array<i32>} : memref<128x128xi32, #tpu.memory_space<vmem>>, vector<1x16xi32>,
          %swap3A_1931 = vector.shape_cast %swap3A_1930 : vector<1x16xi32> to vector<16xi32>
          %swap3A_1932 = vector.shape_cast %add3A_1925 : vector<16xi32> to vector<1x16xi32>
          tpu.vector_store %arg12[%swap3A_1928, %swap3A_1929], %swap3A_1932 {strides = array<i32>} : memref<128x128xi32, #tpu.memory_space<vmem>>, vector<1x16xi32>,
          %add3A_1933 = arith.addi %mul3A_1907, %add3A_1894 : vector<16xi32>
          %add3A_1934 = arith.constant 48 : i32
          %add3A_1935 = arith.addi %add3A_1934, %add3A_1910 : i32
          %swap3A_1936 = arith.index_cast %add3A_1935 : i32 to index
          %swap3A_1937 = arith.constant 16 : index
          %swap3A_1938 = tpu.vector_load %arg12[%swap3A_1936, %swap3A_1937] {strides = array<i32>} : memref<128x128xi32, #tpu.memory_space<vmem>>, vector<1x16xi32>,
          %swap3A_1939 = vector.shape_cast %swap3A_1938 : vector<1x16xi32> to vector<16xi32>
          %swap3A_1940 = vector.shape_cast %add3A_1933 : vector<16xi32> to vector<1x16xi32>
          tpu.vector_store %arg12[%swap3A_1936, %swap3A_1937], %swap3A_1940 {strides = array<i32>} : memref<128x128xi32, #tpu.memory_space<vmem>>, vector<1x16xi32>,
          %mul3A_1941 = arith.mulf %mul3A_1897, %sub3A_1900 : vector<16xf32>
          %swap3A_1942 = arith.index_cast %add3A_1910 : i32 to index
          %swap3A_1943 = arith.constant 16 : index
          %swap3A_1944 = tpu.vector_load %arg13[%swap3A_1942, %swap3A_1943] {strides = array<i32>} : memref<128x128xf32, #tpu.memory_space<vmem>>, vector<1x16xf32>,
          %swap3A_1945 = vector.shape_cast %swap3A_1944 : vector<1x16xf32> to vector<16xf32>
          %swap3A_1946 = vector.shape_cast %mul3A_1941 : vector<16xf32> to vector<1x16xf32>
          tpu.vector_store %arg13[%swap3A_1942, %swap3A_1943], %swap3A_1946 {strides = array<i32>} : memref<128x128xf32, #tpu.memory_space<vmem>>, vector<1x16xf32>,
          %mul3A_1947 = arith.mulf %mul3A_1899, %sub3A_1900 : vector<16xf32>
          %add3A_1948 = arith.constant 16 : i32
          %add3A_1949 = arith.addi %add3A_1948, %add3A_1910 : i32
          %swap3A_1950 = arith.index_cast %add3A_1949 : i32 to index
          %swap3A_1951 = arith.constant 16 : index
          %swap3A_1952 = tpu.vector_load %arg13[%swap3A_1950, %swap3A_1951] {strides = array<i32>} : memref<128x128xf32, #tpu.memory_space<vmem>>, vector<1x16xf32>,
          %swap3A_1953 = vector.shape_cast %swap3A_1952 : vector<1x16xf32> to vector<16xf32>
          %swap3A_1954 = vector.shape_cast %mul3A_1947 : vector<16xf32> to vector<1x16xf32>
          tpu.vector_store %arg13[%swap3A_1950, %swap3A_1951], %swap3A_1954 {strides = array<i32>} : memref<128x128xf32, #tpu.memory_space<vmem>>, vector<1x16xf32>,
          %mul3A_1955 = arith.mulf %mul3A_1897, %sub3A_1901 : vector<16xf32>
          %add3A_1956 = arith.constant 32 : i32
          %add3A_1957 = arith.addi %add3A_1956, %add3A_1910 : i32
          %swap3A_1958 = arith.index_cast %add3A_1957 : i32 to index
          %swap3A_1959 = arith.constant 16 : index
          %swap3A_1960 = tpu.vector_load %arg13[%swap3A_1958, %swap3A_1959] {strides = array<i32>} : memref<128x128xf32, #tpu.memory_space<vmem>>, vector<1x16xf32>,
          %swap3A_1961 = vector.shape_cast %swap3A_1960 : vector<1x16xf32> to vector<16xf32>
          %swap3A_1962 = vector.shape_cast %mul3A_1955 : vector<16xf32> to vector<1x16xf32>
          tpu.vector_store %arg13[%swap3A_1958, %swap3A_1959], %swap3A_1962 {strides = array<i32>} : memref<128x128xf32, #tpu.memory_space<vmem>>, vector<1x16xf32>,
          %mul3A_1963 = arith.mulf %mul3A_1899, %sub3A_1901 : vector<16xf32>
          %add3A_1964 = arith.constant 48 : i32
          %add3A_1965 = arith.addi %add3A_1964, %add3A_1910 : i32
          %swap3A_1966 = arith.index_cast %add3A_1965 : i32 to index
          %swap3A_1967 = arith.constant 16 : index
          %swap3A_1968 = tpu.vector_load %arg13[%swap3A_1966, %swap3A_1967] {strides = array<i32>} : memref<128x128xf32, #tpu.memory_space<vmem>>, vector<1x16xf32>,
          %swap3A_1969 = vector.shape_cast %swap3A_1968 : vector<1x16xf32> to vector<16xf32>
          %swap3A_1970 = vector.shape_cast %mul3A_1963 : vector<16xf32> to vector<1x16xf32>
          tpu.vector_store %arg13[%swap3A_1966, %swap3A_1967], %swap3A_1970 {strides = array<i32>} : memref<128x128xf32, #tpu.memory_space<vmem>>, vector<1x16xf32>,
          %get3A_1971 = arith.index_cast %and3A_1645 : i32 to index
          %get3A_1972 = arith.index_cast %add3A_1713 : i32 to index
          %get3A_1973 = arith.constant 32 : index
          %get3A_1974 = tpu.vector_load %arg8[%get3A_1971, %get3A_1972, %get3A_1973] {strides = array<i32>} : memref<2x16x128xf32, #tpu.memory_space<vmem>>, vector<1x1x16xf32>,
          %get3A_1975 = vector.shape_cast %get3A_1974 : vector<1x1x16xf32> to vector<16xf32>
          %get3A_1976 = arith.index_cast %and3A_1645 : i32 to index
          %get3A_1977 = arith.index_cast %add3A_1713 : i32 to index
          %get3A_1978 = arith.constant 32 : index
          %get3A_1979 = tpu.vector_load %arg9[%get3A_1976, %get3A_1977, %get3A_1978] {strides = array<i32>} : memref<2x16x128xf32, #tpu.memory_space<vmem>>, vector<1x1x16xf32>,
          %get3A_1980 = vector.shape_cast %get3A_1979 : vector<1x1x16xf32> to vector<16xf32>
          %get3A_1981 = arith.index_cast %and3A_1645 : i32 to index
          %get3A_1982 = arith.index_cast %add3A_1713 : i32 to index
          %get3A_1983 = arith.constant 32 : index
          %get3A_1984 = tpu.vector_load %arg10[%get3A_1981, %get3A_1982, %get3A_1983] {strides = array<i32>} : memref<2x16x128xf32, #tpu.memory_space<vmem>>, vector<1x1x16xf32>,
          %get3A_1985 = vector.shape_cast %get3A_1984 : vector<1x1x16xf32> to vector<16xf32>
          %sub3A_1986 = arith.subf %get3A_1975, %get3A_26 : vector<16xf32>
          %mul3A_1987 = arith.mulf %sub3A_1986, %get3A_29 : vector<16xf32>
          %add3A_1988 = arith.constant 1.000000e+00 : f32
          %add3A_1989 = vector.broadcast %add3A_1988 : f32 to vector<16xf32>
          %add3A_1990 = arith.addf %mul3A_1987, %add3A_1989 : vector<16xf32>
          %min3A_1991 = arith.constant 1.023000e+03 : f32
          %min3A_1992 = vector.broadcast %min3A_1991 : f32 to vector<16xf32>
          %min3A_1993 = arith.minimumf %add3A_1990, %min3A_1992 : vector<16xf32>
          %sub3A_1994 = arith.subf %get3A_1980, %get3A_32 : vector<16xf32>
          %mul3A_1995 = arith.mulf %sub3A_1994, %get3A_35 : vector<16xf32>
          %add3A_1996 = arith.constant 1.000000e+00 : f32
          %add3A_1997 = vector.broadcast %add3A_1996 : f32 to vector<16xf32>
          %add3A_1998 = arith.addf %mul3A_1995, %add3A_1997 : vector<16xf32>
          %min3A_1999 = arith.constant 1.023000e+03 : f32
          %min3A_2000 = vector.broadcast %min3A_1999 : f32 to vector<16xf32>
          %min3A_2001 = arith.minimumf %add3A_1998, %min3A_2000 : vector<16xf32>
          %sub3A_2002 = arith.subf %get3A_1985, %get3A_38 : vector<16xf32>
          %mul3A_2003 = arith.mulf %sub3A_2002, %get3A_41 : vector<16xf32>
          %max3A_2004 = arith.maximumf %mul3A_2003, %get3A_44 : vector<16xf32>
          %sub3A_2005 = arith.constant 1.000000e+00 : f32
          %sub3A_2006 = vector.broadcast %sub3A_2005 : f32 to vector<16xf32>
          %sub3A_2007 = arith.subf %sub3A_2006, %max3A_2004 : vector<16xf32>
          %convert_element_type3A_2008 = arith.fptosi %min3A_1993 : vector<16xf32> to vector<16xi32>
          %convert_element_type3A_2009 = arith.sitofp %convert_element_type3A_2008 : vector<16xi32> to vector<16xf32>
          %eq3A_2010 = arith.cmpf oeq, %convert_element_type3A_2009, %min3A_1993 : vector<16xf32>
          %jit3A_2011 = arith.constant 0 : i32
          %jit3A_2012 = arith.constant 1 : i32
          %broadcast_in_dim3A_2013 = vector.broadcast %jit3A_2011 : i32 to vector<16xi32>
          %broadcast_in_dim3A_2014 = vector.broadcast %jit3A_2012 : i32 to vector<16xi32>
          %select_n3A_2015 = arith.select %eq3A_2010, %broadcast_in_dim3A_2013, %broadcast_in_dim3A_2014 : vector<16xi1>, vector<16xi32>
          %add3A_2016 = arith.addi %convert_element_type3A_2008, %select_n3A_2015 : vector<16xi32>
          %convert_element_type3A_2017 = arith.sitofp %add3A_2016 : vector<16xi32> to vector<16xf32>
          %convert_element_type3A_2018 = arith.fptosi %min3A_2001 : vector<16xf32> to vector<16xi32>
          %convert_element_type3A_2019 = arith.sitofp %convert_element_type3A_2018 : vector<16xi32> to vector<16xf32>
          %eq3A_2020 = arith.cmpf oeq, %convert_element_type3A_2019, %min3A_2001 : vector<16xf32>
          %jit3A_2021 = arith.constant 0 : i32
          %jit3A_2022 = arith.constant 1 : i32
          %broadcast_in_dim3A_2023 = vector.broadcast %jit3A_2021 : i32 to vector<16xi32>
          %broadcast_in_dim3A_2024 = vector.broadcast %jit3A_2022 : i32 to vector<16xi32>
          %select_n3A_2025 = arith.select %eq3A_2020, %broadcast_in_dim3A_2023, %broadcast_in_dim3A_2024 : vector<16xi1>, vector<16xi32>
          %add3A_2026 = arith.addi %convert_element_type3A_2018, %select_n3A_2025 : vector<16xi32>
          %convert_element_type3A_2027 = arith.sitofp %add3A_2026 : vector<16xi32> to vector<16xf32>
          %sub3A_2028 = arith.subf %min3A_1993, %convert_element_type3A_2009 : vector<16xf32>
          %mul3A_2029 = arith.mulf %sub3A_2007, %sub3A_2028 : vector<16xf32>
          %sub3A_2030 = arith.subf %convert_element_type3A_2017, %min3A_1993 : vector<16xf32>
          %mul3A_2031 = arith.mulf %sub3A_2007, %sub3A_2030 : vector<16xf32>
          %sub3A_2032 = arith.subf %min3A_2001, %convert_element_type3A_2019 : vector<16xf32>
          %sub3A_2033 = arith.subf %convert_element_type3A_2027, %min3A_2001 : vector<16xf32>
          %mul3A_2034 = arith.constant 1024 : i32
          %mul3A_2035 = vector.broadcast %mul3A_2034 : i32 to vector<16xi32>
          %mul3A_2036 = arith.muli %convert_element_type3A_2008, %mul3A_2035 : vector<16xi32>
          %mul3A_2037 = arith.constant 1024 : i32
          %mul3A_2038 = vector.broadcast %mul3A_2037 : i32 to vector<16xi32>
          %mul3A_2039 = arith.muli %add3A_2016, %mul3A_2038 : vector<16xi32>
          %mul3A_2040 = arith.constant 64 : i32
          %mul3A_2041 = arith.muli %and3A_1645, %mul3A_2040 : i32
          %add3A_2042 = arith.addi %mul3A_2041, %add3A_1713 : i32
          %add3A_2043 = arith.addi %mul3A_2036, %convert_element_type3A_2018 : vector<16xi32>
          %swap3A_2044 = arith.index_cast %add3A_2042 : i32 to index
          %swap3A_2045 = arith.constant 32 : index
          %swap3A_2046 = tpu.vector_load %arg12[%swap3A_2044, %swap3A_2045] {strides = array<i32>} : memref<128x128xi32, #tpu.memory_space<vmem>>, vector<1x16xi32>,
          %swap3A_2047 = vector.shape_cast %swap3A_2046 : vector<1x16xi32> to vector<16xi32>
          %swap3A_2048 = vector.shape_cast %add3A_2043 : vector<16xi32> to vector<1x16xi32>
          tpu.vector_store %arg12[%swap3A_2044, %swap3A_2045], %swap3A_2048 {strides = array<i32>} : memref<128x128xi32, #tpu.memory_space<vmem>>, vector<1x16xi32>,
          %add3A_2049 = arith.addi %mul3A_2039, %convert_element_type3A_2018 : vector<16xi32>
          %add3A_2050 = arith.constant 16 : i32
          %add3A_2051 = arith.addi %add3A_2050, %add3A_2042 : i32
          %swap3A_2052 = arith.index_cast %add3A_2051 : i32 to index
          %swap3A_2053 = arith.constant 32 : index
          %swap3A_2054 = tpu.vector_load %arg12[%swap3A_2052, %swap3A_2053] {strides = array<i32>} : memref<128x128xi32, #tpu.memory_space<vmem>>, vector<1x16xi32>,
          %swap3A_2055 = vector.shape_cast %swap3A_2054 : vector<1x16xi32> to vector<16xi32>
          %swap3A_2056 = vector.shape_cast %add3A_2049 : vector<16xi32> to vector<1x16xi32>
          tpu.vector_store %arg12[%swap3A_2052, %swap3A_2053], %swap3A_2056 {strides = array<i32>} : memref<128x128xi32, #tpu.memory_space<vmem>>, vector<1x16xi32>,
          %add3A_2057 = arith.addi %mul3A_2036, %add3A_2026 : vector<16xi32>
          %add3A_2058 = arith.constant 32 : i32
          %add3A_2059 = arith.addi %add3A_2058, %add3A_2042 : i32
          %swap3A_2060 = arith.index_cast %add3A_2059 : i32 to index
          %swap3A_2061 = arith.constant 32 : index
          %swap3A_2062 = tpu.vector_load %arg12[%swap3A_2060, %swap3A_2061] {strides = array<i32>} : memref<128x128xi32, #tpu.memory_space<vmem>>, vector<1x16xi32>,
          %swap3A_2063 = vector.shape_cast %swap3A_2062 : vector<1x16xi32> to vector<16xi32>
          %swap3A_2064 = vector.shape_cast %add3A_2057 : vector<16xi32> to vector<1x16xi32>
          tpu.vector_store %arg12[%swap3A_2060, %swap3A_2061], %swap3A_2064 {strides = array<i32>} : memref<128x128xi32, #tpu.memory_space<vmem>>, vector<1x16xi32>,
          %add3A_2065 = arith.addi %mul3A_2039, %add3A_2026 : vector<16xi32>
          %add3A_2066 = arith.constant 48 : i32
          %add3A_2067 = arith.addi %add3A_2066, %add3A_2042 : i32
          %swap3A_2068 = arith.index_cast %add3A_2067 : i32 to index
          %swap3A_2069 = arith.constant 32 : index
          %swap3A_2070 = tpu.vector_load %arg12[%swap3A_2068, %swap3A_2069] {strides = array<i32>} : memref<128x128xi32, #tpu.memory_space<vmem>>, vector<1x16xi32>,
          %swap3A_2071 = vector.shape_cast %swap3A_2070 : vector<1x16xi32> to vector<16xi32>
          %swap3A_2072 = vector.shape_cast %add3A_2065 : vector<16xi32> to vector<1x16xi32>
          tpu.vector_store %arg12[%swap3A_2068, %swap3A_2069], %swap3A_2072 {strides = array<i32>} : memref<128x128xi32, #tpu.memory_space<vmem>>, vector<1x16xi32>,
          %mul3A_2073 = arith.mulf %mul3A_2029, %sub3A_2032 : vector<16xf32>
          %swap3A_2074 = arith.index_cast %add3A_2042 : i32 to index
          %swap3A_2075 = arith.constant 32 : index
          %swap3A_2076 = tpu.vector_load %arg13[%swap3A_2074, %swap3A_2075] {strides = array<i32>} : memref<128x128xf32, #tpu.memory_space<vmem>>, vector<1x16xf32>,
          %swap3A_2077 = vector.shape_cast %swap3A_2076 : vector<1x16xf32> to vector<16xf32>
          %swap3A_2078 = vector.shape_cast %mul3A_2073 : vector<16xf32> to vector<1x16xf32>
          tpu.vector_store %arg13[%swap3A_2074, %swap3A_2075], %swap3A_2078 {strides = array<i32>} : memref<128x128xf32, #tpu.memory_space<vmem>>, vector<1x16xf32>,
          %mul3A_2079 = arith.mulf %mul3A_2031, %sub3A_2032 : vector<16xf32>
          %add3A_2080 = arith.constant 16 : i32
          %add3A_2081 = arith.addi %add3A_2080, %add3A_2042 : i32
          %swap3A_2082 = arith.index_cast %add3A_2081 : i32 to index
          %swap3A_2083 = arith.constant 32 : index
          %swap3A_2084 = tpu.vector_load %arg13[%swap3A_2082, %swap3A_2083] {strides = array<i32>} : memref<128x128xf32, #tpu.memory_space<vmem>>, vector<1x16xf32>,
          %swap3A_2085 = vector.shape_cast %swap3A_2084 : vector<1x16xf32> to vector<16xf32>
          %swap3A_2086 = vector.shape_cast %mul3A_2079 : vector<16xf32> to vector<1x16xf32>
          tpu.vector_store %arg13[%swap3A_2082, %swap3A_2083], %swap3A_2086 {strides = array<i32>} : memref<128x128xf32, #tpu.memory_space<vmem>>, vector<1x16xf32>,
          %mul3A_2087 = arith.mulf %mul3A_2029, %sub3A_2033 : vector<16xf32>
          %add3A_2088 = arith.constant 32 : i32
          %add3A_2089 = arith.addi %add3A_2088, %add3A_2042 : i32
          %swap3A_2090 = arith.index_cast %add3A_2089 : i32 to index
          %swap3A_2091 = arith.constant 32 : index
          %swap3A_2092 = tpu.vector_load %arg13[%swap3A_2090, %swap3A_2091] {strides = array<i32>} : memref<128x128xf32, #tpu.memory_space<vmem>>, vector<1x16xf32>,
          %swap3A_2093 = vector.shape_cast %swap3A_2092 : vector<1x16xf32> to vector<16xf32>
          %swap3A_2094 = vector.shape_cast %mul3A_2087 : vector<16xf32> to vector<1x16xf32>
          tpu.vector_store %arg13[%swap3A_2090, %swap3A_2091], %swap3A_2094 {strides = array<i32>} : memref<128x128xf32, #tpu.memory_space<vmem>>, vector<1x16xf32>,
          %mul3A_2095 = arith.mulf %mul3A_2031, %sub3A_2033 : vector<16xf32>
          %add3A_2096 = arith.constant 48 : i32
          %add3A_2097 = arith.addi %add3A_2096, %add3A_2042 : i32
          %swap3A_2098 = arith.index_cast %add3A_2097 : i32 to index
          %swap3A_2099 = arith.constant 32 : index
          %swap3A_2100 = tpu.vector_load %arg13[%swap3A_2098, %swap3A_2099] {strides = array<i32>} : memref<128x128xf32, #tpu.memory_space<vmem>>, vector<1x16xf32>,
          %swap3A_2101 = vector.shape_cast %swap3A_2100 : vector<1x16xf32> to vector<16xf32>
          %swap3A_2102 = vector.shape_cast %mul3A_2095 : vector<16xf32> to vector<1x16xf32>
          tpu.vector_store %arg13[%swap3A_2098, %swap3A_2099], %swap3A_2102 {strides = array<i32>} : memref<128x128xf32, #tpu.memory_space<vmem>>, vector<1x16xf32>,
          %get3A_2103 = arith.index_cast %and3A_1645 : i32 to index
          %get3A_2104 = arith.index_cast %add3A_1713 : i32 to index
          %get3A_2105 = arith.constant 48 : index
          %get3A_2106 = tpu.vector_load %arg8[%get3A_2103, %get3A_2104, %get3A_2105] {strides = array<i32>} : memref<2x16x128xf32, #tpu.memory_space<vmem>>, vector<1x1x16xf32>,
          %get3A_2107 = vector.shape_cast %get3A_2106 : vector<1x1x16xf32> to vector<16xf32>
          %get3A_2108 = arith.index_cast %and3A_1645 : i32 to index
          %get3A_2109 = arith.index_cast %add3A_1713 : i32 to index
          %get3A_2110 = arith.constant 48 : index
          %get3A_2111 = tpu.vector_load %arg9[%get3A_2108, %get3A_2109, %get3A_2110] {strides = array<i32>} : memref<2x16x128xf32, #tpu.memory_space<vmem>>, vector<1x1x16xf32>,
          %get3A_2112 = vector.shape_cast %get3A_2111 : vector<1x1x16xf32> to vector<16xf32>
          %get3A_2113 = arith.index_cast %and3A_1645 : i32 to index
          %get3A_2114 = arith.index_cast %add3A_1713 : i32 to index
          %get3A_2115 = arith.constant 48 : index
          %get3A_2116 = tpu.vector_load %arg10[%get3A_2113, %get3A_2114, %get3A_2115] {strides = array<i32>} : memref<2x16x128xf32, #tpu.memory_space<vmem>>, vector<1x1x16xf32>,
          %get3A_2117 = vector.shape_cast %get3A_2116 : vector<1x1x16xf32> to vector<16xf32>
          %sub3A_2118 = arith.subf %get3A_2107, %get3A_26 : vector<16xf32>
          %mul3A_2119 = arith.mulf %sub3A_2118, %get3A_29 : vector<16xf32>
          %add3A_2120 = arith.constant 1.000000e+00 : f32
          %add3A_2121 = vector.broadcast %add3A_2120 : f32 to vector<16xf32>
          %add3A_2122 = arith.addf %mul3A_2119, %add3A_2121 : vector<16xf32>
          %min3A_2123 = arith.constant 1.023000e+03 : f32
          %min3A_2124 = vector.broadcast %min3A_2123 : f32 to vector<16xf32>
          %min3A_2125 = arith.minimumf %add3A_2122, %min3A_2124 : vector<16xf32>
          %sub3A_2126 = arith.subf %get3A_2112, %get3A_32 : vector<16xf32>
          %mul3A_2127 = arith.mulf %sub3A_2126, %get3A_35 : vector<16xf32>
          %add3A_2128 = arith.constant 1.000000e+00 : f32
          %add3A_2129 = vector.broadcast %add3A_2128 : f32 to vector<16xf32>
          %add3A_2130 = arith.addf %mul3A_2127, %add3A_2129 : vector<16xf32>
          %min3A_2131 = arith.constant 1.023000e+03 : f32
          %min3A_2132 = vector.broadcast %min3A_2131 : f32 to vector<16xf32>
          %min3A_2133 = arith.minimumf %add3A_2130, %min3A_2132 : vector<16xf32>
          %sub3A_2134 = arith.subf %get3A_2117, %get3A_38 : vector<16xf32>
          %mul3A_2135 = arith.mulf %sub3A_2134, %get3A_41 : vector<16xf32>
          %max3A_2136 = arith.maximumf %mul3A_2135, %get3A_44 : vector<16xf32>
          %sub3A_2137 = arith.constant 1.000000e+00 : f32
          %sub3A_2138 = vector.broadcast %sub3A_2137 : f32 to vector<16xf32>
          %sub3A_2139 = arith.subf %sub3A_2138, %max3A_2136 : vector<16xf32>
          %convert_element_type3A_2140 = arith.fptosi %min3A_2125 : vector<16xf32> to vector<16xi32>
          %convert_element_type3A_2141 = arith.sitofp %convert_element_type3A_2140 : vector<16xi32> to vector<16xf32>
          %eq3A_2142 = arith.cmpf oeq, %convert_element_type3A_2141, %min3A_2125 : vector<16xf32>
          %jit3A_2143 = arith.constant 0 : i32
          %jit3A_2144 = arith.constant 1 : i32
          %broadcast_in_dim3A_2145 = vector.broadcast %jit3A_2143 : i32 to vector<16xi32>
          %broadcast_in_dim3A_2146 = vector.broadcast %jit3A_2144 : i32 to vector<16xi32>
          %select_n3A_2147 = arith.select %eq3A_2142, %broadcast_in_dim3A_2145, %broadcast_in_dim3A_2146 : vector<16xi1>, vector<16xi32>
          %add3A_2148 = arith.addi %convert_element_type3A_2140, %select_n3A_2147 : vector<16xi32>
          %convert_element_type3A_2149 = arith.sitofp %add3A_2148 : vector<16xi32> to vector<16xf32>
          %convert_element_type3A_2150 = arith.fptosi %min3A_2133 : vector<16xf32> to vector<16xi32>
          %convert_element_type3A_2151 = arith.sitofp %convert_element_type3A_2150 : vector<16xi32> to vector<16xf32>
          %eq3A_2152 = arith.cmpf oeq, %convert_element_type3A_2151, %min3A_2133 : vector<16xf32>
          %jit3A_2153 = arith.constant 0 : i32
          %jit3A_2154 = arith.constant 1 : i32
          %broadcast_in_dim3A_2155 = vector.broadcast %jit3A_2153 : i32 to vector<16xi32>
          %broadcast_in_dim3A_2156 = vector.broadcast %jit3A_2154 : i32 to vector<16xi32>
          %select_n3A_2157 = arith.select %eq3A_2152, %broadcast_in_dim3A_2155, %broadcast_in_dim3A_2156 : vector<16xi1>, vector<16xi32>
          %add3A_2158 = arith.addi %convert_element_type3A_2150, %select_n3A_2157 : vector<16xi32>
          %convert_element_type3A_2159 = arith.sitofp %add3A_2158 : vector<16xi32> to vector<16xf32>
          %sub3A_2160 = arith.subf %min3A_2125, %convert_element_type3A_2141 : vector<16xf32>
          %mul3A_2161 = arith.mulf %sub3A_2139, %sub3A_2160 : vector<16xf32>
          %sub3A_2162 = arith.subf %convert_element_type3A_2149, %min3A_2125 : vector<16xf32>
          %mul3A_2163 = arith.mulf %sub3A_2139, %sub3A_2162 : vector<16xf32>
          %sub3A_2164 = arith.subf %min3A_2133, %convert_element_type3A_2151 : vector<16xf32>
          %sub3A_2165 = arith.subf %convert_element_type3A_2159, %min3A_2133 : vector<16xf32>
          %mul3A_2166 = arith.constant 1024 : i32
          %mul3A_2167 = vector.broadcast %mul3A_2166 : i32 to vector<16xi32>
          %mul3A_2168 = arith.muli %convert_element_type3A_2140, %mul3A_2167 : vector<16xi32>
          %mul3A_2169 = arith.constant 1024 : i32
          %mul3A_2170 = vector.broadcast %mul3A_2169 : i32 to vector<16xi32>
          %mul3A_2171 = arith.muli %add3A_2148, %mul3A_2170 : vector<16xi32>
          %mul3A_2172 = arith.constant 64 : i32
          %mul3A_2173 = arith.muli %and3A_1645, %mul3A_2172 : i32
          %add3A_2174 = arith.addi %mul3A_2173, %add3A_1713 : i32
          %add3A_2175 = arith.addi %mul3A_2168, %convert_element_type3A_2150 : vector<16xi32>
          %swap3A_2176 = arith.index_cast %add3A_2174 : i32 to index
          %swap3A_2177 = arith.constant 48 : index
          %swap3A_2178 = tpu.vector_load %arg12[%swap3A_2176, %swap3A_2177] {strides = array<i32>} : memref<128x128xi32, #tpu.memory_space<vmem>>, vector<1x16xi32>,
          %swap3A_2179 = vector.shape_cast %swap3A_2178 : vector<1x16xi32> to vector<16xi32>
          %swap3A_2180 = vector.shape_cast %add3A_2175 : vector<16xi32> to vector<1x16xi32>
          tpu.vector_store %arg12[%swap3A_2176, %swap3A_2177], %swap3A_2180 {strides = array<i32>} : memref<128x128xi32, #tpu.memory_space<vmem>>, vector<1x16xi32>,
          %add3A_2181 = arith.addi %mul3A_2171, %convert_element_type3A_2150 : vector<16xi32>
          %add3A_2182 = arith.constant 16 : i32
          %add3A_2183 = arith.addi %add3A_2182, %add3A_2174 : i32
          %swap3A_2184 = arith.index_cast %add3A_2183 : i32 to index
          %swap3A_2185 = arith.constant 48 : index
          %swap3A_2186 = tpu.vector_load %arg12[%swap3A_2184, %swap3A_2185] {strides = array<i32>} : memref<128x128xi32, #tpu.memory_space<vmem>>, vector<1x16xi32>,
          %swap3A_2187 = vector.shape_cast %swap3A_2186 : vector<1x16xi32> to vector<16xi32>
          %swap3A_2188 = vector.shape_cast %add3A_2181 : vector<16xi32> to vector<1x16xi32>
          tpu.vector_store %arg12[%swap3A_2184, %swap3A_2185], %swap3A_2188 {strides = array<i32>} : memref<128x128xi32, #tpu.memory_space<vmem>>, vector<1x16xi32>,
          %add3A_2189 = arith.addi %mul3A_2168, %add3A_2158 : vector<16xi32>
          %add3A_2190 = arith.constant 32 : i32
          %add3A_2191 = arith.addi %add3A_2190, %add3A_2174 : i32
          %swap3A_2192 = arith.index_cast %add3A_2191 : i32 to index
          %swap3A_2193 = arith.constant 48 : index
          %swap3A_2194 = tpu.vector_load %arg12[%swap3A_2192, %swap3A_2193] {strides = array<i32>} : memref<128x128xi32, #tpu.memory_space<vmem>>, vector<1x16xi32>,
          %swap3A_2195 = vector.shape_cast %swap3A_2194 : vector<1x16xi32> to vector<16xi32>
          %swap3A_2196 = vector.shape_cast %add3A_2189 : vector<16xi32> to vector<1x16xi32>
          tpu.vector_store %arg12[%swap3A_2192, %swap3A_2193], %swap3A_2196 {strides = array<i32>} : memref<128x128xi32, #tpu.memory_space<vmem>>, vector<1x16xi32>,
          %add3A_2197 = arith.addi %mul3A_2171, %add3A_2158 : vector<16xi32>
          %add3A_2198 = arith.constant 48 : i32
          %add3A_2199 = arith.addi %add3A_2198, %add3A_2174 : i32
          %swap3A_2200 = arith.index_cast %add3A_2199 : i32 to index
          %swap3A_2201 = arith.constant 48 : index
          %swap3A_2202 = tpu.vector_load %arg12[%swap3A_2200, %swap3A_2201] {strides = array<i32>} : memref<128x128xi32, #tpu.memory_space<vmem>>, vector<1x16xi32>,
          %swap3A_2203 = vector.shape_cast %swap3A_2202 : vector<1x16xi32> to vector<16xi32>
          %swap3A_2204 = vector.shape_cast %add3A_2197 : vector<16xi32> to vector<1x16xi32>
          tpu.vector_store %arg12[%swap3A_2200, %swap3A_2201], %swap3A_2204 {strides = array<i32>} : memref<128x128xi32, #tpu.memory_space<vmem>>, vector<1x16xi32>,
          %mul3A_2205 = arith.mulf %mul3A_2161, %sub3A_2164 : vector<16xf32>
          %swap3A_2206 = arith.index_cast %add3A_2174 : i32 to index
          %swap3A_2207 = arith.constant 48 : index
          %swap3A_2208 = tpu.vector_load %arg13[%swap3A_2206, %swap3A_2207] {strides = array<i32>} : memref<128x128xf32, #tpu.memory_space<vmem>>, vector<1x16xf32>,
          %swap3A_2209 = vector.shape_cast %swap3A_2208 : vector<1x16xf32> to vector<16xf32>
          %swap3A_2210 = vector.shape_cast %mul3A_2205 : vector<16xf32> to vector<1x16xf32>
          tpu.vector_store %arg13[%swap3A_2206, %swap3A_2207], %swap3A_2210 {strides = array<i32>} : memref<128x128xf32, #tpu.memory_space<vmem>>, vector<1x16xf32>,
          %mul3A_2211 = arith.mulf %mul3A_2163, %sub3A_2164 : vector<16xf32>
          %add3A_2212 = arith.constant 16 : i32
          %add3A_2213 = arith.addi %add3A_2212, %add3A_2174 : i32
          %swap3A_2214 = arith.index_cast %add3A_2213 : i32 to index
          %swap3A_2215 = arith.constant 48 : index
          %swap3A_2216 = tpu.vector_load %arg13[%swap3A_2214, %swap3A_2215] {strides = array<i32>} : memref<128x128xf32, #tpu.memory_space<vmem>>, vector<1x16xf32>,
          %swap3A_2217 = vector.shape_cast %swap3A_2216 : vector<1x16xf32> to vector<16xf32>
          %swap3A_2218 = vector.shape_cast %mul3A_2211 : vector<16xf32> to vector<1x16xf32>
          tpu.vector_store %arg13[%swap3A_2214, %swap3A_2215], %swap3A_2218 {strides = array<i32>} : memref<128x128xf32, #tpu.memory_space<vmem>>, vector<1x16xf32>,
          %mul3A_2219 = arith.mulf %mul3A_2161, %sub3A_2165 : vector<16xf32>
          %add3A_2220 = arith.constant 32 : i32
          %add3A_2221 = arith.addi %add3A_2220, %add3A_2174 : i32
          %swap3A_2222 = arith.index_cast %add3A_2221 : i32 to index
          %swap3A_2223 = arith.constant 48 : index
          %swap3A_2224 = tpu.vector_load %arg13[%swap3A_2222, %swap3A_2223] {strides = array<i32>} : memref<128x128xf32, #tpu.memory_space<vmem>>, vector<1x16xf32>,
          %swap3A_2225 = vector.shape_cast %swap3A_2224 : vector<1x16xf32> to vector<16xf32>
          %swap3A_2226 = vector.shape_cast %mul3A_2219 : vector<16xf32> to vector<1x16xf32>
          tpu.vector_store %arg13[%swap3A_2222, %swap3A_2223], %swap3A_2226 {strides = array<i32>} : memref<128x128xf32, #tpu.memory_space<vmem>>, vector<1x16xf32>,
          %mul3A_2227 = arith.mulf %mul3A_2163, %sub3A_2165 : vector<16xf32>
          %add3A_2228 = arith.constant 48 : i32
          %add3A_2229 = arith.addi %add3A_2228, %add3A_2174 : i32
          %swap3A_2230 = arith.index_cast %add3A_2229 : i32 to index
          %swap3A_2231 = arith.constant 48 : index
          %swap3A_2232 = tpu.vector_load %arg13[%swap3A_2230, %swap3A_2231] {strides = array<i32>} : memref<128x128xf32, #tpu.memory_space<vmem>>, vector<1x16xf32>,
          %swap3A_2233 = vector.shape_cast %swap3A_2232 : vector<1x16xf32> to vector<16xf32>
          %swap3A_2234 = vector.shape_cast %mul3A_2227 : vector<16xf32> to vector<1x16xf32>
          tpu.vector_store %arg13[%swap3A_2230, %swap3A_2231], %swap3A_2234 {strides = array<i32>} : memref<128x128xf32, #tpu.memory_space<vmem>>, vector<1x16xf32>,
          %get3A_2235 = arith.index_cast %and3A_1645 : i32 to index
          %get3A_2236 = arith.index_cast %add3A_1713 : i32 to index
          %get3A_2237 = arith.constant 64 : index
          %get3A_2238 = tpu.vector_load %arg8[%get3A_2235, %get3A_2236, %get3A_2237] {strides = array<i32>} : memref<2x16x128xf32, #tpu.memory_space<vmem>>, vector<1x1x16xf32>,
          %get3A_2239 = vector.shape_cast %get3A_2238 : vector<1x1x16xf32> to vector<16xf32>
          %get3A_2240 = arith.index_cast %and3A_1645 : i32 to index
          %get3A_2241 = arith.index_cast %add3A_1713 : i32 to index
          %get3A_2242 = arith.constant 64 : index
          %get3A_2243 = tpu.vector_load %arg9[%get3A_2240, %get3A_2241, %get3A_2242] {strides = array<i32>} : memref<2x16x128xf32, #tpu.memory_space<vmem>>, vector<1x1x16xf32>,
          %get3A_2244 = vector.shape_cast %get3A_2243 : vector<1x1x16xf32> to vector<16xf32>
          %get3A_2245 = arith.index_cast %and3A_1645 : i32 to index
          %get3A_2246 = arith.index_cast %add3A_1713 : i32 to index
          %get3A_2247 = arith.constant 64 : index
          %get3A_2248 = tpu.vector_load %arg10[%get3A_2245, %get3A_2246, %get3A_2247] {strides = array<i32>} : memref<2x16x128xf32, #tpu.memory_space<vmem>>, vector<1x1x16xf32>,
          %get3A_2249 = vector.shape_cast %get3A_2248 : vector<1x1x16xf32> to vector<16xf32>
          %sub3A_2250 = arith.subf %get3A_2239, %get3A_26 : vector<16xf32>
          %mul3A_2251 = arith.mulf %sub3A_2250, %get3A_29 : vector<16xf32>
          %add3A_2252 = arith.constant 1.000000e+00 : f32
          %add3A_2253 = vector.broadcast %add3A_2252 : f32 to vector<16xf32>
          %add3A_2254 = arith.addf %mul3A_2251, %add3A_2253 : vector<16xf32>
          %min3A_2255 = arith.constant 1.023000e+03 : f32
          %min3A_2256 = vector.broadcast %min3A_2255 : f32 to vector<16xf32>
          %min3A_2257 = arith.minimumf %add3A_2254, %min3A_2256 : vector<16xf32>
          %sub3A_2258 = arith.subf %get3A_2244, %get3A_32 : vector<16xf32>
          %mul3A_2259 = arith.mulf %sub3A_2258, %get3A_35 : vector<16xf32>
          %add3A_2260 = arith.constant 1.000000e+00 : f32
          %add3A_2261 = vector.broadcast %add3A_2260 : f32 to vector<16xf32>
          %add3A_2262 = arith.addf %mul3A_2259, %add3A_2261 : vector<16xf32>
          %min3A_2263 = arith.constant 1.023000e+03 : f32
          %min3A_2264 = vector.broadcast %min3A_2263 : f32 to vector<16xf32>
          %min3A_2265 = arith.minimumf %add3A_2262, %min3A_2264 : vector<16xf32>
          %sub3A_2266 = arith.subf %get3A_2249, %get3A_38 : vector<16xf32>
          %mul3A_2267 = arith.mulf %sub3A_2266, %get3A_41 : vector<16xf32>
          %max3A_2268 = arith.maximumf %mul3A_2267, %get3A_44 : vector<16xf32>
          %sub3A_2269 = arith.constant 1.000000e+00 : f32
          %sub3A_2270 = vector.broadcast %sub3A_2269 : f32 to vector<16xf32>
          %sub3A_2271 = arith.subf %sub3A_2270, %max3A_2268 : vector<16xf32>
          %convert_element_type3A_2272 = arith.fptosi %min3A_2257 : vector<16xf32> to vector<16xi32>
          %convert_element_type3A_2273 = arith.sitofp %convert_element_type3A_2272 : vector<16xi32> to vector<16xf32>
          %eq3A_2274 = arith.cmpf oeq, %convert_element_type3A_2273, %min3A_2257 : vector<16xf32>
          %jit3A_2275 = arith.constant 0 : i32
          %jit3A_2276 = arith.constant 1 : i32
          %broadcast_in_dim3A_2277 = vector.broadcast %jit3A_2275 : i32 to vector<16xi32>
          %broadcast_in_dim3A_2278 = vector.broadcast %jit3A_2276 : i32 to vector<16xi32>
          %select_n3A_2279 = arith.select %eq3A_2274, %broadcast_in_dim3A_2277, %broadcast_in_dim3A_2278 : vector<16xi1>, vector<16xi32>
          %add3A_2280 = arith.addi %convert_element_type3A_2272, %select_n3A_2279 : vector<16xi32>
          %convert_element_type3A_2281 = arith.sitofp %add3A_2280 : vector<16xi32> to vector<16xf32>
          %convert_element_type3A_2282 = arith.fptosi %min3A_2265 : vector<16xf32> to vector<16xi32>
          %convert_element_type3A_2283 = arith.sitofp %convert_element_type3A_2282 : vector<16xi32> to vector<16xf32>
          %eq3A_2284 = arith.cmpf oeq, %convert_element_type3A_2283, %min3A_2265 : vector<16xf32>
          %jit3A_2285 = arith.constant 0 : i32
          %jit3A_2286 = arith.constant 1 : i32
          %broadcast_in_dim3A_2287 = vector.broadcast %jit3A_2285 : i32 to vector<16xi32>
          %broadcast_in_dim3A_2288 = vector.broadcast %jit3A_2286 : i32 to vector<16xi32>
          %select_n3A_2289 = arith.select %eq3A_2284, %broadcast_in_dim3A_2287, %broadcast_in_dim3A_2288 : vector<16xi1>, vector<16xi32>
          %add3A_2290 = arith.addi %convert_element_type3A_2282, %select_n3A_2289 : vector<16xi32>
          %convert_element_type3A_2291 = arith.sitofp %add3A_2290 : vector<16xi32> to vector<16xf32>
          %sub3A_2292 = arith.subf %min3A_2257, %convert_element_type3A_2273 : vector<16xf32>
          %mul3A_2293 = arith.mulf %sub3A_2271, %sub3A_2292 : vector<16xf32>
          %sub3A_2294 = arith.subf %convert_element_type3A_2281, %min3A_2257 : vector<16xf32>
          %mul3A_2295 = arith.mulf %sub3A_2271, %sub3A_2294 : vector<16xf32>
          %sub3A_2296 = arith.subf %min3A_2265, %convert_element_type3A_2283 : vector<16xf32>
          %sub3A_2297 = arith.subf %convert_element_type3A_2291, %min3A_2265 : vector<16xf32>
          %mul3A_2298 = arith.constant 1024 : i32
          %mul3A_2299 = vector.broadcast %mul3A_2298 : i32 to vector<16xi32>
          %mul3A_2300 = arith.muli %convert_element_type3A_2272, %mul3A_2299 : vector<16xi32>
          %mul3A_2301 = arith.constant 1024 : i32
          %mul3A_2302 = vector.broadcast %mul3A_2301 : i32 to vector<16xi32>
          %mul3A_2303 = arith.muli %add3A_2280, %mul3A_2302 : vector<16xi32>
          %mul3A_2304 = arith.constant 64 : i32
          %mul3A_2305 = arith.muli %and3A_1645, %mul3A_2304 : i32
          %add3A_2306 = arith.addi %mul3A_2305, %add3A_1713 : i32
          %add3A_2307 = arith.addi %mul3A_2300, %convert_element_type3A_2282 : vector<16xi32>
          %swap3A_2308 = arith.index_cast %add3A_2306 : i32 to index
          %swap3A_2309 = arith.constant 64 : index
          %swap3A_2310 = tpu.vector_load %arg12[%swap3A_2308, %swap3A_2309] {strides = array<i32>} : memref<128x128xi32, #tpu.memory_space<vmem>>, vector<1x16xi32>,
          %swap3A_2311 = vector.shape_cast %swap3A_2310 : vector<1x16xi32> to vector<16xi32>
          %swap3A_2312 = vector.shape_cast %add3A_2307 : vector<16xi32> to vector<1x16xi32>
          tpu.vector_store %arg12[%swap3A_2308, %swap3A_2309], %swap3A_2312 {strides = array<i32>} : memref<128x128xi32, #tpu.memory_space<vmem>>, vector<1x16xi32>,
          %add3A_2313 = arith.addi %mul3A_2303, %convert_element_type3A_2282 : vector<16xi32>
          %add3A_2314 = arith.constant 16 : i32
          %add3A_2315 = arith.addi %add3A_2314, %add3A_2306 : i32
          %swap3A_2316 = arith.index_cast %add3A_2315 : i32 to index
          %swap3A_2317 = arith.constant 64 : index
          %swap3A_2318 = tpu.vector_load %arg12[%swap3A_2316, %swap3A_2317] {strides = array<i32>} : memref<128x128xi32, #tpu.memory_space<vmem>>, vector<1x16xi32>,
          %swap3A_2319 = vector.shape_cast %swap3A_2318 : vector<1x16xi32> to vector<16xi32>
          %swap3A_2320 = vector.shape_cast %add3A_2313 : vector<16xi32> to vector<1x16xi32>
          tpu.vector_store %arg12[%swap3A_2316, %swap3A_2317], %swap3A_2320 {strides = array<i32>} : memref<128x128xi32, #tpu.memory_space<vmem>>, vector<1x16xi32>,
          %add3A_2321 = arith.addi %mul3A_2300, %add3A_2290 : vector<16xi32>
          %add3A_2322 = arith.constant 32 : i32
          %add3A_2323 = arith.addi %add3A_2322, %add3A_2306 : i32
          %swap3A_2324 = arith.index_cast %add3A_2323 : i32 to index
          %swap3A_2325 = arith.constant 64 : index
          %swap3A_2326 = tpu.vector_load %arg12[%swap3A_2324, %swap3A_2325] {strides = array<i32>} : memref<128x128xi32, #tpu.memory_space<vmem>>, vector<1x16xi32>,
          %swap3A_2327 = vector.shape_cast %swap3A_2326 : vector<1x16xi32> to vector<16xi32>
          %swap3A_2328 = vector.shape_cast %add3A_2321 : vector<16xi32> to vector<1x16xi32>
          tpu.vector_store %arg12[%swap3A_2324, %swap3A_2325], %swap3A_2328 {strides = array<i32>} : memref<128x128xi32, #tpu.memory_space<vmem>>, vector<1x16xi32>,
          %add3A_2329 = arith.addi %mul3A_2303, %add3A_2290 : vector<16xi32>
          %add3A_2330 = arith.constant 48 : i32
          %add3A_2331 = arith.addi %add3A_2330, %add3A_2306 : i32
          %swap3A_2332 = arith.index_cast %add3A_2331 : i32 to index
          %swap3A_2333 = arith.constant 64 : index
          %swap3A_2334 = tpu.vector_load %arg12[%swap3A_2332, %swap3A_2333] {strides = array<i32>} : memref<128x128xi32, #tpu.memory_space<vmem>>, vector<1x16xi32>,
          %swap3A_2335 = vector.shape_cast %swap3A_2334 : vector<1x16xi32> to vector<16xi32>
          %swap3A_2336 = vector.shape_cast %add3A_2329 : vector<16xi32> to vector<1x16xi32>
          tpu.vector_store %arg12[%swap3A_2332, %swap3A_2333], %swap3A_2336 {strides = array<i32>} : memref<128x128xi32, #tpu.memory_space<vmem>>, vector<1x16xi32>,
          %mul3A_2337 = arith.mulf %mul3A_2293, %sub3A_2296 : vector<16xf32>
          %swap3A_2338 = arith.index_cast %add3A_2306 : i32 to index
          %swap3A_2339 = arith.constant 64 : index
          %swap3A_2340 = tpu.vector_load %arg13[%swap3A_2338, %swap3A_2339] {strides = array<i32>} : memref<128x128xf32, #tpu.memory_space<vmem>>, vector<1x16xf32>,
          %swap3A_2341 = vector.shape_cast %swap3A_2340 : vector<1x16xf32> to vector<16xf32>
          %swap3A_2342 = vector.shape_cast %mul3A_2337 : vector<16xf32> to vector<1x16xf32>
          tpu.vector_store %arg13[%swap3A_2338, %swap3A_2339], %swap3A_2342 {strides = array<i32>} : memref<128x128xf32, #tpu.memory_space<vmem>>, vector<1x16xf32>,
          %mul3A_2343 = arith.mulf %mul3A_2295, %sub3A_2296 : vector<16xf32>
          %add3A_2344 = arith.constant 16 : i32
          %add3A_2345 = arith.addi %add3A_2344, %add3A_2306 : i32
          %swap3A_2346 = arith.index_cast %add3A_2345 : i32 to index
          %swap3A_2347 = arith.constant 64 : index
          %swap3A_2348 = tpu.vector_load %arg13[%swap3A_2346, %swap3A_2347] {strides = array<i32>} : memref<128x128xf32, #tpu.memory_space<vmem>>, vector<1x16xf32>,
          %swap3A_2349 = vector.shape_cast %swap3A_2348 : vector<1x16xf32> to vector<16xf32>
          %swap3A_2350 = vector.shape_cast %mul3A_2343 : vector<16xf32> to vector<1x16xf32>
          tpu.vector_store %arg13[%swap3A_2346, %swap3A_2347], %swap3A_2350 {strides = array<i32>} : memref<128x128xf32, #tpu.memory_space<vmem>>, vector<1x16xf32>,
          %mul3A_2351 = arith.mulf %mul3A_2293, %sub3A_2297 : vector<16xf32>
          %add3A_2352 = arith.constant 32 : i32
          %add3A_2353 = arith.addi %add3A_2352, %add3A_2306 : i32
          %swap3A_2354 = arith.index_cast %add3A_2353 : i32 to index
          %swap3A_2355 = arith.constant 64 : index
          %swap3A_2356 = tpu.vector_load %arg13[%swap3A_2354, %swap3A_2355] {strides = array<i32>} : memref<128x128xf32, #tpu.memory_space<vmem>>, vector<1x16xf32>,
          %swap3A_2357 = vector.shape_cast %swap3A_2356 : vector<1x16xf32> to vector<16xf32>
          %swap3A_2358 = vector.shape_cast %mul3A_2351 : vector<16xf32> to vector<1x16xf32>
          tpu.vector_store %arg13[%swap3A_2354, %swap3A_2355], %swap3A_2358 {strides = array<i32>} : memref<128x128xf32, #tpu.memory_space<vmem>>, vector<1x16xf32>,
          %mul3A_2359 = arith.mulf %mul3A_2295, %sub3A_2297 : vector<16xf32>
          %add3A_2360 = arith.constant 48 : i32
          %add3A_2361 = arith.addi %add3A_2360, %add3A_2306 : i32
          %swap3A_2362 = arith.index_cast %add3A_2361 : i32 to index
          %swap3A_2363 = arith.constant 64 : index
          %swap3A_2364 = tpu.vector_load %arg13[%swap3A_2362, %swap3A_2363] {strides = array<i32>} : memref<128x128xf32, #tpu.memory_space<vmem>>, vector<1x16xf32>,
          %swap3A_2365 = vector.shape_cast %swap3A_2364 : vector<1x16xf32> to vector<16xf32>
          %swap3A_2366 = vector.shape_cast %mul3A_2359 : vector<16xf32> to vector<1x16xf32>
          tpu.vector_store %arg13[%swap3A_2362, %swap3A_2363], %swap3A_2366 {strides = array<i32>} : memref<128x128xf32, #tpu.memory_space<vmem>>, vector<1x16xf32>,
          %get3A_2367 = arith.index_cast %and3A_1645 : i32 to index
          %get3A_2368 = arith.index_cast %add3A_1713 : i32 to index
          %get3A_2369 = arith.constant 80 : index
          %get3A_2370 = tpu.vector_load %arg8[%get3A_2367, %get3A_2368, %get3A_2369] {strides = array<i32>} : memref<2x16x128xf32, #tpu.memory_space<vmem>>, vector<1x1x16xf32>,
          %get3A_2371 = vector.shape_cast %get3A_2370 : vector<1x1x16xf32> to vector<16xf32>
          %get3A_2372 = arith.index_cast %and3A_1645 : i32 to index
          %get3A_2373 = arith.index_cast %add3A_1713 : i32 to index
          %get3A_2374 = arith.constant 80 : index
          %get3A_2375 = tpu.vector_load %arg9[%get3A_2372, %get3A_2373, %get3A_2374] {strides = array<i32>} : memref<2x16x128xf32, #tpu.memory_space<vmem>>, vector<1x1x16xf32>,
          %get3A_2376 = vector.shape_cast %get3A_2375 : vector<1x1x16xf32> to vector<16xf32>
          %get3A_2377 = arith.index_cast %and3A_1645 : i32 to index
          %get3A_2378 = arith.index_cast %add3A_1713 : i32 to index
          %get3A_2379 = arith.constant 80 : index
          %get3A_2380 = tpu.vector_load %arg10[%get3A_2377, %get3A_2378, %get3A_2379] {strides = array<i32>} : memref<2x16x128xf32, #tpu.memory_space<vmem>>, vector<1x1x16xf32>,
          %get3A_2381 = vector.shape_cast %get3A_2380 : vector<1x1x16xf32> to vector<16xf32>
          %sub3A_2382 = arith.subf %get3A_2371, %get3A_26 : vector<16xf32>
          %mul3A_2383 = arith.mulf %sub3A_2382, %get3A_29 : vector<16xf32>
          %add3A_2384 = arith.constant 1.000000e+00 : f32
          %add3A_2385 = vector.broadcast %add3A_2384 : f32 to vector<16xf32>
          %add3A_2386 = arith.addf %mul3A_2383, %add3A_2385 : vector<16xf32>
          %min3A_2387 = arith.constant 1.023000e+03 : f32
          %min3A_2388 = vector.broadcast %min3A_2387 : f32 to vector<16xf32>
          %min3A_2389 = arith.minimumf %add3A_2386, %min3A_2388 : vector<16xf32>
          %sub3A_2390 = arith.subf %get3A_2376, %get3A_32 : vector<16xf32>
          %mul3A_2391 = arith.mulf %sub3A_2390, %get3A_35 : vector<16xf32>
          %add3A_2392 = arith.constant 1.000000e+00 : f32
          %add3A_2393 = vector.broadcast %add3A_2392 : f32 to vector<16xf32>
          %add3A_2394 = arith.addf %mul3A_2391, %add3A_2393 : vector<16xf32>
          %min3A_2395 = arith.constant 1.023000e+03 : f32
          %min3A_2396 = vector.broadcast %min3A_2395 : f32 to vector<16xf32>
          %min3A_2397 = arith.minimumf %add3A_2394, %min3A_2396 : vector<16xf32>
          %sub3A_2398 = arith.subf %get3A_2381, %get3A_38 : vector<16xf32>
          %mul3A_2399 = arith.mulf %sub3A_2398, %get3A_41 : vector<16xf32>
          %max3A_2400 = arith.maximumf %mul3A_2399, %get3A_44 : vector<16xf32>
          %sub3A_2401 = arith.constant 1.000000e+00 : f32
          %sub3A_2402 = vector.broadcast %sub3A_2401 : f32 to vector<16xf32>
          %sub3A_2403 = arith.subf %sub3A_2402, %max3A_2400 : vector<16xf32>
          %convert_element_type3A_2404 = arith.fptosi %min3A_2389 : vector<16xf32> to vector<16xi32>
          %convert_element_type3A_2405 = arith.sitofp %convert_element_type3A_2404 : vector<16xi32> to vector<16xf32>
          %eq3A_2406 = arith.cmpf oeq, %convert_element_type3A_2405, %min3A_2389 : vector<16xf32>
          %jit3A_2407 = arith.constant 0 : i32
          %jit3A_2408 = arith.constant 1 : i32
          %broadcast_in_dim3A_2409 = vector.broadcast %jit3A_2407 : i32 to vector<16xi32>
          %broadcast_in_dim3A_2410 = vector.broadcast %jit3A_2408 : i32 to vector<16xi32>
          %select_n3A_2411 = arith.select %eq3A_2406, %broadcast_in_dim3A_2409, %broadcast_in_dim3A_2410 : vector<16xi1>, vector<16xi32>
          %add3A_2412 = arith.addi %convert_element_type3A_2404, %select_n3A_2411 : vector<16xi32>
          %convert_element_type3A_2413 = arith.sitofp %add3A_2412 : vector<16xi32> to vector<16xf32>
          %convert_element_type3A_2414 = arith.fptosi %min3A_2397 : vector<16xf32> to vector<16xi32>
          %convert_element_type3A_2415 = arith.sitofp %convert_element_type3A_2414 : vector<16xi32> to vector<16xf32>
          %eq3A_2416 = arith.cmpf oeq, %convert_element_type3A_2415, %min3A_2397 : vector<16xf32>
          %jit3A_2417 = arith.constant 0 : i32
          %jit3A_2418 = arith.constant 1 : i32
          %broadcast_in_dim3A_2419 = vector.broadcast %jit3A_2417 : i32 to vector<16xi32>
          %broadcast_in_dim3A_2420 = vector.broadcast %jit3A_2418 : i32 to vector<16xi32>
          %select_n3A_2421 = arith.select %eq3A_2416, %broadcast_in_dim3A_2419, %broadcast_in_dim3A_2420 : vector<16xi1>, vector<16xi32>
          %add3A_2422 = arith.addi %convert_element_type3A_2414, %select_n3A_2421 : vector<16xi32>
          %convert_element_type3A_2423 = arith.sitofp %add3A_2422 : vector<16xi32> to vector<16xf32>
          %sub3A_2424 = arith.subf %min3A_2389, %convert_element_type3A_2405 : vector<16xf32>
          %mul3A_2425 = arith.mulf %sub3A_2403, %sub3A_2424 : vector<16xf32>
          %sub3A_2426 = arith.subf %convert_element_type3A_2413, %min3A_2389 : vector<16xf32>
          %mul3A_2427 = arith.mulf %sub3A_2403, %sub3A_2426 : vector<16xf32>
          %sub3A_2428 = arith.subf %min3A_2397, %convert_element_type3A_2415 : vector<16xf32>
          %sub3A_2429 = arith.subf %convert_element_type3A_2423, %min3A_2397 : vector<16xf32>
          %mul3A_2430 = arith.constant 1024 : i32
          %mul3A_2431 = vector.broadcast %mul3A_2430 : i32 to vector<16xi32>
          %mul3A_2432 = arith.muli %convert_element_type3A_2404, %mul3A_2431 : vector<16xi32>
          %mul3A_2433 = arith.constant 1024 : i32
          %mul3A_2434 = vector.broadcast %mul3A_2433 : i32 to vector<16xi32>
          %mul3A_2435 = arith.muli %add3A_2412, %mul3A_2434 : vector<16xi32>
          %mul3A_2436 = arith.constant 64 : i32
          %mul3A_2437 = arith.muli %and3A_1645, %mul3A_2436 : i32
          %add3A_2438 = arith.addi %mul3A_2437, %add3A_1713 : i32
          %add3A_2439 = arith.addi %mul3A_2432, %convert_element_type3A_2414 : vector<16xi32>
          %swap3A_2440 = arith.index_cast %add3A_2438 : i32 to index
          %swap3A_2441 = arith.constant 80 : index
          %swap3A_2442 = tpu.vector_load %arg12[%swap3A_2440, %swap3A_2441] {strides = array<i32>} : memref<128x128xi32, #tpu.memory_space<vmem>>, vector<1x16xi32>,
          %swap3A_2443 = vector.shape_cast %swap3A_2442 : vector<1x16xi32> to vector<16xi32>
          %swap3A_2444 = vector.shape_cast %add3A_2439 : vector<16xi32> to vector<1x16xi32>
          tpu.vector_store %arg12[%swap3A_2440, %swap3A_2441], %swap3A_2444 {strides = array<i32>} : memref<128x128xi32, #tpu.memory_space<vmem>>, vector<1x16xi32>,
          %add3A_2445 = arith.addi %mul3A_2435, %convert_element_type3A_2414 : vector<16xi32>
          %add3A_2446 = arith.constant 16 : i32
          %add3A_2447 = arith.addi %add3A_2446, %add3A_2438 : i32
          %swap3A_2448 = arith.index_cast %add3A_2447 : i32 to index
          %swap3A_2449 = arith.constant 80 : index
          %swap3A_2450 = tpu.vector_load %arg12[%swap3A_2448, %swap3A_2449] {strides = array<i32>} : memref<128x128xi32, #tpu.memory_space<vmem>>, vector<1x16xi32>,
          %swap3A_2451 = vector.shape_cast %swap3A_2450 : vector<1x16xi32> to vector<16xi32>
          %swap3A_2452 = vector.shape_cast %add3A_2445 : vector<16xi32> to vector<1x16xi32>
          tpu.vector_store %arg12[%swap3A_2448, %swap3A_2449], %swap3A_2452 {strides = array<i32>} : memref<128x128xi32, #tpu.memory_space<vmem>>, vector<1x16xi32>,
          %add3A_2453 = arith.addi %mul3A_2432, %add3A_2422 : vector<16xi32>
          %add3A_2454 = arith.constant 32 : i32
          %add3A_2455 = arith.addi %add3A_2454, %add3A_2438 : i32
          %swap3A_2456 = arith.index_cast %add3A_2455 : i32 to index
          %swap3A_2457 = arith.constant 80 : index
          %swap3A_2458 = tpu.vector_load %arg12[%swap3A_2456, %swap3A_2457] {strides = array<i32>} : memref<128x128xi32, #tpu.memory_space<vmem>>, vector<1x16xi32>,
          %swap3A_2459 = vector.shape_cast %swap3A_2458 : vector<1x16xi32> to vector<16xi32>
          %swap3A_2460 = vector.shape_cast %add3A_2453 : vector<16xi32> to vector<1x16xi32>
          tpu.vector_store %arg12[%swap3A_2456, %swap3A_2457], %swap3A_2460 {strides = array<i32>} : memref<128x128xi32, #tpu.memory_space<vmem>>, vector<1x16xi32>,
          %add3A_2461 = arith.addi %mul3A_2435, %add3A_2422 : vector<16xi32>
          %add3A_2462 = arith.constant 48 : i32
          %add3A_2463 = arith.addi %add3A_2462, %add3A_2438 : i32
          %swap3A_2464 = arith.index_cast %add3A_2463 : i32 to index
          %swap3A_2465 = arith.constant 80 : index
          %swap3A_2466 = tpu.vector_load %arg12[%swap3A_2464, %swap3A_2465] {strides = array<i32>} : memref<128x128xi32, #tpu.memory_space<vmem>>, vector<1x16xi32>,
          %swap3A_2467 = vector.shape_cast %swap3A_2466 : vector<1x16xi32> to vector<16xi32>
          %swap3A_2468 = vector.shape_cast %add3A_2461 : vector<16xi32> to vector<1x16xi32>
          tpu.vector_store %arg12[%swap3A_2464, %swap3A_2465], %swap3A_2468 {strides = array<i32>} : memref<128x128xi32, #tpu.memory_space<vmem>>, vector<1x16xi32>,
          %mul3A_2469 = arith.mulf %mul3A_2425, %sub3A_2428 : vector<16xf32>
          %swap3A_2470 = arith.index_cast %add3A_2438 : i32 to index
          %swap3A_2471 = arith.constant 80 : index
          %swap3A_2472 = tpu.vector_load %arg13[%swap3A_2470, %swap3A_2471] {strides = array<i32>} : memref<128x128xf32, #tpu.memory_space<vmem>>, vector<1x16xf32>,
          %swap3A_2473 = vector.shape_cast %swap3A_2472 : vector<1x16xf32> to vector<16xf32>
          %swap3A_2474 = vector.shape_cast %mul3A_2469 : vector<16xf32> to vector<1x16xf32>
          tpu.vector_store %arg13[%swap3A_2470, %swap3A_2471], %swap3A_2474 {strides = array<i32>} : memref<128x128xf32, #tpu.memory_space<vmem>>, vector<1x16xf32>,
          %mul3A_2475 = arith.mulf %mul3A_2427, %sub3A_2428 : vector<16xf32>
          %add3A_2476 = arith.constant 16 : i32
          %add3A_2477 = arith.addi %add3A_2476, %add3A_2438 : i32
          %swap3A_2478 = arith.index_cast %add3A_2477 : i32 to index
          %swap3A_2479 = arith.constant 80 : index
          %swap3A_2480 = tpu.vector_load %arg13[%swap3A_2478, %swap3A_2479] {strides = array<i32>} : memref<128x128xf32, #tpu.memory_space<vmem>>, vector<1x16xf32>,
          %swap3A_2481 = vector.shape_cast %swap3A_2480 : vector<1x16xf32> to vector<16xf32>
          %swap3A_2482 = vector.shape_cast %mul3A_2475 : vector<16xf32> to vector<1x16xf32>
          tpu.vector_store %arg13[%swap3A_2478, %swap3A_2479], %swap3A_2482 {strides = array<i32>} : memref<128x128xf32, #tpu.memory_space<vmem>>, vector<1x16xf32>,
          %mul3A_2483 = arith.mulf %mul3A_2425, %sub3A_2429 : vector<16xf32>
          %add3A_2484 = arith.constant 32 : i32
          %add3A_2485 = arith.addi %add3A_2484, %add3A_2438 : i32
          %swap3A_2486 = arith.index_cast %add3A_2485 : i32 to index
          %swap3A_2487 = arith.constant 80 : index
          %swap3A_2488 = tpu.vector_load %arg13[%swap3A_2486, %swap3A_2487] {strides = array<i32>} : memref<128x128xf32, #tpu.memory_space<vmem>>, vector<1x16xf32>,
          %swap3A_2489 = vector.shape_cast %swap3A_2488 : vector<1x16xf32> to vector<16xf32>
          %swap3A_2490 = vector.shape_cast %mul3A_2483 : vector<16xf32> to vector<1x16xf32>
          tpu.vector_store %arg13[%swap3A_2486, %swap3A_2487], %swap3A_2490 {strides = array<i32>} : memref<128x128xf32, #tpu.memory_space<vmem>>, vector<1x16xf32>,
          %mul3A_2491 = arith.mulf %mul3A_2427, %sub3A_2429 : vector<16xf32>
          %add3A_2492 = arith.constant 48 : i32
          %add3A_2493 = arith.addi %add3A_2492, %add3A_2438 : i32
          %swap3A_2494 = arith.index_cast %add3A_2493 : i32 to index
          %swap3A_2495 = arith.constant 80 : index
          %swap3A_2496 = tpu.vector_load %arg13[%swap3A_2494, %swap3A_2495] {strides = array<i32>} : memref<128x128xf32, #tpu.memory_space<vmem>>, vector<1x16xf32>,
          %swap3A_2497 = vector.shape_cast %swap3A_2496 : vector<1x16xf32> to vector<16xf32>
          %swap3A_2498 = vector.shape_cast %mul3A_2491 : vector<16xf32> to vector<1x16xf32>
          tpu.vector_store %arg13[%swap3A_2494, %swap3A_2495], %swap3A_2498 {strides = array<i32>} : memref<128x128xf32, #tpu.memory_space<vmem>>, vector<1x16xf32>,
          %get3A_2499 = arith.index_cast %and3A_1645 : i32 to index
          %get3A_2500 = arith.index_cast %add3A_1713 : i32 to index
          %get3A_2501 = arith.constant 96 : index
          %get3A_2502 = tpu.vector_load %arg8[%get3A_2499, %get3A_2500, %get3A_2501] {strides = array<i32>} : memref<2x16x128xf32, #tpu.memory_space<vmem>>, vector<1x1x16xf32>,
          %get3A_2503 = vector.shape_cast %get3A_2502 : vector<1x1x16xf32> to vector<16xf32>
          %get3A_2504 = arith.index_cast %and3A_1645 : i32 to index
          %get3A_2505 = arith.index_cast %add3A_1713 : i32 to index
          %get3A_2506 = arith.constant 96 : index
          %get3A_2507 = tpu.vector_load %arg9[%get3A_2504, %get3A_2505, %get3A_2506] {strides = array<i32>} : memref<2x16x128xf32, #tpu.memory_space<vmem>>, vector<1x1x16xf32>,
          %get3A_2508 = vector.shape_cast %get3A_2507 : vector<1x1x16xf32> to vector<16xf32>
          %get3A_2509 = arith.index_cast %and3A_1645 : i32 to index
          %get3A_2510 = arith.index_cast %add3A_1713 : i32 to index
          %get3A_2511 = arith.constant 96 : index
          %get3A_2512 = tpu.vector_load %arg10[%get3A_2509, %get3A_2510, %get3A_2511] {strides = array<i32>} : memref<2x16x128xf32, #tpu.memory_space<vmem>>, vector<1x1x16xf32>,
          %get3A_2513 = vector.shape_cast %get3A_2512 : vector<1x1x16xf32> to vector<16xf32>
          %sub3A_2514 = arith.subf %get3A_2503, %get3A_26 : vector<16xf32>
          %mul3A_2515 = arith.mulf %sub3A_2514, %get3A_29 : vector<16xf32>
          %add3A_2516 = arith.constant 1.000000e+00 : f32
          %add3A_2517 = vector.broadcast %add3A_2516 : f32 to vector<16xf32>
          %add3A_2518 = arith.addf %mul3A_2515, %add3A_2517 : vector<16xf32>
          %min3A_2519 = arith.constant 1.023000e+03 : f32
          %min3A_2520 = vector.broadcast %min3A_2519 : f32 to vector<16xf32>
          %min3A_2521 = arith.minimumf %add3A_2518, %min3A_2520 : vector<16xf32>
          %sub3A_2522 = arith.subf %get3A_2508, %get3A_32 : vector<16xf32>
          %mul3A_2523 = arith.mulf %sub3A_2522, %get3A_35 : vector<16xf32>
          %add3A_2524 = arith.constant 1.000000e+00 : f32
          %add3A_2525 = vector.broadcast %add3A_2524 : f32 to vector<16xf32>
          %add3A_2526 = arith.addf %mul3A_2523, %add3A_2525 : vector<16xf32>
          %min3A_2527 = arith.constant 1.023000e+03 : f32
          %min3A_2528 = vector.broadcast %min3A_2527 : f32 to vector<16xf32>
          %min3A_2529 = arith.minimumf %add3A_2526, %min3A_2528 : vector<16xf32>
          %sub3A_2530 = arith.subf %get3A_2513, %get3A_38 : vector<16xf32>
          %mul3A_2531 = arith.mulf %sub3A_2530, %get3A_41 : vector<16xf32>
          %max3A_2532 = arith.maximumf %mul3A_2531, %get3A_44 : vector<16xf32>
          %sub3A_2533 = arith.constant 1.000000e+00 : f32
          %sub3A_2534 = vector.broadcast %sub3A_2533 : f32 to vector<16xf32>
          %sub3A_2535 = arith.subf %sub3A_2534, %max3A_2532 : vector<16xf32>
          %convert_element_type3A_2536 = arith.fptosi %min3A_2521 : vector<16xf32> to vector<16xi32>
          %convert_element_type3A_2537 = arith.sitofp %convert_element_type3A_2536 : vector<16xi32> to vector<16xf32>
          %eq3A_2538 = arith.cmpf oeq, %convert_element_type3A_2537, %min3A_2521 : vector<16xf32>
          %jit3A_2539 = arith.constant 0 : i32
          %jit3A_2540 = arith.constant 1 : i32
          %broadcast_in_dim3A_2541 = vector.broadcast %jit3A_2539 : i32 to vector<16xi32>
          %broadcast_in_dim3A_2542 = vector.broadcast %jit3A_2540 : i32 to vector<16xi32>
          %select_n3A_2543 = arith.select %eq3A_2538, %broadcast_in_dim3A_2541, %broadcast_in_dim3A_2542 : vector<16xi1>, vector<16xi32>
          %add3A_2544 = arith.addi %convert_element_type3A_2536, %select_n3A_2543 : vector<16xi32>
          %convert_element_type3A_2545 = arith.sitofp %add3A_2544 : vector<16xi32> to vector<16xf32>
          %convert_element_type3A_2546 = arith.fptosi %min3A_2529 : vector<16xf32> to vector<16xi32>
          %convert_element_type3A_2547 = arith.sitofp %convert_element_type3A_2546 : vector<16xi32> to vector<16xf32>
          %eq3A_2548 = arith.cmpf oeq, %convert_element_type3A_2547, %min3A_2529 : vector<16xf32>
          %jit3A_2549 = arith.constant 0 : i32
          %jit3A_2550 = arith.constant 1 : i32
          %broadcast_in_dim3A_2551 = vector.broadcast %jit3A_2549 : i32 to vector<16xi32>
          %broadcast_in_dim3A_2552 = vector.broadcast %jit3A_2550 : i32 to vector<16xi32>
          %select_n3A_2553 = arith.select %eq3A_2548, %broadcast_in_dim3A_2551, %broadcast_in_dim3A_2552 : vector<16xi1>, vector<16xi32>
          %add3A_2554 = arith.addi %convert_element_type3A_2546, %select_n3A_2553 : vector<16xi32>
          %convert_element_type3A_2555 = arith.sitofp %add3A_2554 : vector<16xi32> to vector<16xf32>
          %sub3A_2556 = arith.subf %min3A_2521, %convert_element_type3A_2537 : vector<16xf32>
          %mul3A_2557 = arith.mulf %sub3A_2535, %sub3A_2556 : vector<16xf32>
          %sub3A_2558 = arith.subf %convert_element_type3A_2545, %min3A_2521 : vector<16xf32>
          %mul3A_2559 = arith.mulf %sub3A_2535, %sub3A_2558 : vector<16xf32>
          %sub3A_2560 = arith.subf %min3A_2529, %convert_element_type3A_2547 : vector<16xf32>
          %sub3A_2561 = arith.subf %convert_element_type3A_2555, %min3A_2529 : vector<16xf32>
          %mul3A_2562 = arith.constant 1024 : i32
          %mul3A_2563 = vector.broadcast %mul3A_2562 : i32 to vector<16xi32>
          %mul3A_2564 = arith.muli %convert_element_type3A_2536, %mul3A_2563 : vector<16xi32>
          %mul3A_2565 = arith.constant 1024 : i32
          %mul3A_2566 = vector.broadcast %mul3A_2565 : i32 to vector<16xi32>
          %mul3A_2567 = arith.muli %add3A_2544, %mul3A_2566 : vector<16xi32>
          %mul3A_2568 = arith.constant 64 : i32
          %mul3A_2569 = arith.muli %and3A_1645, %mul3A_2568 : i32
          %add3A_2570 = arith.addi %mul3A_2569, %add3A_1713 : i32
          %add3A_2571 = arith.addi %mul3A_2564, %convert_element_type3A_2546 : vector<16xi32>
          %swap3A_2572 = arith.index_cast %add3A_2570 : i32 to index
          %swap3A_2573 = arith.constant 96 : index
          %swap3A_2574 = tpu.vector_load %arg12[%swap3A_2572, %swap3A_2573] {strides = array<i32>} : memref<128x128xi32, #tpu.memory_space<vmem>>, vector<1x16xi32>,
          %swap3A_2575 = vector.shape_cast %swap3A_2574 : vector<1x16xi32> to vector<16xi32>
          %swap3A_2576 = vector.shape_cast %add3A_2571 : vector<16xi32> to vector<1x16xi32>
          tpu.vector_store %arg12[%swap3A_2572, %swap3A_2573], %swap3A_2576 {strides = array<i32>} : memref<128x128xi32, #tpu.memory_space<vmem>>, vector<1x16xi32>,
          %add3A_2577 = arith.addi %mul3A_2567, %convert_element_type3A_2546 : vector<16xi32>
          %add3A_2578 = arith.constant 16 : i32
          %add3A_2579 = arith.addi %add3A_2578, %add3A_2570 : i32
          %swap3A_2580 = arith.index_cast %add3A_2579 : i32 to index
          %swap3A_2581 = arith.constant 96 : index
          %swap3A_2582 = tpu.vector_load %arg12[%swap3A_2580, %swap3A_2581] {strides = array<i32>} : memref<128x128xi32, #tpu.memory_space<vmem>>, vector<1x16xi32>,
          %swap3A_2583 = vector.shape_cast %swap3A_2582 : vector<1x16xi32> to vector<16xi32>
          %swap3A_2584 = vector.shape_cast %add3A_2577 : vector<16xi32> to vector<1x16xi32>
          tpu.vector_store %arg12[%swap3A_2580, %swap3A_2581], %swap3A_2584 {strides = array<i32>} : memref<128x128xi32, #tpu.memory_space<vmem>>, vector<1x16xi32>,
          %add3A_2585 = arith.addi %mul3A_2564, %add3A_2554 : vector<16xi32>
          %add3A_2586 = arith.constant 32 : i32
          %add3A_2587 = arith.addi %add3A_2586, %add3A_2570 : i32
          %swap3A_2588 = arith.index_cast %add3A_2587 : i32 to index
          %swap3A_2589 = arith.constant 96 : index
          %swap3A_2590 = tpu.vector_load %arg12[%swap3A_2588, %swap3A_2589] {strides = array<i32>} : memref<128x128xi32, #tpu.memory_space<vmem>>, vector<1x16xi32>,
          %swap3A_2591 = vector.shape_cast %swap3A_2590 : vector<1x16xi32> to vector<16xi32>
          %swap3A_2592 = vector.shape_cast %add3A_2585 : vector<16xi32> to vector<1x16xi32>
          tpu.vector_store %arg12[%swap3A_2588, %swap3A_2589], %swap3A_2592 {strides = array<i32>} : memref<128x128xi32, #tpu.memory_space<vmem>>, vector<1x16xi32>,
          %add3A_2593 = arith.addi %mul3A_2567, %add3A_2554 : vector<16xi32>
          %add3A_2594 = arith.constant 48 : i32
          %add3A_2595 = arith.addi %add3A_2594, %add3A_2570 : i32
          %swap3A_2596 = arith.index_cast %add3A_2595 : i32 to index
          %swap3A_2597 = arith.constant 96 : index
          %swap3A_2598 = tpu.vector_load %arg12[%swap3A_2596, %swap3A_2597] {strides = array<i32>} : memref<128x128xi32, #tpu.memory_space<vmem>>, vector<1x16xi32>,
          %swap3A_2599 = vector.shape_cast %swap3A_2598 : vector<1x16xi32> to vector<16xi32>
          %swap3A_2600 = vector.shape_cast %add3A_2593 : vector<16xi32> to vector<1x16xi32>
          tpu.vector_store %arg12[%swap3A_2596, %swap3A_2597], %swap3A_2600 {strides = array<i32>} : memref<128x128xi32, #tpu.memory_space<vmem>>, vector<1x16xi32>,
          %mul3A_2601 = arith.mulf %mul3A_2557, %sub3A_2560 : vector<16xf32>
          %swap3A_2602 = arith.index_cast %add3A_2570 : i32 to index
          %swap3A_2603 = arith.constant 96 : index
          %swap3A_2604 = tpu.vector_load %arg13[%swap3A_2602, %swap3A_2603] {strides = array<i32>} : memref<128x128xf32, #tpu.memory_space<vmem>>, vector<1x16xf32>,
          %swap3A_2605 = vector.shape_cast %swap3A_2604 : vector<1x16xf32> to vector<16xf32>
          %swap3A_2606 = vector.shape_cast %mul3A_2601 : vector<16xf32> to vector<1x16xf32>
          tpu.vector_store %arg13[%swap3A_2602, %swap3A_2603], %swap3A_2606 {strides = array<i32>} : memref<128x128xf32, #tpu.memory_space<vmem>>, vector<1x16xf32>,
          %mul3A_2607 = arith.mulf %mul3A_2559, %sub3A_2560 : vector<16xf32>
          %add3A_2608 = arith.constant 16 : i32
          %add3A_2609 = arith.addi %add3A_2608, %add3A_2570 : i32
          %swap3A_2610 = arith.index_cast %add3A_2609 : i32 to index
          %swap3A_2611 = arith.constant 96 : index
          %swap3A_2612 = tpu.vector_load %arg13[%swap3A_2610, %swap3A_2611] {strides = array<i32>} : memref<128x128xf32, #tpu.memory_space<vmem>>, vector<1x16xf32>,
          %swap3A_2613 = vector.shape_cast %swap3A_2612 : vector<1x16xf32> to vector<16xf32>
          %swap3A_2614 = vector.shape_cast %mul3A_2607 : vector<16xf32> to vector<1x16xf32>
          tpu.vector_store %arg13[%swap3A_2610, %swap3A_2611], %swap3A_2614 {strides = array<i32>} : memref<128x128xf32, #tpu.memory_space<vmem>>, vector<1x16xf32>,
          %mul3A_2615 = arith.mulf %mul3A_2557, %sub3A_2561 : vector<16xf32>
          %add3A_2616 = arith.constant 32 : i32
          %add3A_2617 = arith.addi %add3A_2616, %add3A_2570 : i32
          %swap3A_2618 = arith.index_cast %add3A_2617 : i32 to index
          %swap3A_2619 = arith.constant 96 : index
          %swap3A_2620 = tpu.vector_load %arg13[%swap3A_2618, %swap3A_2619] {strides = array<i32>} : memref<128x128xf32, #tpu.memory_space<vmem>>, vector<1x16xf32>,
          %swap3A_2621 = vector.shape_cast %swap3A_2620 : vector<1x16xf32> to vector<16xf32>
          %swap3A_2622 = vector.shape_cast %mul3A_2615 : vector<16xf32> to vector<1x16xf32>
          tpu.vector_store %arg13[%swap3A_2618, %swap3A_2619], %swap3A_2622 {strides = array<i32>} : memref<128x128xf32, #tpu.memory_space<vmem>>, vector<1x16xf32>,
          %mul3A_2623 = arith.mulf %mul3A_2559, %sub3A_2561 : vector<16xf32>
          %add3A_2624 = arith.constant 48 : i32
          %add3A_2625 = arith.addi %add3A_2624, %add3A_2570 : i32
          %swap3A_2626 = arith.index_cast %add3A_2625 : i32 to index
          %swap3A_2627 = arith.constant 96 : index
          %swap3A_2628 = tpu.vector_load %arg13[%swap3A_2626, %swap3A_2627] {strides = array<i32>} : memref<128x128xf32, #tpu.memory_space<vmem>>, vector<1x16xf32>,
          %swap3A_2629 = vector.shape_cast %swap3A_2628 : vector<1x16xf32> to vector<16xf32>
          %swap3A_2630 = vector.shape_cast %mul3A_2623 : vector<16xf32> to vector<1x16xf32>
          tpu.vector_store %arg13[%swap3A_2626, %swap3A_2627], %swap3A_2630 {strides = array<i32>} : memref<128x128xf32, #tpu.memory_space<vmem>>, vector<1x16xf32>,
          %get3A_2631 = arith.index_cast %and3A_1645 : i32 to index
          %get3A_2632 = arith.index_cast %add3A_1713 : i32 to index
          %get3A_2633 = arith.constant 112 : index
          %get3A_2634 = tpu.vector_load %arg8[%get3A_2631, %get3A_2632, %get3A_2633] {strides = array<i32>} : memref<2x16x128xf32, #tpu.memory_space<vmem>>, vector<1x1x16xf32>,
          %get3A_2635 = vector.shape_cast %get3A_2634 : vector<1x1x16xf32> to vector<16xf32>
          %get3A_2636 = arith.index_cast %and3A_1645 : i32 to index
          %get3A_2637 = arith.index_cast %add3A_1713 : i32 to index
          %get3A_2638 = arith.constant 112 : index
          %get3A_2639 = tpu.vector_load %arg9[%get3A_2636, %get3A_2637, %get3A_2638] {strides = array<i32>} : memref<2x16x128xf32, #tpu.memory_space<vmem>>, vector<1x1x16xf32>,
          %get3A_2640 = vector.shape_cast %get3A_2639 : vector<1x1x16xf32> to vector<16xf32>
          %get3A_2641 = arith.index_cast %and3A_1645 : i32 to index
          %get3A_2642 = arith.index_cast %add3A_1713 : i32 to index
          %get3A_2643 = arith.constant 112 : index
          %get3A_2644 = tpu.vector_load %arg10[%get3A_2641, %get3A_2642, %get3A_2643] {strides = array<i32>} : memref<2x16x128xf32, #tpu.memory_space<vmem>>, vector<1x1x16xf32>,
          %get3A_2645 = vector.shape_cast %get3A_2644 : vector<1x1x16xf32> to vector<16xf32>
          %sub3A_2646 = arith.subf %get3A_2635, %get3A_26 : vector<16xf32>
          %mul3A_2647 = arith.mulf %sub3A_2646, %get3A_29 : vector<16xf32>
          %add3A_2648 = arith.constant 1.000000e+00 : f32
          %add3A_2649 = vector.broadcast %add3A_2648 : f32 to vector<16xf32>
          %add3A_2650 = arith.addf %mul3A_2647, %add3A_2649 : vector<16xf32>
          %min3A_2651 = arith.constant 1.023000e+03 : f32
          %min3A_2652 = vector.broadcast %min3A_2651 : f32 to vector<16xf32>
          %min3A_2653 = arith.minimumf %add3A_2650, %min3A_2652 : vector<16xf32>
          %sub3A_2654 = arith.subf %get3A_2640, %get3A_32 : vector<16xf32>
          %mul3A_2655 = arith.mulf %sub3A_2654, %get3A_35 : vector<16xf32>
          %add3A_2656 = arith.constant 1.000000e+00 : f32
          %add3A_2657 = vector.broadcast %add3A_2656 : f32 to vector<16xf32>
          %add3A_2658 = arith.addf %mul3A_2655, %add3A_2657 : vector<16xf32>
          %min3A_2659 = arith.constant 1.023000e+03 : f32
          %min3A_2660 = vector.broadcast %min3A_2659 : f32 to vector<16xf32>
          %min3A_2661 = arith.minimumf %add3A_2658, %min3A_2660 : vector<16xf32>
          %sub3A_2662 = arith.subf %get3A_2645, %get3A_38 : vector<16xf32>
          %mul3A_2663 = arith.mulf %sub3A_2662, %get3A_41 : vector<16xf32>
          %max3A_2664 = arith.maximumf %mul3A_2663, %get3A_44 : vector<16xf32>
          %sub3A_2665 = arith.constant 1.000000e+00 : f32
          %sub3A_2666 = vector.broadcast %sub3A_2665 : f32 to vector<16xf32>
          %sub3A_2667 = arith.subf %sub3A_2666, %max3A_2664 : vector<16xf32>
          %convert_element_type3A_2668 = arith.fptosi %min3A_2653 : vector<16xf32> to vector<16xi32>
          %convert_element_type3A_2669 = arith.sitofp %convert_element_type3A_2668 : vector<16xi32> to vector<16xf32>
          %eq3A_2670 = arith.cmpf oeq, %convert_element_type3A_2669, %min3A_2653 : vector<16xf32>
          %jit3A_2671 = arith.constant 0 : i32
          %jit3A_2672 = arith.constant 1 : i32
          %broadcast_in_dim3A_2673 = vector.broadcast %jit3A_2671 : i32 to vector<16xi32>
          %broadcast_in_dim3A_2674 = vector.broadcast %jit3A_2672 : i32 to vector<16xi32>
          %select_n3A_2675 = arith.select %eq3A_2670, %broadcast_in_dim3A_2673, %broadcast_in_dim3A_2674 : vector<16xi1>, vector<16xi32>
          %add3A_2676 = arith.addi %convert_element_type3A_2668, %select_n3A_2675 : vector<16xi32>
          %convert_element_type3A_2677 = arith.sitofp %add3A_2676 : vector<16xi32> to vector<16xf32>
          %convert_element_type3A_2678 = arith.fptosi %min3A_2661 : vector<16xf32> to vector<16xi32>
          %convert_element_type3A_2679 = arith.sitofp %convert_element_type3A_2678 : vector<16xi32> to vector<16xf32>
          %eq3A_2680 = arith.cmpf oeq, %convert_element_type3A_2679, %min3A_2661 : vector<16xf32>
          %jit3A_2681 = arith.constant 0 : i32
          %jit3A_2682 = arith.constant 1 : i32
          %broadcast_in_dim3A_2683 = vector.broadcast %jit3A_2681 : i32 to vector<16xi32>
          %broadcast_in_dim3A_2684 = vector.broadcast %jit3A_2682 : i32 to vector<16xi32>
          %select_n3A_2685 = arith.select %eq3A_2680, %broadcast_in_dim3A_2683, %broadcast_in_dim3A_2684 : vector<16xi1>, vector<16xi32>
          %add3A_2686 = arith.addi %convert_element_type3A_2678, %select_n3A_2685 : vector<16xi32>
          %convert_element_type3A_2687 = arith.sitofp %add3A_2686 : vector<16xi32> to vector<16xf32>
          %sub3A_2688 = arith.subf %min3A_2653, %convert_element_type3A_2669 : vector<16xf32>
          %mul3A_2689 = arith.mulf %sub3A_2667, %sub3A_2688 : vector<16xf32>
          %sub3A_2690 = arith.subf %convert_element_type3A_2677, %min3A_2653 : vector<16xf32>
          %mul3A_2691 = arith.mulf %sub3A_2667, %sub3A_2690 : vector<16xf32>
          %sub3A_2692 = arith.subf %min3A_2661, %convert_element_type3A_2679 : vector<16xf32>
          %sub3A_2693 = arith.subf %convert_element_type3A_2687, %min3A_2661 : vector<16xf32>
          %mul3A_2694 = arith.constant 1024 : i32
          %mul3A_2695 = vector.broadcast %mul3A_2694 : i32 to vector<16xi32>
          %mul3A_2696 = arith.muli %convert_element_type3A_2668, %mul3A_2695 : vector<16xi32>
          %mul3A_2697 = arith.constant 1024 : i32
          %mul3A_2698 = vector.broadcast %mul3A_2697 : i32 to vector<16xi32>
          %mul3A_2699 = arith.muli %add3A_2676, %mul3A_2698 : vector<16xi32>
          %mul3A_2700 = arith.constant 64 : i32
          %mul3A_2701 = arith.muli %and3A_1645, %mul3A_2700 : i32
          %add3A_2702 = arith.addi %mul3A_2701, %add3A_1713 : i32
          %add3A_2703 = arith.addi %mul3A_2696, %convert_element_type3A_2678 : vector<16xi32>
          %swap3A_2704 = arith.index_cast %add3A_2702 : i32 to index
          %swap3A_2705 = arith.constant 112 : index
          %swap3A_2706 = tpu.vector_load %arg12[%swap3A_2704, %swap3A_2705] {strides = array<i32>} : memref<128x128xi32, #tpu.memory_space<vmem>>, vector<1x16xi32>,
          %swap3A_2707 = vector.shape_cast %swap3A_2706 : vector<1x16xi32> to vector<16xi32>
          %swap3A_2708 = vector.shape_cast %add3A_2703 : vector<16xi32> to vector<1x16xi32>
          tpu.vector_store %arg12[%swap3A_2704, %swap3A_2705], %swap3A_2708 {strides = array<i32>} : memref<128x128xi32, #tpu.memory_space<vmem>>, vector<1x16xi32>,
          %add3A_2709 = arith.addi %mul3A_2699, %convert_element_type3A_2678 : vector<16xi32>
          %add3A_2710 = arith.constant 16 : i32
          %add3A_2711 = arith.addi %add3A_2710, %add3A_2702 : i32
          %swap3A_2712 = arith.index_cast %add3A_2711 : i32 to index
          %swap3A_2713 = arith.constant 112 : index
          %swap3A_2714 = tpu.vector_load %arg12[%swap3A_2712, %swap3A_2713] {strides = array<i32>} : memref<128x128xi32, #tpu.memory_space<vmem>>, vector<1x16xi32>,
          %swap3A_2715 = vector.shape_cast %swap3A_2714 : vector<1x16xi32> to vector<16xi32>
          %swap3A_2716 = vector.shape_cast %add3A_2709 : vector<16xi32> to vector<1x16xi32>
          tpu.vector_store %arg12[%swap3A_2712, %swap3A_2713], %swap3A_2716 {strides = array<i32>} : memref<128x128xi32, #tpu.memory_space<vmem>>, vector<1x16xi32>,
          %add3A_2717 = arith.addi %mul3A_2696, %add3A_2686 : vector<16xi32>
          %add3A_2718 = arith.constant 32 : i32
          %add3A_2719 = arith.addi %add3A_2718, %add3A_2702 : i32
          %swap3A_2720 = arith.index_cast %add3A_2719 : i32 to index
          %swap3A_2721 = arith.constant 112 : index
          %swap3A_2722 = tpu.vector_load %arg12[%swap3A_2720, %swap3A_2721] {strides = array<i32>} : memref<128x128xi32, #tpu.memory_space<vmem>>, vector<1x16xi32>,
          %swap3A_2723 = vector.shape_cast %swap3A_2722 : vector<1x16xi32> to vector<16xi32>
          %swap3A_2724 = vector.shape_cast %add3A_2717 : vector<16xi32> to vector<1x16xi32>
          tpu.vector_store %arg12[%swap3A_2720, %swap3A_2721], %swap3A_2724 {strides = array<i32>} : memref<128x128xi32, #tpu.memory_space<vmem>>, vector<1x16xi32>,
          %add3A_2725 = arith.addi %mul3A_2699, %add3A_2686 : vector<16xi32>
          %add3A_2726 = arith.constant 48 : i32
          %add3A_2727 = arith.addi %add3A_2726, %add3A_2702 : i32
          %swap3A_2728 = arith.index_cast %add3A_2727 : i32 to index
          %swap3A_2729 = arith.constant 112 : index
          %swap3A_2730 = tpu.vector_load %arg12[%swap3A_2728, %swap3A_2729] {strides = array<i32>} : memref<128x128xi32, #tpu.memory_space<vmem>>, vector<1x16xi32>,
          %swap3A_2731 = vector.shape_cast %swap3A_2730 : vector<1x16xi32> to vector<16xi32>
          %swap3A_2732 = vector.shape_cast %add3A_2725 : vector<16xi32> to vector<1x16xi32>
          tpu.vector_store %arg12[%swap3A_2728, %swap3A_2729], %swap3A_2732 {strides = array<i32>} : memref<128x128xi32, #tpu.memory_space<vmem>>, vector<1x16xi32>,
          %mul3A_2733 = arith.mulf %mul3A_2689, %sub3A_2692 : vector<16xf32>
          %swap3A_2734 = arith.index_cast %add3A_2702 : i32 to index
          %swap3A_2735 = arith.constant 112 : index
          %swap3A_2736 = tpu.vector_load %arg13[%swap3A_2734, %swap3A_2735] {strides = array<i32>} : memref<128x128xf32, #tpu.memory_space<vmem>>, vector<1x16xf32>,
          %swap3A_2737 = vector.shape_cast %swap3A_2736 : vector<1x16xf32> to vector<16xf32>
          %swap3A_2738 = vector.shape_cast %mul3A_2733 : vector<16xf32> to vector<1x16xf32>
          tpu.vector_store %arg13[%swap3A_2734, %swap3A_2735], %swap3A_2738 {strides = array<i32>} : memref<128x128xf32, #tpu.memory_space<vmem>>, vector<1x16xf32>,
          %mul3A_2739 = arith.mulf %mul3A_2691, %sub3A_2692 : vector<16xf32>
          %add3A_2740 = arith.constant 16 : i32
          %add3A_2741 = arith.addi %add3A_2740, %add3A_2702 : i32
          %swap3A_2742 = arith.index_cast %add3A_2741 : i32 to index
          %swap3A_2743 = arith.constant 112 : index
          %swap3A_2744 = tpu.vector_load %arg13[%swap3A_2742, %swap3A_2743] {strides = array<i32>} : memref<128x128xf32, #tpu.memory_space<vmem>>, vector<1x16xf32>,
          %swap3A_2745 = vector.shape_cast %swap3A_2744 : vector<1x16xf32> to vector<16xf32>
          %swap3A_2746 = vector.shape_cast %mul3A_2739 : vector<16xf32> to vector<1x16xf32>
          tpu.vector_store %arg13[%swap3A_2742, %swap3A_2743], %swap3A_2746 {strides = array<i32>} : memref<128x128xf32, #tpu.memory_space<vmem>>, vector<1x16xf32>,
          %mul3A_2747 = arith.mulf %mul3A_2689, %sub3A_2693 : vector<16xf32>
          %add3A_2748 = arith.constant 32 : i32
          %add3A_2749 = arith.addi %add3A_2748, %add3A_2702 : i32
          %swap3A_2750 = arith.index_cast %add3A_2749 : i32 to index
          %swap3A_2751 = arith.constant 112 : index
          %swap3A_2752 = tpu.vector_load %arg13[%swap3A_2750, %swap3A_2751] {strides = array<i32>} : memref<128x128xf32, #tpu.memory_space<vmem>>, vector<1x16xf32>,
          %swap3A_2753 = vector.shape_cast %swap3A_2752 : vector<1x16xf32> to vector<16xf32>
          %swap3A_2754 = vector.shape_cast %mul3A_2747 : vector<16xf32> to vector<1x16xf32>
          tpu.vector_store %arg13[%swap3A_2750, %swap3A_2751], %swap3A_2754 {strides = array<i32>} : memref<128x128xf32, #tpu.memory_space<vmem>>, vector<1x16xf32>,
          %mul3A_2755 = arith.mulf %mul3A_2691, %sub3A_2693 : vector<16xf32>
          %add3A_2756 = arith.constant 48 : i32
          %add3A_2757 = arith.addi %add3A_2756, %add3A_2702 : i32
          %swap3A_2758 = arith.index_cast %add3A_2757 : i32 to index
          %swap3A_2759 = arith.constant 112 : index
          %swap3A_2760 = tpu.vector_load %arg13[%swap3A_2758, %swap3A_2759] {strides = array<i32>} : memref<128x128xf32, #tpu.memory_space<vmem>>, vector<1x16xf32>,
          %swap3A_2761 = vector.shape_cast %swap3A_2760 : vector<1x16xf32> to vector<16xf32>
          %swap3A_2762 = vector.shape_cast %mul3A_2755 : vector<16xf32> to vector<1x16xf32>
          tpu.vector_store %arg13[%swap3A_2758, %swap3A_2759], %swap3A_2762 {strides = array<i32>} : memref<128x128xf32, #tpu.memory_space<vmem>>, vector<1x16xf32>,
        }
        %scan3A_1703 = arith.constant 16 : i32
        %scan3A_1704 = arith.constant 0 : i32
        %scan3A_1705 = arith.constant 64 : i32
        %scan3A_1706 = arith.addi %scan3A_1704, %scan3A_1705 : i32
        %scan3A_1707 = arith.constant 4 : i32
        scf.for %scan3A_1709 = %scan3A_1704 to %scan3A_1706 step %scan3A_1707  : i32 {
          %mul3A_1710 = arith.constant 1 : i32
          %mul3A_1711 = arith.muli %scan3A_1709, %mul3A_1710 : i32
          %add3A_1712 = arith.constant 0 : i32
          %add3A_1713 = arith.addi %add3A_1712, %mul3A_1711 : i32
          %mul3A_1714 = arith.constant 64 : i32
          %mul3A_1715 = arith.muli %and3A_1645, %mul3A_1714 : i32
          %add3A_1716 = arith.addi %mul3A_1715, %add3A_1713 : i32
          %mul3A_1717 = arith.constant 64 : i32
          %mul3A_1718 = arith.muli %and3A_1645, %mul3A_1717 : i32
          %add3A_1719 = arith.addi %mul3A_1718, %add3A_1713 : i32
          %dma_start3A_1720 = arith.constant 0 : i32
          %dma_start3A_1721 = tpu.memref_slice %arg13[%add3A_1716, %dma_start3A_1720] : memref<128x128xf32, #tpu.memory_space<vmem>> -> memref<1x128xf32, #tpu.memory_space<vmem>>
          %dma_start3A_1722 = tpu.memref_squeeze %dma_start3A_1721 : memref<1x128xf32, #tpu.memory_space<vmem>> -> memref<128xf32, #tpu.memory_space<vmem>>
          %dma_start3A_1723 = arith.constant 0 : i32
          %dma_start3A_1724 = tpu.memref_slice %arg12[%add3A_1719, %dma_start3A_1723] : memref<128x128xi32, #tpu.memory_space<vmem>> -> memref<1x128xi32, #tpu.memory_space<vmem>>
          %dma_start3A_1725 = tpu.memref_squeeze %dma_start3A_1724 : memref<1x128xi32, #tpu.memory_space<vmem>> -> memref<128xi32, #tpu.memory_space<vmem>>
          %dma_start3A_1726 = arith.constant 0 : i32
          %dma_start3A_1727 = tpu.memref_slice %arg7[%dma_start3A_1726] : memref<1048576xf32, #tpu.memory_space<vmem_shared>> -> memref<1048576xf32, #tpu.memory_space<vmem_shared>>
          tpu.enqueue_indirect_dma source(%dma_start3A_1722 : memref<128xf32, #tpu.memory_space<vmem>>) target(%dma_start3A_1727 : memref<1048576xf32, #tpu.memory_space<vmem_shared>>) offsets(%dma_start3A_1725 : memref<128xi32, #tpu.memory_space<vmem>>) semaphore(%arg16 : memref<!tpu.dma_semaphore, #tpu.memory_space<semaphore_mem>>) {add = true}
          %scan3A_1728 = arith.constant 1 : i32
          %scan3A_1729 = arith.addi %scan3A_1709, %scan3A_1728 : i32
          %mul3A_1730 = arith.constant 1 : i32
          %mul3A_1731 = arith.muli %scan3A_1729, %mul3A_1730 : i32
          %add3A_1732 = arith.constant 0 : i32
          %add3A_1733 = arith.addi %add3A_1732, %mul3A_1731 : i32
          %mul3A_1734 = arith.constant 64 : i32
          %mul3A_1735 = arith.muli %and3A_1645, %mul3A_1734 : i32
          %add3A_1736 = arith.addi %mul3A_1735, %add3A_1733 : i32
          %mul3A_1737 = arith.constant 64 : i32
          %mul3A_1738 = arith.muli %and3A_1645, %mul3A_1737 : i32
          %add3A_1739 = arith.addi %mul3A_1738, %add3A_1733 : i32
          %dma_start3A_1740 = arith.constant 0 : i32
          %dma_start3A_1741 = tpu.memref_slice %arg13[%add3A_1736, %dma_start3A_1740] : memref<128x128xf32, #tpu.memory_space<vmem>> -> memref<1x128xf32, #tpu.memory_space<vmem>>
          %dma_start3A_1742 = tpu.memref_squeeze %dma_start3A_1741 : memref<1x128xf32, #tpu.memory_space<vmem>> -> memref<128xf32, #tpu.memory_space<vmem>>
          %dma_start3A_1743 = arith.constant 0 : i32
          %dma_start3A_1744 = tpu.memref_slice %arg12[%add3A_1739, %dma_start3A_1743] : memref<128x128xi32, #tpu.memory_space<vmem>> -> memref<1x128xi32, #tpu.memory_space<vmem>>
          %dma_start3A_1745 = tpu.memref_squeeze %dma_start3A_1744 : memref<1x128xi32, #tpu.memory_space<vmem>> -> memref<128xi32, #tpu.memory_space<vmem>>
          %dma_start3A_1746 = arith.constant 0 : i32
          %dma_start3A_1747 = tpu.memref_slice %arg7[%dma_start3A_1746] : memref<1048576xf32, #tpu.memory_space<vmem_shared>> -> memref<1048576xf32, #tpu.memory_space<vmem_shared>>
          tpu.enqueue_indirect_dma source(%dma_start3A_1742 : memref<128xf32, #tpu.memory_space<vmem>>) target(%dma_start3A_1747 : memref<1048576xf32, #tpu.memory_space<vmem_shared>>) offsets(%dma_start3A_1745 : memref<128xi32, #tpu.memory_space<vmem>>) semaphore(%arg16 : memref<!tpu.dma_semaphore, #tpu.memory_space<semaphore_mem>>) {add = true}
          %scan3A_1748 = arith.constant 2 : i32
          %scan3A_1749 = arith.addi %scan3A_1709, %scan3A_1748 : i32
          %mul3A_1750 = arith.constant 1 : i32
          %mul3A_1751 = arith.muli %scan3A_1749, %mul3A_1750 : i32
          %add3A_1752 = arith.constant 0 : i32
          %add3A_1753 = arith.addi %add3A_1752, %mul3A_1751 : i32
          %mul3A_1754 = arith.constant 64 : i32
          %mul3A_1755 = arith.muli %and3A_1645, %mul3A_1754 : i32
          %add3A_1756 = arith.addi %mul3A_1755, %add3A_1753 : i32
          %mul3A_1757 = arith.constant 64 : i32
          %mul3A_1758 = arith.muli %and3A_1645, %mul3A_1757 : i32
          %add3A_1759 = arith.addi %mul3A_1758, %add3A_1753 : i32
          %dma_start3A_1760 = arith.constant 0 : i32
          %dma_start3A_1761 = tpu.memref_slice %arg13[%add3A_1756, %dma_start3A_1760] : memref<128x128xf32, #tpu.memory_space<vmem>> -> memref<1x128xf32, #tpu.memory_space<vmem>>
          %dma_start3A_1762 = tpu.memref_squeeze %dma_start3A_1761 : memref<1x128xf32, #tpu.memory_space<vmem>> -> memref<128xf32, #tpu.memory_space<vmem>>
          %dma_start3A_1763 = arith.constant 0 : i32
          %dma_start3A_1764 = tpu.memref_slice %arg12[%add3A_1759, %dma_start3A_1763] : memref<128x128xi32, #tpu.memory_space<vmem>> -> memref<1x128xi32, #tpu.memory_space<vmem>>
          %dma_start3A_1765 = tpu.memref_squeeze %dma_start3A_1764 : memref<1x128xi32, #tpu.memory_space<vmem>> -> memref<128xi32, #tpu.memory_space<vmem>>
          %dma_start3A_1766 = arith.constant 0 : i32
          %dma_start3A_1767 = tpu.memref_slice %arg7[%dma_start3A_1766] : memref<1048576xf32, #tpu.memory_space<vmem_shared>> -> memref<1048576xf32, #tpu.memory_space<vmem_shared>>
          tpu.enqueue_indirect_dma source(%dma_start3A_1762 : memref<128xf32, #tpu.memory_space<vmem>>) target(%dma_start3A_1767 : memref<1048576xf32, #tpu.memory_space<vmem_shared>>) offsets(%dma_start3A_1765 : memref<128xi32, #tpu.memory_space<vmem>>) semaphore(%arg16 : memref<!tpu.dma_semaphore, #tpu.memory_space<semaphore_mem>>) {add = true}
          %scan3A_1768 = arith.constant 3 : i32
          %scan3A_1769 = arith.addi %scan3A_1709, %scan3A_1768 : i32
          %mul3A_1770 = arith.constant 1 : i32
          %mul3A_1771 = arith.muli %scan3A_1769, %mul3A_1770 : i32
          %add3A_1772 = arith.constant 0 : i32
          %add3A_1773 = arith.addi %add3A_1772, %mul3A_1771 : i32
          %mul3A_1774 = arith.constant 64 : i32
          %mul3A_1775 = arith.muli %and3A_1645, %mul3A_1774 : i32
          %add3A_1776 = arith.addi %mul3A_1775, %add3A_1773 : i32
          %mul3A_1777 = arith.constant 64 : i32
          %mul3A_1778 = arith.muli %and3A_1645, %mul3A_1777 : i32
          %add3A_1779 = arith.addi %mul3A_1778, %add3A_1773 : i32
          %dma_start3A_1780 = arith.constant 0 : i32
          %dma_start3A_1781 = tpu.memref_slice %arg13[%add3A_1776, %dma_start3A_1780] : memref<128x128xf32, #tpu.memory_space<vmem>> -> memref<1x128xf32, #tpu.memory_space<vmem>>
          %dma_start3A_1782 = tpu.memref_squeeze %dma_start3A_1781 : memref<1x128xf32, #tpu.memory_space<vmem>> -> memref<128xf32, #tpu.memory_space<vmem>>
          %dma_start3A_1783 = arith.constant 0 : i32
          %dma_start3A_1784 = tpu.memref_slice %arg12[%add3A_1779, %dma_start3A_1783] : memref<128x128xi32, #tpu.memory_space<vmem>> -> memref<1x128xi32, #tpu.memory_space<vmem>>
          %dma_start3A_1785 = tpu.memref_squeeze %dma_start3A_1784 : memref<1x128xi32, #tpu.memory_space<vmem>> -> memref<128xi32, #tpu.memory_space<vmem>>
          %dma_start3A_1786 = arith.constant 0 : i32
          %dma_start3A_1787 = tpu.memref_slice %arg7[%dma_start3A_1786] : memref<1048576xf32, #tpu.memory_space<vmem_shared>> -> memref<1048576xf32, #tpu.memory_space<vmem_shared>>
          tpu.enqueue_indirect_dma source(%dma_start3A_1782 : memref<128xf32, #tpu.memory_space<vmem>>) target(%dma_start3A_1787 : memref<1048576xf32, #tpu.memory_space<vmem_shared>>) offsets(%dma_start3A_1785 : memref<128xi32, #tpu.memory_space<vmem>>) semaphore(%arg16 : memref<!tpu.dma_semaphore, #tpu.memory_space<semaphore_mem>>) {add = true}
        }
        %scan3A_1708 = arith.constant 64 : i32
      }
      %scan3A_93 = arith.constant 8 : i32
      %scan3A_94 = arith.constant 0 : i32
      %scan3A_95 = arith.constant 64 : i32
      %scan3A_96 = arith.addi %scan3A_94, %scan3A_95 : i32
      %scan3A_97 = arith.constant 4 : i32
      scf.for %scan3A_1640 = %scan3A_94 to %scan3A_96 step %scan3A_97  : i32 {
        %mul3A_1641 = arith.constant 1 : i32
        %mul3A_1642 = arith.muli %scan3A_1640, %mul3A_1641 : i32
        %add3A_1643 = arith.constant 0 : i32
        %add3A_1644 = arith.addi %add3A_1643, %mul3A_1642 : i32
        %add3A_1645 = arith.constant 0 : i32
        %add3A_1646 = arith.addi %add3A_1645, %add3A_1644 : i32
        %add3A_1647 = arith.constant 0 : i32
        %add3A_1648 = arith.addi %add3A_1647, %add3A_1644 : i32
        %dma_wait3A_1649 = arith.constant 0 : i32
        %dma_wait3A_1650 = tpu.memref_slice %arg13[%add3A_1646, %dma_wait3A_1649] : memref<128x128xf32, #tpu.memory_space<vmem>> -> memref<1x128xf32, #tpu.memory_space<vmem>>
        %dma_wait3A_1651 = tpu.memref_squeeze %dma_wait3A_1650 : memref<1x128xf32, #tpu.memory_space<vmem>> -> memref<128xf32, #tpu.memory_space<vmem>>
        %dma_wait3A_1652 = arith.constant 0 : i32
        %dma_wait3A_1653 = tpu.memref_slice %arg12[%add3A_1648, %dma_wait3A_1652] : memref<128x128xi32, #tpu.memory_space<vmem>> -> memref<1x128xi32, #tpu.memory_space<vmem>>
        %dma_wait3A_1654 = tpu.memref_squeeze %dma_wait3A_1653 : memref<1x128xi32, #tpu.memory_space<vmem>> -> memref<128xi32, #tpu.memory_space<vmem>>
        %dma_wait3A_1655 = arith.constant 0 : i32
        %dma_wait3A_1656 = tpu.memref_slice %arg7[%dma_wait3A_1655] : memref<1048576xf32, #tpu.memory_space<vmem_shared>> -> memref<1048576xf32, #tpu.memory_space<vmem_shared>>
        tpu.wait_indirect_dma semaphore(%arg16 : memref<!tpu.dma_semaphore, #tpu.memory_space<semaphore_mem>>) src(%dma_wait3A_1651 : memref<128xf32, #tpu.memory_space<vmem>>) dst(%dma_wait3A_1656 : memref<1048576xf32, #tpu.memory_space<vmem_shared>>)
        %scan3A_1657 = arith.constant 1 : i32
        %scan3A_1658 = arith.addi %scan3A_1640, %scan3A_1657 : i32
        %mul3A_1659 = arith.constant 1 : i32
        %mul3A_1660 = arith.muli %scan3A_1658, %mul3A_1659 : i32
        %add3A_1661 = arith.constant 0 : i32
        %add3A_1662 = arith.addi %add3A_1661, %mul3A_1660 : i32
        %add3A_1663 = arith.constant 0 : i32
        %add3A_1664 = arith.addi %add3A_1663, %add3A_1662 : i32
        %add3A_1665 = arith.constant 0 : i32
        %add3A_1666 = arith.addi %add3A_1665, %add3A_1662 : i32
        %dma_wait3A_1667 = arith.constant 0 : i32
        %dma_wait3A_1668 = tpu.memref_slice %arg13[%add3A_1664, %dma_wait3A_1667] : memref<128x128xf32, #tpu.memory_space<vmem>> -> memref<1x128xf32, #tpu.memory_space<vmem>>
        %dma_wait3A_1669 = tpu.memref_squeeze %dma_wait3A_1668 : memref<1x128xf32, #tpu.memory_space<vmem>> -> memref<128xf32, #tpu.memory_space<vmem>>
        %dma_wait3A_1670 = arith.constant 0 : i32
        %dma_wait3A_1671 = tpu.memref_slice %arg12[%add3A_1666, %dma_wait3A_1670] : memref<128x128xi32, #tpu.memory_space<vmem>> -> memref<1x128xi32, #tpu.memory_space<vmem>>
        %dma_wait3A_1672 = tpu.memref_squeeze %dma_wait3A_1671 : memref<1x128xi32, #tpu.memory_space<vmem>> -> memref<128xi32, #tpu.memory_space<vmem>>
        %dma_wait3A_1673 = arith.constant 0 : i32
        %dma_wait3A_1674 = tpu.memref_slice %arg7[%dma_wait3A_1673] : memref<1048576xf32, #tpu.memory_space<vmem_shared>> -> memref<1048576xf32, #tpu.memory_space<vmem_shared>>
        tpu.wait_indirect_dma semaphore(%arg16 : memref<!tpu.dma_semaphore, #tpu.memory_space<semaphore_mem>>) src(%dma_wait3A_1669 : memref<128xf32, #tpu.memory_space<vmem>>) dst(%dma_wait3A_1674 : memref<1048576xf32, #tpu.memory_space<vmem_shared>>)
        %scan3A_1675 = arith.constant 2 : i32
        %scan3A_1676 = arith.addi %scan3A_1640, %scan3A_1675 : i32
        %mul3A_1677 = arith.constant 1 : i32
        %mul3A_1678 = arith.muli %scan3A_1676, %mul3A_1677 : i32
        %add3A_1679 = arith.constant 0 : i32
        %add3A_1680 = arith.addi %add3A_1679, %mul3A_1678 : i32
        %add3A_1681 = arith.constant 0 : i32
        %add3A_1682 = arith.addi %add3A_1681, %add3A_1680 : i32
        %add3A_1683 = arith.constant 0 : i32
        %add3A_1684 = arith.addi %add3A_1683, %add3A_1680 : i32
        %dma_wait3A_1685 = arith.constant 0 : i32
        %dma_wait3A_1686 = tpu.memref_slice %arg13[%add3A_1682, %dma_wait3A_1685] : memref<128x128xf32, #tpu.memory_space<vmem>> -> memref<1x128xf32, #tpu.memory_space<vmem>>
        %dma_wait3A_1687 = tpu.memref_squeeze %dma_wait3A_1686 : memref<1x128xf32, #tpu.memory_space<vmem>> -> memref<128xf32, #tpu.memory_space<vmem>>
        %dma_wait3A_1688 = arith.constant 0 : i32
        %dma_wait3A_1689 = tpu.memref_slice %arg12[%add3A_1684, %dma_wait3A_1688] : memref<128x128xi32, #tpu.memory_space<vmem>> -> memref<1x128xi32, #tpu.memory_space<vmem>>
        %dma_wait3A_1690 = tpu.memref_squeeze %dma_wait3A_1689 : memref<1x128xi32, #tpu.memory_space<vmem>> -> memref<128xi32, #tpu.memory_space<vmem>>
        %dma_wait3A_1691 = arith.constant 0 : i32
        %dma_wait3A_1692 = tpu.memref_slice %arg7[%dma_wait3A_1691] : memref<1048576xf32, #tpu.memory_space<vmem_shared>> -> memref<1048576xf32, #tpu.memory_space<vmem_shared>>
        tpu.wait_indirect_dma semaphore(%arg16 : memref<!tpu.dma_semaphore, #tpu.memory_space<semaphore_mem>>) src(%dma_wait3A_1687 : memref<128xf32, #tpu.memory_space<vmem>>) dst(%dma_wait3A_1692 : memref<1048576xf32, #tpu.memory_space<vmem_shared>>)
        %scan3A_1693 = arith.constant 3 : i32
        %scan3A_1694 = arith.addi %scan3A_1640, %scan3A_1693 : i32
        %mul3A_1695 = arith.constant 1 : i32
        %mul3A_1696 = arith.muli %scan3A_1694, %mul3A_1695 : i32
        %add3A_1697 = arith.constant 0 : i32
        %add3A_1698 = arith.addi %add3A_1697, %mul3A_1696 : i32
        %add3A_1699 = arith.constant 0 : i32
        %add3A_1700 = arith.addi %add3A_1699, %add3A_1698 : i32
        %add3A_1701 = arith.constant 0 : i32
        %add3A_1702 = arith.addi %add3A_1701, %add3A_1698 : i32
        %dma_wait3A_1703 = arith.constant 0 : i32
        %dma_wait3A_1704 = tpu.memref_slice %arg13[%add3A_1700, %dma_wait3A_1703] : memref<128x128xf32, #tpu.memory_space<vmem>> -> memref<1x128xf32, #tpu.memory_space<vmem>>
        %dma_wait3A_1705 = tpu.memref_squeeze %dma_wait3A_1704 : memref<1x128xf32, #tpu.memory_space<vmem>> -> memref<128xf32, #tpu.memory_space<vmem>>
        %dma_wait3A_1706 = arith.constant 0 : i32
        %dma_wait3A_1707 = tpu.memref_slice %arg12[%add3A_1702, %dma_wait3A_1706] : memref<128x128xi32, #tpu.memory_space<vmem>> -> memref<1x128xi32, #tpu.memory_space<vmem>>
        %dma_wait3A_1708 = tpu.memref_squeeze %dma_wait3A_1707 : memref<1x128xi32, #tpu.memory_space<vmem>> -> memref<128xi32, #tpu.memory_space<vmem>>
        %dma_wait3A_1709 = arith.constant 0 : i32
        %dma_wait3A_1710 = tpu.memref_slice %arg7[%dma_wait3A_1709] : memref<1048576xf32, #tpu.memory_space<vmem_shared>> -> memref<1048576xf32, #tpu.memory_space<vmem_shared>>
        tpu.wait_indirect_dma semaphore(%arg16 : memref<!tpu.dma_semaphore, #tpu.memory_space<semaphore_mem>>) src(%dma_wait3A_1705 : memref<128xf32, #tpu.memory_space<vmem>>) dst(%dma_wait3A_1710 : memref<1048576xf32, #tpu.memory_space<vmem_shared>>)
      }
      %scan3A_98 = arith.constant 64 : i32
      %scan3A_99 = arith.constant 0 : i32
      %scan3A_100 = arith.constant 64 : i32
      %scan3A_101 = arith.addi %scan3A_99, %scan3A_100 : i32
      %scan3A_102 = arith.constant 4 : i32
      scf.for %scan3A_1640 = %scan3A_99 to %scan3A_101 step %scan3A_102  : i32 {
        %mul3A_1641 = arith.constant 1 : i32
        %mul3A_1642 = arith.muli %scan3A_1640, %mul3A_1641 : i32
        %add3A_1643 = arith.constant 0 : i32
        %add3A_1644 = arith.addi %add3A_1643, %mul3A_1642 : i32
        %add3A_1645 = arith.constant 64 : i32
        %add3A_1646 = arith.addi %add3A_1645, %add3A_1644 : i32
        %add3A_1647 = arith.constant 64 : i32
        %add3A_1648 = arith.addi %add3A_1647, %add3A_1644 : i32
        %dma_wait3A_1649 = arith.constant 0 : i32
        %dma_wait3A_1650 = tpu.memref_slice %arg13[%add3A_1646, %dma_wait3A_1649] : memref<128x128xf32, #tpu.memory_space<vmem>> -> memref<1x128xf32, #tpu.memory_space<vmem>>
        %dma_wait3A_1651 = tpu.memref_squeeze %dma_wait3A_1650 : memref<1x128xf32, #tpu.memory_space<vmem>> -> memref<128xf32, #tpu.memory_space<vmem>>
        %dma_wait3A_1652 = arith.constant 0 : i32
        %dma_wait3A_1653 = tpu.memref_slice %arg12[%add3A_1648, %dma_wait3A_1652] : memref<128x128xi32, #tpu.memory_space<vmem>> -> memref<1x128xi32, #tpu.memory_space<vmem>>
        %dma_wait3A_1654 = tpu.memref_squeeze %dma_wait3A_1653 : memref<1x128xi32, #tpu.memory_space<vmem>> -> memref<128xi32, #tpu.memory_space<vmem>>
        %dma_wait3A_1655 = arith.constant 0 : i32
        %dma_wait3A_1656 = tpu.memref_slice %arg7[%dma_wait3A_1655] : memref<1048576xf32, #tpu.memory_space<vmem_shared>> -> memref<1048576xf32, #tpu.memory_space<vmem_shared>>
        tpu.wait_indirect_dma semaphore(%arg16 : memref<!tpu.dma_semaphore, #tpu.memory_space<semaphore_mem>>) src(%dma_wait3A_1651 : memref<128xf32, #tpu.memory_space<vmem>>) dst(%dma_wait3A_1656 : memref<1048576xf32, #tpu.memory_space<vmem_shared>>)
        %scan3A_1657 = arith.constant 1 : i32
        %scan3A_1658 = arith.addi %scan3A_1640, %scan3A_1657 : i32
        %mul3A_1659 = arith.constant 1 : i32
        %mul3A_1660 = arith.muli %scan3A_1658, %mul3A_1659 : i32
        %add3A_1661 = arith.constant 0 : i32
        %add3A_1662 = arith.addi %add3A_1661, %mul3A_1660 : i32
        %add3A_1663 = arith.constant 64 : i32
        %add3A_1664 = arith.addi %add3A_1663, %add3A_1662 : i32
        %add3A_1665 = arith.constant 64 : i32
        %add3A_1666 = arith.addi %add3A_1665, %add3A_1662 : i32
        %dma_wait3A_1667 = arith.constant 0 : i32
        %dma_wait3A_1668 = tpu.memref_slice %arg13[%add3A_1664, %dma_wait3A_1667] : memref<128x128xf32, #tpu.memory_space<vmem>> -> memref<1x128xf32, #tpu.memory_space<vmem>>
        %dma_wait3A_1669 = tpu.memref_squeeze %dma_wait3A_1668 : memref<1x128xf32, #tpu.memory_space<vmem>> -> memref<128xf32, #tpu.memory_space<vmem>>
        %dma_wait3A_1670 = arith.constant 0 : i32
        %dma_wait3A_1671 = tpu.memref_slice %arg12[%add3A_1666, %dma_wait3A_1670] : memref<128x128xi32, #tpu.memory_space<vmem>> -> memref<1x128xi32, #tpu.memory_space<vmem>>
        %dma_wait3A_1672 = tpu.memref_squeeze %dma_wait3A_1671 : memref<1x128xi32, #tpu.memory_space<vmem>> -> memref<128xi32, #tpu.memory_space<vmem>>
        %dma_wait3A_1673 = arith.constant 0 : i32
        %dma_wait3A_1674 = tpu.memref_slice %arg7[%dma_wait3A_1673] : memref<1048576xf32, #tpu.memory_space<vmem_shared>> -> memref<1048576xf32, #tpu.memory_space<vmem_shared>>
        tpu.wait_indirect_dma semaphore(%arg16 : memref<!tpu.dma_semaphore, #tpu.memory_space<semaphore_mem>>) src(%dma_wait3A_1669 : memref<128xf32, #tpu.memory_space<vmem>>) dst(%dma_wait3A_1674 : memref<1048576xf32, #tpu.memory_space<vmem_shared>>)
        %scan3A_1675 = arith.constant 2 : i32
        %scan3A_1676 = arith.addi %scan3A_1640, %scan3A_1675 : i32
        %mul3A_1677 = arith.constant 1 : i32
        %mul3A_1678 = arith.muli %scan3A_1676, %mul3A_1677 : i32
        %add3A_1679 = arith.constant 0 : i32
        %add3A_1680 = arith.addi %add3A_1679, %mul3A_1678 : i32
        %add3A_1681 = arith.constant 64 : i32
        %add3A_1682 = arith.addi %add3A_1681, %add3A_1680 : i32
        %add3A_1683 = arith.constant 64 : i32
        %add3A_1684 = arith.addi %add3A_1683, %add3A_1680 : i32
        %dma_wait3A_1685 = arith.constant 0 : i32
        %dma_wait3A_1686 = tpu.memref_slice %arg13[%add3A_1682, %dma_wait3A_1685] : memref<128x128xf32, #tpu.memory_space<vmem>> -> memref<1x128xf32, #tpu.memory_space<vmem>>
        %dma_wait3A_1687 = tpu.memref_squeeze %dma_wait3A_1686 : memref<1x128xf32, #tpu.memory_space<vmem>> -> memref<128xf32, #tpu.memory_space<vmem>>
        %dma_wait3A_1688 = arith.constant 0 : i32
        %dma_wait3A_1689 = tpu.memref_slice %arg12[%add3A_1684, %dma_wait3A_1688] : memref<128x128xi32, #tpu.memory_space<vmem>> -> memref<1x128xi32, #tpu.memory_space<vmem>>
        %dma_wait3A_1690 = tpu.memref_squeeze %dma_wait3A_1689 : memref<1x128xi32, #tpu.memory_space<vmem>> -> memref<128xi32, #tpu.memory_space<vmem>>
        %dma_wait3A_1691 = arith.constant 0 : i32
        %dma_wait3A_1692 = tpu.memref_slice %arg7[%dma_wait3A_1691] : memref<1048576xf32, #tpu.memory_space<vmem_shared>> -> memref<1048576xf32, #tpu.memory_space<vmem_shared>>
        tpu.wait_indirect_dma semaphore(%arg16 : memref<!tpu.dma_semaphore, #tpu.memory_space<semaphore_mem>>) src(%dma_wait3A_1687 : memref<128xf32, #tpu.memory_space<vmem>>) dst(%dma_wait3A_1692 : memref<1048576xf32, #tpu.memory_space<vmem_shared>>)
        %scan3A_1693 = arith.constant 3 : i32
        %scan3A_1694 = arith.addi %scan3A_1640, %scan3A_1693 : i32
        %mul3A_1695 = arith.constant 1 : i32
        %mul3A_1696 = arith.muli %scan3A_1694, %mul3A_1695 : i32
        %add3A_1697 = arith.constant 0 : i32
        %add3A_1698 = arith.addi %add3A_1697, %mul3A_1696 : i32
        %add3A_1699 = arith.constant 64 : i32
        %add3A_1700 = arith.addi %add3A_1699, %add3A_1698 : i32
        %add3A_1701 = arith.constant 64 : i32
        %add3A_1702 = arith.addi %add3A_1701, %add3A_1698 : i32
        %dma_wait3A_1703 = arith.constant 0 : i32
        %dma_wait3A_1704 = tpu.memref_slice %arg13[%add3A_1700, %dma_wait3A_1703] : memref<128x128xf32, #tpu.memory_space<vmem>> -> memref<1x128xf32, #tpu.memory_space<vmem>>
        %dma_wait3A_1705 = tpu.memref_squeeze %dma_wait3A_1704 : memref<1x128xf32, #tpu.memory_space<vmem>> -> memref<128xf32, #tpu.memory_space<vmem>>
        %dma_wait3A_1706 = arith.constant 0 : i32
        %dma_wait3A_1707 = tpu.memref_slice %arg12[%add3A_1702, %dma_wait3A_1706] : memref<128x128xi32, #tpu.memory_space<vmem>> -> memref<1x128xi32, #tpu.memory_space<vmem>>
        %dma_wait3A_1708 = tpu.memref_squeeze %dma_wait3A_1707 : memref<1x128xi32, #tpu.memory_space<vmem>> -> memref<128xi32, #tpu.memory_space<vmem>>
        %dma_wait3A_1709 = arith.constant 0 : i32
        %dma_wait3A_1710 = tpu.memref_slice %arg7[%dma_wait3A_1709] : memref<1048576xf32, #tpu.memory_space<vmem_shared>> -> memref<1048576xf32, #tpu.memory_space<vmem_shared>>
        tpu.wait_indirect_dma semaphore(%arg16 : memref<!tpu.dma_semaphore, #tpu.memory_space<semaphore_mem>>) src(%dma_wait3A_1705 : memref<128xf32, #tpu.memory_space<vmem>>) dst(%dma_wait3A_1710 : memref<1048576xf32, #tpu.memory_space<vmem_shared>>)
      }
      %scan3A_103 = arith.constant 64 : i32
      %barrier3A_104 = arith.constant 0 : index
      tpu.barrier barrier_id(%barrier3A_104)
      %mul3A_105 = arith.constant 65536 : i32
      %mul3A_106 = arith.muli %arg1, %mul3A_105 : i32
      %add3A_107 = arith.constant 0 : i32
      %add3A_108 = arith.addi %mul3A_106, %add3A_107 : i32
      %mul3A_109 = arith.constant 64 : i32
      %mul3A_110 = arith.muli %arg1, %mul3A_109 : i32
      %add3A_111 = arith.constant 0 : i32
      %add3A_112 = arith.addi %mul3A_110, %add3A_111 : i32
      %dma_start3A_113 = arith.constant 0 : i32
      %dma_start3A_114 = tpu.memref_slice %arg6[%add3A_15, %add3A_112, %dma_start3A_113] : memref<8x1024x1024xf32, #tpu.memory_space<hbm>> -> memref<1x1x1024xf32, #tpu.memory_space<hbm>>
      %dma_start3A_115 = tpu.memref_squeeze %dma_start3A_114 : memref<1x1x1024xf32, #tpu.memory_space<hbm>> -> memref<1024xf32, #tpu.memory_space<hbm>>
      %dma_start3A_116 = tpu.memref_slice %arg7[%add3A_108] : memref<1048576xf32, #tpu.memory_space<vmem_shared>> -> memref<1024xf32, #tpu.memory_space<vmem_shared>>
      tpu.enqueue_dma source(%dma_start3A_116 : memref<1024xf32, #tpu.memory_space<vmem_shared>>) target(%dma_start3A_115 : memref<1024xf32, #tpu.memory_space<hbm>>) target_semaphore(%arg15 : memref<!tpu.dma_semaphore, #tpu.memory_space<semaphore_mem>>)
      %mul3A_117 = arith.constant 65536 : i32
      %mul3A_118 = arith.muli %arg1, %mul3A_117 : i32
      %add3A_119 = arith.constant 1024 : i32
      %add3A_120 = arith.addi %mul3A_118, %add3A_119 : i32
      %mul3A_121 = arith.constant 64 : i32
      %mul3A_122 = arith.muli %arg1, %mul3A_121 : i32
      %add3A_123 = arith.constant 1 : i32
      %add3A_124 = arith.addi %mul3A_122, %add3A_123 : i32
      %dma_start3A_125 = arith.constant 0 : i32
      %dma_start3A_126 = tpu.memref_slice %arg6[%add3A_15, %add3A_124, %dma_start3A_125] : memref<8x1024x1024xf32, #tpu.memory_space<hbm>> -> memref<1x1x1024xf32, #tpu.memory_space<hbm>>
      %dma_start3A_127 = tpu.memref_squeeze %dma_start3A_126 : memref<1x1x1024xf32, #tpu.memory_space<hbm>> -> memref<1024xf32, #tpu.memory_space<hbm>>
      %dma_start3A_128 = tpu.memref_slice %arg7[%add3A_120] : memref<1048576xf32, #tpu.memory_space<vmem_shared>> -> memref<1024xf32, #tpu.memory_space<vmem_shared>>
      tpu.enqueue_dma source(%dma_start3A_128 : memref<1024xf32, #tpu.memory_space<vmem_shared>>) target(%dma_start3A_127 : memref<1024xf32, #tpu.memory_space<hbm>>) target_semaphore(%arg15 : memref<!tpu.dma_semaphore, #tpu.memory_space<semaphore_mem>>)
      %mul3A_129 = arith.constant 65536 : i32
      %mul3A_130 = arith.muli %arg1, %mul3A_129 : i32
      %add3A_131 = arith.constant 2048 : i32
      %add3A_132 = arith.addi %mul3A_130, %add3A_131 : i32
      %mul3A_133 = arith.constant 64 : i32
      %mul3A_134 = arith.muli %arg1, %mul3A_133 : i32
      %add3A_135 = arith.constant 2 : i32
      %add3A_136 = arith.addi %mul3A_134, %add3A_135 : i32
      %dma_start3A_137 = arith.constant 0 : i32
      %dma_start3A_138 = tpu.memref_slice %arg6[%add3A_15, %add3A_136, %dma_start3A_137] : memref<8x1024x1024xf32, #tpu.memory_space<hbm>> -> memref<1x1x1024xf32, #tpu.memory_space<hbm>>
      %dma_start3A_139 = tpu.memref_squeeze %dma_start3A_138 : memref<1x1x1024xf32, #tpu.memory_space<hbm>> -> memref<1024xf32, #tpu.memory_space<hbm>>
      %dma_start3A_140 = tpu.memref_slice %arg7[%add3A_132] : memref<1048576xf32, #tpu.memory_space<vmem_shared>> -> memref<1024xf32, #tpu.memory_space<vmem_shared>>
      tpu.enqueue_dma source(%dma_start3A_140 : memref<1024xf32, #tpu.memory_space<vmem_shared>>) target(%dma_start3A_139 : memref<1024xf32, #tpu.memory_space<hbm>>) target_semaphore(%arg15 : memref<!tpu.dma_semaphore, #tpu.memory_space<semaphore_mem>>)
      %mul3A_141 = arith.constant 65536 : i32
      %mul3A_142 = arith.muli %arg1, %mul3A_141 : i32
      %add3A_143 = arith.constant 3072 : i32
      %add3A_144 = arith.addi %mul3A_142, %add3A_143 : i32
      %mul3A_145 = arith.constant 64 : i32
      %mul3A_146 = arith.muli %arg1, %mul3A_145 : i32
      %add3A_147 = arith.constant 3 : i32
      %add3A_148 = arith.addi %mul3A_146, %add3A_147 : i32
      %dma_start3A_149 = arith.constant 0 : i32
      %dma_start3A_150 = tpu.memref_slice %arg6[%add3A_15, %add3A_148, %dma_start3A_149] : memref<8x1024x1024xf32, #tpu.memory_space<hbm>> -> memref<1x1x1024xf32, #tpu.memory_space<hbm>>
      %dma_start3A_151 = tpu.memref_squeeze %dma_start3A_150 : memref<1x1x1024xf32, #tpu.memory_space<hbm>> -> memref<1024xf32, #tpu.memory_space<hbm>>
      %dma_start3A_152 = tpu.memref_slice %arg7[%add3A_144] : memref<1048576xf32, #tpu.memory_space<vmem_shared>> -> memref<1024xf32, #tpu.memory_space<vmem_shared>>
      tpu.enqueue_dma source(%dma_start3A_152 : memref<1024xf32, #tpu.memory_space<vmem_shared>>) target(%dma_start3A_151 : memref<1024xf32, #tpu.memory_space<hbm>>) target_semaphore(%arg15 : memref<!tpu.dma_semaphore, #tpu.memory_space<semaphore_mem>>)
      %mul3A_153 = arith.constant 65536 : i32
      %mul3A_154 = arith.muli %arg1, %mul3A_153 : i32
      %add3A_155 = arith.constant 4096 : i32
      %add3A_156 = arith.addi %mul3A_154, %add3A_155 : i32
      %mul3A_157 = arith.constant 64 : i32
      %mul3A_158 = arith.muli %arg1, %mul3A_157 : i32
      %add3A_159 = arith.constant 4 : i32
      %add3A_160 = arith.addi %mul3A_158, %add3A_159 : i32
      %dma_start3A_161 = arith.constant 0 : i32
      %dma_start3A_162 = tpu.memref_slice %arg6[%add3A_15, %add3A_160, %dma_start3A_161] : memref<8x1024x1024xf32, #tpu.memory_space<hbm>> -> memref<1x1x1024xf32, #tpu.memory_space<hbm>>
      %dma_start3A_163 = tpu.memref_squeeze %dma_start3A_162 : memref<1x1x1024xf32, #tpu.memory_space<hbm>> -> memref<1024xf32, #tpu.memory_space<hbm>>
      %dma_start3A_164 = tpu.memref_slice %arg7[%add3A_156] : memref<1048576xf32, #tpu.memory_space<vmem_shared>> -> memref<1024xf32, #tpu.memory_space<vmem_shared>>
      tpu.enqueue_dma source(%dma_start3A_164 : memref<1024xf32, #tpu.memory_space<vmem_shared>>) target(%dma_start3A_163 : memref<1024xf32, #tpu.memory_space<hbm>>) target_semaphore(%arg15 : memref<!tpu.dma_semaphore, #tpu.memory_space<semaphore_mem>>)
      %mul3A_165 = arith.constant 65536 : i32
      %mul3A_166 = arith.muli %arg1, %mul3A_165 : i32
      %add3A_167 = arith.constant 5120 : i32
      %add3A_168 = arith.addi %mul3A_166, %add3A_167 : i32
      %mul3A_169 = arith.constant 64 : i32
      %mul3A_170 = arith.muli %arg1, %mul3A_169 : i32
      %add3A_171 = arith.constant 5 : i32
      %add3A_172 = arith.addi %mul3A_170, %add3A_171 : i32
      %dma_start3A_173 = arith.constant 0 : i32
      %dma_start3A_174 = tpu.memref_slice %arg6[%add3A_15, %add3A_172, %dma_start3A_173] : memref<8x1024x1024xf32, #tpu.memory_space<hbm>> -> memref<1x1x1024xf32, #tpu.memory_space<hbm>>
      %dma_start3A_175 = tpu.memref_squeeze %dma_start3A_174 : memref<1x1x1024xf32, #tpu.memory_space<hbm>> -> memref<1024xf32, #tpu.memory_space<hbm>>
      %dma_start3A_176 = tpu.memref_slice %arg7[%add3A_168] : memref<1048576xf32, #tpu.memory_space<vmem_shared>> -> memref<1024xf32, #tpu.memory_space<vmem_shared>>
      tpu.enqueue_dma source(%dma_start3A_176 : memref<1024xf32, #tpu.memory_space<vmem_shared>>) target(%dma_start3A_175 : memref<1024xf32, #tpu.memory_space<hbm>>) target_semaphore(%arg15 : memref<!tpu.dma_semaphore, #tpu.memory_space<semaphore_mem>>)
      %mul3A_177 = arith.constant 65536 : i32
      %mul3A_178 = arith.muli %arg1, %mul3A_177 : i32
      %add3A_179 = arith.constant 6144 : i32
      %add3A_180 = arith.addi %mul3A_178, %add3A_179 : i32
      %mul3A_181 = arith.constant 64 : i32
      %mul3A_182 = arith.muli %arg1, %mul3A_181 : i32
      %add3A_183 = arith.constant 6 : i32
      %add3A_184 = arith.addi %mul3A_182, %add3A_183 : i32
      %dma_start3A_185 = arith.constant 0 : i32
      %dma_start3A_186 = tpu.memref_slice %arg6[%add3A_15, %add3A_184, %dma_start3A_185] : memref<8x1024x1024xf32, #tpu.memory_space<hbm>> -> memref<1x1x1024xf32, #tpu.memory_space<hbm>>
      %dma_start3A_187 = tpu.memref_squeeze %dma_start3A_186 : memref<1x1x1024xf32, #tpu.memory_space<hbm>> -> memref<1024xf32, #tpu.memory_space<hbm>>
      %dma_start3A_188 = tpu.memref_slice %arg7[%add3A_180] : memref<1048576xf32, #tpu.memory_space<vmem_shared>> -> memref<1024xf32, #tpu.memory_space<vmem_shared>>
      tpu.enqueue_dma source(%dma_start3A_188 : memref<1024xf32, #tpu.memory_space<vmem_shared>>) target(%dma_start3A_187 : memref<1024xf32, #tpu.memory_space<hbm>>) target_semaphore(%arg15 : memref<!tpu.dma_semaphore, #tpu.memory_space<semaphore_mem>>)
      %mul3A_189 = arith.constant 65536 : i32
      %mul3A_190 = arith.muli %arg1, %mul3A_189 : i32
      %add3A_191 = arith.constant 7168 : i32
      %add3A_192 = arith.addi %mul3A_190, %add3A_191 : i32
      %mul3A_193 = arith.constant 64 : i32
      %mul3A_194 = arith.muli %arg1, %mul3A_193 : i32
      %add3A_195 = arith.constant 7 : i32
      %add3A_196 = arith.addi %mul3A_194, %add3A_195 : i32
      %dma_start3A_197 = arith.constant 0 : i32
      %dma_start3A_198 = tpu.memref_slice %arg6[%add3A_15, %add3A_196, %dma_start3A_197] : memref<8x1024x1024xf32, #tpu.memory_space<hbm>> -> memref<1x1x1024xf32, #tpu.memory_space<hbm>>
      %dma_start3A_199 = tpu.memref_squeeze %dma_start3A_198 : memref<1x1x1024xf32, #tpu.memory_space<hbm>> -> memref<1024xf32, #tpu.memory_space<hbm>>
      %dma_start3A_200 = tpu.memref_slice %arg7[%add3A_192] : memref<1048576xf32, #tpu.memory_space<vmem_shared>> -> memref<1024xf32, #tpu.memory_space<vmem_shared>>
      tpu.enqueue_dma source(%dma_start3A_200 : memref<1024xf32, #tpu.memory_space<vmem_shared>>) target(%dma_start3A_199 : memref<1024xf32, #tpu.memory_space<hbm>>) target_semaphore(%arg15 : memref<!tpu.dma_semaphore, #tpu.memory_space<semaphore_mem>>)
      %mul3A_201 = arith.constant 65536 : i32
      %mul3A_202 = arith.muli %arg1, %mul3A_201 : i32
      %add3A_203 = arith.constant 8192 : i32
      %add3A_204 = arith.addi %mul3A_202, %add3A_203 : i32
      %mul3A_205 = arith.constant 64 : i32
      %mul3A_206 = arith.muli %arg1, %mul3A_205 : i32
      %add3A_207 = arith.constant 8 : i32
      %add3A_208 = arith.addi %mul3A_206, %add3A_207 : i32
      %dma_start3A_209 = arith.constant 0 : i32
      %dma_start3A_210 = tpu.memref_slice %arg6[%add3A_15, %add3A_208, %dma_start3A_209] : memref<8x1024x1024xf32, #tpu.memory_space<hbm>> -> memref<1x1x1024xf32, #tpu.memory_space<hbm>>
      %dma_start3A_211 = tpu.memref_squeeze %dma_start3A_210 : memref<1x1x1024xf32, #tpu.memory_space<hbm>> -> memref<1024xf32, #tpu.memory_space<hbm>>
      %dma_start3A_212 = tpu.memref_slice %arg7[%add3A_204] : memref<1048576xf32, #tpu.memory_space<vmem_shared>> -> memref<1024xf32, #tpu.memory_space<vmem_shared>>
      tpu.enqueue_dma source(%dma_start3A_212 : memref<1024xf32, #tpu.memory_space<vmem_shared>>) target(%dma_start3A_211 : memref<1024xf32, #tpu.memory_space<hbm>>) target_semaphore(%arg15 : memref<!tpu.dma_semaphore, #tpu.memory_space<semaphore_mem>>)
      %mul3A_213 = arith.constant 65536 : i32
      %mul3A_214 = arith.muli %arg1, %mul3A_213 : i32
      %add3A_215 = arith.constant 9216 : i32
      %add3A_216 = arith.addi %mul3A_214, %add3A_215 : i32
      %mul3A_217 = arith.constant 64 : i32
      %mul3A_218 = arith.muli %arg1, %mul3A_217 : i32
      %add3A_219 = arith.constant 9 : i32
      %add3A_220 = arith.addi %mul3A_218, %add3A_219 : i32
      %dma_start3A_221 = arith.constant 0 : i32
      %dma_start3A_222 = tpu.memref_slice %arg6[%add3A_15, %add3A_220, %dma_start3A_221] : memref<8x1024x1024xf32, #tpu.memory_space<hbm>> -> memref<1x1x1024xf32, #tpu.memory_space<hbm>>
      %dma_start3A_223 = tpu.memref_squeeze %dma_start3A_222 : memref<1x1x1024xf32, #tpu.memory_space<hbm>> -> memref<1024xf32, #tpu.memory_space<hbm>>
      %dma_start3A_224 = tpu.memref_slice %arg7[%add3A_216] : memref<1048576xf32, #tpu.memory_space<vmem_shared>> -> memref<1024xf32, #tpu.memory_space<vmem_shared>>
      tpu.enqueue_dma source(%dma_start3A_224 : memref<1024xf32, #tpu.memory_space<vmem_shared>>) target(%dma_start3A_223 : memref<1024xf32, #tpu.memory_space<hbm>>) target_semaphore(%arg15 : memref<!tpu.dma_semaphore, #tpu.memory_space<semaphore_mem>>)
      %mul3A_225 = arith.constant 65536 : i32
      %mul3A_226 = arith.muli %arg1, %mul3A_225 : i32
      %add3A_227 = arith.constant 10240 : i32
      %add3A_228 = arith.addi %mul3A_226, %add3A_227 : i32
      %mul3A_229 = arith.constant 64 : i32
      %mul3A_230 = arith.muli %arg1, %mul3A_229 : i32
      %add3A_231 = arith.constant 10 : i32
      %add3A_232 = arith.addi %mul3A_230, %add3A_231 : i32
      %dma_start3A_233 = arith.constant 0 : i32
      %dma_start3A_234 = tpu.memref_slice %arg6[%add3A_15, %add3A_232, %dma_start3A_233] : memref<8x1024x1024xf32, #tpu.memory_space<hbm>> -> memref<1x1x1024xf32, #tpu.memory_space<hbm>>
      %dma_start3A_235 = tpu.memref_squeeze %dma_start3A_234 : memref<1x1x1024xf32, #tpu.memory_space<hbm>> -> memref<1024xf32, #tpu.memory_space<hbm>>
      %dma_start3A_236 = tpu.memref_slice %arg7[%add3A_228] : memref<1048576xf32, #tpu.memory_space<vmem_shared>> -> memref<1024xf32, #tpu.memory_space<vmem_shared>>
      tpu.enqueue_dma source(%dma_start3A_236 : memref<1024xf32, #tpu.memory_space<vmem_shared>>) target(%dma_start3A_235 : memref<1024xf32, #tpu.memory_space<hbm>>) target_semaphore(%arg15 : memref<!tpu.dma_semaphore, #tpu.memory_space<semaphore_mem>>)
      %mul3A_237 = arith.constant 65536 : i32
      %mul3A_238 = arith.muli %arg1, %mul3A_237 : i32
      %add3A_239 = arith.constant 11264 : i32
      %add3A_240 = arith.addi %mul3A_238, %add3A_239 : i32
      %mul3A_241 = arith.constant 64 : i32
      %mul3A_242 = arith.muli %arg1, %mul3A_241 : i32
      %add3A_243 = arith.constant 11 : i32
      %add3A_244 = arith.addi %mul3A_242, %add3A_243 : i32
      %dma_start3A_245 = arith.constant 0 : i32
      %dma_start3A_246 = tpu.memref_slice %arg6[%add3A_15, %add3A_244, %dma_start3A_245] : memref<8x1024x1024xf32, #tpu.memory_space<hbm>> -> memref<1x1x1024xf32, #tpu.memory_space<hbm>>
      %dma_start3A_247 = tpu.memref_squeeze %dma_start3A_246 : memref<1x1x1024xf32, #tpu.memory_space<hbm>> -> memref<1024xf32, #tpu.memory_space<hbm>>
      %dma_start3A_248 = tpu.memref_slice %arg7[%add3A_240] : memref<1048576xf32, #tpu.memory_space<vmem_shared>> -> memref<1024xf32, #tpu.memory_space<vmem_shared>>
      tpu.enqueue_dma source(%dma_start3A_248 : memref<1024xf32, #tpu.memory_space<vmem_shared>>) target(%dma_start3A_247 : memref<1024xf32, #tpu.memory_space<hbm>>) target_semaphore(%arg15 : memref<!tpu.dma_semaphore, #tpu.memory_space<semaphore_mem>>)
      %mul3A_249 = arith.constant 65536 : i32
      %mul3A_250 = arith.muli %arg1, %mul3A_249 : i32
      %add3A_251 = arith.constant 12288 : i32
      %add3A_252 = arith.addi %mul3A_250, %add3A_251 : i32
      %mul3A_253 = arith.constant 64 : i32
      %mul3A_254 = arith.muli %arg1, %mul3A_253 : i32
      %add3A_255 = arith.constant 12 : i32
      %add3A_256 = arith.addi %mul3A_254, %add3A_255 : i32
      %dma_start3A_257 = arith.constant 0 : i32
      %dma_start3A_258 = tpu.memref_slice %arg6[%add3A_15, %add3A_256, %dma_start3A_257] : memref<8x1024x1024xf32, #tpu.memory_space<hbm>> -> memref<1x1x1024xf32, #tpu.memory_space<hbm>>
      %dma_start3A_259 = tpu.memref_squeeze %dma_start3A_258 : memref<1x1x1024xf32, #tpu.memory_space<hbm>> -> memref<1024xf32, #tpu.memory_space<hbm>>
      %dma_start3A_260 = tpu.memref_slice %arg7[%add3A_252] : memref<1048576xf32, #tpu.memory_space<vmem_shared>> -> memref<1024xf32, #tpu.memory_space<vmem_shared>>
      tpu.enqueue_dma source(%dma_start3A_260 : memref<1024xf32, #tpu.memory_space<vmem_shared>>) target(%dma_start3A_259 : memref<1024xf32, #tpu.memory_space<hbm>>) target_semaphore(%arg15 : memref<!tpu.dma_semaphore, #tpu.memory_space<semaphore_mem>>)
      %mul3A_261 = arith.constant 65536 : i32
      %mul3A_262 = arith.muli %arg1, %mul3A_261 : i32
      %add3A_263 = arith.constant 13312 : i32
      %add3A_264 = arith.addi %mul3A_262, %add3A_263 : i32
      %mul3A_265 = arith.constant 64 : i32
      %mul3A_266 = arith.muli %arg1, %mul3A_265 : i32
      %add3A_267 = arith.constant 13 : i32
      %add3A_268 = arith.addi %mul3A_266, %add3A_267 : i32
      %dma_start3A_269 = arith.constant 0 : i32
      %dma_start3A_270 = tpu.memref_slice %arg6[%add3A_15, %add3A_268, %dma_start3A_269] : memref<8x1024x1024xf32, #tpu.memory_space<hbm>> -> memref<1x1x1024xf32, #tpu.memory_space<hbm>>
      %dma_start3A_271 = tpu.memref_squeeze %dma_start3A_270 : memref<1x1x1024xf32, #tpu.memory_space<hbm>> -> memref<1024xf32, #tpu.memory_space<hbm>>
      %dma_start3A_272 = tpu.memref_slice %arg7[%add3A_264] : memref<1048576xf32, #tpu.memory_space<vmem_shared>> -> memref<1024xf32, #tpu.memory_space<vmem_shared>>
      tpu.enqueue_dma source(%dma_start3A_272 : memref<1024xf32, #tpu.memory_space<vmem_shared>>) target(%dma_start3A_271 : memref<1024xf32, #tpu.memory_space<hbm>>) target_semaphore(%arg15 : memref<!tpu.dma_semaphore, #tpu.memory_space<semaphore_mem>>)
      %mul3A_273 = arith.constant 65536 : i32
      %mul3A_274 = arith.muli %arg1, %mul3A_273 : i32
      %add3A_275 = arith.constant 14336 : i32
      %add3A_276 = arith.addi %mul3A_274, %add3A_275 : i32
      %mul3A_277 = arith.constant 64 : i32
      %mul3A_278 = arith.muli %arg1, %mul3A_277 : i32
      %add3A_279 = arith.constant 14 : i32
      %add3A_280 = arith.addi %mul3A_278, %add3A_279 : i32
      %dma_start3A_281 = arith.constant 0 : i32
      %dma_start3A_282 = tpu.memref_slice %arg6[%add3A_15, %add3A_280, %dma_start3A_281] : memref<8x1024x1024xf32, #tpu.memory_space<hbm>> -> memref<1x1x1024xf32, #tpu.memory_space<hbm>>
      %dma_start3A_283 = tpu.memref_squeeze %dma_start3A_282 : memref<1x1x1024xf32, #tpu.memory_space<hbm>> -> memref<1024xf32, #tpu.memory_space<hbm>>
      %dma_start3A_284 = tpu.memref_slice %arg7[%add3A_276] : memref<1048576xf32, #tpu.memory_space<vmem_shared>> -> memref<1024xf32, #tpu.memory_space<vmem_shared>>
      tpu.enqueue_dma source(%dma_start3A_284 : memref<1024xf32, #tpu.memory_space<vmem_shared>>) target(%dma_start3A_283 : memref<1024xf32, #tpu.memory_space<hbm>>) target_semaphore(%arg15 : memref<!tpu.dma_semaphore, #tpu.memory_space<semaphore_mem>>)
      %mul3A_285 = arith.constant 65536 : i32
      %mul3A_286 = arith.muli %arg1, %mul3A_285 : i32
      %add3A_287 = arith.constant 15360 : i32
      %add3A_288 = arith.addi %mul3A_286, %add3A_287 : i32
      %mul3A_289 = arith.constant 64 : i32
      %mul3A_290 = arith.muli %arg1, %mul3A_289 : i32
      %add3A_291 = arith.constant 15 : i32
      %add3A_292 = arith.addi %mul3A_290, %add3A_291 : i32
      %dma_start3A_293 = arith.constant 0 : i32
      %dma_start3A_294 = tpu.memref_slice %arg6[%add3A_15, %add3A_292, %dma_start3A_293] : memref<8x1024x1024xf32, #tpu.memory_space<hbm>> -> memref<1x1x1024xf32, #tpu.memory_space<hbm>>
      %dma_start3A_295 = tpu.memref_squeeze %dma_start3A_294 : memref<1x1x1024xf32, #tpu.memory_space<hbm>> -> memref<1024xf32, #tpu.memory_space<hbm>>
      %dma_start3A_296 = tpu.memref_slice %arg7[%add3A_288] : memref<1048576xf32, #tpu.memory_space<vmem_shared>> -> memref<1024xf32, #tpu.memory_space<vmem_shared>>
      tpu.enqueue_dma source(%dma_start3A_296 : memref<1024xf32, #tpu.memory_space<vmem_shared>>) target(%dma_start3A_295 : memref<1024xf32, #tpu.memory_space<hbm>>) target_semaphore(%arg15 : memref<!tpu.dma_semaphore, #tpu.memory_space<semaphore_mem>>)
      %mul3A_297 = arith.constant 65536 : i32
      %mul3A_298 = arith.muli %arg1, %mul3A_297 : i32
      %add3A_299 = arith.constant 16384 : i32
      %add3A_300 = arith.addi %mul3A_298, %add3A_299 : i32
      %mul3A_301 = arith.constant 64 : i32
      %mul3A_302 = arith.muli %arg1, %mul3A_301 : i32
      %add3A_303 = arith.constant 16 : i32
      %add3A_304 = arith.addi %mul3A_302, %add3A_303 : i32
      %dma_start3A_305 = arith.constant 0 : i32
      %dma_start3A_306 = tpu.memref_slice %arg6[%add3A_15, %add3A_304, %dma_start3A_305] : memref<8x1024x1024xf32, #tpu.memory_space<hbm>> -> memref<1x1x1024xf32, #tpu.memory_space<hbm>>
      %dma_start3A_307 = tpu.memref_squeeze %dma_start3A_306 : memref<1x1x1024xf32, #tpu.memory_space<hbm>> -> memref<1024xf32, #tpu.memory_space<hbm>>
      %dma_start3A_308 = tpu.memref_slice %arg7[%add3A_300] : memref<1048576xf32, #tpu.memory_space<vmem_shared>> -> memref<1024xf32, #tpu.memory_space<vmem_shared>>
      tpu.enqueue_dma source(%dma_start3A_308 : memref<1024xf32, #tpu.memory_space<vmem_shared>>) target(%dma_start3A_307 : memref<1024xf32, #tpu.memory_space<hbm>>) target_semaphore(%arg15 : memref<!tpu.dma_semaphore, #tpu.memory_space<semaphore_mem>>)
      %mul3A_309 = arith.constant 65536 : i32
      %mul3A_310 = arith.muli %arg1, %mul3A_309 : i32
      %add3A_311 = arith.constant 17408 : i32
      %add3A_312 = arith.addi %mul3A_310, %add3A_311 : i32
      %mul3A_313 = arith.constant 64 : i32
      %mul3A_314 = arith.muli %arg1, %mul3A_313 : i32
      %add3A_315 = arith.constant 17 : i32
      %add3A_316 = arith.addi %mul3A_314, %add3A_315 : i32
      %dma_start3A_317 = arith.constant 0 : i32
      %dma_start3A_318 = tpu.memref_slice %arg6[%add3A_15, %add3A_316, %dma_start3A_317] : memref<8x1024x1024xf32, #tpu.memory_space<hbm>> -> memref<1x1x1024xf32, #tpu.memory_space<hbm>>
      %dma_start3A_319 = tpu.memref_squeeze %dma_start3A_318 : memref<1x1x1024xf32, #tpu.memory_space<hbm>> -> memref<1024xf32, #tpu.memory_space<hbm>>
      %dma_start3A_320 = tpu.memref_slice %arg7[%add3A_312] : memref<1048576xf32, #tpu.memory_space<vmem_shared>> -> memref<1024xf32, #tpu.memory_space<vmem_shared>>
      tpu.enqueue_dma source(%dma_start3A_320 : memref<1024xf32, #tpu.memory_space<vmem_shared>>) target(%dma_start3A_319 : memref<1024xf32, #tpu.memory_space<hbm>>) target_semaphore(%arg15 : memref<!tpu.dma_semaphore, #tpu.memory_space<semaphore_mem>>)
      %mul3A_321 = arith.constant 65536 : i32
      %mul3A_322 = arith.muli %arg1, %mul3A_321 : i32
      %add3A_323 = arith.constant 18432 : i32
      %add3A_324 = arith.addi %mul3A_322, %add3A_323 : i32
      %mul3A_325 = arith.constant 64 : i32
      %mul3A_326 = arith.muli %arg1, %mul3A_325 : i32
      %add3A_327 = arith.constant 18 : i32
      %add3A_328 = arith.addi %mul3A_326, %add3A_327 : i32
      %dma_start3A_329 = arith.constant 0 : i32
      %dma_start3A_330 = tpu.memref_slice %arg6[%add3A_15, %add3A_328, %dma_start3A_329] : memref<8x1024x1024xf32, #tpu.memory_space<hbm>> -> memref<1x1x1024xf32, #tpu.memory_space<hbm>>
      %dma_start3A_331 = tpu.memref_squeeze %dma_start3A_330 : memref<1x1x1024xf32, #tpu.memory_space<hbm>> -> memref<1024xf32, #tpu.memory_space<hbm>>
      %dma_start3A_332 = tpu.memref_slice %arg7[%add3A_324] : memref<1048576xf32, #tpu.memory_space<vmem_shared>> -> memref<1024xf32, #tpu.memory_space<vmem_shared>>
      tpu.enqueue_dma source(%dma_start3A_332 : memref<1024xf32, #tpu.memory_space<vmem_shared>>) target(%dma_start3A_331 : memref<1024xf32, #tpu.memory_space<hbm>>) target_semaphore(%arg15 : memref<!tpu.dma_semaphore, #tpu.memory_space<semaphore_mem>>)
      %mul3A_333 = arith.constant 65536 : i32
      %mul3A_334 = arith.muli %arg1, %mul3A_333 : i32
      %add3A_335 = arith.constant 19456 : i32
      %add3A_336 = arith.addi %mul3A_334, %add3A_335 : i32
      %mul3A_337 = arith.constant 64 : i32
      %mul3A_338 = arith.muli %arg1, %mul3A_337 : i32
      %add3A_339 = arith.constant 19 : i32
      %add3A_340 = arith.addi %mul3A_338, %add3A_339 : i32
      %dma_start3A_341 = arith.constant 0 : i32
      %dma_start3A_342 = tpu.memref_slice %arg6[%add3A_15, %add3A_340, %dma_start3A_341] : memref<8x1024x1024xf32, #tpu.memory_space<hbm>> -> memref<1x1x1024xf32, #tpu.memory_space<hbm>>
      %dma_start3A_343 = tpu.memref_squeeze %dma_start3A_342 : memref<1x1x1024xf32, #tpu.memory_space<hbm>> -> memref<1024xf32, #tpu.memory_space<hbm>>
      %dma_start3A_344 = tpu.memref_slice %arg7[%add3A_336] : memref<1048576xf32, #tpu.memory_space<vmem_shared>> -> memref<1024xf32, #tpu.memory_space<vmem_shared>>
      tpu.enqueue_dma source(%dma_start3A_344 : memref<1024xf32, #tpu.memory_space<vmem_shared>>) target(%dma_start3A_343 : memref<1024xf32, #tpu.memory_space<hbm>>) target_semaphore(%arg15 : memref<!tpu.dma_semaphore, #tpu.memory_space<semaphore_mem>>)
      %mul3A_345 = arith.constant 65536 : i32
      %mul3A_346 = arith.muli %arg1, %mul3A_345 : i32
      %add3A_347 = arith.constant 20480 : i32
      %add3A_348 = arith.addi %mul3A_346, %add3A_347 : i32
      %mul3A_349 = arith.constant 64 : i32
      %mul3A_350 = arith.muli %arg1, %mul3A_349 : i32
      %add3A_351 = arith.constant 20 : i32
      %add3A_352 = arith.addi %mul3A_350, %add3A_351 : i32
      %dma_start3A_353 = arith.constant 0 : i32
      %dma_start3A_354 = tpu.memref_slice %arg6[%add3A_15, %add3A_352, %dma_start3A_353] : memref<8x1024x1024xf32, #tpu.memory_space<hbm>> -> memref<1x1x1024xf32, #tpu.memory_space<hbm>>
      %dma_start3A_355 = tpu.memref_squeeze %dma_start3A_354 : memref<1x1x1024xf32, #tpu.memory_space<hbm>> -> memref<1024xf32, #tpu.memory_space<hbm>>
      %dma_start3A_356 = tpu.memref_slice %arg7[%add3A_348] : memref<1048576xf32, #tpu.memory_space<vmem_shared>> -> memref<1024xf32, #tpu.memory_space<vmem_shared>>
      tpu.enqueue_dma source(%dma_start3A_356 : memref<1024xf32, #tpu.memory_space<vmem_shared>>) target(%dma_start3A_355 : memref<1024xf32, #tpu.memory_space<hbm>>) target_semaphore(%arg15 : memref<!tpu.dma_semaphore, #tpu.memory_space<semaphore_mem>>)
      %mul3A_357 = arith.constant 65536 : i32
      %mul3A_358 = arith.muli %arg1, %mul3A_357 : i32
      %add3A_359 = arith.constant 21504 : i32
      %add3A_360 = arith.addi %mul3A_358, %add3A_359 : i32
      %mul3A_361 = arith.constant 64 : i32
      %mul3A_362 = arith.muli %arg1, %mul3A_361 : i32
      %add3A_363 = arith.constant 21 : i32
      %add3A_364 = arith.addi %mul3A_362, %add3A_363 : i32
      %dma_start3A_365 = arith.constant 0 : i32
      %dma_start3A_366 = tpu.memref_slice %arg6[%add3A_15, %add3A_364, %dma_start3A_365] : memref<8x1024x1024xf32, #tpu.memory_space<hbm>> -> memref<1x1x1024xf32, #tpu.memory_space<hbm>>
      %dma_start3A_367 = tpu.memref_squeeze %dma_start3A_366 : memref<1x1x1024xf32, #tpu.memory_space<hbm>> -> memref<1024xf32, #tpu.memory_space<hbm>>
      %dma_start3A_368 = tpu.memref_slice %arg7[%add3A_360] : memref<1048576xf32, #tpu.memory_space<vmem_shared>> -> memref<1024xf32, #tpu.memory_space<vmem_shared>>
      tpu.enqueue_dma source(%dma_start3A_368 : memref<1024xf32, #tpu.memory_space<vmem_shared>>) target(%dma_start3A_367 : memref<1024xf32, #tpu.memory_space<hbm>>) target_semaphore(%arg15 : memref<!tpu.dma_semaphore, #tpu.memory_space<semaphore_mem>>)
      %mul3A_369 = arith.constant 65536 : i32
      %mul3A_370 = arith.muli %arg1, %mul3A_369 : i32
      %add3A_371 = arith.constant 22528 : i32
      %add3A_372 = arith.addi %mul3A_370, %add3A_371 : i32
      %mul3A_373 = arith.constant 64 : i32
      %mul3A_374 = arith.muli %arg1, %mul3A_373 : i32
      %add3A_375 = arith.constant 22 : i32
      %add3A_376 = arith.addi %mul3A_374, %add3A_375 : i32
      %dma_start3A_377 = arith.constant 0 : i32
      %dma_start3A_378 = tpu.memref_slice %arg6[%add3A_15, %add3A_376, %dma_start3A_377] : memref<8x1024x1024xf32, #tpu.memory_space<hbm>> -> memref<1x1x1024xf32, #tpu.memory_space<hbm>>
      %dma_start3A_379 = tpu.memref_squeeze %dma_start3A_378 : memref<1x1x1024xf32, #tpu.memory_space<hbm>> -> memref<1024xf32, #tpu.memory_space<hbm>>
      %dma_start3A_380 = tpu.memref_slice %arg7[%add3A_372] : memref<1048576xf32, #tpu.memory_space<vmem_shared>> -> memref<1024xf32, #tpu.memory_space<vmem_shared>>
      tpu.enqueue_dma source(%dma_start3A_380 : memref<1024xf32, #tpu.memory_space<vmem_shared>>) target(%dma_start3A_379 : memref<1024xf32, #tpu.memory_space<hbm>>) target_semaphore(%arg15 : memref<!tpu.dma_semaphore, #tpu.memory_space<semaphore_mem>>)
      %mul3A_381 = arith.constant 65536 : i32
      %mul3A_382 = arith.muli %arg1, %mul3A_381 : i32
      %add3A_383 = arith.constant 23552 : i32
      %add3A_384 = arith.addi %mul3A_382, %add3A_383 : i32
      %mul3A_385 = arith.constant 64 : i32
      %mul3A_386 = arith.muli %arg1, %mul3A_385 : i32
      %add3A_387 = arith.constant 23 : i32
      %add3A_388 = arith.addi %mul3A_386, %add3A_387 : i32
      %dma_start3A_389 = arith.constant 0 : i32
      %dma_start3A_390 = tpu.memref_slice %arg6[%add3A_15, %add3A_388, %dma_start3A_389] : memref<8x1024x1024xf32, #tpu.memory_space<hbm>> -> memref<1x1x1024xf32, #tpu.memory_space<hbm>>
      %dma_start3A_391 = tpu.memref_squeeze %dma_start3A_390 : memref<1x1x1024xf32, #tpu.memory_space<hbm>> -> memref<1024xf32, #tpu.memory_space<hbm>>
      %dma_start3A_392 = tpu.memref_slice %arg7[%add3A_384] : memref<1048576xf32, #tpu.memory_space<vmem_shared>> -> memref<1024xf32, #tpu.memory_space<vmem_shared>>
      tpu.enqueue_dma source(%dma_start3A_392 : memref<1024xf32, #tpu.memory_space<vmem_shared>>) target(%dma_start3A_391 : memref<1024xf32, #tpu.memory_space<hbm>>) target_semaphore(%arg15 : memref<!tpu.dma_semaphore, #tpu.memory_space<semaphore_mem>>)
      %mul3A_393 = arith.constant 65536 : i32
      %mul3A_394 = arith.muli %arg1, %mul3A_393 : i32
      %add3A_395 = arith.constant 24576 : i32
      %add3A_396 = arith.addi %mul3A_394, %add3A_395 : i32
      %mul3A_397 = arith.constant 64 : i32
      %mul3A_398 = arith.muli %arg1, %mul3A_397 : i32
      %add3A_399 = arith.constant 24 : i32
      %add3A_400 = arith.addi %mul3A_398, %add3A_399 : i32
      %dma_start3A_401 = arith.constant 0 : i32
      %dma_start3A_402 = tpu.memref_slice %arg6[%add3A_15, %add3A_400, %dma_start3A_401] : memref<8x1024x1024xf32, #tpu.memory_space<hbm>> -> memref<1x1x1024xf32, #tpu.memory_space<hbm>>
      %dma_start3A_403 = tpu.memref_squeeze %dma_start3A_402 : memref<1x1x1024xf32, #tpu.memory_space<hbm>> -> memref<1024xf32, #tpu.memory_space<hbm>>
      %dma_start3A_404 = tpu.memref_slice %arg7[%add3A_396] : memref<1048576xf32, #tpu.memory_space<vmem_shared>> -> memref<1024xf32, #tpu.memory_space<vmem_shared>>
      tpu.enqueue_dma source(%dma_start3A_404 : memref<1024xf32, #tpu.memory_space<vmem_shared>>) target(%dma_start3A_403 : memref<1024xf32, #tpu.memory_space<hbm>>) target_semaphore(%arg15 : memref<!tpu.dma_semaphore, #tpu.memory_space<semaphore_mem>>)
      %mul3A_405 = arith.constant 65536 : i32
      %mul3A_406 = arith.muli %arg1, %mul3A_405 : i32
      %add3A_407 = arith.constant 25600 : i32
      %add3A_408 = arith.addi %mul3A_406, %add3A_407 : i32
      %mul3A_409 = arith.constant 64 : i32
      %mul3A_410 = arith.muli %arg1, %mul3A_409 : i32
      %add3A_411 = arith.constant 25 : i32
      %add3A_412 = arith.addi %mul3A_410, %add3A_411 : i32
      %dma_start3A_413 = arith.constant 0 : i32
      %dma_start3A_414 = tpu.memref_slice %arg6[%add3A_15, %add3A_412, %dma_start3A_413] : memref<8x1024x1024xf32, #tpu.memory_space<hbm>> -> memref<1x1x1024xf32, #tpu.memory_space<hbm>>
      %dma_start3A_415 = tpu.memref_squeeze %dma_start3A_414 : memref<1x1x1024xf32, #tpu.memory_space<hbm>> -> memref<1024xf32, #tpu.memory_space<hbm>>
      %dma_start3A_416 = tpu.memref_slice %arg7[%add3A_408] : memref<1048576xf32, #tpu.memory_space<vmem_shared>> -> memref<1024xf32, #tpu.memory_space<vmem_shared>>
      tpu.enqueue_dma source(%dma_start3A_416 : memref<1024xf32, #tpu.memory_space<vmem_shared>>) target(%dma_start3A_415 : memref<1024xf32, #tpu.memory_space<hbm>>) target_semaphore(%arg15 : memref<!tpu.dma_semaphore, #tpu.memory_space<semaphore_mem>>)
      %mul3A_417 = arith.constant 65536 : i32
      %mul3A_418 = arith.muli %arg1, %mul3A_417 : i32
      %add3A_419 = arith.constant 26624 : i32
      %add3A_420 = arith.addi %mul3A_418, %add3A_419 : i32
      %mul3A_421 = arith.constant 64 : i32
      %mul3A_422 = arith.muli %arg1, %mul3A_421 : i32
      %add3A_423 = arith.constant 26 : i32
      %add3A_424 = arith.addi %mul3A_422, %add3A_423 : i32
      %dma_start3A_425 = arith.constant 0 : i32
      %dma_start3A_426 = tpu.memref_slice %arg6[%add3A_15, %add3A_424, %dma_start3A_425] : memref<8x1024x1024xf32, #tpu.memory_space<hbm>> -> memref<1x1x1024xf32, #tpu.memory_space<hbm>>
      %dma_start3A_427 = tpu.memref_squeeze %dma_start3A_426 : memref<1x1x1024xf32, #tpu.memory_space<hbm>> -> memref<1024xf32, #tpu.memory_space<hbm>>
      %dma_start3A_428 = tpu.memref_slice %arg7[%add3A_420] : memref<1048576xf32, #tpu.memory_space<vmem_shared>> -> memref<1024xf32, #tpu.memory_space<vmem_shared>>
      tpu.enqueue_dma source(%dma_start3A_428 : memref<1024xf32, #tpu.memory_space<vmem_shared>>) target(%dma_start3A_427 : memref<1024xf32, #tpu.memory_space<hbm>>) target_semaphore(%arg15 : memref<!tpu.dma_semaphore, #tpu.memory_space<semaphore_mem>>)
      %mul3A_429 = arith.constant 65536 : i32
      %mul3A_430 = arith.muli %arg1, %mul3A_429 : i32
      %add3A_431 = arith.constant 27648 : i32
      %add3A_432 = arith.addi %mul3A_430, %add3A_431 : i32
      %mul3A_433 = arith.constant 64 : i32
      %mul3A_434 = arith.muli %arg1, %mul3A_433 : i32
      %add3A_435 = arith.constant 27 : i32
      %add3A_436 = arith.addi %mul3A_434, %add3A_435 : i32
      %dma_start3A_437 = arith.constant 0 : i32
      %dma_start3A_438 = tpu.memref_slice %arg6[%add3A_15, %add3A_436, %dma_start3A_437] : memref<8x1024x1024xf32, #tpu.memory_space<hbm>> -> memref<1x1x1024xf32, #tpu.memory_space<hbm>>
      %dma_start3A_439 = tpu.memref_squeeze %dma_start3A_438 : memref<1x1x1024xf32, #tpu.memory_space<hbm>> -> memref<1024xf32, #tpu.memory_space<hbm>>
      %dma_start3A_440 = tpu.memref_slice %arg7[%add3A_432] : memref<1048576xf32, #tpu.memory_space<vmem_shared>> -> memref<1024xf32, #tpu.memory_space<vmem_shared>>
      tpu.enqueue_dma source(%dma_start3A_440 : memref<1024xf32, #tpu.memory_space<vmem_shared>>) target(%dma_start3A_439 : memref<1024xf32, #tpu.memory_space<hbm>>) target_semaphore(%arg15 : memref<!tpu.dma_semaphore, #tpu.memory_space<semaphore_mem>>)
      %mul3A_441 = arith.constant 65536 : i32
      %mul3A_442 = arith.muli %arg1, %mul3A_441 : i32
      %add3A_443 = arith.constant 28672 : i32
      %add3A_444 = arith.addi %mul3A_442, %add3A_443 : i32
      %mul3A_445 = arith.constant 64 : i32
      %mul3A_446 = arith.muli %arg1, %mul3A_445 : i32
      %add3A_447 = arith.constant 28 : i32
      %add3A_448 = arith.addi %mul3A_446, %add3A_447 : i32
      %dma_start3A_449 = arith.constant 0 : i32
      %dma_start3A_450 = tpu.memref_slice %arg6[%add3A_15, %add3A_448, %dma_start3A_449] : memref<8x1024x1024xf32, #tpu.memory_space<hbm>> -> memref<1x1x1024xf32, #tpu.memory_space<hbm>>
      %dma_start3A_451 = tpu.memref_squeeze %dma_start3A_450 : memref<1x1x1024xf32, #tpu.memory_space<hbm>> -> memref<1024xf32, #tpu.memory_space<hbm>>
      %dma_start3A_452 = tpu.memref_slice %arg7[%add3A_444] : memref<1048576xf32, #tpu.memory_space<vmem_shared>> -> memref<1024xf32, #tpu.memory_space<vmem_shared>>
      tpu.enqueue_dma source(%dma_start3A_452 : memref<1024xf32, #tpu.memory_space<vmem_shared>>) target(%dma_start3A_451 : memref<1024xf32, #tpu.memory_space<hbm>>) target_semaphore(%arg15 : memref<!tpu.dma_semaphore, #tpu.memory_space<semaphore_mem>>)
      %mul3A_453 = arith.constant 65536 : i32
      %mul3A_454 = arith.muli %arg1, %mul3A_453 : i32
      %add3A_455 = arith.constant 29696 : i32
      %add3A_456 = arith.addi %mul3A_454, %add3A_455 : i32
      %mul3A_457 = arith.constant 64 : i32
      %mul3A_458 = arith.muli %arg1, %mul3A_457 : i32
      %add3A_459 = arith.constant 29 : i32
      %add3A_460 = arith.addi %mul3A_458, %add3A_459 : i32
      %dma_start3A_461 = arith.constant 0 : i32
      %dma_start3A_462 = tpu.memref_slice %arg6[%add3A_15, %add3A_460, %dma_start3A_461] : memref<8x1024x1024xf32, #tpu.memory_space<hbm>> -> memref<1x1x1024xf32, #tpu.memory_space<hbm>>
      %dma_start3A_463 = tpu.memref_squeeze %dma_start3A_462 : memref<1x1x1024xf32, #tpu.memory_space<hbm>> -> memref<1024xf32, #tpu.memory_space<hbm>>
      %dma_start3A_464 = tpu.memref_slice %arg7[%add3A_456] : memref<1048576xf32, #tpu.memory_space<vmem_shared>> -> memref<1024xf32, #tpu.memory_space<vmem_shared>>
      tpu.enqueue_dma source(%dma_start3A_464 : memref<1024xf32, #tpu.memory_space<vmem_shared>>) target(%dma_start3A_463 : memref<1024xf32, #tpu.memory_space<hbm>>) target_semaphore(%arg15 : memref<!tpu.dma_semaphore, #tpu.memory_space<semaphore_mem>>)
      %mul3A_465 = arith.constant 65536 : i32
      %mul3A_466 = arith.muli %arg1, %mul3A_465 : i32
      %add3A_467 = arith.constant 30720 : i32
      %add3A_468 = arith.addi %mul3A_466, %add3A_467 : i32
      %mul3A_469 = arith.constant 64 : i32
      %mul3A_470 = arith.muli %arg1, %mul3A_469 : i32
      %add3A_471 = arith.constant 30 : i32
      %add3A_472 = arith.addi %mul3A_470, %add3A_471 : i32
      %dma_start3A_473 = arith.constant 0 : i32
      %dma_start3A_474 = tpu.memref_slice %arg6[%add3A_15, %add3A_472, %dma_start3A_473] : memref<8x1024x1024xf32, #tpu.memory_space<hbm>> -> memref<1x1x1024xf32, #tpu.memory_space<hbm>>
      %dma_start3A_475 = tpu.memref_squeeze %dma_start3A_474 : memref<1x1x1024xf32, #tpu.memory_space<hbm>> -> memref<1024xf32, #tpu.memory_space<hbm>>
      %dma_start3A_476 = tpu.memref_slice %arg7[%add3A_468] : memref<1048576xf32, #tpu.memory_space<vmem_shared>> -> memref<1024xf32, #tpu.memory_space<vmem_shared>>
      tpu.enqueue_dma source(%dma_start3A_476 : memref<1024xf32, #tpu.memory_space<vmem_shared>>) target(%dma_start3A_475 : memref<1024xf32, #tpu.memory_space<hbm>>) target_semaphore(%arg15 : memref<!tpu.dma_semaphore, #tpu.memory_space<semaphore_mem>>)
      %mul3A_477 = arith.constant 65536 : i32
      %mul3A_478 = arith.muli %arg1, %mul3A_477 : i32
      %add3A_479 = arith.constant 31744 : i32
      %add3A_480 = arith.addi %mul3A_478, %add3A_479 : i32
      %mul3A_481 = arith.constant 64 : i32
      %mul3A_482 = arith.muli %arg1, %mul3A_481 : i32
      %add3A_483 = arith.constant 31 : i32
      %add3A_484 = arith.addi %mul3A_482, %add3A_483 : i32
      %dma_start3A_485 = arith.constant 0 : i32
      %dma_start3A_486 = tpu.memref_slice %arg6[%add3A_15, %add3A_484, %dma_start3A_485] : memref<8x1024x1024xf32, #tpu.memory_space<hbm>> -> memref<1x1x1024xf32, #tpu.memory_space<hbm>>
      %dma_start3A_487 = tpu.memref_squeeze %dma_start3A_486 : memref<1x1x1024xf32, #tpu.memory_space<hbm>> -> memref<1024xf32, #tpu.memory_space<hbm>>
      %dma_start3A_488 = tpu.memref_slice %arg7[%add3A_480] : memref<1048576xf32, #tpu.memory_space<vmem_shared>> -> memref<1024xf32, #tpu.memory_space<vmem_shared>>
      tpu.enqueue_dma source(%dma_start3A_488 : memref<1024xf32, #tpu.memory_space<vmem_shared>>) target(%dma_start3A_487 : memref<1024xf32, #tpu.memory_space<hbm>>) target_semaphore(%arg15 : memref<!tpu.dma_semaphore, #tpu.memory_space<semaphore_mem>>)
      %mul3A_489 = arith.constant 65536 : i32
      %mul3A_490 = arith.muli %arg1, %mul3A_489 : i32
      %add3A_491 = arith.constant 32768 : i32
      %add3A_492 = arith.addi %mul3A_490, %add3A_491 : i32
      %mul3A_493 = arith.constant 64 : i32
      %mul3A_494 = arith.muli %arg1, %mul3A_493 : i32
      %add3A_495 = arith.constant 32 : i32
      %add3A_496 = arith.addi %mul3A_494, %add3A_495 : i32
      %dma_start3A_497 = arith.constant 0 : i32
      %dma_start3A_498 = tpu.memref_slice %arg6[%add3A_15, %add3A_496, %dma_start3A_497] : memref<8x1024x1024xf32, #tpu.memory_space<hbm>> -> memref<1x1x1024xf32, #tpu.memory_space<hbm>>
      %dma_start3A_499 = tpu.memref_squeeze %dma_start3A_498 : memref<1x1x1024xf32, #tpu.memory_space<hbm>> -> memref<1024xf32, #tpu.memory_space<hbm>>
      %dma_start3A_500 = tpu.memref_slice %arg7[%add3A_492] : memref<1048576xf32, #tpu.memory_space<vmem_shared>> -> memref<1024xf32, #tpu.memory_space<vmem_shared>>
      tpu.enqueue_dma source(%dma_start3A_500 : memref<1024xf32, #tpu.memory_space<vmem_shared>>) target(%dma_start3A_499 : memref<1024xf32, #tpu.memory_space<hbm>>) target_semaphore(%arg15 : memref<!tpu.dma_semaphore, #tpu.memory_space<semaphore_mem>>)
      %mul3A_501 = arith.constant 65536 : i32
      %mul3A_502 = arith.muli %arg1, %mul3A_501 : i32
      %add3A_503 = arith.constant 33792 : i32
      %add3A_504 = arith.addi %mul3A_502, %add3A_503 : i32
      %mul3A_505 = arith.constant 64 : i32
      %mul3A_506 = arith.muli %arg1, %mul3A_505 : i32
      %add3A_507 = arith.constant 33 : i32
      %add3A_508 = arith.addi %mul3A_506, %add3A_507 : i32
      %dma_start3A_509 = arith.constant 0 : i32
      %dma_start3A_510 = tpu.memref_slice %arg6[%add3A_15, %add3A_508, %dma_start3A_509] : memref<8x1024x1024xf32, #tpu.memory_space<hbm>> -> memref<1x1x1024xf32, #tpu.memory_space<hbm>>
      %dma_start3A_511 = tpu.memref_squeeze %dma_start3A_510 : memref<1x1x1024xf32, #tpu.memory_space<hbm>> -> memref<1024xf32, #tpu.memory_space<hbm>>
      %dma_start3A_512 = tpu.memref_slice %arg7[%add3A_504] : memref<1048576xf32, #tpu.memory_space<vmem_shared>> -> memref<1024xf32, #tpu.memory_space<vmem_shared>>
      tpu.enqueue_dma source(%dma_start3A_512 : memref<1024xf32, #tpu.memory_space<vmem_shared>>) target(%dma_start3A_511 : memref<1024xf32, #tpu.memory_space<hbm>>) target_semaphore(%arg15 : memref<!tpu.dma_semaphore, #tpu.memory_space<semaphore_mem>>)
      %mul3A_513 = arith.constant 65536 : i32
      %mul3A_514 = arith.muli %arg1, %mul3A_513 : i32
      %add3A_515 = arith.constant 34816 : i32
      %add3A_516 = arith.addi %mul3A_514, %add3A_515 : i32
      %mul3A_517 = arith.constant 64 : i32
      %mul3A_518 = arith.muli %arg1, %mul3A_517 : i32
      %add3A_519 = arith.constant 34 : i32
      %add3A_520 = arith.addi %mul3A_518, %add3A_519 : i32
      %dma_start3A_521 = arith.constant 0 : i32
      %dma_start3A_522 = tpu.memref_slice %arg6[%add3A_15, %add3A_520, %dma_start3A_521] : memref<8x1024x1024xf32, #tpu.memory_space<hbm>> -> memref<1x1x1024xf32, #tpu.memory_space<hbm>>
      %dma_start3A_523 = tpu.memref_squeeze %dma_start3A_522 : memref<1x1x1024xf32, #tpu.memory_space<hbm>> -> memref<1024xf32, #tpu.memory_space<hbm>>
      %dma_start3A_524 = tpu.memref_slice %arg7[%add3A_516] : memref<1048576xf32, #tpu.memory_space<vmem_shared>> -> memref<1024xf32, #tpu.memory_space<vmem_shared>>
      tpu.enqueue_dma source(%dma_start3A_524 : memref<1024xf32, #tpu.memory_space<vmem_shared>>) target(%dma_start3A_523 : memref<1024xf32, #tpu.memory_space<hbm>>) target_semaphore(%arg15 : memref<!tpu.dma_semaphore, #tpu.memory_space<semaphore_mem>>)
      %mul3A_525 = arith.constant 65536 : i32
      %mul3A_526 = arith.muli %arg1, %mul3A_525 : i32
      %add3A_527 = arith.constant 35840 : i32
      %add3A_528 = arith.addi %mul3A_526, %add3A_527 : i32
      %mul3A_529 = arith.constant 64 : i32
      %mul3A_530 = arith.muli %arg1, %mul3A_529 : i32
      %add3A_531 = arith.constant 35 : i32
      %add3A_532 = arith.addi %mul3A_530, %add3A_531 : i32
      %dma_start3A_533 = arith.constant 0 : i32
      %dma_start3A_534 = tpu.memref_slice %arg6[%add3A_15, %add3A_532, %dma_start3A_533] : memref<8x1024x1024xf32, #tpu.memory_space<hbm>> -> memref<1x1x1024xf32, #tpu.memory_space<hbm>>
      %dma_start3A_535 = tpu.memref_squeeze %dma_start3A_534 : memref<1x1x1024xf32, #tpu.memory_space<hbm>> -> memref<1024xf32, #tpu.memory_space<hbm>>
      %dma_start3A_536 = tpu.memref_slice %arg7[%add3A_528] : memref<1048576xf32, #tpu.memory_space<vmem_shared>> -> memref<1024xf32, #tpu.memory_space<vmem_shared>>
      tpu.enqueue_dma source(%dma_start3A_536 : memref<1024xf32, #tpu.memory_space<vmem_shared>>) target(%dma_start3A_535 : memref<1024xf32, #tpu.memory_space<hbm>>) target_semaphore(%arg15 : memref<!tpu.dma_semaphore, #tpu.memory_space<semaphore_mem>>)
      %mul3A_537 = arith.constant 65536 : i32
      %mul3A_538 = arith.muli %arg1, %mul3A_537 : i32
      %add3A_539 = arith.constant 36864 : i32
      %add3A_540 = arith.addi %mul3A_538, %add3A_539 : i32
      %mul3A_541 = arith.constant 64 : i32
      %mul3A_542 = arith.muli %arg1, %mul3A_541 : i32
      %add3A_543 = arith.constant 36 : i32
      %add3A_544 = arith.addi %mul3A_542, %add3A_543 : i32
      %dma_start3A_545 = arith.constant 0 : i32
      %dma_start3A_546 = tpu.memref_slice %arg6[%add3A_15, %add3A_544, %dma_start3A_545] : memref<8x1024x1024xf32, #tpu.memory_space<hbm>> -> memref<1x1x1024xf32, #tpu.memory_space<hbm>>
      %dma_start3A_547 = tpu.memref_squeeze %dma_start3A_546 : memref<1x1x1024xf32, #tpu.memory_space<hbm>> -> memref<1024xf32, #tpu.memory_space<hbm>>
      %dma_start3A_548 = tpu.memref_slice %arg7[%add3A_540] : memref<1048576xf32, #tpu.memory_space<vmem_shared>> -> memref<1024xf32, #tpu.memory_space<vmem_shared>>
      tpu.enqueue_dma source(%dma_start3A_548 : memref<1024xf32, #tpu.memory_space<vmem_shared>>) target(%dma_start3A_547 : memref<1024xf32, #tpu.memory_space<hbm>>) target_semaphore(%arg15 : memref<!tpu.dma_semaphore, #tpu.memory_space<semaphore_mem>>)
      %mul3A_549 = arith.constant 65536 : i32
      %mul3A_550 = arith.muli %arg1, %mul3A_549 : i32
      %add3A_551 = arith.constant 37888 : i32
      %add3A_552 = arith.addi %mul3A_550, %add3A_551 : i32
      %mul3A_553 = arith.constant 64 : i32
      %mul3A_554 = arith.muli %arg1, %mul3A_553 : i32
      %add3A_555 = arith.constant 37 : i32
      %add3A_556 = arith.addi %mul3A_554, %add3A_555 : i32
      %dma_start3A_557 = arith.constant 0 : i32
      %dma_start3A_558 = tpu.memref_slice %arg6[%add3A_15, %add3A_556, %dma_start3A_557] : memref<8x1024x1024xf32, #tpu.memory_space<hbm>> -> memref<1x1x1024xf32, #tpu.memory_space<hbm>>
      %dma_start3A_559 = tpu.memref_squeeze %dma_start3A_558 : memref<1x1x1024xf32, #tpu.memory_space<hbm>> -> memref<1024xf32, #tpu.memory_space<hbm>>
      %dma_start3A_560 = tpu.memref_slice %arg7[%add3A_552] : memref<1048576xf32, #tpu.memory_space<vmem_shared>> -> memref<1024xf32, #tpu.memory_space<vmem_shared>>
      tpu.enqueue_dma source(%dma_start3A_560 : memref<1024xf32, #tpu.memory_space<vmem_shared>>) target(%dma_start3A_559 : memref<1024xf32, #tpu.memory_space<hbm>>) target_semaphore(%arg15 : memref<!tpu.dma_semaphore, #tpu.memory_space<semaphore_mem>>)
      %mul3A_561 = arith.constant 65536 : i32
      %mul3A_562 = arith.muli %arg1, %mul3A_561 : i32
      %add3A_563 = arith.constant 38912 : i32
      %add3A_564 = arith.addi %mul3A_562, %add3A_563 : i32
      %mul3A_565 = arith.constant 64 : i32
      %mul3A_566 = arith.muli %arg1, %mul3A_565 : i32
      %add3A_567 = arith.constant 38 : i32
      %add3A_568 = arith.addi %mul3A_566, %add3A_567 : i32
      %dma_start3A_569 = arith.constant 0 : i32
      %dma_start3A_570 = tpu.memref_slice %arg6[%add3A_15, %add3A_568, %dma_start3A_569] : memref<8x1024x1024xf32, #tpu.memory_space<hbm>> -> memref<1x1x1024xf32, #tpu.memory_space<hbm>>
      %dma_start3A_571 = tpu.memref_squeeze %dma_start3A_570 : memref<1x1x1024xf32, #tpu.memory_space<hbm>> -> memref<1024xf32, #tpu.memory_space<hbm>>
      %dma_start3A_572 = tpu.memref_slice %arg7[%add3A_564] : memref<1048576xf32, #tpu.memory_space<vmem_shared>> -> memref<1024xf32, #tpu.memory_space<vmem_shared>>
      tpu.enqueue_dma source(%dma_start3A_572 : memref<1024xf32, #tpu.memory_space<vmem_shared>>) target(%dma_start3A_571 : memref<1024xf32, #tpu.memory_space<hbm>>) target_semaphore(%arg15 : memref<!tpu.dma_semaphore, #tpu.memory_space<semaphore_mem>>)
      %mul3A_573 = arith.constant 65536 : i32
      %mul3A_574 = arith.muli %arg1, %mul3A_573 : i32
      %add3A_575 = arith.constant 39936 : i32
      %add3A_576 = arith.addi %mul3A_574, %add3A_575 : i32
      %mul3A_577 = arith.constant 64 : i32
      %mul3A_578 = arith.muli %arg1, %mul3A_577 : i32
      %add3A_579 = arith.constant 39 : i32
      %add3A_580 = arith.addi %mul3A_578, %add3A_579 : i32
      %dma_start3A_581 = arith.constant 0 : i32
      %dma_start3A_582 = tpu.memref_slice %arg6[%add3A_15, %add3A_580, %dma_start3A_581] : memref<8x1024x1024xf32, #tpu.memory_space<hbm>> -> memref<1x1x1024xf32, #tpu.memory_space<hbm>>
      %dma_start3A_583 = tpu.memref_squeeze %dma_start3A_582 : memref<1x1x1024xf32, #tpu.memory_space<hbm>> -> memref<1024xf32, #tpu.memory_space<hbm>>
      %dma_start3A_584 = tpu.memref_slice %arg7[%add3A_576] : memref<1048576xf32, #tpu.memory_space<vmem_shared>> -> memref<1024xf32, #tpu.memory_space<vmem_shared>>
      tpu.enqueue_dma source(%dma_start3A_584 : memref<1024xf32, #tpu.memory_space<vmem_shared>>) target(%dma_start3A_583 : memref<1024xf32, #tpu.memory_space<hbm>>) target_semaphore(%arg15 : memref<!tpu.dma_semaphore, #tpu.memory_space<semaphore_mem>>)
      %mul3A_585 = arith.constant 65536 : i32
      %mul3A_586 = arith.muli %arg1, %mul3A_585 : i32
      %add3A_587 = arith.constant 40960 : i32
      %add3A_588 = arith.addi %mul3A_586, %add3A_587 : i32
      %mul3A_589 = arith.constant 64 : i32
      %mul3A_590 = arith.muli %arg1, %mul3A_589 : i32
      %add3A_591 = arith.constant 40 : i32
      %add3A_592 = arith.addi %mul3A_590, %add3A_591 : i32
      %dma_start3A_593 = arith.constant 0 : i32
      %dma_start3A_594 = tpu.memref_slice %arg6[%add3A_15, %add3A_592, %dma_start3A_593] : memref<8x1024x1024xf32, #tpu.memory_space<hbm>> -> memref<1x1x1024xf32, #tpu.memory_space<hbm>>
      %dma_start3A_595 = tpu.memref_squeeze %dma_start3A_594 : memref<1x1x1024xf32, #tpu.memory_space<hbm>> -> memref<1024xf32, #tpu.memory_space<hbm>>
      %dma_start3A_596 = tpu.memref_slice %arg7[%add3A_588] : memref<1048576xf32, #tpu.memory_space<vmem_shared>> -> memref<1024xf32, #tpu.memory_space<vmem_shared>>
      tpu.enqueue_dma source(%dma_start3A_596 : memref<1024xf32, #tpu.memory_space<vmem_shared>>) target(%dma_start3A_595 : memref<1024xf32, #tpu.memory_space<hbm>>) target_semaphore(%arg15 : memref<!tpu.dma_semaphore, #tpu.memory_space<semaphore_mem>>)
      %mul3A_597 = arith.constant 65536 : i32
      %mul3A_598 = arith.muli %arg1, %mul3A_597 : i32
      %add3A_599 = arith.constant 41984 : i32
      %add3A_600 = arith.addi %mul3A_598, %add3A_599 : i32
      %mul3A_601 = arith.constant 64 : i32
      %mul3A_602 = arith.muli %arg1, %mul3A_601 : i32
      %add3A_603 = arith.constant 41 : i32
      %add3A_604 = arith.addi %mul3A_602, %add3A_603 : i32
      %dma_start3A_605 = arith.constant 0 : i32
      %dma_start3A_606 = tpu.memref_slice %arg6[%add3A_15, %add3A_604, %dma_start3A_605] : memref<8x1024x1024xf32, #tpu.memory_space<hbm>> -> memref<1x1x1024xf32, #tpu.memory_space<hbm>>
      %dma_start3A_607 = tpu.memref_squeeze %dma_start3A_606 : memref<1x1x1024xf32, #tpu.memory_space<hbm>> -> memref<1024xf32, #tpu.memory_space<hbm>>
      %dma_start3A_608 = tpu.memref_slice %arg7[%add3A_600] : memref<1048576xf32, #tpu.memory_space<vmem_shared>> -> memref<1024xf32, #tpu.memory_space<vmem_shared>>
      tpu.enqueue_dma source(%dma_start3A_608 : memref<1024xf32, #tpu.memory_space<vmem_shared>>) target(%dma_start3A_607 : memref<1024xf32, #tpu.memory_space<hbm>>) target_semaphore(%arg15 : memref<!tpu.dma_semaphore, #tpu.memory_space<semaphore_mem>>)
      %mul3A_609 = arith.constant 65536 : i32
      %mul3A_610 = arith.muli %arg1, %mul3A_609 : i32
      %add3A_611 = arith.constant 43008 : i32
      %add3A_612 = arith.addi %mul3A_610, %add3A_611 : i32
      %mul3A_613 = arith.constant 64 : i32
      %mul3A_614 = arith.muli %arg1, %mul3A_613 : i32
      %add3A_615 = arith.constant 42 : i32
      %add3A_616 = arith.addi %mul3A_614, %add3A_615 : i32
      %dma_start3A_617 = arith.constant 0 : i32
      %dma_start3A_618 = tpu.memref_slice %arg6[%add3A_15, %add3A_616, %dma_start3A_617] : memref<8x1024x1024xf32, #tpu.memory_space<hbm>> -> memref<1x1x1024xf32, #tpu.memory_space<hbm>>
      %dma_start3A_619 = tpu.memref_squeeze %dma_start3A_618 : memref<1x1x1024xf32, #tpu.memory_space<hbm>> -> memref<1024xf32, #tpu.memory_space<hbm>>
      %dma_start3A_620 = tpu.memref_slice %arg7[%add3A_612] : memref<1048576xf32, #tpu.memory_space<vmem_shared>> -> memref<1024xf32, #tpu.memory_space<vmem_shared>>
      tpu.enqueue_dma source(%dma_start3A_620 : memref<1024xf32, #tpu.memory_space<vmem_shared>>) target(%dma_start3A_619 : memref<1024xf32, #tpu.memory_space<hbm>>) target_semaphore(%arg15 : memref<!tpu.dma_semaphore, #tpu.memory_space<semaphore_mem>>)
      %mul3A_621 = arith.constant 65536 : i32
      %mul3A_622 = arith.muli %arg1, %mul3A_621 : i32
      %add3A_623 = arith.constant 44032 : i32
      %add3A_624 = arith.addi %mul3A_622, %add3A_623 : i32
      %mul3A_625 = arith.constant 64 : i32
      %mul3A_626 = arith.muli %arg1, %mul3A_625 : i32
      %add3A_627 = arith.constant 43 : i32
      %add3A_628 = arith.addi %mul3A_626, %add3A_627 : i32
      %dma_start3A_629 = arith.constant 0 : i32
      %dma_start3A_630 = tpu.memref_slice %arg6[%add3A_15, %add3A_628, %dma_start3A_629] : memref<8x1024x1024xf32, #tpu.memory_space<hbm>> -> memref<1x1x1024xf32, #tpu.memory_space<hbm>>
      %dma_start3A_631 = tpu.memref_squeeze %dma_start3A_630 : memref<1x1x1024xf32, #tpu.memory_space<hbm>> -> memref<1024xf32, #tpu.memory_space<hbm>>
      %dma_start3A_632 = tpu.memref_slice %arg7[%add3A_624] : memref<1048576xf32, #tpu.memory_space<vmem_shared>> -> memref<1024xf32, #tpu.memory_space<vmem_shared>>
      tpu.enqueue_dma source(%dma_start3A_632 : memref<1024xf32, #tpu.memory_space<vmem_shared>>) target(%dma_start3A_631 : memref<1024xf32, #tpu.memory_space<hbm>>) target_semaphore(%arg15 : memref<!tpu.dma_semaphore, #tpu.memory_space<semaphore_mem>>)
      %mul3A_633 = arith.constant 65536 : i32
      %mul3A_634 = arith.muli %arg1, %mul3A_633 : i32
      %add3A_635 = arith.constant 45056 : i32
      %add3A_636 = arith.addi %mul3A_634, %add3A_635 : i32
      %mul3A_637 = arith.constant 64 : i32
      %mul3A_638 = arith.muli %arg1, %mul3A_637 : i32
      %add3A_639 = arith.constant 44 : i32
      %add3A_640 = arith.addi %mul3A_638, %add3A_639 : i32
      %dma_start3A_641 = arith.constant 0 : i32
      %dma_start3A_642 = tpu.memref_slice %arg6[%add3A_15, %add3A_640, %dma_start3A_641] : memref<8x1024x1024xf32, #tpu.memory_space<hbm>> -> memref<1x1x1024xf32, #tpu.memory_space<hbm>>
      %dma_start3A_643 = tpu.memref_squeeze %dma_start3A_642 : memref<1x1x1024xf32, #tpu.memory_space<hbm>> -> memref<1024xf32, #tpu.memory_space<hbm>>
      %dma_start3A_644 = tpu.memref_slice %arg7[%add3A_636] : memref<1048576xf32, #tpu.memory_space<vmem_shared>> -> memref<1024xf32, #tpu.memory_space<vmem_shared>>
      tpu.enqueue_dma source(%dma_start3A_644 : memref<1024xf32, #tpu.memory_space<vmem_shared>>) target(%dma_start3A_643 : memref<1024xf32, #tpu.memory_space<hbm>>) target_semaphore(%arg15 : memref<!tpu.dma_semaphore, #tpu.memory_space<semaphore_mem>>)
      %mul3A_645 = arith.constant 65536 : i32
      %mul3A_646 = arith.muli %arg1, %mul3A_645 : i32
      %add3A_647 = arith.constant 46080 : i32
      %add3A_648 = arith.addi %mul3A_646, %add3A_647 : i32
      %mul3A_649 = arith.constant 64 : i32
      %mul3A_650 = arith.muli %arg1, %mul3A_649 : i32
      %add3A_651 = arith.constant 45 : i32
      %add3A_652 = arith.addi %mul3A_650, %add3A_651 : i32
      %dma_start3A_653 = arith.constant 0 : i32
      %dma_start3A_654 = tpu.memref_slice %arg6[%add3A_15, %add3A_652, %dma_start3A_653] : memref<8x1024x1024xf32, #tpu.memory_space<hbm>> -> memref<1x1x1024xf32, #tpu.memory_space<hbm>>
      %dma_start3A_655 = tpu.memref_squeeze %dma_start3A_654 : memref<1x1x1024xf32, #tpu.memory_space<hbm>> -> memref<1024xf32, #tpu.memory_space<hbm>>
      %dma_start3A_656 = tpu.memref_slice %arg7[%add3A_648] : memref<1048576xf32, #tpu.memory_space<vmem_shared>> -> memref<1024xf32, #tpu.memory_space<vmem_shared>>
      tpu.enqueue_dma source(%dma_start3A_656 : memref<1024xf32, #tpu.memory_space<vmem_shared>>) target(%dma_start3A_655 : memref<1024xf32, #tpu.memory_space<hbm>>) target_semaphore(%arg15 : memref<!tpu.dma_semaphore, #tpu.memory_space<semaphore_mem>>)
      %mul3A_657 = arith.constant 65536 : i32
      %mul3A_658 = arith.muli %arg1, %mul3A_657 : i32
      %add3A_659 = arith.constant 47104 : i32
      %add3A_660 = arith.addi %mul3A_658, %add3A_659 : i32
      %mul3A_661 = arith.constant 64 : i32
      %mul3A_662 = arith.muli %arg1, %mul3A_661 : i32
      %add3A_663 = arith.constant 46 : i32
      %add3A_664 = arith.addi %mul3A_662, %add3A_663 : i32
      %dma_start3A_665 = arith.constant 0 : i32
      %dma_start3A_666 = tpu.memref_slice %arg6[%add3A_15, %add3A_664, %dma_start3A_665] : memref<8x1024x1024xf32, #tpu.memory_space<hbm>> -> memref<1x1x1024xf32, #tpu.memory_space<hbm>>
      %dma_start3A_667 = tpu.memref_squeeze %dma_start3A_666 : memref<1x1x1024xf32, #tpu.memory_space<hbm>> -> memref<1024xf32, #tpu.memory_space<hbm>>
      %dma_start3A_668 = tpu.memref_slice %arg7[%add3A_660] : memref<1048576xf32, #tpu.memory_space<vmem_shared>> -> memref<1024xf32, #tpu.memory_space<vmem_shared>>
      tpu.enqueue_dma source(%dma_start3A_668 : memref<1024xf32, #tpu.memory_space<vmem_shared>>) target(%dma_start3A_667 : memref<1024xf32, #tpu.memory_space<hbm>>) target_semaphore(%arg15 : memref<!tpu.dma_semaphore, #tpu.memory_space<semaphore_mem>>)
      %mul3A_669 = arith.constant 65536 : i32
      %mul3A_670 = arith.muli %arg1, %mul3A_669 : i32
      %add3A_671 = arith.constant 48128 : i32
      %add3A_672 = arith.addi %mul3A_670, %add3A_671 : i32
      %mul3A_673 = arith.constant 64 : i32
      %mul3A_674 = arith.muli %arg1, %mul3A_673 : i32
      %add3A_675 = arith.constant 47 : i32
      %add3A_676 = arith.addi %mul3A_674, %add3A_675 : i32
      %dma_start3A_677 = arith.constant 0 : i32
      %dma_start3A_678 = tpu.memref_slice %arg6[%add3A_15, %add3A_676, %dma_start3A_677] : memref<8x1024x1024xf32, #tpu.memory_space<hbm>> -> memref<1x1x1024xf32, #tpu.memory_space<hbm>>
      %dma_start3A_679 = tpu.memref_squeeze %dma_start3A_678 : memref<1x1x1024xf32, #tpu.memory_space<hbm>> -> memref<1024xf32, #tpu.memory_space<hbm>>
      %dma_start3A_680 = tpu.memref_slice %arg7[%add3A_672] : memref<1048576xf32, #tpu.memory_space<vmem_shared>> -> memref<1024xf32, #tpu.memory_space<vmem_shared>>
      tpu.enqueue_dma source(%dma_start3A_680 : memref<1024xf32, #tpu.memory_space<vmem_shared>>) target(%dma_start3A_679 : memref<1024xf32, #tpu.memory_space<hbm>>) target_semaphore(%arg15 : memref<!tpu.dma_semaphore, #tpu.memory_space<semaphore_mem>>)
      %mul3A_681 = arith.constant 65536 : i32
      %mul3A_682 = arith.muli %arg1, %mul3A_681 : i32
      %add3A_683 = arith.constant 49152 : i32
      %add3A_684 = arith.addi %mul3A_682, %add3A_683 : i32
      %mul3A_685 = arith.constant 64 : i32
      %mul3A_686 = arith.muli %arg1, %mul3A_685 : i32
      %add3A_687 = arith.constant 48 : i32
      %add3A_688 = arith.addi %mul3A_686, %add3A_687 : i32
      %dma_start3A_689 = arith.constant 0 : i32
      %dma_start3A_690 = tpu.memref_slice %arg6[%add3A_15, %add3A_688, %dma_start3A_689] : memref<8x1024x1024xf32, #tpu.memory_space<hbm>> -> memref<1x1x1024xf32, #tpu.memory_space<hbm>>
      %dma_start3A_691 = tpu.memref_squeeze %dma_start3A_690 : memref<1x1x1024xf32, #tpu.memory_space<hbm>> -> memref<1024xf32, #tpu.memory_space<hbm>>
      %dma_start3A_692 = tpu.memref_slice %arg7[%add3A_684] : memref<1048576xf32, #tpu.memory_space<vmem_shared>> -> memref<1024xf32, #tpu.memory_space<vmem_shared>>
      tpu.enqueue_dma source(%dma_start3A_692 : memref<1024xf32, #tpu.memory_space<vmem_shared>>) target(%dma_start3A_691 : memref<1024xf32, #tpu.memory_space<hbm>>) target_semaphore(%arg15 : memref<!tpu.dma_semaphore, #tpu.memory_space<semaphore_mem>>)
      %mul3A_693 = arith.constant 65536 : i32
      %mul3A_694 = arith.muli %arg1, %mul3A_693 : i32
      %add3A_695 = arith.constant 50176 : i32
      %add3A_696 = arith.addi %mul3A_694, %add3A_695 : i32
      %mul3A_697 = arith.constant 64 : i32
      %mul3A_698 = arith.muli %arg1, %mul3A_697 : i32
      %add3A_699 = arith.constant 49 : i32
      %add3A_700 = arith.addi %mul3A_698, %add3A_699 : i32
      %dma_start3A_701 = arith.constant 0 : i32
      %dma_start3A_702 = tpu.memref_slice %arg6[%add3A_15, %add3A_700, %dma_start3A_701] : memref<8x1024x1024xf32, #tpu.memory_space<hbm>> -> memref<1x1x1024xf32, #tpu.memory_space<hbm>>
      %dma_start3A_703 = tpu.memref_squeeze %dma_start3A_702 : memref<1x1x1024xf32, #tpu.memory_space<hbm>> -> memref<1024xf32, #tpu.memory_space<hbm>>
      %dma_start3A_704 = tpu.memref_slice %arg7[%add3A_696] : memref<1048576xf32, #tpu.memory_space<vmem_shared>> -> memref<1024xf32, #tpu.memory_space<vmem_shared>>
      tpu.enqueue_dma source(%dma_start3A_704 : memref<1024xf32, #tpu.memory_space<vmem_shared>>) target(%dma_start3A_703 : memref<1024xf32, #tpu.memory_space<hbm>>) target_semaphore(%arg15 : memref<!tpu.dma_semaphore, #tpu.memory_space<semaphore_mem>>)
      %mul3A_705 = arith.constant 65536 : i32
      %mul3A_706 = arith.muli %arg1, %mul3A_705 : i32
      %add3A_707 = arith.constant 51200 : i32
      %add3A_708 = arith.addi %mul3A_706, %add3A_707 : i32
      %mul3A_709 = arith.constant 64 : i32
      %mul3A_710 = arith.muli %arg1, %mul3A_709 : i32
      %add3A_711 = arith.constant 50 : i32
      %add3A_712 = arith.addi %mul3A_710, %add3A_711 : i32
      %dma_start3A_713 = arith.constant 0 : i32
      %dma_start3A_714 = tpu.memref_slice %arg6[%add3A_15, %add3A_712, %dma_start3A_713] : memref<8x1024x1024xf32, #tpu.memory_space<hbm>> -> memref<1x1x1024xf32, #tpu.memory_space<hbm>>
      %dma_start3A_715 = tpu.memref_squeeze %dma_start3A_714 : memref<1x1x1024xf32, #tpu.memory_space<hbm>> -> memref<1024xf32, #tpu.memory_space<hbm>>
      %dma_start3A_716 = tpu.memref_slice %arg7[%add3A_708] : memref<1048576xf32, #tpu.memory_space<vmem_shared>> -> memref<1024xf32, #tpu.memory_space<vmem_shared>>
      tpu.enqueue_dma source(%dma_start3A_716 : memref<1024xf32, #tpu.memory_space<vmem_shared>>) target(%dma_start3A_715 : memref<1024xf32, #tpu.memory_space<hbm>>) target_semaphore(%arg15 : memref<!tpu.dma_semaphore, #tpu.memory_space<semaphore_mem>>)
      %mul3A_717 = arith.constant 65536 : i32
      %mul3A_718 = arith.muli %arg1, %mul3A_717 : i32
      %add3A_719 = arith.constant 52224 : i32
      %add3A_720 = arith.addi %mul3A_718, %add3A_719 : i32
      %mul3A_721 = arith.constant 64 : i32
      %mul3A_722 = arith.muli %arg1, %mul3A_721 : i32
      %add3A_723 = arith.constant 51 : i32
      %add3A_724 = arith.addi %mul3A_722, %add3A_723 : i32
      %dma_start3A_725 = arith.constant 0 : i32
      %dma_start3A_726 = tpu.memref_slice %arg6[%add3A_15, %add3A_724, %dma_start3A_725] : memref<8x1024x1024xf32, #tpu.memory_space<hbm>> -> memref<1x1x1024xf32, #tpu.memory_space<hbm>>
      %dma_start3A_727 = tpu.memref_squeeze %dma_start3A_726 : memref<1x1x1024xf32, #tpu.memory_space<hbm>> -> memref<1024xf32, #tpu.memory_space<hbm>>
      %dma_start3A_728 = tpu.memref_slice %arg7[%add3A_720] : memref<1048576xf32, #tpu.memory_space<vmem_shared>> -> memref<1024xf32, #tpu.memory_space<vmem_shared>>
      tpu.enqueue_dma source(%dma_start3A_728 : memref<1024xf32, #tpu.memory_space<vmem_shared>>) target(%dma_start3A_727 : memref<1024xf32, #tpu.memory_space<hbm>>) target_semaphore(%arg15 : memref<!tpu.dma_semaphore, #tpu.memory_space<semaphore_mem>>)
      %mul3A_729 = arith.constant 65536 : i32
      %mul3A_730 = arith.muli %arg1, %mul3A_729 : i32
      %add3A_731 = arith.constant 53248 : i32
      %add3A_732 = arith.addi %mul3A_730, %add3A_731 : i32
      %mul3A_733 = arith.constant 64 : i32
      %mul3A_734 = arith.muli %arg1, %mul3A_733 : i32
      %add3A_735 = arith.constant 52 : i32
      %add3A_736 = arith.addi %mul3A_734, %add3A_735 : i32
      %dma_start3A_737 = arith.constant 0 : i32
      %dma_start3A_738 = tpu.memref_slice %arg6[%add3A_15, %add3A_736, %dma_start3A_737] : memref<8x1024x1024xf32, #tpu.memory_space<hbm>> -> memref<1x1x1024xf32, #tpu.memory_space<hbm>>
      %dma_start3A_739 = tpu.memref_squeeze %dma_start3A_738 : memref<1x1x1024xf32, #tpu.memory_space<hbm>> -> memref<1024xf32, #tpu.memory_space<hbm>>
      %dma_start3A_740 = tpu.memref_slice %arg7[%add3A_732] : memref<1048576xf32, #tpu.memory_space<vmem_shared>> -> memref<1024xf32, #tpu.memory_space<vmem_shared>>
      tpu.enqueue_dma source(%dma_start3A_740 : memref<1024xf32, #tpu.memory_space<vmem_shared>>) target(%dma_start3A_739 : memref<1024xf32, #tpu.memory_space<hbm>>) target_semaphore(%arg15 : memref<!tpu.dma_semaphore, #tpu.memory_space<semaphore_mem>>)
      %mul3A_741 = arith.constant 65536 : i32
      %mul3A_742 = arith.muli %arg1, %mul3A_741 : i32
      %add3A_743 = arith.constant 54272 : i32
      %add3A_744 = arith.addi %mul3A_742, %add3A_743 : i32
      %mul3A_745 = arith.constant 64 : i32
      %mul3A_746 = arith.muli %arg1, %mul3A_745 : i32
      %add3A_747 = arith.constant 53 : i32
      %add3A_748 = arith.addi %mul3A_746, %add3A_747 : i32
      %dma_start3A_749 = arith.constant 0 : i32
      %dma_start3A_750 = tpu.memref_slice %arg6[%add3A_15, %add3A_748, %dma_start3A_749] : memref<8x1024x1024xf32, #tpu.memory_space<hbm>> -> memref<1x1x1024xf32, #tpu.memory_space<hbm>>
      %dma_start3A_751 = tpu.memref_squeeze %dma_start3A_750 : memref<1x1x1024xf32, #tpu.memory_space<hbm>> -> memref<1024xf32, #tpu.memory_space<hbm>>
      %dma_start3A_752 = tpu.memref_slice %arg7[%add3A_744] : memref<1048576xf32, #tpu.memory_space<vmem_shared>> -> memref<1024xf32, #tpu.memory_space<vmem_shared>>
      tpu.enqueue_dma source(%dma_start3A_752 : memref<1024xf32, #tpu.memory_space<vmem_shared>>) target(%dma_start3A_751 : memref<1024xf32, #tpu.memory_space<hbm>>) target_semaphore(%arg15 : memref<!tpu.dma_semaphore, #tpu.memory_space<semaphore_mem>>)
      %mul3A_753 = arith.constant 65536 : i32
      %mul3A_754 = arith.muli %arg1, %mul3A_753 : i32
      %add3A_755 = arith.constant 55296 : i32
      %add3A_756 = arith.addi %mul3A_754, %add3A_755 : i32
      %mul3A_757 = arith.constant 64 : i32
      %mul3A_758 = arith.muli %arg1, %mul3A_757 : i32
      %add3A_759 = arith.constant 54 : i32
      %add3A_760 = arith.addi %mul3A_758, %add3A_759 : i32
      %dma_start3A_761 = arith.constant 0 : i32
      %dma_start3A_762 = tpu.memref_slice %arg6[%add3A_15, %add3A_760, %dma_start3A_761] : memref<8x1024x1024xf32, #tpu.memory_space<hbm>> -> memref<1x1x1024xf32, #tpu.memory_space<hbm>>
      %dma_start3A_763 = tpu.memref_squeeze %dma_start3A_762 : memref<1x1x1024xf32, #tpu.memory_space<hbm>> -> memref<1024xf32, #tpu.memory_space<hbm>>
      %dma_start3A_764 = tpu.memref_slice %arg7[%add3A_756] : memref<1048576xf32, #tpu.memory_space<vmem_shared>> -> memref<1024xf32, #tpu.memory_space<vmem_shared>>
      tpu.enqueue_dma source(%dma_start3A_764 : memref<1024xf32, #tpu.memory_space<vmem_shared>>) target(%dma_start3A_763 : memref<1024xf32, #tpu.memory_space<hbm>>) target_semaphore(%arg15 : memref<!tpu.dma_semaphore, #tpu.memory_space<semaphore_mem>>)
      %mul3A_765 = arith.constant 65536 : i32
      %mul3A_766 = arith.muli %arg1, %mul3A_765 : i32
      %add3A_767 = arith.constant 56320 : i32
      %add3A_768 = arith.addi %mul3A_766, %add3A_767 : i32
      %mul3A_769 = arith.constant 64 : i32
      %mul3A_770 = arith.muli %arg1, %mul3A_769 : i32
      %add3A_771 = arith.constant 55 : i32
      %add3A_772 = arith.addi %mul3A_770, %add3A_771 : i32
      %dma_start3A_773 = arith.constant 0 : i32
      %dma_start3A_774 = tpu.memref_slice %arg6[%add3A_15, %add3A_772, %dma_start3A_773] : memref<8x1024x1024xf32, #tpu.memory_space<hbm>> -> memref<1x1x1024xf32, #tpu.memory_space<hbm>>
      %dma_start3A_775 = tpu.memref_squeeze %dma_start3A_774 : memref<1x1x1024xf32, #tpu.memory_space<hbm>> -> memref<1024xf32, #tpu.memory_space<hbm>>
      %dma_start3A_776 = tpu.memref_slice %arg7[%add3A_768] : memref<1048576xf32, #tpu.memory_space<vmem_shared>> -> memref<1024xf32, #tpu.memory_space<vmem_shared>>
      tpu.enqueue_dma source(%dma_start3A_776 : memref<1024xf32, #tpu.memory_space<vmem_shared>>) target(%dma_start3A_775 : memref<1024xf32, #tpu.memory_space<hbm>>) target_semaphore(%arg15 : memref<!tpu.dma_semaphore, #tpu.memory_space<semaphore_mem>>)
      %mul3A_777 = arith.constant 65536 : i32
      %mul3A_778 = arith.muli %arg1, %mul3A_777 : i32
      %add3A_779 = arith.constant 57344 : i32
      %add3A_780 = arith.addi %mul3A_778, %add3A_779 : i32
      %mul3A_781 = arith.constant 64 : i32
      %mul3A_782 = arith.muli %arg1, %mul3A_781 : i32
      %add3A_783 = arith.constant 56 : i32
      %add3A_784 = arith.addi %mul3A_782, %add3A_783 : i32
      %dma_start3A_785 = arith.constant 0 : i32
      %dma_start3A_786 = tpu.memref_slice %arg6[%add3A_15, %add3A_784, %dma_start3A_785] : memref<8x1024x1024xf32, #tpu.memory_space<hbm>> -> memref<1x1x1024xf32, #tpu.memory_space<hbm>>
      %dma_start3A_787 = tpu.memref_squeeze %dma_start3A_786 : memref<1x1x1024xf32, #tpu.memory_space<hbm>> -> memref<1024xf32, #tpu.memory_space<hbm>>
      %dma_start3A_788 = tpu.memref_slice %arg7[%add3A_780] : memref<1048576xf32, #tpu.memory_space<vmem_shared>> -> memref<1024xf32, #tpu.memory_space<vmem_shared>>
      tpu.enqueue_dma source(%dma_start3A_788 : memref<1024xf32, #tpu.memory_space<vmem_shared>>) target(%dma_start3A_787 : memref<1024xf32, #tpu.memory_space<hbm>>) target_semaphore(%arg15 : memref<!tpu.dma_semaphore, #tpu.memory_space<semaphore_mem>>)
      %mul3A_789 = arith.constant 65536 : i32
      %mul3A_790 = arith.muli %arg1, %mul3A_789 : i32
      %add3A_791 = arith.constant 58368 : i32
      %add3A_792 = arith.addi %mul3A_790, %add3A_791 : i32
      %mul3A_793 = arith.constant 64 : i32
      %mul3A_794 = arith.muli %arg1, %mul3A_793 : i32
      %add3A_795 = arith.constant 57 : i32
      %add3A_796 = arith.addi %mul3A_794, %add3A_795 : i32
      %dma_start3A_797 = arith.constant 0 : i32
      %dma_start3A_798 = tpu.memref_slice %arg6[%add3A_15, %add3A_796, %dma_start3A_797] : memref<8x1024x1024xf32, #tpu.memory_space<hbm>> -> memref<1x1x1024xf32, #tpu.memory_space<hbm>>
      %dma_start3A_799 = tpu.memref_squeeze %dma_start3A_798 : memref<1x1x1024xf32, #tpu.memory_space<hbm>> -> memref<1024xf32, #tpu.memory_space<hbm>>
      %dma_start3A_800 = tpu.memref_slice %arg7[%add3A_792] : memref<1048576xf32, #tpu.memory_space<vmem_shared>> -> memref<1024xf32, #tpu.memory_space<vmem_shared>>
      tpu.enqueue_dma source(%dma_start3A_800 : memref<1024xf32, #tpu.memory_space<vmem_shared>>) target(%dma_start3A_799 : memref<1024xf32, #tpu.memory_space<hbm>>) target_semaphore(%arg15 : memref<!tpu.dma_semaphore, #tpu.memory_space<semaphore_mem>>)
      %mul3A_801 = arith.constant 65536 : i32
      %mul3A_802 = arith.muli %arg1, %mul3A_801 : i32
      %add3A_803 = arith.constant 59392 : i32
      %add3A_804 = arith.addi %mul3A_802, %add3A_803 : i32
      %mul3A_805 = arith.constant 64 : i32
      %mul3A_806 = arith.muli %arg1, %mul3A_805 : i32
      %add3A_807 = arith.constant 58 : i32
      %add3A_808 = arith.addi %mul3A_806, %add3A_807 : i32
      %dma_start3A_809 = arith.constant 0 : i32
      %dma_start3A_810 = tpu.memref_slice %arg6[%add3A_15, %add3A_808, %dma_start3A_809] : memref<8x1024x1024xf32, #tpu.memory_space<hbm>> -> memref<1x1x1024xf32, #tpu.memory_space<hbm>>
      %dma_start3A_811 = tpu.memref_squeeze %dma_start3A_810 : memref<1x1x1024xf32, #tpu.memory_space<hbm>> -> memref<1024xf32, #tpu.memory_space<hbm>>
      %dma_start3A_812 = tpu.memref_slice %arg7[%add3A_804] : memref<1048576xf32, #tpu.memory_space<vmem_shared>> -> memref<1024xf32, #tpu.memory_space<vmem_shared>>
      tpu.enqueue_dma source(%dma_start3A_812 : memref<1024xf32, #tpu.memory_space<vmem_shared>>) target(%dma_start3A_811 : memref<1024xf32, #tpu.memory_space<hbm>>) target_semaphore(%arg15 : memref<!tpu.dma_semaphore, #tpu.memory_space<semaphore_mem>>)
      %mul3A_813 = arith.constant 65536 : i32
      %mul3A_814 = arith.muli %arg1, %mul3A_813 : i32
      %add3A_815 = arith.constant 60416 : i32
      %add3A_816 = arith.addi %mul3A_814, %add3A_815 : i32
      %mul3A_817 = arith.constant 64 : i32
      %mul3A_818 = arith.muli %arg1, %mul3A_817 : i32
      %add3A_819 = arith.constant 59 : i32
      %add3A_820 = arith.addi %mul3A_818, %add3A_819 : i32
      %dma_start3A_821 = arith.constant 0 : i32
      %dma_start3A_822 = tpu.memref_slice %arg6[%add3A_15, %add3A_820, %dma_start3A_821] : memref<8x1024x1024xf32, #tpu.memory_space<hbm>> -> memref<1x1x1024xf32, #tpu.memory_space<hbm>>
      %dma_start3A_823 = tpu.memref_squeeze %dma_start3A_822 : memref<1x1x1024xf32, #tpu.memory_space<hbm>> -> memref<1024xf32, #tpu.memory_space<hbm>>
      %dma_start3A_824 = tpu.memref_slice %arg7[%add3A_816] : memref<1048576xf32, #tpu.memory_space<vmem_shared>> -> memref<1024xf32, #tpu.memory_space<vmem_shared>>
      tpu.enqueue_dma source(%dma_start3A_824 : memref<1024xf32, #tpu.memory_space<vmem_shared>>) target(%dma_start3A_823 : memref<1024xf32, #tpu.memory_space<hbm>>) target_semaphore(%arg15 : memref<!tpu.dma_semaphore, #tpu.memory_space<semaphore_mem>>)
      %mul3A_825 = arith.constant 65536 : i32
      %mul3A_826 = arith.muli %arg1, %mul3A_825 : i32
      %add3A_827 = arith.constant 61440 : i32
      %add3A_828 = arith.addi %mul3A_826, %add3A_827 : i32
      %mul3A_829 = arith.constant 64 : i32
      %mul3A_830 = arith.muli %arg1, %mul3A_829 : i32
      %add3A_831 = arith.constant 60 : i32
      %add3A_832 = arith.addi %mul3A_830, %add3A_831 : i32
      %dma_start3A_833 = arith.constant 0 : i32
      %dma_start3A_834 = tpu.memref_slice %arg6[%add3A_15, %add3A_832, %dma_start3A_833] : memref<8x1024x1024xf32, #tpu.memory_space<hbm>> -> memref<1x1x1024xf32, #tpu.memory_space<hbm>>
      %dma_start3A_835 = tpu.memref_squeeze %dma_start3A_834 : memref<1x1x1024xf32, #tpu.memory_space<hbm>> -> memref<1024xf32, #tpu.memory_space<hbm>>
      %dma_start3A_836 = tpu.memref_slice %arg7[%add3A_828] : memref<1048576xf32, #tpu.memory_space<vmem_shared>> -> memref<1024xf32, #tpu.memory_space<vmem_shared>>
      tpu.enqueue_dma source(%dma_start3A_836 : memref<1024xf32, #tpu.memory_space<vmem_shared>>) target(%dma_start3A_835 : memref<1024xf32, #tpu.memory_space<hbm>>) target_semaphore(%arg15 : memref<!tpu.dma_semaphore, #tpu.memory_space<semaphore_mem>>)
      %mul3A_837 = arith.constant 65536 : i32
      %mul3A_838 = arith.muli %arg1, %mul3A_837 : i32
      %add3A_839 = arith.constant 62464 : i32
      %add3A_840 = arith.addi %mul3A_838, %add3A_839 : i32
      %mul3A_841 = arith.constant 64 : i32
      %mul3A_842 = arith.muli %arg1, %mul3A_841 : i32
      %add3A_843 = arith.constant 61 : i32
      %add3A_844 = arith.addi %mul3A_842, %add3A_843 : i32
      %dma_start3A_845 = arith.constant 0 : i32
      %dma_start3A_846 = tpu.memref_slice %arg6[%add3A_15, %add3A_844, %dma_start3A_845] : memref<8x1024x1024xf32, #tpu.memory_space<hbm>> -> memref<1x1x1024xf32, #tpu.memory_space<hbm>>
      %dma_start3A_847 = tpu.memref_squeeze %dma_start3A_846 : memref<1x1x1024xf32, #tpu.memory_space<hbm>> -> memref<1024xf32, #tpu.memory_space<hbm>>
      %dma_start3A_848 = tpu.memref_slice %arg7[%add3A_840] : memref<1048576xf32, #tpu.memory_space<vmem_shared>> -> memref<1024xf32, #tpu.memory_space<vmem_shared>>
      tpu.enqueue_dma source(%dma_start3A_848 : memref<1024xf32, #tpu.memory_space<vmem_shared>>) target(%dma_start3A_847 : memref<1024xf32, #tpu.memory_space<hbm>>) target_semaphore(%arg15 : memref<!tpu.dma_semaphore, #tpu.memory_space<semaphore_mem>>)
      %mul3A_849 = arith.constant 65536 : i32
      %mul3A_850 = arith.muli %arg1, %mul3A_849 : i32
      %add3A_851 = arith.constant 63488 : i32
      %add3A_852 = arith.addi %mul3A_850, %add3A_851 : i32
      %mul3A_853 = arith.constant 64 : i32
      %mul3A_854 = arith.muli %arg1, %mul3A_853 : i32
      %add3A_855 = arith.constant 62 : i32
      %add3A_856 = arith.addi %mul3A_854, %add3A_855 : i32
      %dma_start3A_857 = arith.constant 0 : i32
      %dma_start3A_858 = tpu.memref_slice %arg6[%add3A_15, %add3A_856, %dma_start3A_857] : memref<8x1024x1024xf32, #tpu.memory_space<hbm>> -> memref<1x1x1024xf32, #tpu.memory_space<hbm>>
      %dma_start3A_859 = tpu.memref_squeeze %dma_start3A_858 : memref<1x1x1024xf32, #tpu.memory_space<hbm>> -> memref<1024xf32, #tpu.memory_space<hbm>>
      %dma_start3A_860 = tpu.memref_slice %arg7[%add3A_852] : memref<1048576xf32, #tpu.memory_space<vmem_shared>> -> memref<1024xf32, #tpu.memory_space<vmem_shared>>
      tpu.enqueue_dma source(%dma_start3A_860 : memref<1024xf32, #tpu.memory_space<vmem_shared>>) target(%dma_start3A_859 : memref<1024xf32, #tpu.memory_space<hbm>>) target_semaphore(%arg15 : memref<!tpu.dma_semaphore, #tpu.memory_space<semaphore_mem>>)
      %mul3A_861 = arith.constant 65536 : i32
      %mul3A_862 = arith.muli %arg1, %mul3A_861 : i32
      %add3A_863 = arith.constant 64512 : i32
      %add3A_864 = arith.addi %mul3A_862, %add3A_863 : i32
      %mul3A_865 = arith.constant 64 : i32
      %mul3A_866 = arith.muli %arg1, %mul3A_865 : i32
      %add3A_867 = arith.constant 63 : i32
      %add3A_868 = arith.addi %mul3A_866, %add3A_867 : i32
      %dma_start3A_869 = arith.constant 0 : i32
      %dma_start3A_870 = tpu.memref_slice %arg6[%add3A_15, %add3A_868, %dma_start3A_869] : memref<8x1024x1024xf32, #tpu.memory_space<hbm>> -> memref<1x1x1024xf32, #tpu.memory_space<hbm>>
      %dma_start3A_871 = tpu.memref_squeeze %dma_start3A_870 : memref<1x1x1024xf32, #tpu.memory_space<hbm>> -> memref<1024xf32, #tpu.memory_space<hbm>>
      %dma_start3A_872 = tpu.memref_slice %arg7[%add3A_864] : memref<1048576xf32, #tpu.memory_space<vmem_shared>> -> memref<1024xf32, #tpu.memory_space<vmem_shared>>
      tpu.enqueue_dma source(%dma_start3A_872 : memref<1024xf32, #tpu.memory_space<vmem_shared>>) target(%dma_start3A_871 : memref<1024xf32, #tpu.memory_space<hbm>>) target_semaphore(%arg15 : memref<!tpu.dma_semaphore, #tpu.memory_space<semaphore_mem>>)
      %mul3A_873 = arith.constant 65536 : i32
      %mul3A_874 = arith.muli %arg1, %mul3A_873 : i32
      %add3A_875 = arith.constant 0 : i32
      %add3A_876 = arith.addi %mul3A_874, %add3A_875 : i32
      %mul3A_877 = arith.constant 64 : i32
      %mul3A_878 = arith.muli %arg1, %mul3A_877 : i32
      %add3A_879 = arith.constant 0 : i32
      %add3A_880 = arith.addi %mul3A_878, %add3A_879 : i32
      %dma_wait3A = arith.constant 0 : i32
      %dma_wait3A_881 = tpu.memref_slice %arg6[%add3A_15, %add3A_880, %dma_wait3A] : memref<8x1024x1024xf32, #tpu.memory_space<hbm>> -> memref<1x1x1024xf32, #tpu.memory_space<hbm>>
      %dma_wait3A_882 = tpu.memref_squeeze %dma_wait3A_881 : memref<1x1x1024xf32, #tpu.memory_space<hbm>> -> memref<1024xf32, #tpu.memory_space<hbm>>
      %dma_wait3A_883 = tpu.memref_slice %arg7[%add3A_876] : memref<1048576xf32, #tpu.memory_space<vmem_shared>> -> memref<1024xf32, #tpu.memory_space<vmem_shared>>
      tpu.wait_dma2 semaphore(%arg15 : memref<!tpu.dma_semaphore, #tpu.memory_space<semaphore_mem>>) src(%dma_wait3A_883 : memref<1024xf32, #tpu.memory_space<vmem_shared>>) dst(%dma_wait3A_882 : memref<1024xf32, #tpu.memory_space<hbm>>)
      %mul3A_884 = arith.constant 65536 : i32
      %mul3A_885 = arith.muli %arg1, %mul3A_884 : i32
      %add3A_886 = arith.constant 1024 : i32
      %add3A_887 = arith.addi %mul3A_885, %add3A_886 : i32
      %mul3A_888 = arith.constant 64 : i32
      %mul3A_889 = arith.muli %arg1, %mul3A_888 : i32
      %add3A_890 = arith.constant 1 : i32
      %add3A_891 = arith.addi %mul3A_889, %add3A_890 : i32
      %dma_wait3A_892 = arith.constant 0 : i32
      %dma_wait3A_893 = tpu.memref_slice %arg6[%add3A_15, %add3A_891, %dma_wait3A_892] : memref<8x1024x1024xf32, #tpu.memory_space<hbm>> -> memref<1x1x1024xf32, #tpu.memory_space<hbm>>
      %dma_wait3A_894 = tpu.memref_squeeze %dma_wait3A_893 : memref<1x1x1024xf32, #tpu.memory_space<hbm>> -> memref<1024xf32, #tpu.memory_space<hbm>>
      %dma_wait3A_895 = tpu.memref_slice %arg7[%add3A_887] : memref<1048576xf32, #tpu.memory_space<vmem_shared>> -> memref<1024xf32, #tpu.memory_space<vmem_shared>>
      tpu.wait_dma2 semaphore(%arg15 : memref<!tpu.dma_semaphore, #tpu.memory_space<semaphore_mem>>) src(%dma_wait3A_895 : memref<1024xf32, #tpu.memory_space<vmem_shared>>) dst(%dma_wait3A_894 : memref<1024xf32, #tpu.memory_space<hbm>>)
      %mul3A_896 = arith.constant 65536 : i32
      %mul3A_897 = arith.muli %arg1, %mul3A_896 : i32
      %add3A_898 = arith.constant 2048 : i32
      %add3A_899 = arith.addi %mul3A_897, %add3A_898 : i32
      %mul3A_900 = arith.constant 64 : i32
      %mul3A_901 = arith.muli %arg1, %mul3A_900 : i32
      %add3A_902 = arith.constant 2 : i32
      %add3A_903 = arith.addi %mul3A_901, %add3A_902 : i32
      %dma_wait3A_904 = arith.constant 0 : i32
      %dma_wait3A_905 = tpu.memref_slice %arg6[%add3A_15, %add3A_903, %dma_wait3A_904] : memref<8x1024x1024xf32, #tpu.memory_space<hbm>> -> memref<1x1x1024xf32, #tpu.memory_space<hbm>>
      %dma_wait3A_906 = tpu.memref_squeeze %dma_wait3A_905 : memref<1x1x1024xf32, #tpu.memory_space<hbm>> -> memref<1024xf32, #tpu.memory_space<hbm>>
      %dma_wait3A_907 = tpu.memref_slice %arg7[%add3A_899] : memref<1048576xf32, #tpu.memory_space<vmem_shared>> -> memref<1024xf32, #tpu.memory_space<vmem_shared>>
      tpu.wait_dma2 semaphore(%arg15 : memref<!tpu.dma_semaphore, #tpu.memory_space<semaphore_mem>>) src(%dma_wait3A_907 : memref<1024xf32, #tpu.memory_space<vmem_shared>>) dst(%dma_wait3A_906 : memref<1024xf32, #tpu.memory_space<hbm>>)
      %mul3A_908 = arith.constant 65536 : i32
      %mul3A_909 = arith.muli %arg1, %mul3A_908 : i32
      %add3A_910 = arith.constant 3072 : i32
      %add3A_911 = arith.addi %mul3A_909, %add3A_910 : i32
      %mul3A_912 = arith.constant 64 : i32
      %mul3A_913 = arith.muli %arg1, %mul3A_912 : i32
      %add3A_914 = arith.constant 3 : i32
      %add3A_915 = arith.addi %mul3A_913, %add3A_914 : i32
      %dma_wait3A_916 = arith.constant 0 : i32
      %dma_wait3A_917 = tpu.memref_slice %arg6[%add3A_15, %add3A_915, %dma_wait3A_916] : memref<8x1024x1024xf32, #tpu.memory_space<hbm>> -> memref<1x1x1024xf32, #tpu.memory_space<hbm>>
      %dma_wait3A_918 = tpu.memref_squeeze %dma_wait3A_917 : memref<1x1x1024xf32, #tpu.memory_space<hbm>> -> memref<1024xf32, #tpu.memory_space<hbm>>
      %dma_wait3A_919 = tpu.memref_slice %arg7[%add3A_911] : memref<1048576xf32, #tpu.memory_space<vmem_shared>> -> memref<1024xf32, #tpu.memory_space<vmem_shared>>
      tpu.wait_dma2 semaphore(%arg15 : memref<!tpu.dma_semaphore, #tpu.memory_space<semaphore_mem>>) src(%dma_wait3A_919 : memref<1024xf32, #tpu.memory_space<vmem_shared>>) dst(%dma_wait3A_918 : memref<1024xf32, #tpu.memory_space<hbm>>)
      %mul3A_920 = arith.constant 65536 : i32
      %mul3A_921 = arith.muli %arg1, %mul3A_920 : i32
      %add3A_922 = arith.constant 4096 : i32
      %add3A_923 = arith.addi %mul3A_921, %add3A_922 : i32
      %mul3A_924 = arith.constant 64 : i32
      %mul3A_925 = arith.muli %arg1, %mul3A_924 : i32
      %add3A_926 = arith.constant 4 : i32
      %add3A_927 = arith.addi %mul3A_925, %add3A_926 : i32
      %dma_wait3A_928 = arith.constant 0 : i32
      %dma_wait3A_929 = tpu.memref_slice %arg6[%add3A_15, %add3A_927, %dma_wait3A_928] : memref<8x1024x1024xf32, #tpu.memory_space<hbm>> -> memref<1x1x1024xf32, #tpu.memory_space<hbm>>
      %dma_wait3A_930 = tpu.memref_squeeze %dma_wait3A_929 : memref<1x1x1024xf32, #tpu.memory_space<hbm>> -> memref<1024xf32, #tpu.memory_space<hbm>>
      %dma_wait3A_931 = tpu.memref_slice %arg7[%add3A_923] : memref<1048576xf32, #tpu.memory_space<vmem_shared>> -> memref<1024xf32, #tpu.memory_space<vmem_shared>>
      tpu.wait_dma2 semaphore(%arg15 : memref<!tpu.dma_semaphore, #tpu.memory_space<semaphore_mem>>) src(%dma_wait3A_931 : memref<1024xf32, #tpu.memory_space<vmem_shared>>) dst(%dma_wait3A_930 : memref<1024xf32, #tpu.memory_space<hbm>>)
      %mul3A_932 = arith.constant 65536 : i32
      %mul3A_933 = arith.muli %arg1, %mul3A_932 : i32
      %add3A_934 = arith.constant 5120 : i32
      %add3A_935 = arith.addi %mul3A_933, %add3A_934 : i32
      %mul3A_936 = arith.constant 64 : i32
      %mul3A_937 = arith.muli %arg1, %mul3A_936 : i32
      %add3A_938 = arith.constant 5 : i32
      %add3A_939 = arith.addi %mul3A_937, %add3A_938 : i32
      %dma_wait3A_940 = arith.constant 0 : i32
      %dma_wait3A_941 = tpu.memref_slice %arg6[%add3A_15, %add3A_939, %dma_wait3A_940] : memref<8x1024x1024xf32, #tpu.memory_space<hbm>> -> memref<1x1x1024xf32, #tpu.memory_space<hbm>>
      %dma_wait3A_942 = tpu.memref_squeeze %dma_wait3A_941 : memref<1x1x1024xf32, #tpu.memory_space<hbm>> -> memref<1024xf32, #tpu.memory_space<hbm>>
      %dma_wait3A_943 = tpu.memref_slice %arg7[%add3A_935] : memref<1048576xf32, #tpu.memory_space<vmem_shared>> -> memref<1024xf32, #tpu.memory_space<vmem_shared>>
      tpu.wait_dma2 semaphore(%arg15 : memref<!tpu.dma_semaphore, #tpu.memory_space<semaphore_mem>>) src(%dma_wait3A_943 : memref<1024xf32, #tpu.memory_space<vmem_shared>>) dst(%dma_wait3A_942 : memref<1024xf32, #tpu.memory_space<hbm>>)
      %mul3A_944 = arith.constant 65536 : i32
      %mul3A_945 = arith.muli %arg1, %mul3A_944 : i32
      %add3A_946 = arith.constant 6144 : i32
      %add3A_947 = arith.addi %mul3A_945, %add3A_946 : i32
      %mul3A_948 = arith.constant 64 : i32
      %mul3A_949 = arith.muli %arg1, %mul3A_948 : i32
      %add3A_950 = arith.constant 6 : i32
      %add3A_951 = arith.addi %mul3A_949, %add3A_950 : i32
      %dma_wait3A_952 = arith.constant 0 : i32
      %dma_wait3A_953 = tpu.memref_slice %arg6[%add3A_15, %add3A_951, %dma_wait3A_952] : memref<8x1024x1024xf32, #tpu.memory_space<hbm>> -> memref<1x1x1024xf32, #tpu.memory_space<hbm>>
      %dma_wait3A_954 = tpu.memref_squeeze %dma_wait3A_953 : memref<1x1x1024xf32, #tpu.memory_space<hbm>> -> memref<1024xf32, #tpu.memory_space<hbm>>
      %dma_wait3A_955 = tpu.memref_slice %arg7[%add3A_947] : memref<1048576xf32, #tpu.memory_space<vmem_shared>> -> memref<1024xf32, #tpu.memory_space<vmem_shared>>
      tpu.wait_dma2 semaphore(%arg15 : memref<!tpu.dma_semaphore, #tpu.memory_space<semaphore_mem>>) src(%dma_wait3A_955 : memref<1024xf32, #tpu.memory_space<vmem_shared>>) dst(%dma_wait3A_954 : memref<1024xf32, #tpu.memory_space<hbm>>)
      %mul3A_956 = arith.constant 65536 : i32
      %mul3A_957 = arith.muli %arg1, %mul3A_956 : i32
      %add3A_958 = arith.constant 7168 : i32
      %add3A_959 = arith.addi %mul3A_957, %add3A_958 : i32
      %mul3A_960 = arith.constant 64 : i32
      %mul3A_961 = arith.muli %arg1, %mul3A_960 : i32
      %add3A_962 = arith.constant 7 : i32
      %add3A_963 = arith.addi %mul3A_961, %add3A_962 : i32
      %dma_wait3A_964 = arith.constant 0 : i32
      %dma_wait3A_965 = tpu.memref_slice %arg6[%add3A_15, %add3A_963, %dma_wait3A_964] : memref<8x1024x1024xf32, #tpu.memory_space<hbm>> -> memref<1x1x1024xf32, #tpu.memory_space<hbm>>
      %dma_wait3A_966 = tpu.memref_squeeze %dma_wait3A_965 : memref<1x1x1024xf32, #tpu.memory_space<hbm>> -> memref<1024xf32, #tpu.memory_space<hbm>>
      %dma_wait3A_967 = tpu.memref_slice %arg7[%add3A_959] : memref<1048576xf32, #tpu.memory_space<vmem_shared>> -> memref<1024xf32, #tpu.memory_space<vmem_shared>>
      tpu.wait_dma2 semaphore(%arg15 : memref<!tpu.dma_semaphore, #tpu.memory_space<semaphore_mem>>) src(%dma_wait3A_967 : memref<1024xf32, #tpu.memory_space<vmem_shared>>) dst(%dma_wait3A_966 : memref<1024xf32, #tpu.memory_space<hbm>>)
      %mul3A_968 = arith.constant 65536 : i32
      %mul3A_969 = arith.muli %arg1, %mul3A_968 : i32
      %add3A_970 = arith.constant 8192 : i32
      %add3A_971 = arith.addi %mul3A_969, %add3A_970 : i32
      %mul3A_972 = arith.constant 64 : i32
      %mul3A_973 = arith.muli %arg1, %mul3A_972 : i32
      %add3A_974 = arith.constant 8 : i32
      %add3A_975 = arith.addi %mul3A_973, %add3A_974 : i32
      %dma_wait3A_976 = arith.constant 0 : i32
      %dma_wait3A_977 = tpu.memref_slice %arg6[%add3A_15, %add3A_975, %dma_wait3A_976] : memref<8x1024x1024xf32, #tpu.memory_space<hbm>> -> memref<1x1x1024xf32, #tpu.memory_space<hbm>>
      %dma_wait3A_978 = tpu.memref_squeeze %dma_wait3A_977 : memref<1x1x1024xf32, #tpu.memory_space<hbm>> -> memref<1024xf32, #tpu.memory_space<hbm>>
      %dma_wait3A_979 = tpu.memref_slice %arg7[%add3A_971] : memref<1048576xf32, #tpu.memory_space<vmem_shared>> -> memref<1024xf32, #tpu.memory_space<vmem_shared>>
      tpu.wait_dma2 semaphore(%arg15 : memref<!tpu.dma_semaphore, #tpu.memory_space<semaphore_mem>>) src(%dma_wait3A_979 : memref<1024xf32, #tpu.memory_space<vmem_shared>>) dst(%dma_wait3A_978 : memref<1024xf32, #tpu.memory_space<hbm>>)
      %mul3A_980 = arith.constant 65536 : i32
      %mul3A_981 = arith.muli %arg1, %mul3A_980 : i32
      %add3A_982 = arith.constant 9216 : i32
      %add3A_983 = arith.addi %mul3A_981, %add3A_982 : i32
      %mul3A_984 = arith.constant 64 : i32
      %mul3A_985 = arith.muli %arg1, %mul3A_984 : i32
      %add3A_986 = arith.constant 9 : i32
      %add3A_987 = arith.addi %mul3A_985, %add3A_986 : i32
      %dma_wait3A_988 = arith.constant 0 : i32
      %dma_wait3A_989 = tpu.memref_slice %arg6[%add3A_15, %add3A_987, %dma_wait3A_988] : memref<8x1024x1024xf32, #tpu.memory_space<hbm>> -> memref<1x1x1024xf32, #tpu.memory_space<hbm>>
      %dma_wait3A_990 = tpu.memref_squeeze %dma_wait3A_989 : memref<1x1x1024xf32, #tpu.memory_space<hbm>> -> memref<1024xf32, #tpu.memory_space<hbm>>
      %dma_wait3A_991 = tpu.memref_slice %arg7[%add3A_983] : memref<1048576xf32, #tpu.memory_space<vmem_shared>> -> memref<1024xf32, #tpu.memory_space<vmem_shared>>
      tpu.wait_dma2 semaphore(%arg15 : memref<!tpu.dma_semaphore, #tpu.memory_space<semaphore_mem>>) src(%dma_wait3A_991 : memref<1024xf32, #tpu.memory_space<vmem_shared>>) dst(%dma_wait3A_990 : memref<1024xf32, #tpu.memory_space<hbm>>)
      %mul3A_992 = arith.constant 65536 : i32
      %mul3A_993 = arith.muli %arg1, %mul3A_992 : i32
      %add3A_994 = arith.constant 10240 : i32
      %add3A_995 = arith.addi %mul3A_993, %add3A_994 : i32
      %mul3A_996 = arith.constant 64 : i32
      %mul3A_997 = arith.muli %arg1, %mul3A_996 : i32
      %add3A_998 = arith.constant 10 : i32
      %add3A_999 = arith.addi %mul3A_997, %add3A_998 : i32
      %dma_wait3A_1000 = arith.constant 0 : i32
      %dma_wait3A_1001 = tpu.memref_slice %arg6[%add3A_15, %add3A_999, %dma_wait3A_1000] : memref<8x1024x1024xf32, #tpu.memory_space<hbm>> -> memref<1x1x1024xf32, #tpu.memory_space<hbm>>
      %dma_wait3A_1002 = tpu.memref_squeeze %dma_wait3A_1001 : memref<1x1x1024xf32, #tpu.memory_space<hbm>> -> memref<1024xf32, #tpu.memory_space<hbm>>
      %dma_wait3A_1003 = tpu.memref_slice %arg7[%add3A_995] : memref<1048576xf32, #tpu.memory_space<vmem_shared>> -> memref<1024xf32, #tpu.memory_space<vmem_shared>>
      tpu.wait_dma2 semaphore(%arg15 : memref<!tpu.dma_semaphore, #tpu.memory_space<semaphore_mem>>) src(%dma_wait3A_1003 : memref<1024xf32, #tpu.memory_space<vmem_shared>>) dst(%dma_wait3A_1002 : memref<1024xf32, #tpu.memory_space<hbm>>)
      %mul3A_1004 = arith.constant 65536 : i32
      %mul3A_1005 = arith.muli %arg1, %mul3A_1004 : i32
      %add3A_1006 = arith.constant 11264 : i32
      %add3A_1007 = arith.addi %mul3A_1005, %add3A_1006 : i32
      %mul3A_1008 = arith.constant 64 : i32
      %mul3A_1009 = arith.muli %arg1, %mul3A_1008 : i32
      %add3A_1010 = arith.constant 11 : i32
      %add3A_1011 = arith.addi %mul3A_1009, %add3A_1010 : i32
      %dma_wait3A_1012 = arith.constant 0 : i32
      %dma_wait3A_1013 = tpu.memref_slice %arg6[%add3A_15, %add3A_1011, %dma_wait3A_1012] : memref<8x1024x1024xf32, #tpu.memory_space<hbm>> -> memref<1x1x1024xf32, #tpu.memory_space<hbm>>
      %dma_wait3A_1014 = tpu.memref_squeeze %dma_wait3A_1013 : memref<1x1x1024xf32, #tpu.memory_space<hbm>> -> memref<1024xf32, #tpu.memory_space<hbm>>
      %dma_wait3A_1015 = tpu.memref_slice %arg7[%add3A_1007] : memref<1048576xf32, #tpu.memory_space<vmem_shared>> -> memref<1024xf32, #tpu.memory_space<vmem_shared>>
      tpu.wait_dma2 semaphore(%arg15 : memref<!tpu.dma_semaphore, #tpu.memory_space<semaphore_mem>>) src(%dma_wait3A_1015 : memref<1024xf32, #tpu.memory_space<vmem_shared>>) dst(%dma_wait3A_1014 : memref<1024xf32, #tpu.memory_space<hbm>>)
      %mul3A_1016 = arith.constant 65536 : i32
      %mul3A_1017 = arith.muli %arg1, %mul3A_1016 : i32
      %add3A_1018 = arith.constant 12288 : i32
      %add3A_1019 = arith.addi %mul3A_1017, %add3A_1018 : i32
      %mul3A_1020 = arith.constant 64 : i32
      %mul3A_1021 = arith.muli %arg1, %mul3A_1020 : i32
      %add3A_1022 = arith.constant 12 : i32
      %add3A_1023 = arith.addi %mul3A_1021, %add3A_1022 : i32
      %dma_wait3A_1024 = arith.constant 0 : i32
      %dma_wait3A_1025 = tpu.memref_slice %arg6[%add3A_15, %add3A_1023, %dma_wait3A_1024] : memref<8x1024x1024xf32, #tpu.memory_space<hbm>> -> memref<1x1x1024xf32, #tpu.memory_space<hbm>>
      %dma_wait3A_1026 = tpu.memref_squeeze %dma_wait3A_1025 : memref<1x1x1024xf32, #tpu.memory_space<hbm>> -> memref<1024xf32, #tpu.memory_space<hbm>>
      %dma_wait3A_1027 = tpu.memref_slice %arg7[%add3A_1019] : memref<1048576xf32, #tpu.memory_space<vmem_shared>> -> memref<1024xf32, #tpu.memory_space<vmem_shared>>
      tpu.wait_dma2 semaphore(%arg15 : memref<!tpu.dma_semaphore, #tpu.memory_space<semaphore_mem>>) src(%dma_wait3A_1027 : memref<1024xf32, #tpu.memory_space<vmem_shared>>) dst(%dma_wait3A_1026 : memref<1024xf32, #tpu.memory_space<hbm>>)
      %mul3A_1028 = arith.constant 65536 : i32
      %mul3A_1029 = arith.muli %arg1, %mul3A_1028 : i32
      %add3A_1030 = arith.constant 13312 : i32
      %add3A_1031 = arith.addi %mul3A_1029, %add3A_1030 : i32
      %mul3A_1032 = arith.constant 64 : i32
      %mul3A_1033 = arith.muli %arg1, %mul3A_1032 : i32
      %add3A_1034 = arith.constant 13 : i32
      %add3A_1035 = arith.addi %mul3A_1033, %add3A_1034 : i32
      %dma_wait3A_1036 = arith.constant 0 : i32
      %dma_wait3A_1037 = tpu.memref_slice %arg6[%add3A_15, %add3A_1035, %dma_wait3A_1036] : memref<8x1024x1024xf32, #tpu.memory_space<hbm>> -> memref<1x1x1024xf32, #tpu.memory_space<hbm>>
      %dma_wait3A_1038 = tpu.memref_squeeze %dma_wait3A_1037 : memref<1x1x1024xf32, #tpu.memory_space<hbm>> -> memref<1024xf32, #tpu.memory_space<hbm>>
      %dma_wait3A_1039 = tpu.memref_slice %arg7[%add3A_1031] : memref<1048576xf32, #tpu.memory_space<vmem_shared>> -> memref<1024xf32, #tpu.memory_space<vmem_shared>>
      tpu.wait_dma2 semaphore(%arg15 : memref<!tpu.dma_semaphore, #tpu.memory_space<semaphore_mem>>) src(%dma_wait3A_1039 : memref<1024xf32, #tpu.memory_space<vmem_shared>>) dst(%dma_wait3A_1038 : memref<1024xf32, #tpu.memory_space<hbm>>)
      %mul3A_1040 = arith.constant 65536 : i32
      %mul3A_1041 = arith.muli %arg1, %mul3A_1040 : i32
      %add3A_1042 = arith.constant 14336 : i32
      %add3A_1043 = arith.addi %mul3A_1041, %add3A_1042 : i32
      %mul3A_1044 = arith.constant 64 : i32
      %mul3A_1045 = arith.muli %arg1, %mul3A_1044 : i32
      %add3A_1046 = arith.constant 14 : i32
      %add3A_1047 = arith.addi %mul3A_1045, %add3A_1046 : i32
      %dma_wait3A_1048 = arith.constant 0 : i32
      %dma_wait3A_1049 = tpu.memref_slice %arg6[%add3A_15, %add3A_1047, %dma_wait3A_1048] : memref<8x1024x1024xf32, #tpu.memory_space<hbm>> -> memref<1x1x1024xf32, #tpu.memory_space<hbm>>
      %dma_wait3A_1050 = tpu.memref_squeeze %dma_wait3A_1049 : memref<1x1x1024xf32, #tpu.memory_space<hbm>> -> memref<1024xf32, #tpu.memory_space<hbm>>
      %dma_wait3A_1051 = tpu.memref_slice %arg7[%add3A_1043] : memref<1048576xf32, #tpu.memory_space<vmem_shared>> -> memref<1024xf32, #tpu.memory_space<vmem_shared>>
      tpu.wait_dma2 semaphore(%arg15 : memref<!tpu.dma_semaphore, #tpu.memory_space<semaphore_mem>>) src(%dma_wait3A_1051 : memref<1024xf32, #tpu.memory_space<vmem_shared>>) dst(%dma_wait3A_1050 : memref<1024xf32, #tpu.memory_space<hbm>>)
      %mul3A_1052 = arith.constant 65536 : i32
      %mul3A_1053 = arith.muli %arg1, %mul3A_1052 : i32
      %add3A_1054 = arith.constant 15360 : i32
      %add3A_1055 = arith.addi %mul3A_1053, %add3A_1054 : i32
      %mul3A_1056 = arith.constant 64 : i32
      %mul3A_1057 = arith.muli %arg1, %mul3A_1056 : i32
      %add3A_1058 = arith.constant 15 : i32
      %add3A_1059 = arith.addi %mul3A_1057, %add3A_1058 : i32
      %dma_wait3A_1060 = arith.constant 0 : i32
      %dma_wait3A_1061 = tpu.memref_slice %arg6[%add3A_15, %add3A_1059, %dma_wait3A_1060] : memref<8x1024x1024xf32, #tpu.memory_space<hbm>> -> memref<1x1x1024xf32, #tpu.memory_space<hbm>>
      %dma_wait3A_1062 = tpu.memref_squeeze %dma_wait3A_1061 : memref<1x1x1024xf32, #tpu.memory_space<hbm>> -> memref<1024xf32, #tpu.memory_space<hbm>>
      %dma_wait3A_1063 = tpu.memref_slice %arg7[%add3A_1055] : memref<1048576xf32, #tpu.memory_space<vmem_shared>> -> memref<1024xf32, #tpu.memory_space<vmem_shared>>
      tpu.wait_dma2 semaphore(%arg15 : memref<!tpu.dma_semaphore, #tpu.memory_space<semaphore_mem>>) src(%dma_wait3A_1063 : memref<1024xf32, #tpu.memory_space<vmem_shared>>) dst(%dma_wait3A_1062 : memref<1024xf32, #tpu.memory_space<hbm>>)
      %mul3A_1064 = arith.constant 65536 : i32
      %mul3A_1065 = arith.muli %arg1, %mul3A_1064 : i32
      %add3A_1066 = arith.constant 16384 : i32
      %add3A_1067 = arith.addi %mul3A_1065, %add3A_1066 : i32
      %mul3A_1068 = arith.constant 64 : i32
      %mul3A_1069 = arith.muli %arg1, %mul3A_1068 : i32
      %add3A_1070 = arith.constant 16 : i32
      %add3A_1071 = arith.addi %mul3A_1069, %add3A_1070 : i32
      %dma_wait3A_1072 = arith.constant 0 : i32
      %dma_wait3A_1073 = tpu.memref_slice %arg6[%add3A_15, %add3A_1071, %dma_wait3A_1072] : memref<8x1024x1024xf32, #tpu.memory_space<hbm>> -> memref<1x1x1024xf32, #tpu.memory_space<hbm>>
      %dma_wait3A_1074 = tpu.memref_squeeze %dma_wait3A_1073 : memref<1x1x1024xf32, #tpu.memory_space<hbm>> -> memref<1024xf32, #tpu.memory_space<hbm>>
      %dma_wait3A_1075 = tpu.memref_slice %arg7[%add3A_1067] : memref<1048576xf32, #tpu.memory_space<vmem_shared>> -> memref<1024xf32, #tpu.memory_space<vmem_shared>>
      tpu.wait_dma2 semaphore(%arg15 : memref<!tpu.dma_semaphore, #tpu.memory_space<semaphore_mem>>) src(%dma_wait3A_1075 : memref<1024xf32, #tpu.memory_space<vmem_shared>>) dst(%dma_wait3A_1074 : memref<1024xf32, #tpu.memory_space<hbm>>)
      %mul3A_1076 = arith.constant 65536 : i32
      %mul3A_1077 = arith.muli %arg1, %mul3A_1076 : i32
      %add3A_1078 = arith.constant 17408 : i32
      %add3A_1079 = arith.addi %mul3A_1077, %add3A_1078 : i32
      %mul3A_1080 = arith.constant 64 : i32
      %mul3A_1081 = arith.muli %arg1, %mul3A_1080 : i32
      %add3A_1082 = arith.constant 17 : i32
      %add3A_1083 = arith.addi %mul3A_1081, %add3A_1082 : i32
      %dma_wait3A_1084 = arith.constant 0 : i32
      %dma_wait3A_1085 = tpu.memref_slice %arg6[%add3A_15, %add3A_1083, %dma_wait3A_1084] : memref<8x1024x1024xf32, #tpu.memory_space<hbm>> -> memref<1x1x1024xf32, #tpu.memory_space<hbm>>
      %dma_wait3A_1086 = tpu.memref_squeeze %dma_wait3A_1085 : memref<1x1x1024xf32, #tpu.memory_space<hbm>> -> memref<1024xf32, #tpu.memory_space<hbm>>
      %dma_wait3A_1087 = tpu.memref_slice %arg7[%add3A_1079] : memref<1048576xf32, #tpu.memory_space<vmem_shared>> -> memref<1024xf32, #tpu.memory_space<vmem_shared>>
      tpu.wait_dma2 semaphore(%arg15 : memref<!tpu.dma_semaphore, #tpu.memory_space<semaphore_mem>>) src(%dma_wait3A_1087 : memref<1024xf32, #tpu.memory_space<vmem_shared>>) dst(%dma_wait3A_1086 : memref<1024xf32, #tpu.memory_space<hbm>>)
      %mul3A_1088 = arith.constant 65536 : i32
      %mul3A_1089 = arith.muli %arg1, %mul3A_1088 : i32
      %add3A_1090 = arith.constant 18432 : i32
      %add3A_1091 = arith.addi %mul3A_1089, %add3A_1090 : i32
      %mul3A_1092 = arith.constant 64 : i32
      %mul3A_1093 = arith.muli %arg1, %mul3A_1092 : i32
      %add3A_1094 = arith.constant 18 : i32
      %add3A_1095 = arith.addi %mul3A_1093, %add3A_1094 : i32
      %dma_wait3A_1096 = arith.constant 0 : i32
      %dma_wait3A_1097 = tpu.memref_slice %arg6[%add3A_15, %add3A_1095, %dma_wait3A_1096] : memref<8x1024x1024xf32, #tpu.memory_space<hbm>> -> memref<1x1x1024xf32, #tpu.memory_space<hbm>>
      %dma_wait3A_1098 = tpu.memref_squeeze %dma_wait3A_1097 : memref<1x1x1024xf32, #tpu.memory_space<hbm>> -> memref<1024xf32, #tpu.memory_space<hbm>>
      %dma_wait3A_1099 = tpu.memref_slice %arg7[%add3A_1091] : memref<1048576xf32, #tpu.memory_space<vmem_shared>> -> memref<1024xf32, #tpu.memory_space<vmem_shared>>
      tpu.wait_dma2 semaphore(%arg15 : memref<!tpu.dma_semaphore, #tpu.memory_space<semaphore_mem>>) src(%dma_wait3A_1099 : memref<1024xf32, #tpu.memory_space<vmem_shared>>) dst(%dma_wait3A_1098 : memref<1024xf32, #tpu.memory_space<hbm>>)
      %mul3A_1100 = arith.constant 65536 : i32
      %mul3A_1101 = arith.muli %arg1, %mul3A_1100 : i32
      %add3A_1102 = arith.constant 19456 : i32
      %add3A_1103 = arith.addi %mul3A_1101, %add3A_1102 : i32
      %mul3A_1104 = arith.constant 64 : i32
      %mul3A_1105 = arith.muli %arg1, %mul3A_1104 : i32
      %add3A_1106 = arith.constant 19 : i32
      %add3A_1107 = arith.addi %mul3A_1105, %add3A_1106 : i32
      %dma_wait3A_1108 = arith.constant 0 : i32
      %dma_wait3A_1109 = tpu.memref_slice %arg6[%add3A_15, %add3A_1107, %dma_wait3A_1108] : memref<8x1024x1024xf32, #tpu.memory_space<hbm>> -> memref<1x1x1024xf32, #tpu.memory_space<hbm>>
      %dma_wait3A_1110 = tpu.memref_squeeze %dma_wait3A_1109 : memref<1x1x1024xf32, #tpu.memory_space<hbm>> -> memref<1024xf32, #tpu.memory_space<hbm>>
      %dma_wait3A_1111 = tpu.memref_slice %arg7[%add3A_1103] : memref<1048576xf32, #tpu.memory_space<vmem_shared>> -> memref<1024xf32, #tpu.memory_space<vmem_shared>>
      tpu.wait_dma2 semaphore(%arg15 : memref<!tpu.dma_semaphore, #tpu.memory_space<semaphore_mem>>) src(%dma_wait3A_1111 : memref<1024xf32, #tpu.memory_space<vmem_shared>>) dst(%dma_wait3A_1110 : memref<1024xf32, #tpu.memory_space<hbm>>)
      %mul3A_1112 = arith.constant 65536 : i32
      %mul3A_1113 = arith.muli %arg1, %mul3A_1112 : i32
      %add3A_1114 = arith.constant 20480 : i32
      %add3A_1115 = arith.addi %mul3A_1113, %add3A_1114 : i32
      %mul3A_1116 = arith.constant 64 : i32
      %mul3A_1117 = arith.muli %arg1, %mul3A_1116 : i32
      %add3A_1118 = arith.constant 20 : i32
      %add3A_1119 = arith.addi %mul3A_1117, %add3A_1118 : i32
      %dma_wait3A_1120 = arith.constant 0 : i32
      %dma_wait3A_1121 = tpu.memref_slice %arg6[%add3A_15, %add3A_1119, %dma_wait3A_1120] : memref<8x1024x1024xf32, #tpu.memory_space<hbm>> -> memref<1x1x1024xf32, #tpu.memory_space<hbm>>
      %dma_wait3A_1122 = tpu.memref_squeeze %dma_wait3A_1121 : memref<1x1x1024xf32, #tpu.memory_space<hbm>> -> memref<1024xf32, #tpu.memory_space<hbm>>
      %dma_wait3A_1123 = tpu.memref_slice %arg7[%add3A_1115] : memref<1048576xf32, #tpu.memory_space<vmem_shared>> -> memref<1024xf32, #tpu.memory_space<vmem_shared>>
      tpu.wait_dma2 semaphore(%arg15 : memref<!tpu.dma_semaphore, #tpu.memory_space<semaphore_mem>>) src(%dma_wait3A_1123 : memref<1024xf32, #tpu.memory_space<vmem_shared>>) dst(%dma_wait3A_1122 : memref<1024xf32, #tpu.memory_space<hbm>>)
      %mul3A_1124 = arith.constant 65536 : i32
      %mul3A_1125 = arith.muli %arg1, %mul3A_1124 : i32
      %add3A_1126 = arith.constant 21504 : i32
      %add3A_1127 = arith.addi %mul3A_1125, %add3A_1126 : i32
      %mul3A_1128 = arith.constant 64 : i32
      %mul3A_1129 = arith.muli %arg1, %mul3A_1128 : i32
      %add3A_1130 = arith.constant 21 : i32
      %add3A_1131 = arith.addi %mul3A_1129, %add3A_1130 : i32
      %dma_wait3A_1132 = arith.constant 0 : i32
      %dma_wait3A_1133 = tpu.memref_slice %arg6[%add3A_15, %add3A_1131, %dma_wait3A_1132] : memref<8x1024x1024xf32, #tpu.memory_space<hbm>> -> memref<1x1x1024xf32, #tpu.memory_space<hbm>>
      %dma_wait3A_1134 = tpu.memref_squeeze %dma_wait3A_1133 : memref<1x1x1024xf32, #tpu.memory_space<hbm>> -> memref<1024xf32, #tpu.memory_space<hbm>>
      %dma_wait3A_1135 = tpu.memref_slice %arg7[%add3A_1127] : memref<1048576xf32, #tpu.memory_space<vmem_shared>> -> memref<1024xf32, #tpu.memory_space<vmem_shared>>
      tpu.wait_dma2 semaphore(%arg15 : memref<!tpu.dma_semaphore, #tpu.memory_space<semaphore_mem>>) src(%dma_wait3A_1135 : memref<1024xf32, #tpu.memory_space<vmem_shared>>) dst(%dma_wait3A_1134 : memref<1024xf32, #tpu.memory_space<hbm>>)
      %mul3A_1136 = arith.constant 65536 : i32
      %mul3A_1137 = arith.muli %arg1, %mul3A_1136 : i32
      %add3A_1138 = arith.constant 22528 : i32
      %add3A_1139 = arith.addi %mul3A_1137, %add3A_1138 : i32
      %mul3A_1140 = arith.constant 64 : i32
      %mul3A_1141 = arith.muli %arg1, %mul3A_1140 : i32
      %add3A_1142 = arith.constant 22 : i32
      %add3A_1143 = arith.addi %mul3A_1141, %add3A_1142 : i32
      %dma_wait3A_1144 = arith.constant 0 : i32
      %dma_wait3A_1145 = tpu.memref_slice %arg6[%add3A_15, %add3A_1143, %dma_wait3A_1144] : memref<8x1024x1024xf32, #tpu.memory_space<hbm>> -> memref<1x1x1024xf32, #tpu.memory_space<hbm>>
      %dma_wait3A_1146 = tpu.memref_squeeze %dma_wait3A_1145 : memref<1x1x1024xf32, #tpu.memory_space<hbm>> -> memref<1024xf32, #tpu.memory_space<hbm>>
      %dma_wait3A_1147 = tpu.memref_slice %arg7[%add3A_1139] : memref<1048576xf32, #tpu.memory_space<vmem_shared>> -> memref<1024xf32, #tpu.memory_space<vmem_shared>>
      tpu.wait_dma2 semaphore(%arg15 : memref<!tpu.dma_semaphore, #tpu.memory_space<semaphore_mem>>) src(%dma_wait3A_1147 : memref<1024xf32, #tpu.memory_space<vmem_shared>>) dst(%dma_wait3A_1146 : memref<1024xf32, #tpu.memory_space<hbm>>)
      %mul3A_1148 = arith.constant 65536 : i32
      %mul3A_1149 = arith.muli %arg1, %mul3A_1148 : i32
      %add3A_1150 = arith.constant 23552 : i32
      %add3A_1151 = arith.addi %mul3A_1149, %add3A_1150 : i32
      %mul3A_1152 = arith.constant 64 : i32
      %mul3A_1153 = arith.muli %arg1, %mul3A_1152 : i32
      %add3A_1154 = arith.constant 23 : i32
      %add3A_1155 = arith.addi %mul3A_1153, %add3A_1154 : i32
      %dma_wait3A_1156 = arith.constant 0 : i32
      %dma_wait3A_1157 = tpu.memref_slice %arg6[%add3A_15, %add3A_1155, %dma_wait3A_1156] : memref<8x1024x1024xf32, #tpu.memory_space<hbm>> -> memref<1x1x1024xf32, #tpu.memory_space<hbm>>
      %dma_wait3A_1158 = tpu.memref_squeeze %dma_wait3A_1157 : memref<1x1x1024xf32, #tpu.memory_space<hbm>> -> memref<1024xf32, #tpu.memory_space<hbm>>
      %dma_wait3A_1159 = tpu.memref_slice %arg7[%add3A_1151] : memref<1048576xf32, #tpu.memory_space<vmem_shared>> -> memref<1024xf32, #tpu.memory_space<vmem_shared>>
      tpu.wait_dma2 semaphore(%arg15 : memref<!tpu.dma_semaphore, #tpu.memory_space<semaphore_mem>>) src(%dma_wait3A_1159 : memref<1024xf32, #tpu.memory_space<vmem_shared>>) dst(%dma_wait3A_1158 : memref<1024xf32, #tpu.memory_space<hbm>>)
      %mul3A_1160 = arith.constant 65536 : i32
      %mul3A_1161 = arith.muli %arg1, %mul3A_1160 : i32
      %add3A_1162 = arith.constant 24576 : i32
      %add3A_1163 = arith.addi %mul3A_1161, %add3A_1162 : i32
      %mul3A_1164 = arith.constant 64 : i32
      %mul3A_1165 = arith.muli %arg1, %mul3A_1164 : i32
      %add3A_1166 = arith.constant 24 : i32
      %add3A_1167 = arith.addi %mul3A_1165, %add3A_1166 : i32
      %dma_wait3A_1168 = arith.constant 0 : i32
      %dma_wait3A_1169 = tpu.memref_slice %arg6[%add3A_15, %add3A_1167, %dma_wait3A_1168] : memref<8x1024x1024xf32, #tpu.memory_space<hbm>> -> memref<1x1x1024xf32, #tpu.memory_space<hbm>>
      %dma_wait3A_1170 = tpu.memref_squeeze %dma_wait3A_1169 : memref<1x1x1024xf32, #tpu.memory_space<hbm>> -> memref<1024xf32, #tpu.memory_space<hbm>>
      %dma_wait3A_1171 = tpu.memref_slice %arg7[%add3A_1163] : memref<1048576xf32, #tpu.memory_space<vmem_shared>> -> memref<1024xf32, #tpu.memory_space<vmem_shared>>
      tpu.wait_dma2 semaphore(%arg15 : memref<!tpu.dma_semaphore, #tpu.memory_space<semaphore_mem>>) src(%dma_wait3A_1171 : memref<1024xf32, #tpu.memory_space<vmem_shared>>) dst(%dma_wait3A_1170 : memref<1024xf32, #tpu.memory_space<hbm>>)
      %mul3A_1172 = arith.constant 65536 : i32
      %mul3A_1173 = arith.muli %arg1, %mul3A_1172 : i32
      %add3A_1174 = arith.constant 25600 : i32
      %add3A_1175 = arith.addi %mul3A_1173, %add3A_1174 : i32
      %mul3A_1176 = arith.constant 64 : i32
      %mul3A_1177 = arith.muli %arg1, %mul3A_1176 : i32
      %add3A_1178 = arith.constant 25 : i32
      %add3A_1179 = arith.addi %mul3A_1177, %add3A_1178 : i32
      %dma_wait3A_1180 = arith.constant 0 : i32
      %dma_wait3A_1181 = tpu.memref_slice %arg6[%add3A_15, %add3A_1179, %dma_wait3A_1180] : memref<8x1024x1024xf32, #tpu.memory_space<hbm>> -> memref<1x1x1024xf32, #tpu.memory_space<hbm>>
      %dma_wait3A_1182 = tpu.memref_squeeze %dma_wait3A_1181 : memref<1x1x1024xf32, #tpu.memory_space<hbm>> -> memref<1024xf32, #tpu.memory_space<hbm>>
      %dma_wait3A_1183 = tpu.memref_slice %arg7[%add3A_1175] : memref<1048576xf32, #tpu.memory_space<vmem_shared>> -> memref<1024xf32, #tpu.memory_space<vmem_shared>>
      tpu.wait_dma2 semaphore(%arg15 : memref<!tpu.dma_semaphore, #tpu.memory_space<semaphore_mem>>) src(%dma_wait3A_1183 : memref<1024xf32, #tpu.memory_space<vmem_shared>>) dst(%dma_wait3A_1182 : memref<1024xf32, #tpu.memory_space<hbm>>)
      %mul3A_1184 = arith.constant 65536 : i32
      %mul3A_1185 = arith.muli %arg1, %mul3A_1184 : i32
      %add3A_1186 = arith.constant 26624 : i32
      %add3A_1187 = arith.addi %mul3A_1185, %add3A_1186 : i32
      %mul3A_1188 = arith.constant 64 : i32
      %mul3A_1189 = arith.muli %arg1, %mul3A_1188 : i32
      %add3A_1190 = arith.constant 26 : i32
      %add3A_1191 = arith.addi %mul3A_1189, %add3A_1190 : i32
      %dma_wait3A_1192 = arith.constant 0 : i32
      %dma_wait3A_1193 = tpu.memref_slice %arg6[%add3A_15, %add3A_1191, %dma_wait3A_1192] : memref<8x1024x1024xf32, #tpu.memory_space<hbm>> -> memref<1x1x1024xf32, #tpu.memory_space<hbm>>
      %dma_wait3A_1194 = tpu.memref_squeeze %dma_wait3A_1193 : memref<1x1x1024xf32, #tpu.memory_space<hbm>> -> memref<1024xf32, #tpu.memory_space<hbm>>
      %dma_wait3A_1195 = tpu.memref_slice %arg7[%add3A_1187] : memref<1048576xf32, #tpu.memory_space<vmem_shared>> -> memref<1024xf32, #tpu.memory_space<vmem_shared>>
      tpu.wait_dma2 semaphore(%arg15 : memref<!tpu.dma_semaphore, #tpu.memory_space<semaphore_mem>>) src(%dma_wait3A_1195 : memref<1024xf32, #tpu.memory_space<vmem_shared>>) dst(%dma_wait3A_1194 : memref<1024xf32, #tpu.memory_space<hbm>>)
      %mul3A_1196 = arith.constant 65536 : i32
      %mul3A_1197 = arith.muli %arg1, %mul3A_1196 : i32
      %add3A_1198 = arith.constant 27648 : i32
      %add3A_1199 = arith.addi %mul3A_1197, %add3A_1198 : i32
      %mul3A_1200 = arith.constant 64 : i32
      %mul3A_1201 = arith.muli %arg1, %mul3A_1200 : i32
      %add3A_1202 = arith.constant 27 : i32
      %add3A_1203 = arith.addi %mul3A_1201, %add3A_1202 : i32
      %dma_wait3A_1204 = arith.constant 0 : i32
      %dma_wait3A_1205 = tpu.memref_slice %arg6[%add3A_15, %add3A_1203, %dma_wait3A_1204] : memref<8x1024x1024xf32, #tpu.memory_space<hbm>> -> memref<1x1x1024xf32, #tpu.memory_space<hbm>>
      %dma_wait3A_1206 = tpu.memref_squeeze %dma_wait3A_1205 : memref<1x1x1024xf32, #tpu.memory_space<hbm>> -> memref<1024xf32, #tpu.memory_space<hbm>>
      %dma_wait3A_1207 = tpu.memref_slice %arg7[%add3A_1199] : memref<1048576xf32, #tpu.memory_space<vmem_shared>> -> memref<1024xf32, #tpu.memory_space<vmem_shared>>
      tpu.wait_dma2 semaphore(%arg15 : memref<!tpu.dma_semaphore, #tpu.memory_space<semaphore_mem>>) src(%dma_wait3A_1207 : memref<1024xf32, #tpu.memory_space<vmem_shared>>) dst(%dma_wait3A_1206 : memref<1024xf32, #tpu.memory_space<hbm>>)
      %mul3A_1208 = arith.constant 65536 : i32
      %mul3A_1209 = arith.muli %arg1, %mul3A_1208 : i32
      %add3A_1210 = arith.constant 28672 : i32
      %add3A_1211 = arith.addi %mul3A_1209, %add3A_1210 : i32
      %mul3A_1212 = arith.constant 64 : i32
      %mul3A_1213 = arith.muli %arg1, %mul3A_1212 : i32
      %add3A_1214 = arith.constant 28 : i32
      %add3A_1215 = arith.addi %mul3A_1213, %add3A_1214 : i32
      %dma_wait3A_1216 = arith.constant 0 : i32
      %dma_wait3A_1217 = tpu.memref_slice %arg6[%add3A_15, %add3A_1215, %dma_wait3A_1216] : memref<8x1024x1024xf32, #tpu.memory_space<hbm>> -> memref<1x1x1024xf32, #tpu.memory_space<hbm>>
      %dma_wait3A_1218 = tpu.memref_squeeze %dma_wait3A_1217 : memref<1x1x1024xf32, #tpu.memory_space<hbm>> -> memref<1024xf32, #tpu.memory_space<hbm>>
      %dma_wait3A_1219 = tpu.memref_slice %arg7[%add3A_1211] : memref<1048576xf32, #tpu.memory_space<vmem_shared>> -> memref<1024xf32, #tpu.memory_space<vmem_shared>>
      tpu.wait_dma2 semaphore(%arg15 : memref<!tpu.dma_semaphore, #tpu.memory_space<semaphore_mem>>) src(%dma_wait3A_1219 : memref<1024xf32, #tpu.memory_space<vmem_shared>>) dst(%dma_wait3A_1218 : memref<1024xf32, #tpu.memory_space<hbm>>)
      %mul3A_1220 = arith.constant 65536 : i32
      %mul3A_1221 = arith.muli %arg1, %mul3A_1220 : i32
      %add3A_1222 = arith.constant 29696 : i32
      %add3A_1223 = arith.addi %mul3A_1221, %add3A_1222 : i32
      %mul3A_1224 = arith.constant 64 : i32
      %mul3A_1225 = arith.muli %arg1, %mul3A_1224 : i32
      %add3A_1226 = arith.constant 29 : i32
      %add3A_1227 = arith.addi %mul3A_1225, %add3A_1226 : i32
      %dma_wait3A_1228 = arith.constant 0 : i32
      %dma_wait3A_1229 = tpu.memref_slice %arg6[%add3A_15, %add3A_1227, %dma_wait3A_1228] : memref<8x1024x1024xf32, #tpu.memory_space<hbm>> -> memref<1x1x1024xf32, #tpu.memory_space<hbm>>
      %dma_wait3A_1230 = tpu.memref_squeeze %dma_wait3A_1229 : memref<1x1x1024xf32, #tpu.memory_space<hbm>> -> memref<1024xf32, #tpu.memory_space<hbm>>
      %dma_wait3A_1231 = tpu.memref_slice %arg7[%add3A_1223] : memref<1048576xf32, #tpu.memory_space<vmem_shared>> -> memref<1024xf32, #tpu.memory_space<vmem_shared>>
      tpu.wait_dma2 semaphore(%arg15 : memref<!tpu.dma_semaphore, #tpu.memory_space<semaphore_mem>>) src(%dma_wait3A_1231 : memref<1024xf32, #tpu.memory_space<vmem_shared>>) dst(%dma_wait3A_1230 : memref<1024xf32, #tpu.memory_space<hbm>>)
      %mul3A_1232 = arith.constant 65536 : i32
      %mul3A_1233 = arith.muli %arg1, %mul3A_1232 : i32
      %add3A_1234 = arith.constant 30720 : i32
      %add3A_1235 = arith.addi %mul3A_1233, %add3A_1234 : i32
      %mul3A_1236 = arith.constant 64 : i32
      %mul3A_1237 = arith.muli %arg1, %mul3A_1236 : i32
      %add3A_1238 = arith.constant 30 : i32
      %add3A_1239 = arith.addi %mul3A_1237, %add3A_1238 : i32
      %dma_wait3A_1240 = arith.constant 0 : i32
      %dma_wait3A_1241 = tpu.memref_slice %arg6[%add3A_15, %add3A_1239, %dma_wait3A_1240] : memref<8x1024x1024xf32, #tpu.memory_space<hbm>> -> memref<1x1x1024xf32, #tpu.memory_space<hbm>>
      %dma_wait3A_1242 = tpu.memref_squeeze %dma_wait3A_1241 : memref<1x1x1024xf32, #tpu.memory_space<hbm>> -> memref<1024xf32, #tpu.memory_space<hbm>>
      %dma_wait3A_1243 = tpu.memref_slice %arg7[%add3A_1235] : memref<1048576xf32, #tpu.memory_space<vmem_shared>> -> memref<1024xf32, #tpu.memory_space<vmem_shared>>
      tpu.wait_dma2 semaphore(%arg15 : memref<!tpu.dma_semaphore, #tpu.memory_space<semaphore_mem>>) src(%dma_wait3A_1243 : memref<1024xf32, #tpu.memory_space<vmem_shared>>) dst(%dma_wait3A_1242 : memref<1024xf32, #tpu.memory_space<hbm>>)
      %mul3A_1244 = arith.constant 65536 : i32
      %mul3A_1245 = arith.muli %arg1, %mul3A_1244 : i32
      %add3A_1246 = arith.constant 31744 : i32
      %add3A_1247 = arith.addi %mul3A_1245, %add3A_1246 : i32
      %mul3A_1248 = arith.constant 64 : i32
      %mul3A_1249 = arith.muli %arg1, %mul3A_1248 : i32
      %add3A_1250 = arith.constant 31 : i32
      %add3A_1251 = arith.addi %mul3A_1249, %add3A_1250 : i32
      %dma_wait3A_1252 = arith.constant 0 : i32
      %dma_wait3A_1253 = tpu.memref_slice %arg6[%add3A_15, %add3A_1251, %dma_wait3A_1252] : memref<8x1024x1024xf32, #tpu.memory_space<hbm>> -> memref<1x1x1024xf32, #tpu.memory_space<hbm>>
      %dma_wait3A_1254 = tpu.memref_squeeze %dma_wait3A_1253 : memref<1x1x1024xf32, #tpu.memory_space<hbm>> -> memref<1024xf32, #tpu.memory_space<hbm>>
      %dma_wait3A_1255 = tpu.memref_slice %arg7[%add3A_1247] : memref<1048576xf32, #tpu.memory_space<vmem_shared>> -> memref<1024xf32, #tpu.memory_space<vmem_shared>>
      tpu.wait_dma2 semaphore(%arg15 : memref<!tpu.dma_semaphore, #tpu.memory_space<semaphore_mem>>) src(%dma_wait3A_1255 : memref<1024xf32, #tpu.memory_space<vmem_shared>>) dst(%dma_wait3A_1254 : memref<1024xf32, #tpu.memory_space<hbm>>)
      %mul3A_1256 = arith.constant 65536 : i32
      %mul3A_1257 = arith.muli %arg1, %mul3A_1256 : i32
      %add3A_1258 = arith.constant 32768 : i32
      %add3A_1259 = arith.addi %mul3A_1257, %add3A_1258 : i32
      %mul3A_1260 = arith.constant 64 : i32
      %mul3A_1261 = arith.muli %arg1, %mul3A_1260 : i32
      %add3A_1262 = arith.constant 32 : i32
      %add3A_1263 = arith.addi %mul3A_1261, %add3A_1262 : i32
      %dma_wait3A_1264 = arith.constant 0 : i32
      %dma_wait3A_1265 = tpu.memref_slice %arg6[%add3A_15, %add3A_1263, %dma_wait3A_1264] : memref<8x1024x1024xf32, #tpu.memory_space<hbm>> -> memref<1x1x1024xf32, #tpu.memory_space<hbm>>
      %dma_wait3A_1266 = tpu.memref_squeeze %dma_wait3A_1265 : memref<1x1x1024xf32, #tpu.memory_space<hbm>> -> memref<1024xf32, #tpu.memory_space<hbm>>
      %dma_wait3A_1267 = tpu.memref_slice %arg7[%add3A_1259] : memref<1048576xf32, #tpu.memory_space<vmem_shared>> -> memref<1024xf32, #tpu.memory_space<vmem_shared>>
      tpu.wait_dma2 semaphore(%arg15 : memref<!tpu.dma_semaphore, #tpu.memory_space<semaphore_mem>>) src(%dma_wait3A_1267 : memref<1024xf32, #tpu.memory_space<vmem_shared>>) dst(%dma_wait3A_1266 : memref<1024xf32, #tpu.memory_space<hbm>>)
      %mul3A_1268 = arith.constant 65536 : i32
      %mul3A_1269 = arith.muli %arg1, %mul3A_1268 : i32
      %add3A_1270 = arith.constant 33792 : i32
      %add3A_1271 = arith.addi %mul3A_1269, %add3A_1270 : i32
      %mul3A_1272 = arith.constant 64 : i32
      %mul3A_1273 = arith.muli %arg1, %mul3A_1272 : i32
      %add3A_1274 = arith.constant 33 : i32
      %add3A_1275 = arith.addi %mul3A_1273, %add3A_1274 : i32
      %dma_wait3A_1276 = arith.constant 0 : i32
      %dma_wait3A_1277 = tpu.memref_slice %arg6[%add3A_15, %add3A_1275, %dma_wait3A_1276] : memref<8x1024x1024xf32, #tpu.memory_space<hbm>> -> memref<1x1x1024xf32, #tpu.memory_space<hbm>>
      %dma_wait3A_1278 = tpu.memref_squeeze %dma_wait3A_1277 : memref<1x1x1024xf32, #tpu.memory_space<hbm>> -> memref<1024xf32, #tpu.memory_space<hbm>>
      %dma_wait3A_1279 = tpu.memref_slice %arg7[%add3A_1271] : memref<1048576xf32, #tpu.memory_space<vmem_shared>> -> memref<1024xf32, #tpu.memory_space<vmem_shared>>
      tpu.wait_dma2 semaphore(%arg15 : memref<!tpu.dma_semaphore, #tpu.memory_space<semaphore_mem>>) src(%dma_wait3A_1279 : memref<1024xf32, #tpu.memory_space<vmem_shared>>) dst(%dma_wait3A_1278 : memref<1024xf32, #tpu.memory_space<hbm>>)
      %mul3A_1280 = arith.constant 65536 : i32
      %mul3A_1281 = arith.muli %arg1, %mul3A_1280 : i32
      %add3A_1282 = arith.constant 34816 : i32
      %add3A_1283 = arith.addi %mul3A_1281, %add3A_1282 : i32
      %mul3A_1284 = arith.constant 64 : i32
      %mul3A_1285 = arith.muli %arg1, %mul3A_1284 : i32
      %add3A_1286 = arith.constant 34 : i32
      %add3A_1287 = arith.addi %mul3A_1285, %add3A_1286 : i32
      %dma_wait3A_1288 = arith.constant 0 : i32
      %dma_wait3A_1289 = tpu.memref_slice %arg6[%add3A_15, %add3A_1287, %dma_wait3A_1288] : memref<8x1024x1024xf32, #tpu.memory_space<hbm>> -> memref<1x1x1024xf32, #tpu.memory_space<hbm>>
      %dma_wait3A_1290 = tpu.memref_squeeze %dma_wait3A_1289 : memref<1x1x1024xf32, #tpu.memory_space<hbm>> -> memref<1024xf32, #tpu.memory_space<hbm>>
      %dma_wait3A_1291 = tpu.memref_slice %arg7[%add3A_1283] : memref<1048576xf32, #tpu.memory_space<vmem_shared>> -> memref<1024xf32, #tpu.memory_space<vmem_shared>>
      tpu.wait_dma2 semaphore(%arg15 : memref<!tpu.dma_semaphore, #tpu.memory_space<semaphore_mem>>) src(%dma_wait3A_1291 : memref<1024xf32, #tpu.memory_space<vmem_shared>>) dst(%dma_wait3A_1290 : memref<1024xf32, #tpu.memory_space<hbm>>)
      %mul3A_1292 = arith.constant 65536 : i32
      %mul3A_1293 = arith.muli %arg1, %mul3A_1292 : i32
      %add3A_1294 = arith.constant 35840 : i32
      %add3A_1295 = arith.addi %mul3A_1293, %add3A_1294 : i32
      %mul3A_1296 = arith.constant 64 : i32
      %mul3A_1297 = arith.muli %arg1, %mul3A_1296 : i32
      %add3A_1298 = arith.constant 35 : i32
      %add3A_1299 = arith.addi %mul3A_1297, %add3A_1298 : i32
      %dma_wait3A_1300 = arith.constant 0 : i32
      %dma_wait3A_1301 = tpu.memref_slice %arg6[%add3A_15, %add3A_1299, %dma_wait3A_1300] : memref<8x1024x1024xf32, #tpu.memory_space<hbm>> -> memref<1x1x1024xf32, #tpu.memory_space<hbm>>
      %dma_wait3A_1302 = tpu.memref_squeeze %dma_wait3A_1301 : memref<1x1x1024xf32, #tpu.memory_space<hbm>> -> memref<1024xf32, #tpu.memory_space<hbm>>
      %dma_wait3A_1303 = tpu.memref_slice %arg7[%add3A_1295] : memref<1048576xf32, #tpu.memory_space<vmem_shared>> -> memref<1024xf32, #tpu.memory_space<vmem_shared>>
      tpu.wait_dma2 semaphore(%arg15 : memref<!tpu.dma_semaphore, #tpu.memory_space<semaphore_mem>>) src(%dma_wait3A_1303 : memref<1024xf32, #tpu.memory_space<vmem_shared>>) dst(%dma_wait3A_1302 : memref<1024xf32, #tpu.memory_space<hbm>>)
      %mul3A_1304 = arith.constant 65536 : i32
      %mul3A_1305 = arith.muli %arg1, %mul3A_1304 : i32
      %add3A_1306 = arith.constant 36864 : i32
      %add3A_1307 = arith.addi %mul3A_1305, %add3A_1306 : i32
      %mul3A_1308 = arith.constant 64 : i32
      %mul3A_1309 = arith.muli %arg1, %mul3A_1308 : i32
      %add3A_1310 = arith.constant 36 : i32
      %add3A_1311 = arith.addi %mul3A_1309, %add3A_1310 : i32
      %dma_wait3A_1312 = arith.constant 0 : i32
      %dma_wait3A_1313 = tpu.memref_slice %arg6[%add3A_15, %add3A_1311, %dma_wait3A_1312] : memref<8x1024x1024xf32, #tpu.memory_space<hbm>> -> memref<1x1x1024xf32, #tpu.memory_space<hbm>>
      %dma_wait3A_1314 = tpu.memref_squeeze %dma_wait3A_1313 : memref<1x1x1024xf32, #tpu.memory_space<hbm>> -> memref<1024xf32, #tpu.memory_space<hbm>>
      %dma_wait3A_1315 = tpu.memref_slice %arg7[%add3A_1307] : memref<1048576xf32, #tpu.memory_space<vmem_shared>> -> memref<1024xf32, #tpu.memory_space<vmem_shared>>
      tpu.wait_dma2 semaphore(%arg15 : memref<!tpu.dma_semaphore, #tpu.memory_space<semaphore_mem>>) src(%dma_wait3A_1315 : memref<1024xf32, #tpu.memory_space<vmem_shared>>) dst(%dma_wait3A_1314 : memref<1024xf32, #tpu.memory_space<hbm>>)
      %mul3A_1316 = arith.constant 65536 : i32
      %mul3A_1317 = arith.muli %arg1, %mul3A_1316 : i32
      %add3A_1318 = arith.constant 37888 : i32
      %add3A_1319 = arith.addi %mul3A_1317, %add3A_1318 : i32
      %mul3A_1320 = arith.constant 64 : i32
      %mul3A_1321 = arith.muli %arg1, %mul3A_1320 : i32
      %add3A_1322 = arith.constant 37 : i32
      %add3A_1323 = arith.addi %mul3A_1321, %add3A_1322 : i32
      %dma_wait3A_1324 = arith.constant 0 : i32
      %dma_wait3A_1325 = tpu.memref_slice %arg6[%add3A_15, %add3A_1323, %dma_wait3A_1324] : memref<8x1024x1024xf32, #tpu.memory_space<hbm>> -> memref<1x1x1024xf32, #tpu.memory_space<hbm>>
      %dma_wait3A_1326 = tpu.memref_squeeze %dma_wait3A_1325 : memref<1x1x1024xf32, #tpu.memory_space<hbm>> -> memref<1024xf32, #tpu.memory_space<hbm>>
      %dma_wait3A_1327 = tpu.memref_slice %arg7[%add3A_1319] : memref<1048576xf32, #tpu.memory_space<vmem_shared>> -> memref<1024xf32, #tpu.memory_space<vmem_shared>>
      tpu.wait_dma2 semaphore(%arg15 : memref<!tpu.dma_semaphore, #tpu.memory_space<semaphore_mem>>) src(%dma_wait3A_1327 : memref<1024xf32, #tpu.memory_space<vmem_shared>>) dst(%dma_wait3A_1326 : memref<1024xf32, #tpu.memory_space<hbm>>)
      %mul3A_1328 = arith.constant 65536 : i32
      %mul3A_1329 = arith.muli %arg1, %mul3A_1328 : i32
      %add3A_1330 = arith.constant 38912 : i32
      %add3A_1331 = arith.addi %mul3A_1329, %add3A_1330 : i32
      %mul3A_1332 = arith.constant 64 : i32
      %mul3A_1333 = arith.muli %arg1, %mul3A_1332 : i32
      %add3A_1334 = arith.constant 38 : i32
      %add3A_1335 = arith.addi %mul3A_1333, %add3A_1334 : i32
      %dma_wait3A_1336 = arith.constant 0 : i32
      %dma_wait3A_1337 = tpu.memref_slice %arg6[%add3A_15, %add3A_1335, %dma_wait3A_1336] : memref<8x1024x1024xf32, #tpu.memory_space<hbm>> -> memref<1x1x1024xf32, #tpu.memory_space<hbm>>
      %dma_wait3A_1338 = tpu.memref_squeeze %dma_wait3A_1337 : memref<1x1x1024xf32, #tpu.memory_space<hbm>> -> memref<1024xf32, #tpu.memory_space<hbm>>
      %dma_wait3A_1339 = tpu.memref_slice %arg7[%add3A_1331] : memref<1048576xf32, #tpu.memory_space<vmem_shared>> -> memref<1024xf32, #tpu.memory_space<vmem_shared>>
      tpu.wait_dma2 semaphore(%arg15 : memref<!tpu.dma_semaphore, #tpu.memory_space<semaphore_mem>>) src(%dma_wait3A_1339 : memref<1024xf32, #tpu.memory_space<vmem_shared>>) dst(%dma_wait3A_1338 : memref<1024xf32, #tpu.memory_space<hbm>>)
      %mul3A_1340 = arith.constant 65536 : i32
      %mul3A_1341 = arith.muli %arg1, %mul3A_1340 : i32
      %add3A_1342 = arith.constant 39936 : i32
      %add3A_1343 = arith.addi %mul3A_1341, %add3A_1342 : i32
      %mul3A_1344 = arith.constant 64 : i32
      %mul3A_1345 = arith.muli %arg1, %mul3A_1344 : i32
      %add3A_1346 = arith.constant 39 : i32
      %add3A_1347 = arith.addi %mul3A_1345, %add3A_1346 : i32
      %dma_wait3A_1348 = arith.constant 0 : i32
      %dma_wait3A_1349 = tpu.memref_slice %arg6[%add3A_15, %add3A_1347, %dma_wait3A_1348] : memref<8x1024x1024xf32, #tpu.memory_space<hbm>> -> memref<1x1x1024xf32, #tpu.memory_space<hbm>>
      %dma_wait3A_1350 = tpu.memref_squeeze %dma_wait3A_1349 : memref<1x1x1024xf32, #tpu.memory_space<hbm>> -> memref<1024xf32, #tpu.memory_space<hbm>>
      %dma_wait3A_1351 = tpu.memref_slice %arg7[%add3A_1343] : memref<1048576xf32, #tpu.memory_space<vmem_shared>> -> memref<1024xf32, #tpu.memory_space<vmem_shared>>
      tpu.wait_dma2 semaphore(%arg15 : memref<!tpu.dma_semaphore, #tpu.memory_space<semaphore_mem>>) src(%dma_wait3A_1351 : memref<1024xf32, #tpu.memory_space<vmem_shared>>) dst(%dma_wait3A_1350 : memref<1024xf32, #tpu.memory_space<hbm>>)
      %mul3A_1352 = arith.constant 65536 : i32
      %mul3A_1353 = arith.muli %arg1, %mul3A_1352 : i32
      %add3A_1354 = arith.constant 40960 : i32
      %add3A_1355 = arith.addi %mul3A_1353, %add3A_1354 : i32
      %mul3A_1356 = arith.constant 64 : i32
      %mul3A_1357 = arith.muli %arg1, %mul3A_1356 : i32
      %add3A_1358 = arith.constant 40 : i32
      %add3A_1359 = arith.addi %mul3A_1357, %add3A_1358 : i32
      %dma_wait3A_1360 = arith.constant 0 : i32
      %dma_wait3A_1361 = tpu.memref_slice %arg6[%add3A_15, %add3A_1359, %dma_wait3A_1360] : memref<8x1024x1024xf32, #tpu.memory_space<hbm>> -> memref<1x1x1024xf32, #tpu.memory_space<hbm>>
      %dma_wait3A_1362 = tpu.memref_squeeze %dma_wait3A_1361 : memref<1x1x1024xf32, #tpu.memory_space<hbm>> -> memref<1024xf32, #tpu.memory_space<hbm>>
      %dma_wait3A_1363 = tpu.memref_slice %arg7[%add3A_1355] : memref<1048576xf32, #tpu.memory_space<vmem_shared>> -> memref<1024xf32, #tpu.memory_space<vmem_shared>>
      tpu.wait_dma2 semaphore(%arg15 : memref<!tpu.dma_semaphore, #tpu.memory_space<semaphore_mem>>) src(%dma_wait3A_1363 : memref<1024xf32, #tpu.memory_space<vmem_shared>>) dst(%dma_wait3A_1362 : memref<1024xf32, #tpu.memory_space<hbm>>)
      %mul3A_1364 = arith.constant 65536 : i32
      %mul3A_1365 = arith.muli %arg1, %mul3A_1364 : i32
      %add3A_1366 = arith.constant 41984 : i32
      %add3A_1367 = arith.addi %mul3A_1365, %add3A_1366 : i32
      %mul3A_1368 = arith.constant 64 : i32
      %mul3A_1369 = arith.muli %arg1, %mul3A_1368 : i32
      %add3A_1370 = arith.constant 41 : i32
      %add3A_1371 = arith.addi %mul3A_1369, %add3A_1370 : i32
      %dma_wait3A_1372 = arith.constant 0 : i32
      %dma_wait3A_1373 = tpu.memref_slice %arg6[%add3A_15, %add3A_1371, %dma_wait3A_1372] : memref<8x1024x1024xf32, #tpu.memory_space<hbm>> -> memref<1x1x1024xf32, #tpu.memory_space<hbm>>
      %dma_wait3A_1374 = tpu.memref_squeeze %dma_wait3A_1373 : memref<1x1x1024xf32, #tpu.memory_space<hbm>> -> memref<1024xf32, #tpu.memory_space<hbm>>
      %dma_wait3A_1375 = tpu.memref_slice %arg7[%add3A_1367] : memref<1048576xf32, #tpu.memory_space<vmem_shared>> -> memref<1024xf32, #tpu.memory_space<vmem_shared>>
      tpu.wait_dma2 semaphore(%arg15 : memref<!tpu.dma_semaphore, #tpu.memory_space<semaphore_mem>>) src(%dma_wait3A_1375 : memref<1024xf32, #tpu.memory_space<vmem_shared>>) dst(%dma_wait3A_1374 : memref<1024xf32, #tpu.memory_space<hbm>>)
      %mul3A_1376 = arith.constant 65536 : i32
      %mul3A_1377 = arith.muli %arg1, %mul3A_1376 : i32
      %add3A_1378 = arith.constant 43008 : i32
      %add3A_1379 = arith.addi %mul3A_1377, %add3A_1378 : i32
      %mul3A_1380 = arith.constant 64 : i32
      %mul3A_1381 = arith.muli %arg1, %mul3A_1380 : i32
      %add3A_1382 = arith.constant 42 : i32
      %add3A_1383 = arith.addi %mul3A_1381, %add3A_1382 : i32
      %dma_wait3A_1384 = arith.constant 0 : i32
      %dma_wait3A_1385 = tpu.memref_slice %arg6[%add3A_15, %add3A_1383, %dma_wait3A_1384] : memref<8x1024x1024xf32, #tpu.memory_space<hbm>> -> memref<1x1x1024xf32, #tpu.memory_space<hbm>>
      %dma_wait3A_1386 = tpu.memref_squeeze %dma_wait3A_1385 : memref<1x1x1024xf32, #tpu.memory_space<hbm>> -> memref<1024xf32, #tpu.memory_space<hbm>>
      %dma_wait3A_1387 = tpu.memref_slice %arg7[%add3A_1379] : memref<1048576xf32, #tpu.memory_space<vmem_shared>> -> memref<1024xf32, #tpu.memory_space<vmem_shared>>
      tpu.wait_dma2 semaphore(%arg15 : memref<!tpu.dma_semaphore, #tpu.memory_space<semaphore_mem>>) src(%dma_wait3A_1387 : memref<1024xf32, #tpu.memory_space<vmem_shared>>) dst(%dma_wait3A_1386 : memref<1024xf32, #tpu.memory_space<hbm>>)
      %mul3A_1388 = arith.constant 65536 : i32
      %mul3A_1389 = arith.muli %arg1, %mul3A_1388 : i32
      %add3A_1390 = arith.constant 44032 : i32
      %add3A_1391 = arith.addi %mul3A_1389, %add3A_1390 : i32
      %mul3A_1392 = arith.constant 64 : i32
      %mul3A_1393 = arith.muli %arg1, %mul3A_1392 : i32
      %add3A_1394 = arith.constant 43 : i32
      %add3A_1395 = arith.addi %mul3A_1393, %add3A_1394 : i32
      %dma_wait3A_1396 = arith.constant 0 : i32
      %dma_wait3A_1397 = tpu.memref_slice %arg6[%add3A_15, %add3A_1395, %dma_wait3A_1396] : memref<8x1024x1024xf32, #tpu.memory_space<hbm>> -> memref<1x1x1024xf32, #tpu.memory_space<hbm>>
      %dma_wait3A_1398 = tpu.memref_squeeze %dma_wait3A_1397 : memref<1x1x1024xf32, #tpu.memory_space<hbm>> -> memref<1024xf32, #tpu.memory_space<hbm>>
      %dma_wait3A_1399 = tpu.memref_slice %arg7[%add3A_1391] : memref<1048576xf32, #tpu.memory_space<vmem_shared>> -> memref<1024xf32, #tpu.memory_space<vmem_shared>>
      tpu.wait_dma2 semaphore(%arg15 : memref<!tpu.dma_semaphore, #tpu.memory_space<semaphore_mem>>) src(%dma_wait3A_1399 : memref<1024xf32, #tpu.memory_space<vmem_shared>>) dst(%dma_wait3A_1398 : memref<1024xf32, #tpu.memory_space<hbm>>)
      %mul3A_1400 = arith.constant 65536 : i32
      %mul3A_1401 = arith.muli %arg1, %mul3A_1400 : i32
      %add3A_1402 = arith.constant 45056 : i32
      %add3A_1403 = arith.addi %mul3A_1401, %add3A_1402 : i32
      %mul3A_1404 = arith.constant 64 : i32
      %mul3A_1405 = arith.muli %arg1, %mul3A_1404 : i32
      %add3A_1406 = arith.constant 44 : i32
      %add3A_1407 = arith.addi %mul3A_1405, %add3A_1406 : i32
      %dma_wait3A_1408 = arith.constant 0 : i32
      %dma_wait3A_1409 = tpu.memref_slice %arg6[%add3A_15, %add3A_1407, %dma_wait3A_1408] : memref<8x1024x1024xf32, #tpu.memory_space<hbm>> -> memref<1x1x1024xf32, #tpu.memory_space<hbm>>
      %dma_wait3A_1410 = tpu.memref_squeeze %dma_wait3A_1409 : memref<1x1x1024xf32, #tpu.memory_space<hbm>> -> memref<1024xf32, #tpu.memory_space<hbm>>
      %dma_wait3A_1411 = tpu.memref_slice %arg7[%add3A_1403] : memref<1048576xf32, #tpu.memory_space<vmem_shared>> -> memref<1024xf32, #tpu.memory_space<vmem_shared>>
      tpu.wait_dma2 semaphore(%arg15 : memref<!tpu.dma_semaphore, #tpu.memory_space<semaphore_mem>>) src(%dma_wait3A_1411 : memref<1024xf32, #tpu.memory_space<vmem_shared>>) dst(%dma_wait3A_1410 : memref<1024xf32, #tpu.memory_space<hbm>>)
      %mul3A_1412 = arith.constant 65536 : i32
      %mul3A_1413 = arith.muli %arg1, %mul3A_1412 : i32
      %add3A_1414 = arith.constant 46080 : i32
      %add3A_1415 = arith.addi %mul3A_1413, %add3A_1414 : i32
      %mul3A_1416 = arith.constant 64 : i32
      %mul3A_1417 = arith.muli %arg1, %mul3A_1416 : i32
      %add3A_1418 = arith.constant 45 : i32
      %add3A_1419 = arith.addi %mul3A_1417, %add3A_1418 : i32
      %dma_wait3A_1420 = arith.constant 0 : i32
      %dma_wait3A_1421 = tpu.memref_slice %arg6[%add3A_15, %add3A_1419, %dma_wait3A_1420] : memref<8x1024x1024xf32, #tpu.memory_space<hbm>> -> memref<1x1x1024xf32, #tpu.memory_space<hbm>>
      %dma_wait3A_1422 = tpu.memref_squeeze %dma_wait3A_1421 : memref<1x1x1024xf32, #tpu.memory_space<hbm>> -> memref<1024xf32, #tpu.memory_space<hbm>>
      %dma_wait3A_1423 = tpu.memref_slice %arg7[%add3A_1415] : memref<1048576xf32, #tpu.memory_space<vmem_shared>> -> memref<1024xf32, #tpu.memory_space<vmem_shared>>
      tpu.wait_dma2 semaphore(%arg15 : memref<!tpu.dma_semaphore, #tpu.memory_space<semaphore_mem>>) src(%dma_wait3A_1423 : memref<1024xf32, #tpu.memory_space<vmem_shared>>) dst(%dma_wait3A_1422 : memref<1024xf32, #tpu.memory_space<hbm>>)
      %mul3A_1424 = arith.constant 65536 : i32
      %mul3A_1425 = arith.muli %arg1, %mul3A_1424 : i32
      %add3A_1426 = arith.constant 47104 : i32
      %add3A_1427 = arith.addi %mul3A_1425, %add3A_1426 : i32
      %mul3A_1428 = arith.constant 64 : i32
      %mul3A_1429 = arith.muli %arg1, %mul3A_1428 : i32
      %add3A_1430 = arith.constant 46 : i32
      %add3A_1431 = arith.addi %mul3A_1429, %add3A_1430 : i32
      %dma_wait3A_1432 = arith.constant 0 : i32
      %dma_wait3A_1433 = tpu.memref_slice %arg6[%add3A_15, %add3A_1431, %dma_wait3A_1432] : memref<8x1024x1024xf32, #tpu.memory_space<hbm>> -> memref<1x1x1024xf32, #tpu.memory_space<hbm>>
      %dma_wait3A_1434 = tpu.memref_squeeze %dma_wait3A_1433 : memref<1x1x1024xf32, #tpu.memory_space<hbm>> -> memref<1024xf32, #tpu.memory_space<hbm>>
      %dma_wait3A_1435 = tpu.memref_slice %arg7[%add3A_1427] : memref<1048576xf32, #tpu.memory_space<vmem_shared>> -> memref<1024xf32, #tpu.memory_space<vmem_shared>>
      tpu.wait_dma2 semaphore(%arg15 : memref<!tpu.dma_semaphore, #tpu.memory_space<semaphore_mem>>) src(%dma_wait3A_1435 : memref<1024xf32, #tpu.memory_space<vmem_shared>>) dst(%dma_wait3A_1434 : memref<1024xf32, #tpu.memory_space<hbm>>)
      %mul3A_1436 = arith.constant 65536 : i32
      %mul3A_1437 = arith.muli %arg1, %mul3A_1436 : i32
      %add3A_1438 = arith.constant 48128 : i32
      %add3A_1439 = arith.addi %mul3A_1437, %add3A_1438 : i32
      %mul3A_1440 = arith.constant 64 : i32
      %mul3A_1441 = arith.muli %arg1, %mul3A_1440 : i32
      %add3A_1442 = arith.constant 47 : i32
      %add3A_1443 = arith.addi %mul3A_1441, %add3A_1442 : i32
      %dma_wait3A_1444 = arith.constant 0 : i32
      %dma_wait3A_1445 = tpu.memref_slice %arg6[%add3A_15, %add3A_1443, %dma_wait3A_1444] : memref<8x1024x1024xf32, #tpu.memory_space<hbm>> -> memref<1x1x1024xf32, #tpu.memory_space<hbm>>
      %dma_wait3A_1446 = tpu.memref_squeeze %dma_wait3A_1445 : memref<1x1x1024xf32, #tpu.memory_space<hbm>> -> memref<1024xf32, #tpu.memory_space<hbm>>
      %dma_wait3A_1447 = tpu.memref_slice %arg7[%add3A_1439] : memref<1048576xf32, #tpu.memory_space<vmem_shared>> -> memref<1024xf32, #tpu.memory_space<vmem_shared>>
      tpu.wait_dma2 semaphore(%arg15 : memref<!tpu.dma_semaphore, #tpu.memory_space<semaphore_mem>>) src(%dma_wait3A_1447 : memref<1024xf32, #tpu.memory_space<vmem_shared>>) dst(%dma_wait3A_1446 : memref<1024xf32, #tpu.memory_space<hbm>>)
      %mul3A_1448 = arith.constant 65536 : i32
      %mul3A_1449 = arith.muli %arg1, %mul3A_1448 : i32
      %add3A_1450 = arith.constant 49152 : i32
      %add3A_1451 = arith.addi %mul3A_1449, %add3A_1450 : i32
      %mul3A_1452 = arith.constant 64 : i32
      %mul3A_1453 = arith.muli %arg1, %mul3A_1452 : i32
      %add3A_1454 = arith.constant 48 : i32
      %add3A_1455 = arith.addi %mul3A_1453, %add3A_1454 : i32
      %dma_wait3A_1456 = arith.constant 0 : i32
      %dma_wait3A_1457 = tpu.memref_slice %arg6[%add3A_15, %add3A_1455, %dma_wait3A_1456] : memref<8x1024x1024xf32, #tpu.memory_space<hbm>> -> memref<1x1x1024xf32, #tpu.memory_space<hbm>>
      %dma_wait3A_1458 = tpu.memref_squeeze %dma_wait3A_1457 : memref<1x1x1024xf32, #tpu.memory_space<hbm>> -> memref<1024xf32, #tpu.memory_space<hbm>>
      %dma_wait3A_1459 = tpu.memref_slice %arg7[%add3A_1451] : memref<1048576xf32, #tpu.memory_space<vmem_shared>> -> memref<1024xf32, #tpu.memory_space<vmem_shared>>
      tpu.wait_dma2 semaphore(%arg15 : memref<!tpu.dma_semaphore, #tpu.memory_space<semaphore_mem>>) src(%dma_wait3A_1459 : memref<1024xf32, #tpu.memory_space<vmem_shared>>) dst(%dma_wait3A_1458 : memref<1024xf32, #tpu.memory_space<hbm>>)
      %mul3A_1460 = arith.constant 65536 : i32
      %mul3A_1461 = arith.muli %arg1, %mul3A_1460 : i32
      %add3A_1462 = arith.constant 50176 : i32
      %add3A_1463 = arith.addi %mul3A_1461, %add3A_1462 : i32
      %mul3A_1464 = arith.constant 64 : i32
      %mul3A_1465 = arith.muli %arg1, %mul3A_1464 : i32
      %add3A_1466 = arith.constant 49 : i32
      %add3A_1467 = arith.addi %mul3A_1465, %add3A_1466 : i32
      %dma_wait3A_1468 = arith.constant 0 : i32
      %dma_wait3A_1469 = tpu.memref_slice %arg6[%add3A_15, %add3A_1467, %dma_wait3A_1468] : memref<8x1024x1024xf32, #tpu.memory_space<hbm>> -> memref<1x1x1024xf32, #tpu.memory_space<hbm>>
      %dma_wait3A_1470 = tpu.memref_squeeze %dma_wait3A_1469 : memref<1x1x1024xf32, #tpu.memory_space<hbm>> -> memref<1024xf32, #tpu.memory_space<hbm>>
      %dma_wait3A_1471 = tpu.memref_slice %arg7[%add3A_1463] : memref<1048576xf32, #tpu.memory_space<vmem_shared>> -> memref<1024xf32, #tpu.memory_space<vmem_shared>>
      tpu.wait_dma2 semaphore(%arg15 : memref<!tpu.dma_semaphore, #tpu.memory_space<semaphore_mem>>) src(%dma_wait3A_1471 : memref<1024xf32, #tpu.memory_space<vmem_shared>>) dst(%dma_wait3A_1470 : memref<1024xf32, #tpu.memory_space<hbm>>)
      %mul3A_1472 = arith.constant 65536 : i32
      %mul3A_1473 = arith.muli %arg1, %mul3A_1472 : i32
      %add3A_1474 = arith.constant 51200 : i32
      %add3A_1475 = arith.addi %mul3A_1473, %add3A_1474 : i32
      %mul3A_1476 = arith.constant 64 : i32
      %mul3A_1477 = arith.muli %arg1, %mul3A_1476 : i32
      %add3A_1478 = arith.constant 50 : i32
      %add3A_1479 = arith.addi %mul3A_1477, %add3A_1478 : i32
      %dma_wait3A_1480 = arith.constant 0 : i32
      %dma_wait3A_1481 = tpu.memref_slice %arg6[%add3A_15, %add3A_1479, %dma_wait3A_1480] : memref<8x1024x1024xf32, #tpu.memory_space<hbm>> -> memref<1x1x1024xf32, #tpu.memory_space<hbm>>
      %dma_wait3A_1482 = tpu.memref_squeeze %dma_wait3A_1481 : memref<1x1x1024xf32, #tpu.memory_space<hbm>> -> memref<1024xf32, #tpu.memory_space<hbm>>
      %dma_wait3A_1483 = tpu.memref_slice %arg7[%add3A_1475] : memref<1048576xf32, #tpu.memory_space<vmem_shared>> -> memref<1024xf32, #tpu.memory_space<vmem_shared>>
      tpu.wait_dma2 semaphore(%arg15 : memref<!tpu.dma_semaphore, #tpu.memory_space<semaphore_mem>>) src(%dma_wait3A_1483 : memref<1024xf32, #tpu.memory_space<vmem_shared>>) dst(%dma_wait3A_1482 : memref<1024xf32, #tpu.memory_space<hbm>>)
      %mul3A_1484 = arith.constant 65536 : i32
      %mul3A_1485 = arith.muli %arg1, %mul3A_1484 : i32
      %add3A_1486 = arith.constant 52224 : i32
      %add3A_1487 = arith.addi %mul3A_1485, %add3A_1486 : i32
      %mul3A_1488 = arith.constant 64 : i32
      %mul3A_1489 = arith.muli %arg1, %mul3A_1488 : i32
      %add3A_1490 = arith.constant 51 : i32
      %add3A_1491 = arith.addi %mul3A_1489, %add3A_1490 : i32
      %dma_wait3A_1492 = arith.constant 0 : i32
      %dma_wait3A_1493 = tpu.memref_slice %arg6[%add3A_15, %add3A_1491, %dma_wait3A_1492] : memref<8x1024x1024xf32, #tpu.memory_space<hbm>> -> memref<1x1x1024xf32, #tpu.memory_space<hbm>>
      %dma_wait3A_1494 = tpu.memref_squeeze %dma_wait3A_1493 : memref<1x1x1024xf32, #tpu.memory_space<hbm>> -> memref<1024xf32, #tpu.memory_space<hbm>>
      %dma_wait3A_1495 = tpu.memref_slice %arg7[%add3A_1487] : memref<1048576xf32, #tpu.memory_space<vmem_shared>> -> memref<1024xf32, #tpu.memory_space<vmem_shared>>
      tpu.wait_dma2 semaphore(%arg15 : memref<!tpu.dma_semaphore, #tpu.memory_space<semaphore_mem>>) src(%dma_wait3A_1495 : memref<1024xf32, #tpu.memory_space<vmem_shared>>) dst(%dma_wait3A_1494 : memref<1024xf32, #tpu.memory_space<hbm>>)
      %mul3A_1496 = arith.constant 65536 : i32
      %mul3A_1497 = arith.muli %arg1, %mul3A_1496 : i32
      %add3A_1498 = arith.constant 53248 : i32
      %add3A_1499 = arith.addi %mul3A_1497, %add3A_1498 : i32
      %mul3A_1500 = arith.constant 64 : i32
      %mul3A_1501 = arith.muli %arg1, %mul3A_1500 : i32
      %add3A_1502 = arith.constant 52 : i32
      %add3A_1503 = arith.addi %mul3A_1501, %add3A_1502 : i32
      %dma_wait3A_1504 = arith.constant 0 : i32
      %dma_wait3A_1505 = tpu.memref_slice %arg6[%add3A_15, %add3A_1503, %dma_wait3A_1504] : memref<8x1024x1024xf32, #tpu.memory_space<hbm>> -> memref<1x1x1024xf32, #tpu.memory_space<hbm>>
      %dma_wait3A_1506 = tpu.memref_squeeze %dma_wait3A_1505 : memref<1x1x1024xf32, #tpu.memory_space<hbm>> -> memref<1024xf32, #tpu.memory_space<hbm>>
      %dma_wait3A_1507 = tpu.memref_slice %arg7[%add3A_1499] : memref<1048576xf32, #tpu.memory_space<vmem_shared>> -> memref<1024xf32, #tpu.memory_space<vmem_shared>>
      tpu.wait_dma2 semaphore(%arg15 : memref<!tpu.dma_semaphore, #tpu.memory_space<semaphore_mem>>) src(%dma_wait3A_1507 : memref<1024xf32, #tpu.memory_space<vmem_shared>>) dst(%dma_wait3A_1506 : memref<1024xf32, #tpu.memory_space<hbm>>)
      %mul3A_1508 = arith.constant 65536 : i32
      %mul3A_1509 = arith.muli %arg1, %mul3A_1508 : i32
      %add3A_1510 = arith.constant 54272 : i32
      %add3A_1511 = arith.addi %mul3A_1509, %add3A_1510 : i32
      %mul3A_1512 = arith.constant 64 : i32
      %mul3A_1513 = arith.muli %arg1, %mul3A_1512 : i32
      %add3A_1514 = arith.constant 53 : i32
      %add3A_1515 = arith.addi %mul3A_1513, %add3A_1514 : i32
      %dma_wait3A_1516 = arith.constant 0 : i32
      %dma_wait3A_1517 = tpu.memref_slice %arg6[%add3A_15, %add3A_1515, %dma_wait3A_1516] : memref<8x1024x1024xf32, #tpu.memory_space<hbm>> -> memref<1x1x1024xf32, #tpu.memory_space<hbm>>
      %dma_wait3A_1518 = tpu.memref_squeeze %dma_wait3A_1517 : memref<1x1x1024xf32, #tpu.memory_space<hbm>> -> memref<1024xf32, #tpu.memory_space<hbm>>
      %dma_wait3A_1519 = tpu.memref_slice %arg7[%add3A_1511] : memref<1048576xf32, #tpu.memory_space<vmem_shared>> -> memref<1024xf32, #tpu.memory_space<vmem_shared>>
      tpu.wait_dma2 semaphore(%arg15 : memref<!tpu.dma_semaphore, #tpu.memory_space<semaphore_mem>>) src(%dma_wait3A_1519 : memref<1024xf32, #tpu.memory_space<vmem_shared>>) dst(%dma_wait3A_1518 : memref<1024xf32, #tpu.memory_space<hbm>>)
      %mul3A_1520 = arith.constant 65536 : i32
      %mul3A_1521 = arith.muli %arg1, %mul3A_1520 : i32
      %add3A_1522 = arith.constant 55296 : i32
      %add3A_1523 = arith.addi %mul3A_1521, %add3A_1522 : i32
      %mul3A_1524 = arith.constant 64 : i32
      %mul3A_1525 = arith.muli %arg1, %mul3A_1524 : i32
      %add3A_1526 = arith.constant 54 : i32
      %add3A_1527 = arith.addi %mul3A_1525, %add3A_1526 : i32
      %dma_wait3A_1528 = arith.constant 0 : i32
      %dma_wait3A_1529 = tpu.memref_slice %arg6[%add3A_15, %add3A_1527, %dma_wait3A_1528] : memref<8x1024x1024xf32, #tpu.memory_space<hbm>> -> memref<1x1x1024xf32, #tpu.memory_space<hbm>>
      %dma_wait3A_1530 = tpu.memref_squeeze %dma_wait3A_1529 : memref<1x1x1024xf32, #tpu.memory_space<hbm>> -> memref<1024xf32, #tpu.memory_space<hbm>>
      %dma_wait3A_1531 = tpu.memref_slice %arg7[%add3A_1523] : memref<1048576xf32, #tpu.memory_space<vmem_shared>> -> memref<1024xf32, #tpu.memory_space<vmem_shared>>
      tpu.wait_dma2 semaphore(%arg15 : memref<!tpu.dma_semaphore, #tpu.memory_space<semaphore_mem>>) src(%dma_wait3A_1531 : memref<1024xf32, #tpu.memory_space<vmem_shared>>) dst(%dma_wait3A_1530 : memref<1024xf32, #tpu.memory_space<hbm>>)
      %mul3A_1532 = arith.constant 65536 : i32
      %mul3A_1533 = arith.muli %arg1, %mul3A_1532 : i32
      %add3A_1534 = arith.constant 56320 : i32
      %add3A_1535 = arith.addi %mul3A_1533, %add3A_1534 : i32
      %mul3A_1536 = arith.constant 64 : i32
      %mul3A_1537 = arith.muli %arg1, %mul3A_1536 : i32
      %add3A_1538 = arith.constant 55 : i32
      %add3A_1539 = arith.addi %mul3A_1537, %add3A_1538 : i32
      %dma_wait3A_1540 = arith.constant 0 : i32
      %dma_wait3A_1541 = tpu.memref_slice %arg6[%add3A_15, %add3A_1539, %dma_wait3A_1540] : memref<8x1024x1024xf32, #tpu.memory_space<hbm>> -> memref<1x1x1024xf32, #tpu.memory_space<hbm>>
      %dma_wait3A_1542 = tpu.memref_squeeze %dma_wait3A_1541 : memref<1x1x1024xf32, #tpu.memory_space<hbm>> -> memref<1024xf32, #tpu.memory_space<hbm>>
      %dma_wait3A_1543 = tpu.memref_slice %arg7[%add3A_1535] : memref<1048576xf32, #tpu.memory_space<vmem_shared>> -> memref<1024xf32, #tpu.memory_space<vmem_shared>>
      tpu.wait_dma2 semaphore(%arg15 : memref<!tpu.dma_semaphore, #tpu.memory_space<semaphore_mem>>) src(%dma_wait3A_1543 : memref<1024xf32, #tpu.memory_space<vmem_shared>>) dst(%dma_wait3A_1542 : memref<1024xf32, #tpu.memory_space<hbm>>)
      %mul3A_1544 = arith.constant 65536 : i32
      %mul3A_1545 = arith.muli %arg1, %mul3A_1544 : i32
      %add3A_1546 = arith.constant 57344 : i32
      %add3A_1547 = arith.addi %mul3A_1545, %add3A_1546 : i32
      %mul3A_1548 = arith.constant 64 : i32
      %mul3A_1549 = arith.muli %arg1, %mul3A_1548 : i32
      %add3A_1550 = arith.constant 56 : i32
      %add3A_1551 = arith.addi %mul3A_1549, %add3A_1550 : i32
      %dma_wait3A_1552 = arith.constant 0 : i32
      %dma_wait3A_1553 = tpu.memref_slice %arg6[%add3A_15, %add3A_1551, %dma_wait3A_1552] : memref<8x1024x1024xf32, #tpu.memory_space<hbm>> -> memref<1x1x1024xf32, #tpu.memory_space<hbm>>
      %dma_wait3A_1554 = tpu.memref_squeeze %dma_wait3A_1553 : memref<1x1x1024xf32, #tpu.memory_space<hbm>> -> memref<1024xf32, #tpu.memory_space<hbm>>
      %dma_wait3A_1555 = tpu.memref_slice %arg7[%add3A_1547] : memref<1048576xf32, #tpu.memory_space<vmem_shared>> -> memref<1024xf32, #tpu.memory_space<vmem_shared>>
      tpu.wait_dma2 semaphore(%arg15 : memref<!tpu.dma_semaphore, #tpu.memory_space<semaphore_mem>>) src(%dma_wait3A_1555 : memref<1024xf32, #tpu.memory_space<vmem_shared>>) dst(%dma_wait3A_1554 : memref<1024xf32, #tpu.memory_space<hbm>>)
      %mul3A_1556 = arith.constant 65536 : i32
      %mul3A_1557 = arith.muli %arg1, %mul3A_1556 : i32
      %add3A_1558 = arith.constant 58368 : i32
      %add3A_1559 = arith.addi %mul3A_1557, %add3A_1558 : i32
      %mul3A_1560 = arith.constant 64 : i32
      %mul3A_1561 = arith.muli %arg1, %mul3A_1560 : i32
      %add3A_1562 = arith.constant 57 : i32
      %add3A_1563 = arith.addi %mul3A_1561, %add3A_1562 : i32
      %dma_wait3A_1564 = arith.constant 0 : i32
      %dma_wait3A_1565 = tpu.memref_slice %arg6[%add3A_15, %add3A_1563, %dma_wait3A_1564] : memref<8x1024x1024xf32, #tpu.memory_space<hbm>> -> memref<1x1x1024xf32, #tpu.memory_space<hbm>>
      %dma_wait3A_1566 = tpu.memref_squeeze %dma_wait3A_1565 : memref<1x1x1024xf32, #tpu.memory_space<hbm>> -> memref<1024xf32, #tpu.memory_space<hbm>>
      %dma_wait3A_1567 = tpu.memref_slice %arg7[%add3A_1559] : memref<1048576xf32, #tpu.memory_space<vmem_shared>> -> memref<1024xf32, #tpu.memory_space<vmem_shared>>
      tpu.wait_dma2 semaphore(%arg15 : memref<!tpu.dma_semaphore, #tpu.memory_space<semaphore_mem>>) src(%dma_wait3A_1567 : memref<1024xf32, #tpu.memory_space<vmem_shared>>) dst(%dma_wait3A_1566 : memref<1024xf32, #tpu.memory_space<hbm>>)
      %mul3A_1568 = arith.constant 65536 : i32
      %mul3A_1569 = arith.muli %arg1, %mul3A_1568 : i32
      %add3A_1570 = arith.constant 59392 : i32
      %add3A_1571 = arith.addi %mul3A_1569, %add3A_1570 : i32
      %mul3A_1572 = arith.constant 64 : i32
      %mul3A_1573 = arith.muli %arg1, %mul3A_1572 : i32
      %add3A_1574 = arith.constant 58 : i32
      %add3A_1575 = arith.addi %mul3A_1573, %add3A_1574 : i32
      %dma_wait3A_1576 = arith.constant 0 : i32
      %dma_wait3A_1577 = tpu.memref_slice %arg6[%add3A_15, %add3A_1575, %dma_wait3A_1576] : memref<8x1024x1024xf32, #tpu.memory_space<hbm>> -> memref<1x1x1024xf32, #tpu.memory_space<hbm>>
      %dma_wait3A_1578 = tpu.memref_squeeze %dma_wait3A_1577 : memref<1x1x1024xf32, #tpu.memory_space<hbm>> -> memref<1024xf32, #tpu.memory_space<hbm>>
      %dma_wait3A_1579 = tpu.memref_slice %arg7[%add3A_1571] : memref<1048576xf32, #tpu.memory_space<vmem_shared>> -> memref<1024xf32, #tpu.memory_space<vmem_shared>>
      tpu.wait_dma2 semaphore(%arg15 : memref<!tpu.dma_semaphore, #tpu.memory_space<semaphore_mem>>) src(%dma_wait3A_1579 : memref<1024xf32, #tpu.memory_space<vmem_shared>>) dst(%dma_wait3A_1578 : memref<1024xf32, #tpu.memory_space<hbm>>)
      %mul3A_1580 = arith.constant 65536 : i32
      %mul3A_1581 = arith.muli %arg1, %mul3A_1580 : i32
      %add3A_1582 = arith.constant 60416 : i32
      %add3A_1583 = arith.addi %mul3A_1581, %add3A_1582 : i32
      %mul3A_1584 = arith.constant 64 : i32
      %mul3A_1585 = arith.muli %arg1, %mul3A_1584 : i32
      %add3A_1586 = arith.constant 59 : i32
      %add3A_1587 = arith.addi %mul3A_1585, %add3A_1586 : i32
      %dma_wait3A_1588 = arith.constant 0 : i32
      %dma_wait3A_1589 = tpu.memref_slice %arg6[%add3A_15, %add3A_1587, %dma_wait3A_1588] : memref<8x1024x1024xf32, #tpu.memory_space<hbm>> -> memref<1x1x1024xf32, #tpu.memory_space<hbm>>
      %dma_wait3A_1590 = tpu.memref_squeeze %dma_wait3A_1589 : memref<1x1x1024xf32, #tpu.memory_space<hbm>> -> memref<1024xf32, #tpu.memory_space<hbm>>
      %dma_wait3A_1591 = tpu.memref_slice %arg7[%add3A_1583] : memref<1048576xf32, #tpu.memory_space<vmem_shared>> -> memref<1024xf32, #tpu.memory_space<vmem_shared>>
      tpu.wait_dma2 semaphore(%arg15 : memref<!tpu.dma_semaphore, #tpu.memory_space<semaphore_mem>>) src(%dma_wait3A_1591 : memref<1024xf32, #tpu.memory_space<vmem_shared>>) dst(%dma_wait3A_1590 : memref<1024xf32, #tpu.memory_space<hbm>>)
      %mul3A_1592 = arith.constant 65536 : i32
      %mul3A_1593 = arith.muli %arg1, %mul3A_1592 : i32
      %add3A_1594 = arith.constant 61440 : i32
      %add3A_1595 = arith.addi %mul3A_1593, %add3A_1594 : i32
      %mul3A_1596 = arith.constant 64 : i32
      %mul3A_1597 = arith.muli %arg1, %mul3A_1596 : i32
      %add3A_1598 = arith.constant 60 : i32
      %add3A_1599 = arith.addi %mul3A_1597, %add3A_1598 : i32
      %dma_wait3A_1600 = arith.constant 0 : i32
      %dma_wait3A_1601 = tpu.memref_slice %arg6[%add3A_15, %add3A_1599, %dma_wait3A_1600] : memref<8x1024x1024xf32, #tpu.memory_space<hbm>> -> memref<1x1x1024xf32, #tpu.memory_space<hbm>>
      %dma_wait3A_1602 = tpu.memref_squeeze %dma_wait3A_1601 : memref<1x1x1024xf32, #tpu.memory_space<hbm>> -> memref<1024xf32, #tpu.memory_space<hbm>>
      %dma_wait3A_1603 = tpu.memref_slice %arg7[%add3A_1595] : memref<1048576xf32, #tpu.memory_space<vmem_shared>> -> memref<1024xf32, #tpu.memory_space<vmem_shared>>
      tpu.wait_dma2 semaphore(%arg15 : memref<!tpu.dma_semaphore, #tpu.memory_space<semaphore_mem>>) src(%dma_wait3A_1603 : memref<1024xf32, #tpu.memory_space<vmem_shared>>) dst(%dma_wait3A_1602 : memref<1024xf32, #tpu.memory_space<hbm>>)
      %mul3A_1604 = arith.constant 65536 : i32
      %mul3A_1605 = arith.muli %arg1, %mul3A_1604 : i32
      %add3A_1606 = arith.constant 62464 : i32
      %add3A_1607 = arith.addi %mul3A_1605, %add3A_1606 : i32
      %mul3A_1608 = arith.constant 64 : i32
      %mul3A_1609 = arith.muli %arg1, %mul3A_1608 : i32
      %add3A_1610 = arith.constant 61 : i32
      %add3A_1611 = arith.addi %mul3A_1609, %add3A_1610 : i32
      %dma_wait3A_1612 = arith.constant 0 : i32
      %dma_wait3A_1613 = tpu.memref_slice %arg6[%add3A_15, %add3A_1611, %dma_wait3A_1612] : memref<8x1024x1024xf32, #tpu.memory_space<hbm>> -> memref<1x1x1024xf32, #tpu.memory_space<hbm>>
      %dma_wait3A_1614 = tpu.memref_squeeze %dma_wait3A_1613 : memref<1x1x1024xf32, #tpu.memory_space<hbm>> -> memref<1024xf32, #tpu.memory_space<hbm>>
      %dma_wait3A_1615 = tpu.memref_slice %arg7[%add3A_1607] : memref<1048576xf32, #tpu.memory_space<vmem_shared>> -> memref<1024xf32, #tpu.memory_space<vmem_shared>>
      tpu.wait_dma2 semaphore(%arg15 : memref<!tpu.dma_semaphore, #tpu.memory_space<semaphore_mem>>) src(%dma_wait3A_1615 : memref<1024xf32, #tpu.memory_space<vmem_shared>>) dst(%dma_wait3A_1614 : memref<1024xf32, #tpu.memory_space<hbm>>)
      %mul3A_1616 = arith.constant 65536 : i32
      %mul3A_1617 = arith.muli %arg1, %mul3A_1616 : i32
      %add3A_1618 = arith.constant 63488 : i32
      %add3A_1619 = arith.addi %mul3A_1617, %add3A_1618 : i32
      %mul3A_1620 = arith.constant 64 : i32
      %mul3A_1621 = arith.muli %arg1, %mul3A_1620 : i32
      %add3A_1622 = arith.constant 62 : i32
      %add3A_1623 = arith.addi %mul3A_1621, %add3A_1622 : i32
      %dma_wait3A_1624 = arith.constant 0 : i32
      %dma_wait3A_1625 = tpu.memref_slice %arg6[%add3A_15, %add3A_1623, %dma_wait3A_1624] : memref<8x1024x1024xf32, #tpu.memory_space<hbm>> -> memref<1x1x1024xf32, #tpu.memory_space<hbm>>
      %dma_wait3A_1626 = tpu.memref_squeeze %dma_wait3A_1625 : memref<1x1x1024xf32, #tpu.memory_space<hbm>> -> memref<1024xf32, #tpu.memory_space<hbm>>
      %dma_wait3A_1627 = tpu.memref_slice %arg7[%add3A_1619] : memref<1048576xf32, #tpu.memory_space<vmem_shared>> -> memref<1024xf32, #tpu.memory_space<vmem_shared>>
      tpu.wait_dma2 semaphore(%arg15 : memref<!tpu.dma_semaphore, #tpu.memory_space<semaphore_mem>>) src(%dma_wait3A_1627 : memref<1024xf32, #tpu.memory_space<vmem_shared>>) dst(%dma_wait3A_1626 : memref<1024xf32, #tpu.memory_space<hbm>>)
      %mul3A_1628 = arith.constant 65536 : i32
      %mul3A_1629 = arith.muli %arg1, %mul3A_1628 : i32
      %add3A_1630 = arith.constant 64512 : i32
      %add3A_1631 = arith.addi %mul3A_1629, %add3A_1630 : i32
      %mul3A_1632 = arith.constant 64 : i32
      %mul3A_1633 = arith.muli %arg1, %mul3A_1632 : i32
      %add3A_1634 = arith.constant 63 : i32
      %add3A_1635 = arith.addi %mul3A_1633, %add3A_1634 : i32
      %dma_wait3A_1636 = arith.constant 0 : i32
      %dma_wait3A_1637 = tpu.memref_slice %arg6[%add3A_15, %add3A_1635, %dma_wait3A_1636] : memref<8x1024x1024xf32, #tpu.memory_space<hbm>> -> memref<1x1x1024xf32, #tpu.memory_space<hbm>>
      %dma_wait3A_1638 = tpu.memref_squeeze %dma_wait3A_1637 : memref<1x1x1024xf32, #tpu.memory_space<hbm>> -> memref<1024xf32, #tpu.memory_space<hbm>>
      %dma_wait3A_1639 = tpu.memref_slice %arg7[%add3A_1631] : memref<1048576xf32, #tpu.memory_space<vmem_shared>> -> memref<1024xf32, #tpu.memory_space<vmem_shared>>
      tpu.wait_dma2 semaphore(%arg15 : memref<!tpu.dma_semaphore, #tpu.memory_space<semaphore_mem>>) src(%dma_wait3A_1639 : memref<1024xf32, #tpu.memory_space<vmem_shared>>) dst(%dma_wait3A_1638 : memref<1024xf32, #tpu.memory_space<hbm>>)
    }
    %scan3A_9 = arith.constant 4 : i32
    return
  }
}

module attributes {stable_mosaic.version = 14 : i64} {
  func.func @_params_body(%arg0: i32, %arg1: memref<1x2048x128xf32, #tpu.memory_space<vmem>>, %arg2: memref<1x2048x128xf32, #tpu.memory_space<vmem>>, %arg3: memref<1x2048x128xf32, #tpu.memory_space<vmem>>, %arg4: memref<1x8x128xf32, #tpu.memory_space<vmem>>) attributes {dimension_semantics = [#tpu.dimension_semantics<arbitrary>], iteration_bounds = array<i64: 8>, scalar_prefetch = 0 : i64, scratch_operands = 0 : i64, tpu.core_type = #tpu.core_type<tc>, window_params = [{transform_indices = @transform_0, window_bounds = array<i64: 1, 2048, 128>}, {transform_indices = @transform_1, window_bounds = array<i64: 1, 2048, 128>}, {transform_indices = @transform_2, window_bounds = array<i64: 1, 2048, 128>}, {transform_indices = @transform_3, window_bounds = array<i64: 1, 8, 128>}]} {
    %broadcast_in_dim3A = arith.constant 0x7F800000 : f32
    %broadcast_in_dim3A_0 = vector.broadcast %broadcast_in_dim3A : f32 to vector<64x128xf32>
    %neg3A = arith.constant 0.000000e+00 : f32
    %neg3A_1 = arith.constant 0x7F800000 : f32
    %neg3A_2 = arith.subf %neg3A, %neg3A_1 : f32
    %broadcast_in_dim3A_3 = vector.broadcast %neg3A_2 : f32 to vector<64x128xf32>
    %scan3A = arith.constant 0 : i32
    %scan3A_4 = arith.constant 32 : i32
    %scan3A_5 = arith.addi %scan3A, %scan3A_4 : i32
    %scan3A_6 = arith.constant 4 : i32
    %scan3A_7:2 = scf.for %scan3A_156 = %scan3A to %scan3A_5 step %scan3A_6 iter_args(%scan3A_157 = %broadcast_in_dim3A_0, %scan3A_158 = %broadcast_in_dim3A_3) -> (vector<64x128xf32>, vector<64x128xf32>)  : i32 {
      %mul3A_159 = arith.constant 64 : i32
      %mul3A_160 = arith.muli %scan3A_156, %mul3A_159 : i32
      %get3A = arith.constant 0 : index
      %get3A_161 = arith.index_cast %mul3A_160 : i32 to index
      %get3A_162 = arith.constant 0 : index
      %get3A_163 = vector.load %arg1[%get3A, %get3A_161, %get3A_162] : memref<1x2048x128xf32, #tpu.memory_space<vmem>>, vector<1x64x128xf32>
      %get3A_164 = vector.shape_cast %get3A_163 : vector<1x64x128xf32> to vector<64x128xf32>
      %min3A = arith.minimumf %scan3A_157, %get3A_164 : vector<64x128xf32>
      %max3A = arith.maximumf %scan3A_158, %get3A_164 : vector<64x128xf32>
      %scan3A_165 = arith.constant 1 : i32
      %scan3A_166 = arith.addi %scan3A_156, %scan3A_165 : i32
      %mul3A_167 = arith.constant 64 : i32
      %mul3A_168 = arith.muli %scan3A_166, %mul3A_167 : i32
      %get3A_169 = arith.constant 0 : index
      %get3A_170 = arith.index_cast %mul3A_168 : i32 to index
      %get3A_171 = arith.constant 0 : index
      %get3A_172 = vector.load %arg1[%get3A_169, %get3A_170, %get3A_171] : memref<1x2048x128xf32, #tpu.memory_space<vmem>>, vector<1x64x128xf32>
      %get3A_173 = vector.shape_cast %get3A_172 : vector<1x64x128xf32> to vector<64x128xf32>
      %min3A_174 = arith.minimumf %min3A, %get3A_173 : vector<64x128xf32>
      %max3A_175 = arith.maximumf %max3A, %get3A_173 : vector<64x128xf32>
      %scan3A_176 = arith.constant 2 : i32
      %scan3A_177 = arith.addi %scan3A_156, %scan3A_176 : i32
      %mul3A_178 = arith.constant 64 : i32
      %mul3A_179 = arith.muli %scan3A_177, %mul3A_178 : i32
      %get3A_180 = arith.constant 0 : index
      %get3A_181 = arith.index_cast %mul3A_179 : i32 to index
      %get3A_182 = arith.constant 0 : index
      %get3A_183 = vector.load %arg1[%get3A_180, %get3A_181, %get3A_182] : memref<1x2048x128xf32, #tpu.memory_space<vmem>>, vector<1x64x128xf32>
      %get3A_184 = vector.shape_cast %get3A_183 : vector<1x64x128xf32> to vector<64x128xf32>
      %min3A_185 = arith.minimumf %min3A_174, %get3A_184 : vector<64x128xf32>
      %max3A_186 = arith.maximumf %max3A_175, %get3A_184 : vector<64x128xf32>
      %scan3A_187 = arith.constant 3 : i32
      %scan3A_188 = arith.addi %scan3A_156, %scan3A_187 : i32
      %mul3A_189 = arith.constant 64 : i32
      %mul3A_190 = arith.muli %scan3A_188, %mul3A_189 : i32
      %get3A_191 = arith.constant 0 : index
      %get3A_192 = arith.index_cast %mul3A_190 : i32 to index
      %get3A_193 = arith.constant 0 : index
      %get3A_194 = vector.load %arg1[%get3A_191, %get3A_192, %get3A_193] : memref<1x2048x128xf32, #tpu.memory_space<vmem>>, vector<1x64x128xf32>
      %get3A_195 = vector.shape_cast %get3A_194 : vector<1x64x128xf32> to vector<64x128xf32>
      %min3A_196 = arith.minimumf %min3A_185, %get3A_195 : vector<64x128xf32>
      %max3A_197 = arith.maximumf %max3A_186, %get3A_195 : vector<64x128xf32>
      scf.yield %min3A_196, %max3A_197 : vector<64x128xf32>, vector<64x128xf32>
    }
    %scan3A_8 = arith.constant 32 : i32
    %reduce_min3A = vector.shape_cast %scan3A_7#0 : vector<64x128xf32> to vector<1x64x128xf32>
    %reduce_min3A_9 = arith.constant dense<0x7F800000> : vector<1xf32>
    %reduce_min3A_10 = vector.multi_reduction <minimumf>, %reduce_min3A, %reduce_min3A_9 [1, 2] : vector<1x64x128xf32> to vector<1xf32>
    %reduce_min3A_11 = vector.shape_cast %reduce_min3A_10 : vector<1xf32> to vector<1x1x1xf32>
    %reduce_min3A_12 = vector.extract %reduce_min3A_11[0, 0, 0] : f32 from vector<1x1x1xf32>
    %reduce_max3A = vector.shape_cast %scan3A_7#1 : vector<64x128xf32> to vector<1x64x128xf32>
    %reduce_max3A_13 = arith.constant dense<0xFF800000> : vector<1xf32>
    %reduce_max3A_14 = vector.multi_reduction <maximumf>, %reduce_max3A, %reduce_max3A_13 [1, 2] : vector<1x64x128xf32> to vector<1xf32>
    %reduce_max3A_15 = vector.shape_cast %reduce_max3A_14 : vector<1xf32> to vector<1x1x1xf32>
    %reduce_max3A_16 = vector.extract %reduce_max3A_15[0, 0, 0] : f32 from vector<1x1x1xf32>
    %broadcast_in_dim3A_17 = arith.constant 0x7F800000 : f32
    %broadcast_in_dim3A_18 = vector.broadcast %broadcast_in_dim3A_17 : f32 to vector<64x128xf32>
    %neg3A_19 = arith.constant 0.000000e+00 : f32
    %neg3A_20 = arith.constant 0x7F800000 : f32
    %neg3A_21 = arith.subf %neg3A_19, %neg3A_20 : f32
    %broadcast_in_dim3A_22 = vector.broadcast %neg3A_21 : f32 to vector<64x128xf32>
    %scan3A_23 = arith.constant 0 : i32
    %scan3A_24 = arith.constant 32 : i32
    %scan3A_25 = arith.addi %scan3A_23, %scan3A_24 : i32
    %scan3A_26 = arith.constant 4 : i32
    %scan3A_27:2 = scf.for %scan3A_156 = %scan3A_23 to %scan3A_25 step %scan3A_26 iter_args(%scan3A_157 = %broadcast_in_dim3A_18, %scan3A_158 = %broadcast_in_dim3A_22) -> (vector<64x128xf32>, vector<64x128xf32>)  : i32 {
      %mul3A_159 = arith.constant 64 : i32
      %mul3A_160 = arith.muli %scan3A_156, %mul3A_159 : i32
      %get3A = arith.constant 0 : index
      %get3A_161 = arith.index_cast %mul3A_160 : i32 to index
      %get3A_162 = arith.constant 0 : index
      %get3A_163 = vector.load %arg2[%get3A, %get3A_161, %get3A_162] : memref<1x2048x128xf32, #tpu.memory_space<vmem>>, vector<1x64x128xf32>
      %get3A_164 = vector.shape_cast %get3A_163 : vector<1x64x128xf32> to vector<64x128xf32>
      %min3A = arith.minimumf %scan3A_157, %get3A_164 : vector<64x128xf32>
      %max3A = arith.maximumf %scan3A_158, %get3A_164 : vector<64x128xf32>
      %scan3A_165 = arith.constant 1 : i32
      %scan3A_166 = arith.addi %scan3A_156, %scan3A_165 : i32
      %mul3A_167 = arith.constant 64 : i32
      %mul3A_168 = arith.muli %scan3A_166, %mul3A_167 : i32
      %get3A_169 = arith.constant 0 : index
      %get3A_170 = arith.index_cast %mul3A_168 : i32 to index
      %get3A_171 = arith.constant 0 : index
      %get3A_172 = vector.load %arg2[%get3A_169, %get3A_170, %get3A_171] : memref<1x2048x128xf32, #tpu.memory_space<vmem>>, vector<1x64x128xf32>
      %get3A_173 = vector.shape_cast %get3A_172 : vector<1x64x128xf32> to vector<64x128xf32>
      %min3A_174 = arith.minimumf %min3A, %get3A_173 : vector<64x128xf32>
      %max3A_175 = arith.maximumf %max3A, %get3A_173 : vector<64x128xf32>
      %scan3A_176 = arith.constant 2 : i32
      %scan3A_177 = arith.addi %scan3A_156, %scan3A_176 : i32
      %mul3A_178 = arith.constant 64 : i32
      %mul3A_179 = arith.muli %scan3A_177, %mul3A_178 : i32
      %get3A_180 = arith.constant 0 : index
      %get3A_181 = arith.index_cast %mul3A_179 : i32 to index
      %get3A_182 = arith.constant 0 : index
      %get3A_183 = vector.load %arg2[%get3A_180, %get3A_181, %get3A_182] : memref<1x2048x128xf32, #tpu.memory_space<vmem>>, vector<1x64x128xf32>
      %get3A_184 = vector.shape_cast %get3A_183 : vector<1x64x128xf32> to vector<64x128xf32>
      %min3A_185 = arith.minimumf %min3A_174, %get3A_184 : vector<64x128xf32>
      %max3A_186 = arith.maximumf %max3A_175, %get3A_184 : vector<64x128xf32>
      %scan3A_187 = arith.constant 3 : i32
      %scan3A_188 = arith.addi %scan3A_156, %scan3A_187 : i32
      %mul3A_189 = arith.constant 64 : i32
      %mul3A_190 = arith.muli %scan3A_188, %mul3A_189 : i32
      %get3A_191 = arith.constant 0 : index
      %get3A_192 = arith.index_cast %mul3A_190 : i32 to index
      %get3A_193 = arith.constant 0 : index
      %get3A_194 = vector.load %arg2[%get3A_191, %get3A_192, %get3A_193] : memref<1x2048x128xf32, #tpu.memory_space<vmem>>, vector<1x64x128xf32>
      %get3A_195 = vector.shape_cast %get3A_194 : vector<1x64x128xf32> to vector<64x128xf32>
      %min3A_196 = arith.minimumf %min3A_185, %get3A_195 : vector<64x128xf32>
      %max3A_197 = arith.maximumf %max3A_186, %get3A_195 : vector<64x128xf32>
      scf.yield %min3A_196, %max3A_197 : vector<64x128xf32>, vector<64x128xf32>
    }
    %scan3A_28 = arith.constant 32 : i32
    %reduce_min3A_29 = vector.shape_cast %scan3A_27#0 : vector<64x128xf32> to vector<1x64x128xf32>
    %reduce_min3A_30 = arith.constant dense<0x7F800000> : vector<1xf32>
    %reduce_min3A_31 = vector.multi_reduction <minimumf>, %reduce_min3A_29, %reduce_min3A_30 [1, 2] : vector<1x64x128xf32> to vector<1xf32>
    %reduce_min3A_32 = vector.shape_cast %reduce_min3A_31 : vector<1xf32> to vector<1x1x1xf32>
    %reduce_min3A_33 = vector.extract %reduce_min3A_32[0, 0, 0] : f32 from vector<1x1x1xf32>
    %reduce_max3A_34 = vector.shape_cast %scan3A_27#1 : vector<64x128xf32> to vector<1x64x128xf32>
    %reduce_max3A_35 = arith.constant dense<0xFF800000> : vector<1xf32>
    %reduce_max3A_36 = vector.multi_reduction <maximumf>, %reduce_max3A_34, %reduce_max3A_35 [1, 2] : vector<1x64x128xf32> to vector<1xf32>
    %reduce_max3A_37 = vector.shape_cast %reduce_max3A_36 : vector<1xf32> to vector<1x1x1xf32>
    %reduce_max3A_38 = vector.extract %reduce_max3A_37[0, 0, 0] : f32 from vector<1x1x1xf32>
    %broadcast_in_dim3A_39 = arith.constant 0x7F800000 : f32
    %broadcast_in_dim3A_40 = vector.broadcast %broadcast_in_dim3A_39 : f32 to vector<64x128xf32>
    %neg3A_41 = arith.constant 0.000000e+00 : f32
    %neg3A_42 = arith.constant 0x7F800000 : f32
    %neg3A_43 = arith.subf %neg3A_41, %neg3A_42 : f32
    %broadcast_in_dim3A_44 = vector.broadcast %neg3A_43 : f32 to vector<64x128xf32>
    %scan3A_45 = arith.constant 0 : i32
    %scan3A_46 = arith.constant 32 : i32
    %scan3A_47 = arith.addi %scan3A_45, %scan3A_46 : i32
    %scan3A_48 = arith.constant 4 : i32
    %scan3A_49:2 = scf.for %scan3A_156 = %scan3A_45 to %scan3A_47 step %scan3A_48 iter_args(%scan3A_157 = %broadcast_in_dim3A_40, %scan3A_158 = %broadcast_in_dim3A_44) -> (vector<64x128xf32>, vector<64x128xf32>)  : i32 {
      %mul3A_159 = arith.constant 64 : i32
      %mul3A_160 = arith.muli %scan3A_156, %mul3A_159 : i32
      %get3A = arith.constant 0 : index
      %get3A_161 = arith.index_cast %mul3A_160 : i32 to index
      %get3A_162 = arith.constant 0 : index
      %get3A_163 = vector.load %arg3[%get3A, %get3A_161, %get3A_162] : memref<1x2048x128xf32, #tpu.memory_space<vmem>>, vector<1x64x128xf32>
      %get3A_164 = vector.shape_cast %get3A_163 : vector<1x64x128xf32> to vector<64x128xf32>
      %min3A = arith.minimumf %scan3A_157, %get3A_164 : vector<64x128xf32>
      %max3A = arith.maximumf %scan3A_158, %get3A_164 : vector<64x128xf32>
      %scan3A_165 = arith.constant 1 : i32
      %scan3A_166 = arith.addi %scan3A_156, %scan3A_165 : i32
      %mul3A_167 = arith.constant 64 : i32
      %mul3A_168 = arith.muli %scan3A_166, %mul3A_167 : i32
      %get3A_169 = arith.constant 0 : index
      %get3A_170 = arith.index_cast %mul3A_168 : i32 to index
      %get3A_171 = arith.constant 0 : index
      %get3A_172 = vector.load %arg3[%get3A_169, %get3A_170, %get3A_171] : memref<1x2048x128xf32, #tpu.memory_space<vmem>>, vector<1x64x128xf32>
      %get3A_173 = vector.shape_cast %get3A_172 : vector<1x64x128xf32> to vector<64x128xf32>
      %min3A_174 = arith.minimumf %min3A, %get3A_173 : vector<64x128xf32>
      %max3A_175 = arith.maximumf %max3A, %get3A_173 : vector<64x128xf32>
      %scan3A_176 = arith.constant 2 : i32
      %scan3A_177 = arith.addi %scan3A_156, %scan3A_176 : i32
      %mul3A_178 = arith.constant 64 : i32
      %mul3A_179 = arith.muli %scan3A_177, %mul3A_178 : i32
      %get3A_180 = arith.constant 0 : index
      %get3A_181 = arith.index_cast %mul3A_179 : i32 to index
      %get3A_182 = arith.constant 0 : index
      %get3A_183 = vector.load %arg3[%get3A_180, %get3A_181, %get3A_182] : memref<1x2048x128xf32, #tpu.memory_space<vmem>>, vector<1x64x128xf32>
      %get3A_184 = vector.shape_cast %get3A_183 : vector<1x64x128xf32> to vector<64x128xf32>
      %min3A_185 = arith.minimumf %min3A_174, %get3A_184 : vector<64x128xf32>
      %max3A_186 = arith.maximumf %max3A_175, %get3A_184 : vector<64x128xf32>
      %scan3A_187 = arith.constant 3 : i32
      %scan3A_188 = arith.addi %scan3A_156, %scan3A_187 : i32
      %mul3A_189 = arith.constant 64 : i32
      %mul3A_190 = arith.muli %scan3A_188, %mul3A_189 : i32
      %get3A_191 = arith.constant 0 : index
      %get3A_192 = arith.index_cast %mul3A_190 : i32 to index
      %get3A_193 = arith.constant 0 : index
      %get3A_194 = vector.load %arg3[%get3A_191, %get3A_192, %get3A_193] : memref<1x2048x128xf32, #tpu.memory_space<vmem>>, vector<1x64x128xf32>
      %get3A_195 = vector.shape_cast %get3A_194 : vector<1x64x128xf32> to vector<64x128xf32>
      %min3A_196 = arith.minimumf %min3A_185, %get3A_195 : vector<64x128xf32>
      %max3A_197 = arith.maximumf %max3A_186, %get3A_195 : vector<64x128xf32>
      scf.yield %min3A_196, %max3A_197 : vector<64x128xf32>, vector<64x128xf32>
    }
    %scan3A_50 = arith.constant 32 : i32
    %reduce_min3A_51 = vector.shape_cast %scan3A_49#0 : vector<64x128xf32> to vector<1x64x128xf32>
    %reduce_min3A_52 = arith.constant dense<0x7F800000> : vector<1xf32>
    %reduce_min3A_53 = vector.multi_reduction <minimumf>, %reduce_min3A_51, %reduce_min3A_52 [1, 2] : vector<1x64x128xf32> to vector<1xf32>
    %reduce_min3A_54 = vector.shape_cast %reduce_min3A_53 : vector<1xf32> to vector<1x1x1xf32>
    %reduce_min3A_55 = vector.extract %reduce_min3A_54[0, 0, 0] : f32 from vector<1x1x1xf32>
    %reduce_max3A_56 = vector.shape_cast %scan3A_49#1 : vector<64x128xf32> to vector<1x64x128xf32>
    %reduce_max3A_57 = arith.constant dense<0xFF800000> : vector<1xf32>
    %reduce_max3A_58 = vector.multi_reduction <maximumf>, %reduce_max3A_56, %reduce_max3A_57 [1, 2] : vector<1x64x128xf32> to vector<1xf32>
    %reduce_max3A_59 = vector.shape_cast %reduce_max3A_58 : vector<1xf32> to vector<1x1x1xf32>
    %reduce_max3A_60 = vector.extract %reduce_max3A_59[0, 0, 0] : f32 from vector<1x1x1xf32>
    %sub3A = arith.subf %reduce_max3A_16, %reduce_min3A_12 : f32
    %sub3A_61 = arith.subf %reduce_max3A_38, %reduce_min3A_33 : f32
    %sub3A_62 = arith.subf %reduce_max3A_60, %reduce_min3A_55 : f32
    %scan3A_63 = arith.constant 0 : i32
    %scan3A_64 = arith.constant -1 : i32
    %scan3A_65 = arith.constant 0 : i32
    %scan3A_66 = arith.constant 32 : i32
    %scan3A_67 = arith.addi %scan3A_65, %scan3A_66 : i32
    %scan3A_68 = arith.constant 1 : i32
    %scan3A_69:2 = scf.for %scan3A_156 = %scan3A_65 to %scan3A_67 step %scan3A_68 iter_args(%scan3A_157 = %scan3A_63, %scan3A_158 = %scan3A_64) -> (i32, i32)  : i32 {
      %sub3A_159 = arith.subi %scan3A_158, %scan3A_157 : i32
      %jit3A_160 = arith.constant 2 : i32
      %div3A_161 = arith.divui %sub3A_159, %jit3A_160 : i32
      %add3A_162 = arith.addi %scan3A_157, %div3A_161 : i32
      %ge3A_163 = arith.constant -2147483648 : i32
      %ge3A_164 = arith.cmpi uge, %add3A_162, %ge3A_163 : i32
      %xor3A_165 = arith.constant -2147483648 : i32
      %xor3A_166 = arith.xori %add3A_162, %xor3A_165 : i32
      %not3A_167 = arith.constant -1 : i32
      %not3A_168 = arith.xori %add3A_162, %not3A_167 : i32
      %select_n3A_169 = arith.select %ge3A_164, %xor3A_166, %not3A_168 : i32
      %bitcast_convert_type3A_170 = arith.bitcast %select_n3A_169 : i32 to f32
      %broadcast_in_dim3A_171 = arith.constant 0 : i32
      %broadcast_in_dim3A_172 = vector.broadcast %broadcast_in_dim3A_171 : i32 to vector<64x128xi32>
      %scan3A_173 = arith.constant 0 : i32
      %scan3A_174 = arith.constant 32 : i32
      %scan3A_175 = arith.addi %scan3A_173, %scan3A_174 : i32
      %scan3A_176 = arith.constant 8 : i32
      %scan3A_177 = scf.for %scan3A_190 = %scan3A_173 to %scan3A_175 step %scan3A_176 iter_args(%scan3A_191 = %broadcast_in_dim3A_172) -> (vector<64x128xi32>)  : i32 {
        %mul3A_192 = arith.constant 64 : i32
        %mul3A_193 = arith.muli %scan3A_190, %mul3A_192 : i32
        %get3A = arith.constant 0 : index
        %get3A_194 = arith.index_cast %mul3A_193 : i32 to index
        %get3A_195 = arith.constant 0 : index
        %get3A_196 = vector.load %arg3[%get3A, %get3A_194, %get3A_195] : memref<1x2048x128xf32, #tpu.memory_space<vmem>>, vector<1x64x128xf32>
        %get3A_197 = vector.shape_cast %get3A_196 : vector<1x64x128xf32> to vector<64x128xf32>
        %le3A = vector.broadcast %bitcast_convert_type3A_170 : f32 to vector<64x128xf32>
        %le3A_198 = arith.cmpf ole, %get3A_197, %le3A : vector<64x128xf32>
        %convert_element_type3A = arith.extui %le3A_198 : vector<64x128xi1> to vector<64x128xi32>
        %add3A_199 = arith.addi %scan3A_191, %convert_element_type3A : vector<64x128xi32>
        %scan3A_200 = arith.constant 1 : i32
        %scan3A_201 = arith.addi %scan3A_190, %scan3A_200 : i32
        %mul3A_202 = arith.constant 64 : i32
        %mul3A_203 = arith.muli %scan3A_201, %mul3A_202 : i32
        %get3A_204 = arith.constant 0 : index
        %get3A_205 = arith.index_cast %mul3A_203 : i32 to index
        %get3A_206 = arith.constant 0 : index
        %get3A_207 = vector.load %arg3[%get3A_204, %get3A_205, %get3A_206] : memref<1x2048x128xf32, #tpu.memory_space<vmem>>, vector<1x64x128xf32>
        %get3A_208 = vector.shape_cast %get3A_207 : vector<1x64x128xf32> to vector<64x128xf32>
        %le3A_209 = vector.broadcast %bitcast_convert_type3A_170 : f32 to vector<64x128xf32>
        %le3A_210 = arith.cmpf ole, %get3A_208, %le3A_209 : vector<64x128xf32>
        %convert_element_type3A_211 = arith.extui %le3A_210 : vector<64x128xi1> to vector<64x128xi32>
        %add3A_212 = arith.addi %add3A_199, %convert_element_type3A_211 : vector<64x128xi32>
        %scan3A_213 = arith.constant 2 : i32
        %scan3A_214 = arith.addi %scan3A_190, %scan3A_213 : i32
        %mul3A_215 = arith.constant 64 : i32
        %mul3A_216 = arith.muli %scan3A_214, %mul3A_215 : i32
        %get3A_217 = arith.constant 0 : index
        %get3A_218 = arith.index_cast %mul3A_216 : i32 to index
        %get3A_219 = arith.constant 0 : index
        %get3A_220 = vector.load %arg3[%get3A_217, %get3A_218, %get3A_219] : memref<1x2048x128xf32, #tpu.memory_space<vmem>>, vector<1x64x128xf32>
        %get3A_221 = vector.shape_cast %get3A_220 : vector<1x64x128xf32> to vector<64x128xf32>
        %le3A_222 = vector.broadcast %bitcast_convert_type3A_170 : f32 to vector<64x128xf32>
        %le3A_223 = arith.cmpf ole, %get3A_221, %le3A_222 : vector<64x128xf32>
        %convert_element_type3A_224 = arith.extui %le3A_223 : vector<64x128xi1> to vector<64x128xi32>
        %add3A_225 = arith.addi %add3A_212, %convert_element_type3A_224 : vector<64x128xi32>
        %scan3A_226 = arith.constant 3 : i32
        %scan3A_227 = arith.addi %scan3A_190, %scan3A_226 : i32
        %mul3A_228 = arith.constant 64 : i32
        %mul3A_229 = arith.muli %scan3A_227, %mul3A_228 : i32
        %get3A_230 = arith.constant 0 : index
        %get3A_231 = arith.index_cast %mul3A_229 : i32 to index
        %get3A_232 = arith.constant 0 : index
        %get3A_233 = vector.load %arg3[%get3A_230, %get3A_231, %get3A_232] : memref<1x2048x128xf32, #tpu.memory_space<vmem>>, vector<1x64x128xf32>
        %get3A_234 = vector.shape_cast %get3A_233 : vector<1x64x128xf32> to vector<64x128xf32>
        %le3A_235 = vector.broadcast %bitcast_convert_type3A_170 : f32 to vector<64x128xf32>
        %le3A_236 = arith.cmpf ole, %get3A_234, %le3A_235 : vector<64x128xf32>
        %convert_element_type3A_237 = arith.extui %le3A_236 : vector<64x128xi1> to vector<64x128xi32>
        %add3A_238 = arith.addi %add3A_225, %convert_element_type3A_237 : vector<64x128xi32>
        %scan3A_239 = arith.constant 4 : i32
        %scan3A_240 = arith.addi %scan3A_190, %scan3A_239 : i32
        %mul3A_241 = arith.constant 64 : i32
        %mul3A_242 = arith.muli %scan3A_240, %mul3A_241 : i32
        %get3A_243 = arith.constant 0 : index
        %get3A_244 = arith.index_cast %mul3A_242 : i32 to index
        %get3A_245 = arith.constant 0 : index
        %get3A_246 = vector.load %arg3[%get3A_243, %get3A_244, %get3A_245] : memref<1x2048x128xf32, #tpu.memory_space<vmem>>, vector<1x64x128xf32>
        %get3A_247 = vector.shape_cast %get3A_246 : vector<1x64x128xf32> to vector<64x128xf32>
        %le3A_248 = vector.broadcast %bitcast_convert_type3A_170 : f32 to vector<64x128xf32>
        %le3A_249 = arith.cmpf ole, %get3A_247, %le3A_248 : vector<64x128xf32>
        %convert_element_type3A_250 = arith.extui %le3A_249 : vector<64x128xi1> to vector<64x128xi32>
        %add3A_251 = arith.addi %add3A_238, %convert_element_type3A_250 : vector<64x128xi32>
        %scan3A_252 = arith.constant 5 : i32
        %scan3A_253 = arith.addi %scan3A_190, %scan3A_252 : i32
        %mul3A_254 = arith.constant 64 : i32
        %mul3A_255 = arith.muli %scan3A_253, %mul3A_254 : i32
        %get3A_256 = arith.constant 0 : index
        %get3A_257 = arith.index_cast %mul3A_255 : i32 to index
        %get3A_258 = arith.constant 0 : index
        %get3A_259 = vector.load %arg3[%get3A_256, %get3A_257, %get3A_258] : memref<1x2048x128xf32, #tpu.memory_space<vmem>>, vector<1x64x128xf32>
        %get3A_260 = vector.shape_cast %get3A_259 : vector<1x64x128xf32> to vector<64x128xf32>
        %le3A_261 = vector.broadcast %bitcast_convert_type3A_170 : f32 to vector<64x128xf32>
        %le3A_262 = arith.cmpf ole, %get3A_260, %le3A_261 : vector<64x128xf32>
        %convert_element_type3A_263 = arith.extui %le3A_262 : vector<64x128xi1> to vector<64x128xi32>
        %add3A_264 = arith.addi %add3A_251, %convert_element_type3A_263 : vector<64x128xi32>
        %scan3A_265 = arith.constant 6 : i32
        %scan3A_266 = arith.addi %scan3A_190, %scan3A_265 : i32
        %mul3A_267 = arith.constant 64 : i32
        %mul3A_268 = arith.muli %scan3A_266, %mul3A_267 : i32
        %get3A_269 = arith.constant 0 : index
        %get3A_270 = arith.index_cast %mul3A_268 : i32 to index
        %get3A_271 = arith.constant 0 : index
        %get3A_272 = vector.load %arg3[%get3A_269, %get3A_270, %get3A_271] : memref<1x2048x128xf32, #tpu.memory_space<vmem>>, vector<1x64x128xf32>
        %get3A_273 = vector.shape_cast %get3A_272 : vector<1x64x128xf32> to vector<64x128xf32>
        %le3A_274 = vector.broadcast %bitcast_convert_type3A_170 : f32 to vector<64x128xf32>
        %le3A_275 = arith.cmpf ole, %get3A_273, %le3A_274 : vector<64x128xf32>
        %convert_element_type3A_276 = arith.extui %le3A_275 : vector<64x128xi1> to vector<64x128xi32>
        %add3A_277 = arith.addi %add3A_264, %convert_element_type3A_276 : vector<64x128xi32>
        %scan3A_278 = arith.constant 7 : i32
        %scan3A_279 = arith.addi %scan3A_190, %scan3A_278 : i32
        %mul3A_280 = arith.constant 64 : i32
        %mul3A_281 = arith.muli %scan3A_279, %mul3A_280 : i32
        %get3A_282 = arith.constant 0 : index
        %get3A_283 = arith.index_cast %mul3A_281 : i32 to index
        %get3A_284 = arith.constant 0 : index
        %get3A_285 = vector.load %arg3[%get3A_282, %get3A_283, %get3A_284] : memref<1x2048x128xf32, #tpu.memory_space<vmem>>, vector<1x64x128xf32>
        %get3A_286 = vector.shape_cast %get3A_285 : vector<1x64x128xf32> to vector<64x128xf32>
        %le3A_287 = vector.broadcast %bitcast_convert_type3A_170 : f32 to vector<64x128xf32>
        %le3A_288 = arith.cmpf ole, %get3A_286, %le3A_287 : vector<64x128xf32>
        %convert_element_type3A_289 = arith.extui %le3A_288 : vector<64x128xi1> to vector<64x128xi32>
        %add3A_290 = arith.addi %add3A_277, %convert_element_type3A_289 : vector<64x128xi32>
        scf.yield %add3A_290 : vector<64x128xi32>
      }
      %scan3A_178 = arith.constant 32 : i32
      %reduce_sum3A_179 = vector.shape_cast %scan3A_177 : vector<64x128xi32> to vector<1x64x128xi32>
      %reduce_sum3A_180 = arith.constant dense<0> : vector<1xi32>
      %reduce_sum3A_181 = vector.multi_reduction <add>, %reduce_sum3A_179, %reduce_sum3A_180 [1, 2] : vector<1x64x128xi32> to vector<1xi32>
      %reduce_sum3A_182 = vector.shape_cast %reduce_sum3A_181 : vector<1xi32> to vector<1x1x1xi32>
      %reduce_sum3A_183 = vector.extract %reduce_sum3A_182[0, 0, 0] : i32 from vector<1x1x1xi32>
      %ge3A_184 = arith.constant 2622 : i32
      %ge3A_185 = arith.cmpi sge, %reduce_sum3A_183, %ge3A_184 : i32
      %add3A_186 = arith.constant 1 : i32
      %add3A_187 = arith.addi %add3A_162, %add3A_186 : i32
      %select_n3A_188 = arith.select %ge3A_185, %scan3A_157, %add3A_187 : i32
      %select_n3A_189 = arith.select %ge3A_185, %add3A_162, %scan3A_158 : i32
      scf.yield %select_n3A_188, %select_n3A_189 : i32, i32
    }
    %ge3A = arith.constant -2147483648 : i32
    %ge3A_70 = arith.cmpi uge, %scan3A_69#0, %ge3A : i32
    %xor3A = arith.constant -2147483648 : i32
    %xor3A_71 = arith.xori %scan3A_69#0, %xor3A : i32
    %not3A = arith.constant -1 : i32
    %not3A_72 = arith.xori %scan3A_69#0, %not3A : i32
    %select_n3A = arith.select %ge3A_70, %xor3A_71, %not3A_72 : i32
    %bitcast_convert_type3A = arith.bitcast %select_n3A : i32 to f32
    %broadcast_in_dim3A_73 = arith.constant 0x7F800000 : f32
    %broadcast_in_dim3A_74 = vector.broadcast %broadcast_in_dim3A_73 : f32 to vector<64x128xf32>
    %broadcast_in_dim3A_75 = arith.constant 0 : i32
    %broadcast_in_dim3A_76 = vector.broadcast %broadcast_in_dim3A_75 : i32 to vector<64x128xi32>
    %scan3A_77 = arith.constant 0x7F800000 : f32
    %scan3A_78 = arith.constant 0 : i32
    %scan3A_79 = arith.constant 32 : i32
    %scan3A_80 = arith.addi %scan3A_78, %scan3A_79 : i32
    %scan3A_81 = arith.constant 4 : i32
    %scan3A_82:2 = scf.for %scan3A_156 = %scan3A_78 to %scan3A_80 step %scan3A_81 iter_args(%scan3A_157 = %broadcast_in_dim3A_74, %scan3A_158 = %broadcast_in_dim3A_76) -> (vector<64x128xf32>, vector<64x128xi32>)  : i32 {
      %mul3A_159 = arith.constant 64 : i32
      %mul3A_160 = arith.muli %scan3A_156, %mul3A_159 : i32
      %get3A = arith.constant 0 : index
      %get3A_161 = arith.index_cast %mul3A_160 : i32 to index
      %get3A_162 = arith.constant 0 : index
      %get3A_163 = vector.load %arg3[%get3A, %get3A_161, %get3A_162] : memref<1x2048x128xf32, #tpu.memory_space<vmem>>, vector<1x64x128xf32>
      %get3A_164 = vector.shape_cast %get3A_163 : vector<1x64x128xf32> to vector<64x128xf32>
      %gt3A = vector.broadcast %bitcast_convert_type3A : f32 to vector<64x128xf32>
      %gt3A_165 = arith.cmpf ogt, %get3A_164, %gt3A : vector<64x128xf32>
      %broadcast_in_dim3A_166 = vector.broadcast %scan3A_77 : f32 to vector<64x128xf32>
      %select_n3A_167 = arith.select %gt3A_165, %get3A_164, %broadcast_in_dim3A_166 : vector<64x128xi1>, vector<64x128xf32>
      %min3A = arith.minimumf %scan3A_157, %select_n3A_167 : vector<64x128xf32>
      %not3A_168 = arith.constant dense<true> : vector<64x128xi1>
      %not3A_169 = arith.xori %gt3A_165, %not3A_168 : vector<64x128xi1>
      %convert_element_type3A = arith.extui %not3A_169 : vector<64x128xi1> to vector<64x128xi32>
      %add3A_170 = arith.addi %scan3A_158, %convert_element_type3A : vector<64x128xi32>
      %scan3A_171 = arith.constant 1 : i32
      %scan3A_172 = arith.addi %scan3A_156, %scan3A_171 : i32
      %mul3A_173 = arith.constant 64 : i32
      %mul3A_174 = arith.muli %scan3A_172, %mul3A_173 : i32
      %get3A_175 = arith.constant 0 : index
      %get3A_176 = arith.index_cast %mul3A_174 : i32 to index
      %get3A_177 = arith.constant 0 : index
      %get3A_178 = vector.load %arg3[%get3A_175, %get3A_176, %get3A_177] : memref<1x2048x128xf32, #tpu.memory_space<vmem>>, vector<1x64x128xf32>
      %get3A_179 = vector.shape_cast %get3A_178 : vector<1x64x128xf32> to vector<64x128xf32>
      %gt3A_180 = vector.broadcast %bitcast_convert_type3A : f32 to vector<64x128xf32>
      %gt3A_181 = arith.cmpf ogt, %get3A_179, %gt3A_180 : vector<64x128xf32>
      %broadcast_in_dim3A_182 = vector.broadcast %scan3A_77 : f32 to vector<64x128xf32>
      %select_n3A_183 = arith.select %gt3A_181, %get3A_179, %broadcast_in_dim3A_182 : vector<64x128xi1>, vector<64x128xf32>
      %min3A_184 = arith.minimumf %min3A, %select_n3A_183 : vector<64x128xf32>
      %not3A_185 = arith.constant dense<true> : vector<64x128xi1>
      %not3A_186 = arith.xori %gt3A_181, %not3A_185 : vector<64x128xi1>
      %convert_element_type3A_187 = arith.extui %not3A_186 : vector<64x128xi1> to vector<64x128xi32>
      %add3A_188 = arith.addi %add3A_170, %convert_element_type3A_187 : vector<64x128xi32>
      %scan3A_189 = arith.constant 2 : i32
      %scan3A_190 = arith.addi %scan3A_156, %scan3A_189 : i32
      %mul3A_191 = arith.constant 64 : i32
      %mul3A_192 = arith.muli %scan3A_190, %mul3A_191 : i32
      %get3A_193 = arith.constant 0 : index
      %get3A_194 = arith.index_cast %mul3A_192 : i32 to index
      %get3A_195 = arith.constant 0 : index
      %get3A_196 = vector.load %arg3[%get3A_193, %get3A_194, %get3A_195] : memref<1x2048x128xf32, #tpu.memory_space<vmem>>, vector<1x64x128xf32>
      %get3A_197 = vector.shape_cast %get3A_196 : vector<1x64x128xf32> to vector<64x128xf32>
      %gt3A_198 = vector.broadcast %bitcast_convert_type3A : f32 to vector<64x128xf32>
      %gt3A_199 = arith.cmpf ogt, %get3A_197, %gt3A_198 : vector<64x128xf32>
      %broadcast_in_dim3A_200 = vector.broadcast %scan3A_77 : f32 to vector<64x128xf32>
      %select_n3A_201 = arith.select %gt3A_199, %get3A_197, %broadcast_in_dim3A_200 : vector<64x128xi1>, vector<64x128xf32>
      %min3A_202 = arith.minimumf %min3A_184, %select_n3A_201 : vector<64x128xf32>
      %not3A_203 = arith.constant dense<true> : vector<64x128xi1>
      %not3A_204 = arith.xori %gt3A_199, %not3A_203 : vector<64x128xi1>
      %convert_element_type3A_205 = arith.extui %not3A_204 : vector<64x128xi1> to vector<64x128xi32>
      %add3A_206 = arith.addi %add3A_188, %convert_element_type3A_205 : vector<64x128xi32>
      %scan3A_207 = arith.constant 3 : i32
      %scan3A_208 = arith.addi %scan3A_156, %scan3A_207 : i32
      %mul3A_209 = arith.constant 64 : i32
      %mul3A_210 = arith.muli %scan3A_208, %mul3A_209 : i32
      %get3A_211 = arith.constant 0 : index
      %get3A_212 = arith.index_cast %mul3A_210 : i32 to index
      %get3A_213 = arith.constant 0 : index
      %get3A_214 = vector.load %arg3[%get3A_211, %get3A_212, %get3A_213] : memref<1x2048x128xf32, #tpu.memory_space<vmem>>, vector<1x64x128xf32>
      %get3A_215 = vector.shape_cast %get3A_214 : vector<1x64x128xf32> to vector<64x128xf32>
      %gt3A_216 = vector.broadcast %bitcast_convert_type3A : f32 to vector<64x128xf32>
      %gt3A_217 = arith.cmpf ogt, %get3A_215, %gt3A_216 : vector<64x128xf32>
      %broadcast_in_dim3A_218 = vector.broadcast %scan3A_77 : f32 to vector<64x128xf32>
      %select_n3A_219 = arith.select %gt3A_217, %get3A_215, %broadcast_in_dim3A_218 : vector<64x128xi1>, vector<64x128xf32>
      %min3A_220 = arith.minimumf %min3A_202, %select_n3A_219 : vector<64x128xf32>
      %not3A_221 = arith.constant dense<true> : vector<64x128xi1>
      %not3A_222 = arith.xori %gt3A_217, %not3A_221 : vector<64x128xi1>
      %convert_element_type3A_223 = arith.extui %not3A_222 : vector<64x128xi1> to vector<64x128xi32>
      %add3A_224 = arith.addi %add3A_206, %convert_element_type3A_223 : vector<64x128xi32>
      scf.yield %min3A_220, %add3A_224 : vector<64x128xf32>, vector<64x128xi32>
    }
    %scan3A_83 = arith.constant 32 : i32
    %reduce_min3A_84 = vector.shape_cast %scan3A_82#0 : vector<64x128xf32> to vector<1x64x128xf32>
    %reduce_min3A_85 = arith.constant dense<0x7F800000> : vector<1xf32>
    %reduce_min3A_86 = vector.multi_reduction <minimumf>, %reduce_min3A_84, %reduce_min3A_85 [1, 2] : vector<1x64x128xf32> to vector<1xf32>
    %reduce_min3A_87 = vector.shape_cast %reduce_min3A_86 : vector<1xf32> to vector<1x1x1xf32>
    %reduce_min3A_88 = vector.extract %reduce_min3A_87[0, 0, 0] : f32 from vector<1x1x1xf32>
    %reduce_sum3A = vector.shape_cast %scan3A_82#1 : vector<64x128xi32> to vector<1x64x128xi32>
    %reduce_sum3A_89 = arith.constant dense<0> : vector<1xi32>
    %reduce_sum3A_90 = vector.multi_reduction <add>, %reduce_sum3A, %reduce_sum3A_89 [1, 2] : vector<1x64x128xi32> to vector<1xi32>
    %reduce_sum3A_91 = vector.shape_cast %reduce_sum3A_90 : vector<1xi32> to vector<1x1x1xi32>
    %reduce_sum3A_92 = vector.extract %reduce_sum3A_91[0, 0, 0] : i32 from vector<1x1x1xi32>
    %ge3A_93 = arith.constant 2623 : i32
    %ge3A_94 = arith.cmpi sge, %reduce_sum3A_92, %ge3A_93 : i32
    %is_finite3A = tpu.weird %reduce_min3A_88 : f32 -> i1
    %is_finite3A_95 = arith.constant true
    %is_finite3A_96 = arith.xori %is_finite3A, %is_finite3A_95 : i1
    %select_n3A_97 = arith.select %is_finite3A_96, %reduce_min3A_88, %bitcast_convert_type3A : f32
    %select_n3A_98 = arith.select %ge3A_94, %bitcast_convert_type3A, %select_n3A_97 : f32
    %sub3A_99 = arith.subf %bitcast_convert_type3A, %reduce_min3A_55 : f32
    %div3A = arith.divf %sub3A_99, %sub3A_62 : f32
    %sub3A_100 = arith.subf %select_n3A_98, %reduce_min3A_55 : f32
    %div3A_101 = arith.divf %sub3A_100, %sub3A_62 : f32
    %sub3A_102 = arith.subf %div3A_101, %div3A : f32
    %mul3A = arith.constant 4.300000e-01 : f32
    %mul3A_103 = arith.mulf %mul3A, %sub3A_102 : f32
    %add3A = arith.addf %div3A, %mul3A_103 : f32
    %div3A_104 = arith.constant 1.022000e+03 : f32
    %div3A_105 = arith.divf %div3A_104, %sub3A : f32
    %div3A_106 = arith.constant 1.022000e+03 : f32
    %div3A_107 = arith.divf %div3A_106, %sub3A_61 : f32
    %div3A_108 = arith.constant 1.000000e+00 : f32
    %div3A_109 = arith.divf %div3A_108, %sub3A_62 : f32
    %iota3A = tpu.iota {dimensions = array<i32: 0>} : vector<8x128xi32>
    %broadcast_in_dim3A_110 = arith.constant 0.000000e+00 : f32
    %broadcast_in_dim3A_111 = vector.broadcast %broadcast_in_dim3A_110 : f32 to vector<8x128xf32>
    %eq3A = arith.constant 0 : i32
    %eq3A_112 = vector.broadcast %eq3A : i32 to vector<8x128xi32>
    %eq3A_113 = arith.cmpi eq, %iota3A, %eq3A_112 : vector<8x128xi32>
    %broadcast_in_dim3A_114 = vector.broadcast %reduce_min3A_12 : f32 to vector<8x128xf32>
    %select_n3A_115 = arith.select %eq3A_113, %broadcast_in_dim3A_114, %broadcast_in_dim3A_111 : vector<8x128xi1>, vector<8x128xf32>
    %eq3A_116 = arith.constant 1 : i32
    %eq3A_117 = vector.broadcast %eq3A_116 : i32 to vector<8x128xi32>
    %eq3A_118 = arith.cmpi eq, %iota3A, %eq3A_117 : vector<8x128xi32>
    %broadcast_in_dim3A_119 = vector.broadcast %div3A_105 : f32 to vector<8x128xf32>
    %select_n3A_120 = arith.select %eq3A_118, %broadcast_in_dim3A_119, %select_n3A_115 : vector<8x128xi1>, vector<8x128xf32>
    %eq3A_121 = arith.constant 2 : i32
    %eq3A_122 = vector.broadcast %eq3A_121 : i32 to vector<8x128xi32>
    %eq3A_123 = arith.cmpi eq, %iota3A, %eq3A_122 : vector<8x128xi32>
    %broadcast_in_dim3A_124 = vector.broadcast %reduce_min3A_33 : f32 to vector<8x128xf32>
    %select_n3A_125 = arith.select %eq3A_123, %broadcast_in_dim3A_124, %select_n3A_120 : vector<8x128xi1>, vector<8x128xf32>
    %eq3A_126 = arith.constant 3 : i32
    %eq3A_127 = vector.broadcast %eq3A_126 : i32 to vector<8x128xi32>
    %eq3A_128 = arith.cmpi eq, %iota3A, %eq3A_127 : vector<8x128xi32>
    %broadcast_in_dim3A_129 = vector.broadcast %div3A_107 : f32 to vector<8x128xf32>
    %select_n3A_130 = arith.select %eq3A_128, %broadcast_in_dim3A_129, %select_n3A_125 : vector<8x128xi1>, vector<8x128xf32>
    %eq3A_131 = arith.constant 4 : i32
    %eq3A_132 = vector.broadcast %eq3A_131 : i32 to vector<8x128xi32>
    %eq3A_133 = arith.cmpi eq, %iota3A, %eq3A_132 : vector<8x128xi32>
    %broadcast_in_dim3A_134 = vector.broadcast %reduce_min3A_55 : f32 to vector<8x128xf32>
    %select_n3A_135 = arith.select %eq3A_133, %broadcast_in_dim3A_134, %select_n3A_130 : vector<8x128xi1>, vector<8x128xf32>
    %eq3A_136 = arith.constant 5 : i32
    %eq3A_137 = vector.broadcast %eq3A_136 : i32 to vector<8x128xi32>
    %eq3A_138 = arith.cmpi eq, %iota3A, %eq3A_137 : vector<8x128xi32>
    %broadcast_in_dim3A_139 = vector.broadcast %div3A_109 : f32 to vector<8x128xf32>
    %select_n3A_140 = arith.select %eq3A_138, %broadcast_in_dim3A_139, %select_n3A_135 : vector<8x128xi1>, vector<8x128xf32>
    %eq3A_141 = arith.constant 6 : i32
    %eq3A_142 = vector.broadcast %eq3A_141 : i32 to vector<8x128xi32>
    %eq3A_143 = arith.cmpi eq, %iota3A, %eq3A_142 : vector<8x128xi32>
    %broadcast_in_dim3A_144 = vector.broadcast %add3A : f32 to vector<8x128xf32>
    %select_n3A_145 = arith.select %eq3A_143, %broadcast_in_dim3A_144, %select_n3A_140 : vector<8x128xi1>, vector<8x128xf32>
    %eq3A_146 = arith.constant 7 : i32
    %eq3A_147 = vector.broadcast %eq3A_146 : i32 to vector<8x128xi32>
    %eq3A_148 = arith.cmpi eq, %iota3A, %eq3A_147 : vector<8x128xi32>
    %jit3A = arith.constant 0.000000e+00 : f32
    %broadcast_in_dim3A_149 = vector.broadcast %jit3A : f32 to vector<8x128xf32>
    %select_n3A_150 = arith.select %eq3A_148, %broadcast_in_dim3A_149, %select_n3A_145 : vector<8x128xi1>, vector<8x128xf32>
    %swap3A = arith.constant 0 : index
    %swap3A_151 = arith.constant 0 : index
    %swap3A_152 = arith.constant 0 : index
    %swap3A_153 = vector.load %arg4[%swap3A, %swap3A_151, %swap3A_152] : memref<1x8x128xf32, #tpu.memory_space<vmem>>, vector<1x8x128xf32>
    %swap3A_154 = vector.shape_cast %swap3A_153 : vector<1x8x128xf32> to vector<8x128xf32>
    %swap3A_155 = vector.shape_cast %select_n3A_150 : vector<8x128xf32> to vector<1x8x128xf32>
    tpu.vector_store %arg4[%swap3A, %swap3A_151, %swap3A_152], %swap3A_155 {strides = array<i32>} : memref<1x8x128xf32, #tpu.memory_space<vmem>>, vector<1x8x128xf32>,
    return
  }
  func.func @transform_0(%arg0: i32) -> (i32, i32, i32) {
    %c0_i32 = arith.constant 0 : i32
    %c0_i32_0 = arith.constant 0 : i32
    %c0_i32_1 = arith.constant 0 : i32
    return %arg0, %c0_i32, %c0_i32_0 : i32, i32, i32
  }
  func.func @transform_1(%arg0: i32) -> (i32, i32, i32) {
    %c0_i32 = arith.constant 0 : i32
    %c0_i32_0 = arith.constant 0 : i32
    %c0_i32_1 = arith.constant 0 : i32
    return %arg0, %c0_i32, %c0_i32_0 : i32, i32, i32
  }
  func.func @transform_2(%arg0: i32) -> (i32, i32, i32) {
    %c0_i32 = arith.constant 0 : i32
    %c0_i32_0 = arith.constant 0 : i32
    %c0_i32_1 = arith.constant 0 : i32
    return %arg0, %c0_i32, %c0_i32_0 : i32, i32, i32
  }
  func.func @transform_3(%arg0: i32) -> (i32, i32, i32) {
    %c0_i32 = arith.constant 0 : i32
    %c0_i32_0 = arith.constant 0 : i32
    %c0_i32_1 = arith.constant 0 : i32
    return %arg0, %c0_i32, %c0_i32_0 : i32, i32, i32
  }
}

</mosaic_0001>

<sc_bundles>
// kernel: kernel.4.cloned.1.call-start
scs
__scs_entry_jumppad:
0x0: {  	(pc) =	sbr.rel $0x88, $3  }
0x1: {  	(tag) =	ssettag $0x0;
	lr =	simm.s32 $0x1  }
0x2: {  	[smem:$0x3FA0] =	sst lr;
	_ =	strace $0xD0000000  }
0x3: {  	_ = 	snop  }
0x4: {  	_ = 	snop  }
0x5: {  	_ = 	snop  }
0x6: {  	_ = 	snop  }
0x7: {  	_ = 	snop  }
__scs_overlays_trampoline_lowered:
0x8: {  	[smem:$0x3FAF] =	sst s0  }
0x9: {  	[smem:$0x3FB0] =	sst s1  }
0xa: {  	[smem:$0x3FB1] =	sst s2  }
0xb: {  	[smem:$0x3FB2] =	sst s3  }
0xc: {  	[smem:$0x3FB3] =	sst s4  }
0xd: {  	[smem:$0x3FB4] =	sst s5  }
0xe: {  	[smem:$0x3FB5] =	sst s6  }
0xf: {  	[smem:$0x3FB6] =	sst s7  }
0x10: {  	[smem:$0x3FB7] =	sst s8  }
0x11: {  	[smem:$0x3FB8] =	sst s9;
	s0 =	simm.s32 @!p0 $0x0  }
0x12: {  	s1 =	sld [smem:$0x3F9E];
	s0 =	simm.s32 @p0 $0x1  }
0x13: {  	[smem:$0x3FB9] =	sst s0;
	s0 =	simm.s32 @!p1 $0x0  }
0x14: {  	s2 =	sld [smem:$0x3F9D];
	s0 =	simm.s32 @p1 $0x1  }
0x15: {  	[smem:$0x3FBA] =	sst s0;
	s0 =	simm.s32 @!p2 $0x0  }
0x16: {  	s3 =	sld [smem:$0x3FDB];
	s0 =	simm.s32 @p2 $0x1  }
0x17: {  	s4 =	simm.s32 $0x1BF5;
	[smem:$0x3FBC] =	sst s0  }
0x18: {  	s0 =	sld [smem:$0x3F9F];
	_ =	swait.ge [sflag:s4], $0x0  }
0x19: {  	s7 =	sld [smem:$0x3FA0]  }
0x1a: {  	s8 =	sadd.s32 $0xFFFFE003, lr  }
0x1b: {  	s9 =	sadd.s32 $0xFFFFFEF7, lr;
	s5 =	simm.s32 $0xFFFFFFFF;
	p2 =	slt.u32 s8, $0xFFFFF086  }
0x1c: {  	p1 =	slt.u32 s9, $0xF7A;
	s5 =	simm.s32 @!p2 $0x0  }
0x1d: {  	s5 =	simm.s32 @p1 $0x1;
	p0 =	seq.s32 s7, s2  }
0x1e: {  	s7 =	smul.u32 @!p0 $0xF7A, s2;
	p2 =	seq.s32 @!p0 s5, $0x0  }
0x1f: {  	s9 =	smul.u32 $0xF7A, s1;
	s8 =	simm.s32 @!p0 $0x1BF5;
	p2 =	por !p2, p0  }
0x20: {  	[sflag:s8] =	ssyncset.s32 @!p0 $0xFFFFF086;
	s6 =	sadd.s32 @!p0 s3, s7;
	s7 =	simm.s32 @!p0 $0x108  }
0x21: {  	s3 =	sadd.s32 s3, s9;
	s6 =	sadd.s32 @!p0 $0x88, s6;
	s7 =	simm.s32 @p2 $0x1082  }
0x22: {  	[simem:s7], [sflag:s8] =	dma.local @!p0 [hbm:s6], $0xF7A  }
0x23: {  	s9 =	sor.u32 $0xD0000000, s2;
	s6 =	simm.s32 $0x108;
	_ =	swait.ge @!p0 [sflag:s8], $0x0  }
0x24: {  	s3 =	sadd.s32 $0x88, s3;
	s6 =	simm.s32 @!p1 $0x1082;
	[sflag:s4] =	ssyncset.s32 $0xFFFFF086  }
0x25: {  	[simem:s6], [sflag:s4] =	dma.local [hbm:s3], $0xF7A  }
0x26: {  	[smem:$0x3FA0] =	sst s1;
	(tag) =	ssettag s2;
	_ =	strace s9  }
0x27: {  	s1 =	sld [smem:$0x3FB0]  }
0x28: {  	s2 =	sld [smem:$0x3FB1]  }
0x29: {  	s4 =	sld [smem:$0x3FB3]  }
0x2a: {  	p0 =	seq.s32 s5, $0x0;
	s5 =	sld [smem:$0x3FB4]  }
0x2b: {  	s6 =	sld [smem:$0x3FB5]  }
0x2c: {  	s7 =	sld [smem:$0x3FB6]  }
0x2d: {  	s3 =	simm.s32 $0x108;
	s8 =	sld [smem:$0x3FB7]  }
0x2e: {  	s3 =	simm.s32 @!p0 $0x1082;
	s9 =	sld [smem:$0x3FB8]  }
0x2f: {  	lr =	sadd.s32 s0, s3;
	s0 =	sld [smem:$0x3FAF]  }
0x30: {  	s3 =	sld [smem:$0x3FB2]  }
0x31: {  	[smem:$0x3FBB] =	sst s10  }
0x32: {  	s10 =	sld [smem:$0x3FB9];
	_ =	sdelay $0x3  }
0x33: {  	p0 =	seq.s32 s10, $0x1;
	s10 =	sld [smem:$0x3FBB];
	_ =	sdelay $0x3  }
0x34: {  	[smem:$0x3FBB] =	sst s10  }
0x35: {  	s10 =	sld [smem:$0x3FBA];
	_ =	sdelay $0x3  }
0x36: {  	p1 =	seq.s32 s10, $0x1;
	s10 =	sld [smem:$0x3FBB];
	_ =	sdelay $0x3  }
0x37: {  	[smem:$0x3FBB] =	sst s10  }
0x38: {  	s10 =	sld [smem:$0x3FBC]  }
0x39: {  	_ = 	snop;
	(pc) =	sbr.ind lr, $3  }
0x3a: {  	_ = 	snop  }
0x3b: {  	_ = 	snop  }
0x3c: {  	p2 =	seq.s32 s10, $0x1;
	s10 =	sld [smem:$0x3FBB]  }
0x3d: {  	_ =	shalt  }
0x3e: {  	_ =	shalt  }
0x3f: {  	_ =	shalt  }
0x40: {  	_ =	shalt  }
0x41: {  	_ =	shalt  }
0x42: {  	_ =	shalt  }
0x43: {  	_ =	shalt  }
0x44: {  	_ =	shalt  }
0x45: {  	_ =	shalt  }
0x46: {  	_ =	shalt  }
0x47: {  	_ =	shalt  }
0x48: {  	_ =	shalt  }
0x49: {  	_ =	shalt  }
0x4a: {  	_ =	shalt  }
0x4b: {  	_ =	shalt  }
0x4c: {  	_ =	shalt  }
0x4d: {  	_ =	shalt  }
0x4e: {  	_ =	shalt  }
0x4f: {  	_ =	shalt  }
0x50: {  	_ =	shalt  }
0x51: {  	_ =	shalt  }
0x52: {  	_ =	shalt  }
0x53: {  	_ =	shalt  }
0x54: {  	_ =	shalt  }
0x55: {  	_ =	shalt  }
0x56: {  	_ =	shalt  }
0x57: {  	_ =	shalt  }
0x58: {  	_ =	shalt  }
0x59: {  	_ =	shalt  }
0x5a: {  	_ =	shalt  }
0x5b: {  	_ =	shalt  }
0x5c: {  	_ =	shalt  }
0x5d: {  	_ =	shalt  }
0x5e: {  	_ =	shalt  }
0x5f: {  	_ =	shalt  }
0x60: {  	_ =	shalt  }
0x61: {  	_ =	shalt  }
0x62: {  	_ =	shalt  }
0x63: {  	_ =	shalt  }
0x64: {  	_ =	shalt  }
0x65: {  	_ =	shalt  }
0x66: {  	_ =	shalt  }
0x67: {  	_ =	shalt  }
0x68: {  	_ =	shalt  }
0x69: {  	_ =	shalt  }
0x6a: {  	_ =	shalt  }
0x6b: {  	_ =	shalt  }
0x6c: {  	_ =	shalt  }
0x6d: {  	_ =	shalt  }
0x6e: {  	_ =	shalt  }
0x6f: {  	_ =	shalt  }
0x70: {  	_ =	shalt  }
0x71: {  	_ =	shalt  }
0x72: {  	_ =	shalt  }
0x73: {  	_ =	shalt  }
0x74: {  	_ =	shalt  }
0x75: {  	_ =	shalt  }
0x76: {  	_ =	shalt  }
0x77: {  	_ =	shalt  }
0x78: {  	_ =	shalt  }
0x79: {  	_ =	shalt  }
0x7a: {  	_ =	shalt  }
0x7b: {  	_ =	shalt  }
0x7c: {  	_ =	shalt  }
0x7d: {  	_ =	shalt  }
0x7e: {  	_ =	shalt  }
0x7f: {  	_ =	shalt  }
0x80: {  	_ =	shalt  }
0x81: {  	_ =	shalt  }
0x82: {  	_ =	shalt  }
0x83: {  	_ =	shalt  }
0x84: {  	_ =	shalt  }
0x85: {  	_ =	shalt  }
0x86: {  	_ =	shalt  }
0x87: {  	_ =	shalt  }
.Lfunc_end0:
.L_simem_size_0:
called_computation_lowered:
.L_overlay_start_0:
0x88: {  	s2 =	sld [smem:$0x3FD9]  }
0x89: {  	s3 =	sld [smem:$0x3FFE];
	_ =	sdelay $0x1  }
0x8a: {  	s1 =	srdreg.scid  }
0x8b: {  	s0 =	sand.u32 $0x1, s1  }
0x8c: {  	s17 =	sshll.u32 s0, $0xA;
	s2 =	sadd.s32 s3, s2  }
0x8d: {  	s2 =	sadd.s32 s2, s17  }
0x8e: {  	[smem:$0x3FC7] =	sst s2  }
0x8f: {  	_ = 	snop  }
0x90: {  	s2 =	sld [smem:$0x3FD0];
	(tm) =	ssettm $0x1  }
0x91: {  	s18 =	sld [smem:$0x3FFB];
	_ =	sdelay $0x3  }
0x92: {  	_ =	strace s18  }
0x93: {  	s3 =	sld [smem:$0x3FFC];
	_ =	sdelay $0x3  }
0x94: {  	_ =	strace s3  }
0x95: {  	s3 =	sld [smem:$0x3FFD];
	_ =	sdelay $0x3  }
0x96: {  	_ =	strace s3  }
0x97: {  	_ =	strace $0x8FFFFFFF  }
0x98: {  	s19 =	sld [smem:$0x3FDB];
	_ =	sdelay $0x1  }
0x99: {  	s4 =	simm.s32 $_scs_section_size  }
0x9a: {  	s5 =	simm.s32 $_size__tile_overlayer_lowered;
	s6 =	simm.s32 $_tile_overlayer_lowered  }
0x9b: {  	s22 =	simm.s32 $0x1BFF;
	s21 =	sshll.u32 s6, $0x1;
	s3 =	sadd.s32 s4, s19  }
0x9c: {  	s7 =	simm.s32 $0x0;
	s20 =	sshll.u32 s5, $0x1;
	s5 =	sadd.s32 s21, s3  }
0x9d: {  	[timem:s7], [sflag:s22] =	dma.local [hbm:s5], s20  }
0x9e: {  	_ =	swait.ge [sflag:s22], s20  }
0x9f: {  	s4 =	ssub.s32 $0x0, s20;
	[sflag:s22] =	ssyncset.done $0x0  }
0xa0: {  	[sflag:s22] =	ssyncadd.s32 s4;
	_ =	sdelay $0x1  }
0xa1: {  	s23 =	simm.s32 $0x1B8B  }
0xa2: {  	_ =	swait.ge [sflag:s23], $0x1  }
0xa3: {  	[sflag:s23] =	ssyncset.done $0x0  }
0xa4: {  	s25 =	simm.s32 $0x1B8E;
	s24 =	sld [smem:$0x3FFE];
	[sflag:s23] =	ssyncadd.s32 $0xFFFFFFFF  }
0xa5: {  	s26 =	simm.s32 $execute0_lowered;
	[smem:$0x3FD2] =	sst s25  }
0xa6: {  	s5 =	sshll.u32 s26, $0x1;
	_ =	strace $0x80000046;
	[dreg:$0x1] =	wrdreg $0xFFFFFFFF  }
0xa7: {  	s28 =	simm.s32 $_size_execute0_lowered;
	s3 =	sadd.s32 s3, s5;
	[dreg:$0x0] =	wrdreg $0x0  }
0xa8: {  	s5 =	sshll.u32 s28, $0x1;
	[dreg:$0x2] =	wrdreg s3  }
0xa9: {  	[dreg:$0x3] =	wrdreg s5  }
0xaa: {  	[dreg:$0x4] =	wrdreg $0xC0  }
0xab: {  	_ =	task [dreg:s7], $0x5FFFF  }
0xac: {  	[dreg:$0x1] =	wrdreg $0xFFFFFFFF  }
0xad: {  	[dreg:$0x0] =	wrdreg $0x60  }
0xae: {  	[dreg:$0x2] =	wrdreg s24  }
0xaf: {  	[dreg:$0x3] =	wrdreg s2  }
0xb0: {  	[dreg:$0x4] =	wrdreg $0x0  }
0xb1: {  	[dreg:$0x5] =	wrdreg $0x9  }
0xb2: {  	_ =	task.clear_ibuf [dreg:s7], $0x6FFFF;
	_ =	strace $0x90000046  }
0xb3: {  	s29 =	simm.s32 $0x9;
	_ =	strace $0x80000048  }
0xb4: {  	_ =	swait.ge [sflag:s29], $0x1  }
0xb5: {  	[sflag:s29] =	ssyncadd.s32 $0xFFFFFFFF  }
0xb6: {  	_ =	strace $0x90000048  }
0xb7: {  	_ =	sfence  }
0xb8: {  	s30 =	sld [smem:$0x0];
	_ =	sdelay $0x2  }
0xb9: {  	s31 =	sshll.u32 s1, $0xD;
	s1 =	sshrl.u32 s1, $0x2  }
0xba: {  	s3 =	sand.u32 $0x4000, s31;
	s1 =	sadd.s32 s1, s30  }
0xbb: {  	s0 =	sor.u32 s3, s0;
	s1 =	sshll.u32 s1, $0x11  }
0xbc: {  	s0 =	sor.u32 s1, s0  }
0xbd: {  	s0 =	sadd.s32 $0x8F2B, s0  }
0xbe: {  	[sflag:s0] =	ssyncadd.remote.s32 $0x1  }
0xbf: {  	_ =	sfence.sel $0xFFFF  }
0xc0: {  	[dreg:$0x0] =	wrdreg $0xFFFFFFFF;
	(pc) =	sbr.abs _section_cstart, $3  }
0xc1: {  	[dreg:$0x1] =	wrdreg $0xFFFFFFFF  }
0xc2: {  	_ =	task.clear_ibuf [dreg:s7], $0x2FFFF;
	_ =	strace $0x9FFFFFFF  }
0xc3: {  	(tm) =	ssettm $0x7FFFFFFF  }
tec
execute0_lowered:
.L_overlay_start_1:
0x0: {  	(tag) =	ssettag $0x1  }
0x1: {  	s0 =	rddreg [dreg:$0x0]  }
0x2: {  	s1 =	rddreg [dreg:$0x1]  }
0x3: {  	s2 =	rddreg [dreg:$0x2];
	s3 =	simm.s32 $0x0  }
0x4: {  	s4 =	simm.s32 $0x0;
	s17 =	srdreg.scid;
	[dreg:$0x4] =	wrdreg s3  }
0x5: {  	s19 =	stileid.u32;
	[smem:$0x7FF] =	sst s4  }
0x6: {  	s5 =	sadd.s32 $0xC00, s0;
	s6 =	sadd.s32 $0x80C00, s0;
	s3 =	sand.u32 $0x1, s17  }
0x7: {  	s7 =	sadd.s32 $0x40C00, s0;
	s28 =	sshll.u32 s19, $0x10;
	s0 =	sadd.s32 $0xC0C00, s0  }
0x8: {  	_ =	strace $0x80000047;
	s18 =	ssub.s32 $0x2, s3;
	[dreg:$0x6] =	wrdreg s0  }
0x9: {  	s29 =	sadd.s32 s28, s2;
	s3 =	sshll.u32 s3, $0x2;
	[dreg:$0x5] =	wrdreg s28  }
0xa: {  	s20 =	sshrl.u32 s18, $0x1;
	[dreg:$0x7] =	wrdreg s3;
	s21 =	sadd.s32 $0x400, s29  }
0xb: {  	s22 =	sadd.s32 $0x800, s29;
	[smem:$0x7F8] =	sst s29;
	s23 =	sshrl.u32 s21, $0x3  }
0xc: {  	s8 =	sadd.s32 $0xC00, s29;
	s24 =	sshrl.u32 s22, $0x3;
	[dreg:$0x9] =	wrdreg s23  }
0xd: {  	s9 =	sadd.s32 $0x1000, s29;
	s25 =	sshrl.u32 s8, $0x3;
	[dreg:$0xa] =	wrdreg s24  }
0xe: {  	s10 =	sadd.s32 $0x1400, s29;
	s26 =	sshrl.u32 s9, $0x3;
	[dreg:$0xb] =	wrdreg s25  }
0xf: {  	s11 =	sadd.s32 $0x1800, s29;
	s3 =	sshrl.u32 s10, $0x3;
	[dreg:$0xc] =	wrdreg s26  }
0x10: {  	s12 =	sadd.s32 $0x1C00, s29;
	s4 =	sshrl.u32 s11, $0x3;
	[dreg:$0xd] =	wrdreg s3  }
0x11: {  	s13 =	sadd.s32 $0x2400, s29;
	s8 =	sshrl.u32 s12, $0x3;
	[dreg:$0xe] =	wrdreg s4  }
0x12: {  	s14 =	sadd.s32 $0x2800, s29;
	s9 =	sshrl.u32 s13, $0x3;
	[dreg:$0xf] =	wrdreg s8  }
0x13: {  	s15 =	sadd.s32 $0x2C00, s29;
	s10 =	sshrl.u32 s14, $0x3;
	[dreg:$0x10] =	wrdreg s9  }
0x14: {  	s16 =	sadd.s32 $0x3000, s29;
	s11 =	sshrl.u32 s15, $0x3;
	[dreg:$0x11] =	wrdreg s10  }
0x15: {  	s17 =	sadd.s32 $0x3400, s29;
	s12 =	sshrl.u32 s16, $0x3;
	[dreg:$0x12] =	wrdreg s11  }
0x16: {  	s0 =	ssub.s32 s18, s20;
	s13 =	sshrl.u32 s17, $0x3;
	[dreg:$0x13] =	wrdreg s12  }
0x17: {  	s18 =	sadd.s32 $0x3800, s29;
	s0 =	smax.u32 s0, $0x1;
	[dreg:$0x14] =	wrdreg s13  }
0x18: {  	s17 =	sadd.s32 $0x4800, s29;
	s14 =	sshrl.u32 s18, $0x3;
	[dreg:$0x8] =	wrdreg s0  }
0x19: {  	s22 =	sadd.s32 $0x5400, s29;
	s18 =	sshrl.u32 s17, $0x3;
	[dreg:$0x15] =	wrdreg s14  }
0x1a: {  	s15 =	sadd.s32 $0x3C00, s29;
	s23 =	sshrl.u32 s22, $0x3;
	[dreg:$0x18] =	wrdreg s18  }
0x1b: {  	s26 =	sadd.s32 $0x6400, s29;
	s0 =	sshrl.u32 s15, $0x3;
	[dreg:$0x1b] =	wrdreg s23  }
0x1c: {  	s9 =	sadd.s32 $0x7000, s29;
	s3 =	sshrl.u32 s26, $0x3;
	[dreg:$0x16] =	wrdreg s0  }
0x1d: {  	s13 =	sadd.s32 $0x7C00, s29;
	s10 =	sshrl.u32 s9, $0x3;
	[dreg:$0x1e] =	wrdreg s3  }
0x1e: {  	s17 =	sadd.s32 $0x8C00, s29;
	s14 =	sshrl.u32 s13, $0x3;
	[smem:$0x7D0] =	sst s10  }
0x1f: {  	s22 =	sadd.s32 $0x9800, s29;
	s18 =	sshrl.u32 s17, $0x3;
	[smem:$0x7D3] =	sst s14  }
0x20: {  	s16 =	sadd.s32 $0x4400, s29;
	s23 =	sshrl.u32 s22, $0x3;
	[smem:$0x7D6] =	sst s18  }
0x21: {  	s26 =	sadd.s32 $0xA800, s29;
	s0 =	sshrl.u32 s16, $0x3;
	[smem:$0x7D9] =	sst s23  }
0x22: {  	s9 =	sadd.s32 $0xB400, s29;
	s3 =	sshrl.u32 s26, $0x3;
	[dreg:$0x17] =	wrdreg s0  }
0x23: {  	s13 =	sadd.s32 $0xC400, s29;
	s10 =	sshrl.u32 s9, $0x3;
	[smem:$0x7DC] =	sst s3  }
0x24: {  	s17 =	sadd.s32 $0xD000, s29;
	s14 =	sshrl.u32 s13, $0x3;
	[smem:$0x7DF] =	sst s10  }
0x25: {  	s22 =	sadd.s32 $0xDC00, s29;
	s18 =	sshrl.u32 s17, $0x3;
	[smem:$0x7E2] =	sst s14  }
0x26: {  	s23 =	sshrl.u32 s22, $0x3;
	[smem:$0x7E5] =	sst s18  }
0x27: {  	s30 =	simm.s32 $0x10;
	s13 =	sor.u32 $0x2000, s28;
	[smem:$0x7E8] =	sst s23  }
0x28: {  	s20 =	sadd.s32 $0x4C00, s29;
	s17 =	sor.u32 $0xA000, s28;
	[smem:$0x7F1] =	sst s13  }
0x29: {  	s26 =	sadd.s32 $0xEC00, s29;
	s0 =	sshrl.u32 s20, $0x3;
	[smem:$0x7F5] =	sst s17  }
0x2a: {  	s9 =	sadd.s32 $0xF800, s29;
	s3 =	sshrl.u32 s26, $0x3;
	[dreg:$0x19] =	wrdreg s0  }
0x2b: {  	s31 =	sadd.s32 $0x8000, s29;
	s10 =	sshrl.u32 s9, $0x3;
	[smem:$0x7EB] =	sst s3  }
0x2c: {  	s21 =	sadd.s32 $0x5000, s29;
	s14 =	sor.u32 $0x4000, s28;
	[smem:$0x7EE] =	sst s10  }
0x2d: {  	s24 =	sadd.s32 $0x5800, s29;
	s18 =	sor.u32 $0xC000, s28;
	[smem:$0x7F2] =	sst s14  }
0x2e: {  	s25 =	sadd.s32 $0x5C00, s29;
	s13 =	sadd.s32 $0x4000, s29;
	[smem:$0x7F6] =	sst s18  }
0x2f: {  	s4 =	sadd.s32 $0x6800, s29;
	s0 =	sshrl.u32 s21, $0x3;
	[smem:$0x7FA] =	sst s13  }
0x30: {  	s8 =	sadd.s32 $0x6C00, s29;
	[dreg:$0x1a] =	wrdreg s0;
	s0 =	sshrl.u32 s24, $0x3  }
0x31: {  	s11 =	sadd.s32 $0x7400, s29;
	[dreg:$0x1c] =	wrdreg s0;
	s0 =	sshrl.u32 s25, $0x3  }
0x32: {  	s12 =	sadd.s32 $0x7800, s29;
	[dreg:$0x1d] =	wrdreg s0;
	s0 =	sshrl.u32 s4, $0x3  }
0x33: {  	s15 =	sadd.s32 $0x8400, s29;
	[dreg:$0x1f] =	wrdreg s0;
	s0 =	sshrl.u32 s8, $0x3  }
0x34: {  	s16 =	sadd.s32 $0x8800, s29;
	[smem:$0x7CF] =	sst s0;
	s0 =	sshrl.u32 s11, $0x3  }
0x35: {  	s22 =	sadd.s32 $0x30, s1;
	[smem:$0x7D1] =	sst s0;
	s0 =	sshrl.u32 s12, $0x3  }
0x36: {  	s20 =	sadd.s32 $0x9000, s29;
	[smem:$0x7D2] =	sst s0;
	s0 =	sshrl.u32 s15, $0x3  }
0x37: {  	s23 =	sadd.s32 $0x40, s1;
	[smem:$0x7D4] =	sst s0;
	s0 =	sshrl.u32 s16, $0x3  }
0x38: {  	s21 =	sadd.s32 $0x9400, s29;
	[smem:$0x7D5] =	sst s0;
	s0 =	sshrl.u32 s20, $0x3  }
0x39: {  	s24 =	sadd.s32 $0x9C00, s29;
	[smem:$0x7D7] =	sst s0;
	s0 =	sshrl.u32 s21, $0x3  }
0x3a: {  	s25 =	sadd.s32 $0xA400, s29;
	[smem:$0x7D8] =	sst s0;
	s0 =	sshrl.u32 s24, $0x3  }
0x3b: {  	s4 =	sadd.s32 $0xAC00, s29;
	[smem:$0x7DA] =	sst s0;
	s0 =	sshrl.u32 s25, $0x3  }
0x3c: {  	s8 =	sadd.s32 $0xB000, s29;
	[smem:$0x7DB] =	sst s0;
	s0 =	sshrl.u32 s4, $0x3  }
0x3d: {  	s11 =	sadd.s32 $0xB800, s29;
	[smem:$0x7DD] =	sst s0;
	s0 =	sshrl.u32 s8, $0x3  }
0x3e: {  	s12 =	sadd.s32 $0xBC00, s29;
	[smem:$0x7DE] =	sst s0;
	s0 =	sshrl.u32 s11, $0x3  }
0x3f: {  	s26 =	sadd.s32 $0x70, s1;
	[smem:$0x7E0] =	sst s0;
	s0 =	sshrl.u32 s12, $0x3  }
0x40: {  	s17 =	simm.s32 $0x3;
	s12 =	sshll.u32 s19, $0xE;
	[smem:$0x7E1] =	sst s0  }
0x41: {  	s15 =	sadd.s32 $0xC800, s29;
	s19 =	sor.u32 $0xE000, s28;
	[smem:$0x7F0] =	sst s12  }
0x42: {  	s14 =	sadd.s32 $0x6000, s29;
	s0 =	sshrl.u32 s15, $0x3;
	[smem:$0x7F7] =	sst s19  }
0x43: {  	s18 =	simm.s32 $0x1;
	s15 =	sor.u32 $0x6000, s28;
	[smem:$0x7E3] =	sst s0  }
0x44: {  	s16 =	sadd.s32 $0xCC00, s29;
	s12 =	sadd.s32 $0x2000, s29;
	[smem:$0x7F3] =	sst s15  }
0x45: {  	s20 =	sadd.s32 $0xD400, s29;
	s0 =	sshrl.u32 s16, $0x3;
	[smem:$0x7F9] =	sst s12  }
0x46: {  	s21 =	sadd.s32 $0xD800, s29;
	s16 =	sor.u32 $0x8000, s28;
	[smem:$0x7E4] =	sst s0  }
0x47: {  	s24 =	sadd.s32 $0xE400, s29;
	s0 =	sshrl.u32 s20, $0x3;
	[smem:$0x7F4] =	sst s16  }
0x48: {  	s25 =	sadd.s32 $0xE800, s29;
	[smem:$0x7E6] =	sst s0;
	s0 =	sshrl.u32 s21, $0x3  }
0x49: {  	s4 =	sadd.s32 $0xF000, s29;
	[smem:$0x7E7] =	sst s0;
	s0 =	sshrl.u32 s24, $0x3  }
0x4a: {  	s8 =	sadd.s32 $0xF400, s29;
	[smem:$0x7E9] =	sst s0;
	s0 =	sshrl.u32 s25, $0x3  }
0x4b: {  	s11 =	sadd.s32 $0xFC00, s29;
	[smem:$0x7EA] =	sst s0;
	s0 =	sshrl.u32 s4, $0x3  }
0x4c: {  	s19 =	simm.s32 $0x2;
	s4 =	sadd.s32 $0xA000, s29;
	[smem:$0x7EC] =	sst s0  }
0x4d: {  	s28 =	simm.s32 $0x80;
	s0 =	sshrl.u32 s8, $0x3;
	[smem:$0x7FB] =	sst s4  }
0x4e: {  	s20 =	sadd.s32 $0x10, s1;
	s8 =	sadd.s32 $0xC000, s29;
	[smem:$0x7ED] =	sst s0  }
0x4f: {  	s16 =	simm.s32 $0x1B080;
	s0 =	sshrl.u32 s11, $0x3;
	[smem:$0x7FC] =	sst s8  }
0x50: {  	s21 =	sadd.s32 $0x20, s1;
	s11 =	sadd.s32 $0xE000, s29;
	[smem:$0x7EF] =	sst s0  }
0x51: {  	v0 =	vimm.f32 $0.0e+00;
	v1 =	vimm.s32 $0x0;
	s24 =	sadd.s32 $0x50, s1;
	s25 =	sadd.s32 $0x60, s1;
	[smem:$0x7FD] =	sst s11  }
.LBB2_1:
0x52: {  	s0 =	simm.s32 $0x40;
	s3 =	simm.s32 $0x0  }
.LBB2_2:
0x53: {  	p0 =	sne.s32 s0, $0x7FC0;
	[tilespmem:s3+$0x1B080] =	vst v0;
	s3 =	smov.u32 s0;
	s0 =	sadd.s32 $0x40, s0  }
.Ltmp0:
0x54: {  	(pc) =	sbr.rel @p0 .LBB2_2-.Ltmp0, $2  }
0x55: {  	_ =	sdelay $0x2  }
0x56: {  	s3 =	sshra.s32 s3, $0x2  }
0x57: {  	[tilespmem:s3+$0x1B080] =	vst v0;
	s3 =	simm.s32 $0x0  }
.LBB2_4:
0x58: {  	[spmem:s29] =	stream.linear.scatter [tilespmem:s16], [sflag:$0x3], $0x2000, $0x38;
	[tilespmem:$0x1D080] =	vst v63  }
0x59: {  	_ =	swait.ge [sflag:s17], $0x2000  }
0x5a: {  	[sflag:s17] =	ssyncset.done $0x0  }
0x5b: {  	[sflag:s17] =	ssyncadd.s32 $0xFFFFE000  }
0x5c: {  	[spmem:s12] =	stream.linear.scatter [tilespmem:s16], [sflag:$0x3], $0x2000, $0x38;
	[tilespmem:$0x1D080] =	vst v63  }
0x5d: {  	_ =	swait.ge [sflag:s17], $0x2000  }
0x5e: {  	[sflag:s17] =	ssyncset.done $0x0  }
0x5f: {  	[sflag:s17] =	ssyncadd.s32 $0xFFFFE000  }
0x60: {  	[spmem:s13] =	stream.linear.scatter [tilespmem:s16], [sflag:$0x3], $0x2000, $0x38;
	[tilespmem:$0x1D080] =	vst v63  }
0x61: {  	_ =	swait.ge [sflag:s17], $0x2000  }
0x62: {  	[sflag:s17] =	ssyncset.done $0x0  }
0x63: {  	[sflag:s17] =	ssyncadd.s32 $0xFFFFE000  }
0x64: {  	[spmem:s14] =	stream.linear.scatter [tilespmem:s16], [sflag:$0x3], $0x2000, $0x38;
	[tilespmem:$0x1D080] =	vst v63  }
0x65: {  	_ =	swait.ge [sflag:s17], $0x2000  }
0x66: {  	[sflag:s17] =	ssyncset.done $0x0  }
0x67: {  	[sflag:s17] =	ssyncadd.s32 $0xFFFFE000  }
0x68: {  	[spmem:s31] =	stream.linear.scatter [tilespmem:s16], [sflag:$0x3], $0x2000, $0x38;
	[tilespmem:$0x1D080] =	vst v63  }
0x69: {  	_ =	swait.ge [sflag:s17], $0x2000  }
0x6a: {  	[sflag:s17] =	ssyncset.done $0x0  }
0x6b: {  	[sflag:s17] =	ssyncadd.s32 $0xFFFFE000  }
0x6c: {  	[spmem:s4] =	stream.linear.scatter [tilespmem:s16], [sflag:$0x3], $0x2000, $0x38;
	[tilespmem:$0x1D080] =	vst v63  }
0x6d: {  	_ =	swait.ge [sflag:s17], $0x2000  }
0x6e: {  	[sflag:s17] =	ssyncset.done $0x0  }
0x6f: {  	[sflag:s17] =	ssyncadd.s32 $0xFFFFE000  }
0x70: {  	[spmem:s8] =	stream.linear.scatter [tilespmem:s16], [sflag:$0x3], $0x2000, $0x38;
	[tilespmem:$0x1D080] =	vst v63  }
0x71: {  	_ =	swait.ge [sflag:s17], $0x2000  }
0x72: {  	[sflag:s17] =	ssyncset.done $0x0  }
0x73: {  	[sflag:s17] =	ssyncadd.s32 $0xFFFFE000  }
0x74: {  	[spmem:s11] =	stream.linear.scatter [tilespmem:s16], [sflag:$0x3], $0x2000, $0x38;
	[tilespmem:$0x1D080] =	vst v63  }
0x75: {  	_ =	swait.ge [sflag:s17], $0x2000  }
0x76: {  	[sflag:s17] =	ssyncset.done $0x0  }
0x77: {  	s0 =	smov.u32 s14;
	s14 =	rddreg [dreg:$0x7];
	[sflag:s17] =	ssyncadd.s32 $0xFFFFE000  }
0x78: {  	s9 =	sadd.s32 s14, s3;
	[bflag:$0x0] =	sbarrier.arrive $0xFFFF  }
0x79: {  	s15 =	smov.u32 s31;
	s4 =	sshll.u32 s9, $0x4;
	s29 =	rddreg [dreg:$0x6]  }
0x7a: {  	s12 =	simm.s32 $0x0;
	s31 =	simm.s32 $0x13000;
	s4 =	sadd.s32 s29, s4  }
0x7b: {  	[tilespmem:s31], [sflag:$0x3] =	stream.linear.gather [hbm4b:s4+s12], $0x80, $0x38;
	[tilespmem:$0x1D080] =	vst v63  }
0x7c: {  	_ =	swait.ge [sflag:s17], $0x80  }
0x7d: {  	[sflag:s17] =	ssyncset.done $0x0  }
0x7e: {  	[sflag:s17] =	ssyncadd.s32 $0xFFFFFF80  }
0x7f: {  	s11 =	sld [smem:$0x7F0];
	v2 =	vld [tilespmem:$0x13000]  }
0x80: {  	v3 =	vld [tilespmem:$0x13010]  }
0x81: {  	s10 =	sshll.u32 s9, $0x12;
	v4 =	vld [tilespmem:$0x13020]  }
0x82: {  	v5 =	vld [tilespmem:$0x13030];
	s8 =	sor.u32 s11, s10  }
0x83: {  	v6 =	vld [tilespmem:$0x13040];
	s4 =	sshrl.u32 s8, $0x3  }
0x84: {  	s13 =	simm.s32 $0x10000;
	v7 =	vld [tilespmem:$0x13050];
	s10 =	sadd.s32 s5, s4  }
0x85: {  	v8 =	vld [tilespmem:$0x13060];
	[tilespmem:s13], [sflag:$0x1] =	stream.linear.gather [hbm4b:s10+s12], $0x800, $0x38  }
0x86: {  	p0 =	por $0x0, $0x0;
	s29 =	simm.s32 $0x11000;
	s14 =	sadd.s32 s6, s4  }
0x87: {  	[tilespmem:s29], [sflag:$0x1] =	stream.linear.gather [hbm4b:s14+s12], $0x800, $0x38;
	[tilespmem:$0x1D080] =	vst v63  }
0x88: {  	s31 =	simm.s32 $0x12000;
	s4 =	sadd.s32 s7, s4;
	s14 =	simm.s32 $0x0  }
0x89: {  	[tilespmem:s31], [sflag:$0x1] =	stream.linear.gather [hbm4b:s4+s12], $0x800, $0x38;
	[tilespmem:$0x1D080] =	vst v63  }
.LBB2_6:
0x8a: {  	_ =	swait.ge [sflag:s18], $0x800  }
0x8b: {  	[sflag:s18] =	ssyncset.done $0x0  }
0x8c: {  	[sflag:s18] =	ssyncadd.s32 $0xFFFFF800  }
0x8d: {  	s4 =	smov.u32 s14;
	s14 =	sadd.s32 $0x1, s14;
	_ =	swait.ge [sflag:s18], $0x800  }
0x8e: {  	p1 =	seq.s32 s4, $0x7;
	s10 =	sand.u32 $0x1, s4;
	[sflag:s18] =	ssyncset.done $0x0  }
0x8f: {  	s12 =	sshll.u32 @!p1 s14, $0xB;
	s29 =	sshll.u32 @!p1 s10, $0xB;
	[sflag:s18] =	ssyncadd.s32 $0xFFFFF800  }
0x90: {  	s13 =	simm.s32 @!p1 $0x0;
	s12 =	sadd.s32 @!p1 s12, s8;
	_ =	swait.ge [sflag:s18], $0x800  }
0x91: {  	s29 =	sxor.u32 @!p1 $0x800, s29;
	s12 =	sshrl.u32 @!p1 s12, $0x3;
	[sflag:s18] =	ssyncset.done $0x0  }
0x92: {  	s31 =	sor.u32 @!p1 $0x10000, s29;
	s11 =	sadd.s32 @!p1 s5, s12;
	[sflag:s18] =	ssyncadd.s32 $0xFFFFF800  }
0x93: {  	[tilespmem:s31], [sflag:$0x1] =	stream.linear.gather @!p1 [hbm4b:s11+s13], $0x800, $0x38;
	[tilespmem:$0x1D080] =	vst v63  }
0x94: {  	s11 =	sor.u32 @!p1 $0x11000, s29;
	s31 =	sadd.s32 @!p1 s6, s12  }
0x95: {  	[tilespmem:s11], [sflag:$0x1] =	stream.linear.gather @!p1 [hbm4b:s31+s13], $0x800, $0x38;
	[tilespmem:$0x1D080] =	vst v63  }
0x96: {  	p2 =	slt.u32 @!p1 s4, $0x2;
	s12 =	sadd.s32 @!p1 s7, s12;
	s11 =	sor.u32 @!p1 $0x12000, s29  }
0x97: {  	[tilespmem:s11], [sflag:$0x1] =	stream.linear.gather @!p1 [hbm4b:s12+s13], $0x800, $0x38;
	[tilespmem:$0x1D080] =	vst v63  }
0x98: {  	p1 =	por p1, !p2  }
.Ltmp1:
0x99: {  	_ = 	snop;
	(pc) =	sbr.rel @!p1 .LBB2_10-.Ltmp1, $1  }
0x9a: {  	_ =	sdelay $0x3  }
0x9b: {  	_ =	swait.ge [sflag:s19], $0x80  }
0x9c: {  	[sflag:s19] =	ssyncset.done $0x0  }
0x9d: {  	[sflag:s19] =	ssyncadd.s32 $0xFFFFFF80  }
0x9e: {  	_ =	swait.ge [sflag:s19], $0x80  }
0x9f: {  	[sflag:s19] =	ssyncset.done $0x0  }
0xa0: {  	[sflag:s19] =	ssyncadd.s32 $0xFFFFFF80  }
0xa1: {  	_ =	swait.ge [sflag:s19], $0x80  }
0xa2: {  	[sflag:s19] =	ssyncset.done $0x0  }
0xa3: {  	[sflag:s19] =	ssyncadd.s32 $0xFFFFFF80  }
0xa4: {  	_ =	swait.ge [sflag:s19], $0x80  }
0xa5: {  	s12 =	simm.s32 $0x0;
	[sflag:s19] =	ssyncset.done $0x0  }
.LBB2_8:
0xa6: {  	s12 =	sadd.s32 $0x4, s12;
	[sflag:s19] =	ssyncadd.s32 $0xFFFFFF80  }
0xa7: {  	_ =	swait.ge [sflag:s19], $0x80;
	p1 =	slt.u32 s12, $0x3C  }
0xa8: {  	[sflag:s19] =	ssyncset.done $0x0  }
0xa9: {  	[sflag:s19] =	ssyncadd.s32 $0xFFFFFF80  }
0xaa: {  	_ =	swait.ge [sflag:s19], $0x80  }
0xab: {  	[sflag:s19] =	ssyncset.done $0x0  }
0xac: {  	[sflag:s19] =	ssyncadd.s32 $0xFFFFFF80  }
.Ltmp2:
0xad: {  	_ =	swait.ge [sflag:s19], $0x80;
	(pc) =	sbr.rel @p1 .LBB2_8-.Ltmp2, $4  }
0xae: {  	[sflag:s19] =	ssyncset.done $0x0  }
0xaf: {  	[sflag:s19] =	ssyncadd.s32 $0xFFFFFF80  }
0xb0: {  	_ =	swait.ge [sflag:s19], $0x80  }
0xb1: {  	[sflag:s19] =	ssyncset.done $0x0  }
0xb2: {  	[sflag:s19] =	ssyncadd.s32 $0xFFFFFF80  }
.LBB2_10:
0xb3: {  	s4 =	simm.s32 $0x1  }
0xb4: {  	s4 =	simm.s32 @!p0 $0x0  }
0xb5: {  	s4 =	sshll.u32 s4, $0xD  }
0xb6: {  	s11 =	sshrl.u32 s4, $0x2  }
0xb7: {  	s13 =	sor.u32 $0x10070, s11  }
0xb8: {  	v9 =	vmov s13  }
0xb9: {  	s12 =	sor.u32 $0x11070, s11  }
0xba: {  	s31 =	sor.u32 $0x188F0, s4;
	s4 =	sor.u32 $0x148F0, s4;
	s11 =	sor.u32 $0x12070, s11;
	v10 =	vmov s12  }
0xbb: {  	s10 =	sshll.u32 s10, $0xD;
	s29 =	simm.s32 $0x0;
	v12 =	vmov s4;
	v13 =	vmov s31;
	s31 =	simm.s32 $0x0;
	v11 =	vmov s11  }
.LBB2_11:
0xbc: {  	s12 =	sshra.s32 s31, $0x2  }
0xbd: {  	v14 =	vld.idx.msk [tilespmem:v9+s12+$0xFFFFFF90 ss:$0x1], $0xffff;
	_ =	sdelay $0x1  }
0xbe: {  	v15 =	vld.idx.msk [tilespmem:v10+s12+$0xFFFFFF90 ss:$0x1], $0xffff;
	_ =	sdelay $0x2  }
0xbf: {  	v14 =	vsub.f32 v14, v2;
	_ =	sdelay $0x1  }
0xc0: {  	v16 =	vld.idx.msk [tilespmem:v11+s12+$0xFFFFFF90 ss:$0x1], $0xffff;
	v15 =	vsub.f32 v15, v4;
	v14 =	vmul.f32 v14, v3;
	_ =	sdelay $0x1  }
0xc1: {  	v15 =	vmul.f32 v15, v5;
	v14 =	vadd.f32 $1.000000000e+00, v14;
	_ =	sdelay $0x1  }
0xc2: {  	v15 =	vadd.f32 $1.000000000e+00, v15;
	v14 =	vmin.f32 v14, $1.023000000e+03  }
0xc3: {  	v16 =	vsub.f32 v16, v6;
	v17 =	vtrunc.f32 v14  }
0xc4: {  	v15 =	vmin.f32 v15, $1.023000000e+03;
	v17 =	vcvt.f32.s32 v17  }
0xc5: {  	v16 =	vmul.f32 v16, v7;
	v19 =	vtrunc.f32 v15  }
0xc6: {  	v19 =	vcvt.f32.s32 v19;
	v18 =	vcvt.s32.f32 v17;
	_ =	sdelay $0x1  }
0xc7: {  	v16 =	vmax.f32 v16, v8;
	v21 =	vcvt.s32.f32 v19;
	vm0 =	vne.f32 v14, v18  }
0xc8: {  	v16 =	vsub.f32 $1.000000000e+00, v16;
	v20 =	vsel vm0, $0x1, v1  }
0xc9: {  	vm13 =	vne.f32 v15, v21;
	v18 =	vsub.f32 v14, v18;
	v20 =	vadd.s32 v17, v20  }
0xca: {  	v21 =	vsub.f32 v15, v21;
	v23 =	vsel vm13, $0x1, v1;
	v22 =	vcvt.s32.f32 v20  }
0xcb: {  	v23 =	vadd.s32 v19, v23;
	v18 =	vmul.f32 v18, v16;
	v17 =	vshll.u32 v17, $0xA  }
0xcc: {  	v50 =	vshll.u32 v20, $0xA;
	v51 =	vadd.s32 v19, v17;
	v14 =	vsub.f32 v22, v14  }
0xcd: {  	v49 =	vcvt.s32.f32 v23;
	v17 =	vadd.s32 v17, v23;
	[tilespmem:v12+s12+$0xFFFFE790 ss:$0x1] =	vst.idx.msk $0xffff, v51;
	v19 =	vadd.s32 v19, v50  }
0xce: {  	v52 =	vmul.f32 v21, v18;
	[tilespmem:v12+s12+$0xFFFFEF90 ss:$0x1] =	vst.idx.msk $0xffff, v19;
	v14 =	vmul.f32 v14, v16  }
0xcf: {  	v15 =	vsub.f32 v49, v15;
	[tilespmem:v12+s12+$0xFFFFF790 ss:$0x1] =	vst.idx.msk $0xffff, v17;
	v16 =	vadd.s32 v23, v50  }
0xd0: {  	[tilespmem:v12+s12+$0xFFFFFF90 ss:$0x1] =	vst.idx.msk $0xffff, v16;
	v53 =	vmul.f32 v14, v21  }
0xd1: {  	v54 =	vmul.f32 v15, v18;
	[tilespmem:v13+s12+$0xFFFFE790 ss:$0x1] =	vst.idx.msk $0xffff, v52  }
0xd2: {  	v14 =	vmul.f32 v15, v14;
	[tilespmem:v13+s12+$0xFFFFEF90 ss:$0x1] =	vst.idx.msk $0xffff, v53  }
0xd3: {  	[tilespmem:v13+s12+$0xFFFFF790 ss:$0x1] =	vst.idx.msk $0xffff, v54  }
0xd4: {  	[tilespmem:v13+s12+$0xFFFFFF90 ss:$0x1] =	vst.idx.msk $0xffff, v14  }
0xd5: {  	v14 =	vld.idx.msk [tilespmem:v9+s12+$0xFFFFFFA0 ss:$0x1], $0xffff;
	_ =	sdelay $0x1  }
0xd6: {  	v15 =	vld.idx.msk [tilespmem:v10+s12+$0xFFFFFFA0 ss:$0x1], $0xffff;
	_ =	sdelay $0x2  }
0xd7: {  	v14 =	vsub.f32 v14, v2;
	_ =	sdelay $0x1  }
0xd8: {  	v16 =	vld.idx.msk [tilespmem:v11+s12+$0xFFFFFFA0 ss:$0x1], $0xffff;
	v15 =	vsub.f32 v15, v4;
	v14 =	vmul.f32 v14, v3;
	_ =	sdelay $0x1  }
0xd9: {  	v15 =	vmul.f32 v15, v5;
	v14 =	vadd.f32 $1.000000000e+00, v14;
	_ =	sdelay $0x1  }
0xda: {  	v15 =	vadd.f32 $1.000000000e+00, v15;
	v14 =	vmin.f32 v14, $1.023000000e+03  }
0xdb: {  	v16 =	vsub.f32 v16, v6;
	v55 =	vtrunc.f32 v14  }
0xdc: {  	v15 =	vmin.f32 v15, $1.023000000e+03;
	v17 =	vcvt.f32.s32 v55  }
0xdd: {  	v16 =	vmul.f32 v16, v7;
	v57 =	vtrunc.f32 v15  }
0xde: {  	v19 =	vcvt.f32.s32 v57;
	v56 =	vcvt.s32.f32 v17;
	_ =	sdelay $0x1  }
0xdf: {  	v16 =	vmax.f32 v16, v8;
	v59 =	vcvt.s32.f32 v19;
	vm14 =	vne.f32 v14, v56  }
0xe0: {  	v16 =	vsub.f32 $1.000000000e+00, v16;
	v58 =	vsel vm14, $0x1, v1  }
0xe1: {  	vm15 =	vne.f32 v15, v59;
	v18 =	vsub.f32 v14, v56;
	v20 =	vadd.s32 v17, v58  }
0xe2: {  	v21 =	vsub.f32 v15, v59;
	v61 =	vsel vm15, $0x1, v1;
	v60 =	vcvt.s32.f32 v20  }
0xe3: {  	v23 =	vadd.s32 v19, v61;
	v18 =	vmul.f32 v18, v16;
	v17 =	vshll.u32 v17, $0xA  }
0xe4: {  	v63 =	vshll.u32 v20, $0xA;
	v24 =	vadd.s32 v19, v17;
	v14 =	vsub.f32 v60, v14  }
0xe5: {  	v62 =	vcvt.s32.f32 v23;
	v17 =	vadd.s32 v17, v23;
	[tilespmem:v12+s12+$0xFFFFE7A0 ss:$0x1] =	vst.idx.msk $0xffff, v24;
	v19 =	vadd.s32 v19, v63  }
0xe6: {  	v25 =	vmul.f32 v21, v18;
	[tilespmem:v12+s12+$0xFFFFEFA0 ss:$0x1] =	vst.idx.msk $0xffff, v19;
	v14 =	vmul.f32 v14, v16  }
0xe7: {  	v15 =	vsub.f32 v62, v15;
	[tilespmem:v12+s12+$0xFFFFF7A0 ss:$0x1] =	vst.idx.msk $0xffff, v17;
	v16 =	vadd.s32 v23, v63  }
0xe8: {  	[tilespmem:v12+s12+$0xFFFFFFA0 ss:$0x1] =	vst.idx.msk $0xffff, v16;
	v26 =	vmul.f32 v14, v21  }
0xe9: {  	v27 =	vmul.f32 v15, v18;
	[tilespmem:v13+s12+$0xFFFFE7A0 ss:$0x1] =	vst.idx.msk $0xffff, v25  }
0xea: {  	v14 =	vmul.f32 v15, v14;
	[tilespmem:v13+s12+$0xFFFFEFA0 ss:$0x1] =	vst.idx.msk $0xffff, v26  }
0xeb: {  	[tilespmem:v13+s12+$0xFFFFF7A0 ss:$0x1] =	vst.idx.msk $0xffff, v27  }
0xec: {  	[tilespmem:v13+s12+$0xFFFFFFA0 ss:$0x1] =	vst.idx.msk $0xffff, v14  }
0xed: {  	v14 =	vld.idx.msk [tilespmem:v9+s12+$0xFFFFFFB0 ss:$0x1], $0xffff;
	_ =	sdelay $0x1  }
0xee: {  	v15 =	vld.idx.msk [tilespmem:v10+s12+$0xFFFFFFB0 ss:$0x1], $0xffff;
	_ =	sdelay $0x2  }
0xef: {  	v14 =	vsub.f32 v14, v2;
	_ =	sdelay $0x1  }
0xf0: {  	v16 =	vld.idx.msk [tilespmem:v11+s12+$0xFFFFFFB0 ss:$0x1], $0xffff;
	v15 =	vsub.f32 v15, v4;
	v14 =	vmul.f32 v14, v3;
	_ =	sdelay $0x1  }
0xf1: {  	v15 =	vmul.f32 v15, v5;
	v14 =	vadd.f32 $1.000000000e+00, v14;
	_ =	sdelay $0x1  }
0xf2: {  	v15 =	vadd.f32 $1.000000000e+00, v15;
	v14 =	vmin.f32 v14, $1.023000000e+03  }
0xf3: {  	v16 =	vsub.f32 v16, v6;
	v28 =	vtrunc.f32 v14  }
0xf4: {  	v15 =	vmin.f32 v15, $1.023000000e+03;
	v17 =	vcvt.f32.s32 v28  }
0xf5: {  	v16 =	vmul.f32 v16, v7;
	v30 =	vtrunc.f32 v15  }
0xf6: {  	v19 =	vcvt.f32.s32 v30;
	v29 =	vcvt.s32.f32 v17;
	_ =	sdelay $0x1  }
0xf7: {  	v16 =	vmax.f32 v16, v8;
	v32 =	vcvt.s32.f32 v19;
	vm4 =	vne.f32 v14, v29  }
0xf8: {  	v16 =	vsub.f32 $1.000000000e+00, v16;
	v31 =	vsel vm4, $0x1, v1  }
0xf9: {  	vm5 =	vne.f32 v15, v32;
	v18 =	vsub.f32 v14, v29;
	v20 =	vadd.s32 v17, v31  }
0xfa: {  	v21 =	vsub.f32 v15, v32;
	v34 =	vsel vm5, $0x1, v1;
	v33 =	vcvt.s32.f32 v20  }
0xfb: {  	v23 =	vadd.s32 v19, v34;
	v18 =	vmul.f32 v18, v16;
	v17 =	vshll.u32 v17, $0xA  }
0xfc: {  	v36 =	vshll.u32 v20, $0xA;
	v37 =	vadd.s32 v19, v17;
	v14 =	vsub.f32 v33, v14  }
0xfd: {  	v35 =	vcvt.s32.f32 v23;
	v17 =	vadd.s32 v17, v23;
	[tilespmem:v12+s12+$0xFFFFE7B0 ss:$0x1] =	vst.idx.msk $0xffff, v37;
	v19 =	vadd.s32 v19, v36  }
0xfe: {  	v38 =	vmul.f32 v21, v18;
	[tilespmem:v12+s12+$0xFFFFEFB0 ss:$0x1] =	vst.idx.msk $0xffff, v19;
	v14 =	vmul.f32 v14, v16  }
0xff: {  	v15 =	vsub.f32 v35, v15;
	[tilespmem:v12+s12+$0xFFFFF7B0 ss:$0x1] =	vst.idx.msk $0xffff, v17;
	v16 =	vadd.s32 v23, v36  }
0x100: {  	[tilespmem:v12+s12+$0xFFFFFFB0 ss:$0x1] =	vst.idx.msk $0xffff, v16;
	v39 =	vmul.f32 v14, v21  }
0x101: {  	v40 =	vmul.f32 v15, v18;
	[tilespmem:v13+s12+$0xFFFFE7B0 ss:$0x1] =	vst.idx.msk $0xffff, v38  }
0x102: {  	v14 =	vmul.f32 v15, v14;
	[tilespmem:v13+s12+$0xFFFFEFB0 ss:$0x1] =	vst.idx.msk $0xffff, v39  }
0x103: {  	[tilespmem:v13+s12+$0xFFFFF7B0 ss:$0x1] =	vst.idx.msk $0xffff, v40  }
0x104: {  	[tilespmem:v13+s12+$0xFFFFFFB0 ss:$0x1] =	vst.idx.msk $0xffff, v14  }
0x105: {  	v14 =	vld.idx.msk [tilespmem:v9+s12+$0xFFFFFFC0 ss:$0x1], $0xffff;
	_ =	sdelay $0x1  }
0x106: {  	v15 =	vld.idx.msk [tilespmem:v10+s12+$0xFFFFFFC0 ss:$0x1], $0xffff;
	_ =	sdelay $0x2  }
0x107: {  	v14 =	vsub.f32 v14, v2;
	_ =	sdelay $0x1  }
0x108: {  	v16 =	vld.idx.msk [tilespmem:v11+s12+$0xFFFFFFC0 ss:$0x1], $0xffff;
	v15 =	vsub.f32 v15, v4;
	v14 =	vmul.f32 v14, v3;
	_ =	sdelay $0x1  }
0x109: {  	v15 =	vmul.f32 v15, v5;
	v14 =	vadd.f32 $1.000000000e+00, v14;
	_ =	sdelay $0x1  }
0x10a: {  	v15 =	vadd.f32 $1.000000000e+00, v15;
	v14 =	vmin.f32 v14, $1.023000000e+03  }
0x10b: {  	v16 =	vsub.f32 v16, v6;
	v41 =	vtrunc.f32 v14  }
0x10c: {  	v15 =	vmin.f32 v15, $1.023000000e+03;
	v17 =	vcvt.f32.s32 v41  }
0x10d: {  	v16 =	vmul.f32 v16, v7;
	v43 =	vtrunc.f32 v15  }
0x10e: {  	v19 =	vcvt.f32.s32 v43;
	v42 =	vcvt.s32.f32 v17;
	_ =	sdelay $0x1  }
0x10f: {  	v16 =	vmax.f32 v16, v8;
	v45 =	vcvt.s32.f32 v19;
	vm6 =	vne.f32 v14, v42  }
0x110: {  	v16 =	vsub.f32 $1.000000000e+00, v16;
	v44 =	vsel vm6, $0x1, v1  }
0x111: {  	vm7 =	vne.f32 v15, v45;
	v18 =	vsub.f32 v14, v42;
	v20 =	vadd.s32 v17, v44  }
0x112: {  	v21 =	vsub.f32 v15, v45;
	v47 =	vsel vm7, $0x1, v1;
	v46 =	vcvt.s32.f32 v20  }
0x113: {  	v23 =	vadd.s32 v19, v47;
	v18 =	vmul.f32 v18, v16;
	v17 =	vshll.u32 v17, $0xA  }
0x114: {  	v49 =	vshll.u32 v20, $0xA;
	v50 =	vadd.s32 v19, v17;
	v14 =	vsub.f32 v46, v14  }
0x115: {  	v48 =	vcvt.s32.f32 v23;
	v17 =	vadd.s32 v17, v23;
	[tilespmem:v12+s12+$0xFFFFE7C0 ss:$0x1] =	vst.idx.msk $0xffff, v50;
	v19 =	vadd.s32 v19, v49  }
0x116: {  	v51 =	vmul.f32 v21, v18;
	[tilespmem:v12+s12+$0xFFFFEFC0 ss:$0x1] =	vst.idx.msk $0xffff, v19;
	v14 =	vmul.f32 v14, v16  }
0x117: {  	v15 =	vsub.f32 v48, v15;
	[tilespmem:v12+s12+$0xFFFFF7C0 ss:$0x1] =	vst.idx.msk $0xffff, v17;
	v16 =	vadd.s32 v23, v49  }
0x118: {  	[tilespmem:v12+s12+$0xFFFFFFC0 ss:$0x1] =	vst.idx.msk $0xffff, v16;
	v52 =	vmul.f32 v14, v21  }
0x119: {  	v53 =	vmul.f32 v15, v18;
	[tilespmem:v13+s12+$0xFFFFE7C0 ss:$0x1] =	vst.idx.msk $0xffff, v51  }
0x11a: {  	v14 =	vmul.f32 v15, v14;
	[tilespmem:v13+s12+$0xFFFFEFC0 ss:$0x1] =	vst.idx.msk $0xffff, v52  }
0x11b: {  	[tilespmem:v13+s12+$0xFFFFF7C0 ss:$0x1] =	vst.idx.msk $0xffff, v53  }
0x11c: {  	[tilespmem:v13+s12+$0xFFFFFFC0 ss:$0x1] =	vst.idx.msk $0xffff, v14  }
0x11d: {  	v14 =	vld.idx.msk [tilespmem:v9+s12+$0xFFFFFFD0 ss:$0x1], $0xffff;
	_ =	sdelay $0x1  }
0x11e: {  	v15 =	vld.idx.msk [tilespmem:v10+s12+$0xFFFFFFD0 ss:$0x1], $0xffff;
	_ =	sdelay $0x2  }
0x11f: {  	v14 =	vsub.f32 v14, v2;
	_ =	sdelay $0x1  }
0x120: {  	v16 =	vld.idx.msk [tilespmem:v11+s12+$0xFFFFFFD0 ss:$0x1], $0xffff;
	v15 =	vsub.f32 v15, v4;
	v14 =	vmul.f32 v14, v3;
	_ =	sdelay $0x1  }
0x121: {  	v15 =	vmul.f32 v15, v5;
	v14 =	vadd.f32 $1.000000000e+00, v14;
	_ =	sdelay $0x1  }
0x122: {  	v15 =	vadd.f32 $1.000000000e+00, v15;
	v14 =	vmin.f32 v14, $1.023000000e+03  }
0x123: {  	v16 =	vsub.f32 v16, v6;
	v54 =	vtrunc.f32 v14  }
0x124: {  	v15 =	vmin.f32 v15, $1.023000000e+03;
	v17 =	vcvt.f32.s32 v54  }
0x125: {  	v16 =	vmul.f32 v16, v7;
	v56 =	vtrunc.f32 v15  }
0x126: {  	v19 =	vcvt.f32.s32 v56;
	v55 =	vcvt.s32.f32 v17;
	_ =	sdelay $0x1  }
0x127: {  	v16 =	vmax.f32 v16, v8;
	v58 =	vcvt.s32.f32 v19;
	vm8 =	vne.f32 v14, v55  }
0x128: {  	v16 =	vsub.f32 $1.000000000e+00, v16;
	v57 =	vsel vm8, $0x1, v1  }
0x129: {  	vm9 =	vne.f32 v15, v58;
	v18 =	vsub.f32 v14, v55;
	v20 =	vadd.s32 v17, v57  }
0x12a: {  	v21 =	vsub.f32 v15, v58;
	v60 =	vsel vm9, $0x1, v1;
	v59 =	vcvt.s32.f32 v20  }
0x12b: {  	v23 =	vadd.s32 v19, v60;
	v18 =	vmul.f32 v18, v16;
	v17 =	vshll.u32 v17, $0xA  }
0x12c: {  	v62 =	vshll.u32 v20, $0xA;
	v63 =	vadd.s32 v19, v17;
	v14 =	vsub.f32 v59, v14  }
0x12d: {  	v61 =	vcvt.s32.f32 v23;
	v17 =	vadd.s32 v17, v23;
	[tilespmem:v12+s12+$0xFFFFE7D0 ss:$0x1] =	vst.idx.msk $0xffff, v63;
	v19 =	vadd.s32 v19, v62  }
0x12e: {  	v22 =	vmul.f32 v21, v18;
	[tilespmem:v12+s12+$0xFFFFEFD0 ss:$0x1] =	vst.idx.msk $0xffff, v19;
	v14 =	vmul.f32 v14, v16  }
0x12f: {  	v15 =	vsub.f32 v61, v15;
	[tilespmem:v12+s12+$0xFFFFF7D0 ss:$0x1] =	vst.idx.msk $0xffff, v17;
	v16 =	vadd.s32 v23, v62  }
0x130: {  	[tilespmem:v12+s12+$0xFFFFFFD0 ss:$0x1] =	vst.idx.msk $0xffff, v16;
	v23 =	vmul.f32 v14, v21  }
0x131: {  	v24 =	vmul.f32 v15, v18;
	[tilespmem:v13+s12+$0xFFFFE7D0 ss:$0x1] =	vst.idx.msk $0xffff, v22  }
0x132: {  	v14 =	vmul.f32 v15, v14;
	[tilespmem:v13+s12+$0xFFFFEFD0 ss:$0x1] =	vst.idx.msk $0xffff, v23  }
0x133: {  	[tilespmem:v13+s12+$0xFFFFF7D0 ss:$0x1] =	vst.idx.msk $0xffff, v24  }
0x134: {  	[tilespmem:v13+s12+$0xFFFFFFD0 ss:$0x1] =	vst.idx.msk $0xffff, v14  }
0x135: {  	v14 =	vld.idx.msk [tilespmem:v9+s12+$0xFFFFFFE0 ss:$0x1], $0xffff;
	_ =	sdelay $0x1  }
0x136: {  	v15 =	vld.idx.msk [tilespmem:v10+s12+$0xFFFFFFE0 ss:$0x1], $0xffff;
	_ =	sdelay $0x2  }
0x137: {  	v14 =	vsub.f32 v14, v2;
	_ =	sdelay $0x1  }
0x138: {  	v16 =	vld.idx.msk [tilespmem:v11+s12+$0xFFFFFFE0 ss:$0x1], $0xffff;
	v15 =	vsub.f32 v15, v4;
	v14 =	vmul.f32 v14, v3;
	_ =	sdelay $0x1  }
0x139: {  	v15 =	vmul.f32 v15, v5;
	v14 =	vadd.f32 $1.000000000e+00, v14;
	_ =	sdelay $0x1  }
0x13a: {  	v15 =	vadd.f32 $1.000000000e+00, v15;
	v14 =	vmin.f32 v14, $1.023000000e+03  }
0x13b: {  	v16 =	vsub.f32 v16, v6;
	v25 =	vtrunc.f32 v14  }
0x13c: {  	v15 =	vmin.f32 v15, $1.023000000e+03;
	v17 =	vcvt.f32.s32 v25  }
0x13d: {  	v16 =	vmul.f32 v16, v7;
	v27 =	vtrunc.f32 v15  }
0x13e: {  	v19 =	vcvt.f32.s32 v27;
	v26 =	vcvt.s32.f32 v17;
	_ =	sdelay $0x1  }
0x13f: {  	v16 =	vmax.f32 v16, v8;
	v29 =	vcvt.s32.f32 v19;
	vm10 =	vne.f32 v14, v26  }
0x140: {  	v16 =	vsub.f32 $1.000000000e+00, v16;
	v28 =	vsel vm10, $0x1, v1  }
0x141: {  	vm11 =	vne.f32 v15, v29;
	v18 =	vsub.f32 v14, v26;
	v20 =	vadd.s32 v17, v28  }
0x142: {  	v21 =	vsub.f32 v15, v29;
	v31 =	vsel vm11, $0x1, v1;
	v30 =	vcvt.s32.f32 v20  }
0x143: {  	v23 =	vadd.s32 v19, v31;
	v18 =	vmul.f32 v18, v16;
	v17 =	vshll.u32 v17, $0xA  }
0x144: {  	v33 =	vshll.u32 v20, $0xA;
	v34 =	vadd.s32 v19, v17;
	v14 =	vsub.f32 v30, v14  }
0x145: {  	v32 =	vcvt.s32.f32 v23;
	v17 =	vadd.s32 v17, v23;
	[tilespmem:v12+s12+$0xFFFFE7E0 ss:$0x1] =	vst.idx.msk $0xffff, v34;
	v19 =	vadd.s32 v19, v33  }
0x146: {  	v35 =	vmul.f32 v21, v18;
	[tilespmem:v12+s12+$0xFFFFEFE0 ss:$0x1] =	vst.idx.msk $0xffff, v19;
	v14 =	vmul.f32 v14, v16  }
0x147: {  	v15 =	vsub.f32 v32, v15;
	[tilespmem:v12+s12+$0xFFFFF7E0 ss:$0x1] =	vst.idx.msk $0xffff, v17;
	v16 =	vadd.s32 v23, v33  }
0x148: {  	[tilespmem:v12+s12+$0xFFFFFFE0 ss:$0x1] =	vst.idx.msk $0xffff, v16;
	v36 =	vmul.f32 v14, v21  }
0x149: {  	v37 =	vmul.f32 v15, v18;
	[tilespmem:v13+s12+$0xFFFFE7E0 ss:$0x1] =	vst.idx.msk $0xffff, v35  }
0x14a: {  	v14 =	vmul.f32 v15, v14;
	[tilespmem:v13+s12+$0xFFFFEFE0 ss:$0x1] =	vst.idx.msk $0xffff, v36  }
0x14b: {  	[tilespmem:v13+s12+$0xFFFFF7E0 ss:$0x1] =	vst.idx.msk $0xffff, v37  }
0x14c: {  	[tilespmem:v13+s12+$0xFFFFFFE0 ss:$0x1] =	vst.idx.msk $0xffff, v14  }
0x14d: {  	v14 =	vld.idx.msk [tilespmem:v9+s12+$0xFFFFFFF0 ss:$0x1], $0xffff;
	_ =	sdelay $0x1  }
0x14e: {  	v15 =	vld.idx.msk [tilespmem:v10+s12+$0xFFFFFFF0 ss:$0x1], $0xffff;
	_ =	sdelay $0x2  }
0x14f: {  	v14 =	vsub.f32 v14, v2;
	_ =	sdelay $0x1  }
0x150: {  	v16 =	vld.idx.msk [tilespmem:v11+s12+$0xFFFFFFF0 ss:$0x1], $0xffff;
	v15 =	vsub.f32 v15, v4;
	v14 =	vmul.f32 v14, v3;
	_ =	sdelay $0x1  }
0x151: {  	v15 =	vmul.f32 v15, v5;
	v14 =	vadd.f32 $1.000000000e+00, v14;
	_ =	sdelay $0x1  }
0x152: {  	v15 =	vadd.f32 $1.000000000e+00, v15;
	v14 =	vmin.f32 v14, $1.023000000e+03  }
0x153: {  	v16 =	vsub.f32 v16, v6;
	v38 =	vtrunc.f32 v14  }
0x154: {  	v15 =	vmin.f32 v15, $1.023000000e+03;
	v17 =	vcvt.f32.s32 v38  }
0x155: {  	v16 =	vmul.f32 v16, v7;
	v40 =	vtrunc.f32 v15  }
0x156: {  	v19 =	vcvt.f32.s32 v40;
	v39 =	vcvt.s32.f32 v17;
	_ =	sdelay $0x1  }
0x157: {  	v16 =	vmax.f32 v16, v8;
	v42 =	vcvt.s32.f32 v19;
	vm12 =	vne.f32 v14, v39  }
0x158: {  	v16 =	vsub.f32 $1.000000000e+00, v16;
	v41 =	vsel vm12, $0x1, v1  }
0x159: {  	vm13 =	vne.f32 v15, v42;
	v18 =	vsub.f32 v14, v39;
	v20 =	vadd.s32 v17, v41  }
0x15a: {  	v21 =	vsub.f32 v15, v42;
	v44 =	vsel vm13, $0x1, v1;
	v43 =	vcvt.s32.f32 v20  }
0x15b: {  	v23 =	vadd.s32 v19, v44;
	v18 =	vmul.f32 v18, v16;
	v17 =	vshll.u32 v17, $0xA  }
0x15c: {  	v46 =	vshll.u32 v20, $0xA;
	v47 =	vadd.s32 v19, v17;
	v14 =	vsub.f32 v43, v14  }
0x15d: {  	v45 =	vcvt.s32.f32 v23;
	v17 =	vadd.s32 v17, v23;
	[tilespmem:v12+s12+$0xFFFFE7F0 ss:$0x1] =	vst.idx.msk $0xffff, v47;
	v19 =	vadd.s32 v19, v46  }
0x15e: {  	v48 =	vmul.f32 v21, v18;
	[tilespmem:v12+s12+$0xFFFFEFF0 ss:$0x1] =	vst.idx.msk $0xffff, v19;
	v14 =	vmul.f32 v14, v16  }
0x15f: {  	v15 =	vsub.f32 v45, v15;
	[tilespmem:v12+s12+$0xFFFFF7F0 ss:$0x1] =	vst.idx.msk $0xffff, v17;
	v16 =	vadd.s32 v23, v46  }
0x160: {  	[tilespmem:v12+s12+$0xFFFFFFF0 ss:$0x1] =	vst.idx.msk $0xffff, v16;
	v49 =	vmul.f32 v14, v21  }
0x161: {  	v50 =	vmul.f32 v15, v18;
	[tilespmem:v13+s12+$0xFFFFE7F0 ss:$0x1] =	vst.idx.msk $0xffff, v48  }
0x162: {  	v14 =	vmul.f32 v15, v14;
	[tilespmem:v13+s12+$0xFFFFEFF0 ss:$0x1] =	vst.idx.msk $0xffff, v49  }
0x163: {  	[tilespmem:v13+s12+$0xFFFFF7F0 ss:$0x1] =	vst.idx.msk $0xffff, v50  }
0x164: {  	[tilespmem:v13+s12+$0xFFFFFFF0 ss:$0x1] =	vst.idx.msk $0xffff, v14  }
0x165: {  	v14 =	vld.idx.msk [tilespmem:v9+s12+$0x0 ss:$0x1], $0xffff;
	_ =	sdelay $0x1  }
0x166: {  	v15 =	vld.idx.msk [tilespmem:v10+s12+$0x0 ss:$0x1], $0xffff;
	_ =	sdelay $0x2  }
0x167: {  	v14 =	vsub.f32 v14, v2;
	_ =	sdelay $0x1  }
0x168: {  	v16 =	vld.idx.msk [tilespmem:v11+s12+$0x0 ss:$0x1], $0xffff;
	v15 =	vsub.f32 v15, v4;
	v14 =	vmul.f32 v14, v3;
	_ =	sdelay $0x1  }
0x169: {  	v15 =	vmul.f32 v15, v5;
	v14 =	vadd.f32 $1.000000000e+00, v14;
	_ =	sdelay $0x1  }
0x16a: {  	v15 =	vadd.f32 $1.000000000e+00, v15;
	v14 =	vmin.f32 v14, $1.023000000e+03  }
0x16b: {  	v16 =	vsub.f32 v16, v6;
	v51 =	vtrunc.f32 v14  }
0x16c: {  	v15 =	vmin.f32 v15, $1.023000000e+03;
	v17 =	vcvt.f32.s32 v51  }
0x16d: {  	v16 =	vmul.f32 v16, v7;
	v53 =	vtrunc.f32 v15  }
0x16e: {  	v19 =	vcvt.f32.s32 v53;
	v52 =	vcvt.s32.f32 v17;
	_ =	sdelay $0x1  }
0x16f: {  	v16 =	vmax.f32 v16, v8;
	v55 =	vcvt.s32.f32 v19;
	vm14 =	vne.f32 v14, v52  }
0x170: {  	v16 =	vsub.f32 $1.000000000e+00, v16;
	v54 =	vsel vm14, $0x1, v1  }
0x171: {  	vm15 =	vne.f32 v15, v55;
	v18 =	vsub.f32 v14, v52;
	v20 =	vadd.s32 v17, v54  }
0x172: {  	v21 =	vsub.f32 v15, v55;
	v57 =	vsel vm15, $0x1, v1;
	v56 =	vcvt.s32.f32 v20  }
0x173: {  	v23 =	vadd.s32 v19, v57;
	v18 =	vmul.f32 v18, v16;
	v17 =	vshll.u32 v17, $0xA  }
0x174: {  	v59 =	vshll.u32 v20, $0xA;
	v60 =	vadd.s32 v19, v17;
	v14 =	vsub.f32 v56, v14  }
0x175: {  	v58 =	vcvt.s32.f32 v23;
	v17 =	vadd.s32 v17, v23;
	[tilespmem:v12+s12+$0xFFFFE800 ss:$0x1] =	vst.idx.msk $0xffff, v60;
	v19 =	vadd.s32 v19, v59  }
0x176: {  	v61 =	vmul.f32 v21, v18;
	[tilespmem:v12+s12+$0xFFFFF000 ss:$0x1] =	vst.idx.msk $0xffff, v19;
	v14 =	vmul.f32 v14, v16  }
0x177: {  	p1 =	sne.s32 s31, $0x1E00;
	v15 =	vsub.f32 v58, v15;
	[tilespmem:v12+s12+$0xFFFFF800 ss:$0x1] =	vst.idx.msk $0xffff, v17;
	v16 =	vadd.s32 v23, v59  }
.Ltmp3:
0x178: {  	[tilespmem:v12+s12+$0x0 ss:$0x1] =	vst.idx.msk $0xffff, v16;
	v62 =	vmul.f32 v14, v21;
	(pc) =	sbr.rel @p1 .LBB2_11-.Ltmp3, $4  }
0x179: {  	v63 =	vmul.f32 v15, v18;
	[tilespmem:v13+s12+$0xFFFFE800 ss:$0x1] =	vst.idx.msk $0xffff, v61  }
0x17a: {  	v14 =	vmul.f32 v15, v14;
	[tilespmem:v13+s12+$0xFFFFF000 ss:$0x1] =	vst.idx.msk $0xffff, v62  }
0x17b: {  	[tilespmem:v13+s12+$0xFFFFF800 ss:$0x1] =	vst.idx.msk $0xffff, v63  }
0x17c: {  	s31 =	sadd.s32 $0x200, s31;
	[tilespmem:v13+s12+$0x0 ss:$0x1] =	vst.idx.msk $0xffff, v14  }
0x17d: {  	s4 =	sor.u32 s29, s10  }
0x17e: {  	s11 =	sadd.s32 $0x17080, s4;
	s12 =	sadd.s32 $0x13080, s4  }
0x17f: {  	[spmem:s2] =	stream.indirect.scatter.add.f32 [tilespmem:s11], [sflag:$0x2], $0x1, s12, s28, $0xb8;
	[tilespmem:$0x1D080] =	vst v63  }
0x180: {  	s13 =	sadd.s32 $0x13100, s4;
	s12 =	sadd.s32 $0x17100, s4  }
0x181: {  	[spmem:s2] =	stream.indirect.scatter.add.f32 [tilespmem:s12], [sflag:$0x2], $0x1, s13, s28, $0xb8;
	[tilespmem:$0x1D080] =	vst v63  }
0x182: {  	s29 =	simm.s32 $0x200;
	s12 =	sadd.s32 $0x17180, s4;
	s13 =	sadd.s32 $0x13180, s4  }
0x183: {  	[spmem:s2] =	stream.indirect.scatter.add.f32 [tilespmem:s12], [sflag:$0x2], $0x1, s13, s28, $0xb8;
	[tilespmem:$0x1D080] =	vst v63  }
0x184: {  	s31 =	sadd.s32 $0x17200, s4;
	s4 =	sadd.s32 $0x13200, s4;
	s12 =	simm.s32 $0x0  }
.LBB2_13:
0x185: {  	[spmem:s2] =	stream.indirect.scatter.add.f32 [tilespmem:s31], [sflag:$0x2], $0x1, s4, s28, $0xb8;
	[tilespmem:$0x1D080] =	vst v63  }
0x186: {  	s4 =	sor.u32 s29, s10;
	s12 =	sadd.s32 $0x4, s12  }
0x187: {  	s11 =	sadd.s32 $0x17080, s4;
	s13 =	sadd.s32 $0x13080, s4;
	p1 =	slt.u32 s12, $0x3C  }
0x188: {  	[spmem:s2] =	stream.indirect.scatter.add.f32 [tilespmem:s11], [sflag:$0x2], $0x1, s13, s28, $0xb8;
	[tilespmem:$0x1D080] =	vst v63  }
.Ltmp4:
0x189: {  	s11 =	sadd.s32 $0x17100, s4;
	s13 =	sadd.s32 $0x13100, s4;
	(pc) =	sbr.rel @p1 .LBB2_13-.Ltmp4, $4  }
0x18a: {  	[spmem:s2] =	stream.indirect.scatter.add.f32 [tilespmem:s11], [sflag:$0x2], $0x1, s13, s28, $0xb8;
	[tilespmem:$0x1D080] =	vst v63  }
0x18b: {  	s11 =	sadd.s32 $0x17180, s4;
	s13 =	sadd.s32 $0x13180, s4  }
0x18c: {  	[spmem:s2] =	stream.indirect.scatter.add.f32 [tilespmem:s11], [sflag:$0x2], $0x1, s13, s28, $0xb8;
	[tilespmem:$0x1D080] =	vst v63  }
0x18d: {  	s29 =	sadd.s32 $0x200, s29;
	s31 =	sadd.s32 $0x17200, s4;
	s4 =	sadd.s32 $0x13200, s4  }
0x18e: {  	[spmem:s2] =	stream.indirect.scatter.add.f32 [tilespmem:s31], [sflag:$0x2], $0x1, s4, s28, $0xb8;
	[tilespmem:$0x1D080] =	vst v63  }
0x18f: {  	p1 =	seq.s32 s14, $0x8  }
.Ltmp5:
0x190: {  	_ = 	snop;
	(pc) =	sbr.rel @!p1 .LBB2_6-.Ltmp5, $2  }
0x191: {  	_ =	sdelay $0x2  }
0x192: {  	p0 =	por !p0, !p0;
	s10 =	simm.s32 $0xFFFFFFFC  }
0x193: {  	_ =	swait.ge [sflag:s19], $0x80  }
0x194: {  	[sflag:s19] =	ssyncset.done $0x0  }
0x195: {  	[sflag:s19] =	ssyncadd.s32 $0xFFFFFF80  }
0x196: {  	_ =	swait.ge [sflag:s19], $0x80  }
0x197: {  	[sflag:s19] =	ssyncset.done $0x0  }
0x198: {  	[sflag:s19] =	ssyncadd.s32 $0xFFFFFF80  }
0x199: {  	_ =	swait.ge [sflag:s19], $0x80  }
0x19a: {  	[sflag:s19] =	ssyncset.done $0x0  }
0x19b: {  	[sflag:s19] =	ssyncadd.s32 $0xFFFFFF80  }
0x19c: {  	_ =	swait.ge [sflag:s19], $0x80  }
0x19d: {  	s8 =	sadd.s32 $0x4, s10;
	[sflag:s19] =	ssyncset.done $0x0  }
.LBB2_16:
0x19e: {  	s8 =	sadd.s32 $0x4, s8;
	[sflag:s19] =	ssyncadd.s32 $0xFFFFFF80  }
0x19f: {  	_ =	swait.ge [sflag:s19], $0x80;
	p0 =	slt.u32 s8, $0x3C  }
0x1a0: {  	[sflag:s19] =	ssyncset.done $0x0  }
0x1a1: {  	[sflag:s19] =	ssyncadd.s32 $0xFFFFFF80  }
0x1a2: {  	_ =	swait.ge [sflag:s19], $0x80  }
0x1a3: {  	[sflag:s19] =	ssyncset.done $0x0  }
0x1a4: {  	[sflag:s19] =	ssyncadd.s32 $0xFFFFFF80  }
.Ltmp6:
0x1a5: {  	_ =	swait.ge [sflag:s19], $0x80;
	(pc) =	sbr.rel @p0 .LBB2_16-.Ltmp6, $4  }
0x1a6: {  	[sflag:s19] =	ssyncset.done $0x0  }
0x1a7: {  	[sflag:s19] =	ssyncadd.s32 $0xFFFFFF80  }
0x1a8: {  	_ =	swait.ge [sflag:s19], $0x80  }
0x1a9: {  	[sflag:s19] =	ssyncset.done $0x0  }
0x1aa: {  	[sflag:s19] =	ssyncadd.s32 $0xFFFFFF80  }
0x1ab: {  	_ =	swait.ge [sflag:s19], $0x80  }
0x1ac: {  	[sflag:s19] =	ssyncset.done $0x0  }
0x1ad: {  	[sflag:s19] =	ssyncadd.s32 $0xFFFFFF80  }
0x1ae: {  	_ =	swait.ge [sflag:s19], $0x80  }
0x1af: {  	[sflag:s19] =	ssyncset.done $0x0  }
0x1b0: {  	[sflag:s19] =	ssyncadd.s32 $0xFFFFFF80  }
0x1b1: {  	_ =	swait.ge [sflag:s19], $0x80  }
0x1b2: {  	[sflag:s19] =	ssyncset.done $0x0  }
0x1b3: {  	[sflag:s19] =	ssyncadd.s32 $0xFFFFFF80  }
0x1b4: {  	_ =	swait.ge [sflag:s19], $0x80  }
0x1b5: {  	s29 =	sld [smem:$0x7F8]  }
0x1b6: {  	s8 =	simm.s32 $0x0;
	s14 =	smov.u32 s0;
	s12 =	sld [smem:$0x7F9]  }
0x1b7: {  	s31 =	smov.u32 s15;
	[sflag:s19] =	ssyncset.done $0x0;
	s13 =	sld [smem:$0x7FA]  }
.LBB2_18:
0x1b8: {  	s8 =	sadd.s32 $0x4, s8;
	[sflag:s19] =	ssyncadd.s32 $0xFFFFFF80  }
0x1b9: {  	_ =	swait.ge [sflag:s19], $0x80;
	p0 =	slt.u32 s8, $0x3C  }
0x1ba: {  	[sflag:s19] =	ssyncset.done $0x0  }
0x1bb: {  	[sflag:s19] =	ssyncadd.s32 $0xFFFFFF80  }
0x1bc: {  	_ =	swait.ge [sflag:s19], $0x80  }
0x1bd: {  	[sflag:s19] =	ssyncset.done $0x0  }
0x1be: {  	[sflag:s19] =	ssyncadd.s32 $0xFFFFFF80  }
.Ltmp7:
0x1bf: {  	_ =	swait.ge [sflag:s19], $0x80;
	(pc) =	sbr.rel @p0 .LBB2_18-.Ltmp7, $4  }
0x1c0: {  	[sflag:s19] =	ssyncset.done $0x0  }
0x1c1: {  	[sflag:s19] =	ssyncadd.s32 $0xFFFFFF80  }
0x1c2: {  	_ =	swait.ge [sflag:s19], $0x80  }
0x1c3: {  	[sflag:s19] =	ssyncset.done $0x0  }
0x1c4: {  	s9 =	sshll.u32 s9, $0x14;
	s4 =	rddreg [dreg:$0x5]  }
0x1c5: {  	[sflag:s19] =	ssyncadd.s32 $0xFFFFFF80;
	s8 =	stileid.u32;
	s4 =	sor.u32 s4, s9  }
0x1c6: {  	s11 =	sshrl.u32 s29, $0x3;
	s8 =	sshll.u32 s8, $0x6;
	s4 =	sshrl.u32 s4, $0x3  }
0x1c7: {  	[bflag:$0x0] =	sbarrier.arrive $0xFFFF;
	s8 =	sor.u32 $0x1C01, s8;
	s10 =	sadd.s32 s1, s4  }
0x1c8: {  	[hbm:s10@s28], [sflag:s8] =	dma.strided [spmem:s11@s30], $0x80, s18, $0x10   }
0x1c9: {  	s15 =	sadd.s32 s4, s20;
	s11 =	rddreg [dreg:$0x9]  }
0x1ca: {  	[hbm:s15@s28], [sflag:s8] =	dma.strided [spmem:s11@s30], $0x80, s18, $0x10   }
0x1cb: {  	s0 =	sadd.s32 s4, s21;
	s11 =	rddreg [dreg:$0xa]  }
0x1cc: {  	[hbm:s0@s28], [sflag:s8] =	dma.strided [spmem:s11@s30], $0x80, s18, $0x10   }
0x1cd: {  	s15 =	sadd.s32 s4, s22;
	s11 =	rddreg [dreg:$0xb]  }
0x1ce: {  	[hbm:s15@s28], [sflag:s8] =	dma.strided [spmem:s11@s30], $0x80, s18, $0x10   }
0x1cf: {  	s0 =	sadd.s32 s4, s23;
	s11 =	rddreg [dreg:$0xc]  }
0x1d0: {  	[hbm:s0@s28], [sflag:s8] =	dma.strided [spmem:s11@s30], $0x80, s18, $0x10   }
0x1d1: {  	s15 =	sadd.s32 s4, s24;
	s11 =	rddreg [dreg:$0xd]  }
0x1d2: {  	[hbm:s15@s28], [sflag:s8] =	dma.strided [spmem:s11@s30], $0x80, s18, $0x10   }
0x1d3: {  	s0 =	sadd.s32 s4, s25;
	s11 =	rddreg [dreg:$0xe]  }
0x1d4: {  	[hbm:s0@s28], [sflag:s8] =	dma.strided [spmem:s11@s30], $0x80, s18, $0x10   }
0x1d5: {  	s4 =	sadd.s32 s4, s26;
	s10 =	rddreg [dreg:$0xf]  }
0x1d6: {  	[hbm:s4@s28], [sflag:s8] =	dma.strided [spmem:s10@s30], $0x80, s18, $0x10   }
0x1d7: {  	s4 =	sld [smem:$0x7F1];
	_ =	sdelay $0x2  }
0x1d8: {  	s4 =	sor.u32 s4, s9  }
0x1d9: {  	s4 =	sshrl.u32 s4, $0x3  }
0x1da: {  	s0 =	sshrl.u32 s12, $0x3;
	s15 =	sadd.s32 s1, s4  }
0x1db: {  	[hbm:s15@s28], [sflag:s8] =	dma.strided [spmem:s0@s30], $0x80, s18, $0x10   }
0x1dc: {  	s15 =	sadd.s32 s4, s20;
	s11 =	rddreg [dreg:$0x10]  }
0x1dd: {  	[hbm:s15@s28], [sflag:s8] =	dma.strided [spmem:s11@s30], $0x80, s18, $0x10   }
0x1de: {  	s0 =	sadd.s32 s4, s21;
	s11 =	rddreg [dreg:$0x11]  }
0x1df: {  	[hbm:s0@s28], [sflag:s8] =	dma.strided [spmem:s11@s30], $0x80, s18, $0x10   }
0x1e0: {  	s15 =	sadd.s32 s4, s22;
	s11 =	rddreg [dreg:$0x12]  }
0x1e1: {  	[hbm:s15@s28], [sflag:s8] =	dma.strided [spmem:s11@s30], $0x80, s18, $0x10   }
0x1e2: {  	s0 =	sadd.s32 s4, s23;
	s11 =	rddreg [dreg:$0x13]  }
0x1e3: {  	[hbm:s0@s28], [sflag:s8] =	dma.strided [spmem:s11@s30], $0x80, s18, $0x10   }
0x1e4: {  	s15 =	sadd.s32 s4, s24;
	s11 =	rddreg [dreg:$0x14]  }
0x1e5: {  	[hbm:s15@s28], [sflag:s8] =	dma.strided [spmem:s11@s30], $0x80, s18, $0x10   }
0x1e6: {  	s0 =	sadd.s32 s4, s25;
	s11 =	rddreg [dreg:$0x15]  }
0x1e7: {  	[hbm:s0@s28], [sflag:s8] =	dma.strided [spmem:s11@s30], $0x80, s18, $0x10   }
0x1e8: {  	s4 =	sadd.s32 s4, s26;
	s10 =	rddreg [dreg:$0x16]  }
0x1e9: {  	[hbm:s4@s28], [sflag:s8] =	dma.strided [spmem:s10@s30], $0x80, s18, $0x10   }
0x1ea: {  	s0 =	sld [smem:$0x7F2];
	_ =	sdelay $0x2  }
0x1eb: {  	s11 =	sor.u32 s0, s9  }
0x1ec: {  	s4 =	sshrl.u32 s11, $0x3  }
0x1ed: {  	s0 =	sshrl.u32 s13, $0x3;
	s15 =	sadd.s32 s1, s4  }
0x1ee: {  	[hbm:s15@s28], [sflag:s8] =	dma.strided [spmem:s0@s30], $0x80, s18, $0x10   }
0x1ef: {  	s15 =	sadd.s32 s4, s20;
	s11 =	rddreg [dreg:$0x17]  }
0x1f0: {  	[hbm:s15@s28], [sflag:s8] =	dma.strided [spmem:s11@s30], $0x80, s18, $0x10   }
0x1f1: {  	s0 =	sadd.s32 s4, s21;
	s11 =	rddreg [dreg:$0x18]  }
0x1f2: {  	[hbm:s0@s28], [sflag:s8] =	dma.strided [spmem:s11@s30], $0x80, s18, $0x10   }
0x1f3: {  	s15 =	sadd.s32 s4, s22;
	s11 =	rddreg [dreg:$0x19]  }
0x1f4: {  	[hbm:s15@s28], [sflag:s8] =	dma.strided [spmem:s11@s30], $0x80, s18, $0x10   }
0x1f5: {  	s0 =	sadd.s32 s4, s23;
	s11 =	rddreg [dreg:$0x1a]  }
0x1f6: {  	[hbm:s0@s28], [sflag:s8] =	dma.strided [spmem:s11@s30], $0x80, s18, $0x10   }
0x1f7: {  	s15 =	sadd.s32 s4, s24;
	s11 =	rddreg [dreg:$0x1b]  }
0x1f8: {  	[hbm:s15@s28], [sflag:s8] =	dma.strided [spmem:s11@s30], $0x80, s18, $0x10   }
0x1f9: {  	s0 =	sadd.s32 s4, s25;
	s11 =	rddreg [dreg:$0x1c]  }
0x1fa: {  	[hbm:s0@s28], [sflag:s8] =	dma.strided [spmem:s11@s30], $0x80, s18, $0x10   }
0x1fb: {  	s4 =	sadd.s32 s4, s26;
	s10 =	rddreg [dreg:$0x1d]  }
0x1fc: {  	[hbm:s4@s28], [sflag:s8] =	dma.strided [spmem:s10@s30], $0x80, s18, $0x10   }
0x1fd: {  	s10 =	sld [smem:$0x7F3];
	_ =	sdelay $0x2  }
0x1fe: {  	s11 =	sor.u32 s10, s9  }
0x1ff: {  	s4 =	sshrl.u32 s11, $0x3  }
0x200: {  	s0 =	sshrl.u32 s14, $0x3;
	s15 =	sadd.s32 s1, s4  }
0x201: {  	[hbm:s15@s28], [sflag:s8] =	dma.strided [spmem:s0@s30], $0x80, s18, $0x10   }
0x202: {  	s15 =	sadd.s32 s4, s20;
	s11 =	rddreg [dreg:$0x1e]  }
0x203: {  	[hbm:s15@s28], [sflag:s8] =	dma.strided [spmem:s11@s30], $0x80, s18, $0x10   }
0x204: {  	s0 =	sadd.s32 s4, s21;
	s11 =	rddreg [dreg:$0x1f]  }
0x205: {  	[hbm:s0@s28], [sflag:s8] =	dma.strided [spmem:s11@s30], $0x80, s18, $0x10   }
0x206: {  	s11 =	sld [smem:$0x7CF];
	_ =	sdelay $0x1  }
0x207: {  	s15 =	sadd.s32 s4, s22  }
0x208: {  	[hbm:s15@s28], [sflag:s8] =	dma.strided [spmem:s11@s30], $0x80, s18, $0x10   }
0x209: {  	s11 =	sld [smem:$0x7D0];
	_ =	sdelay $0x1  }
0x20a: {  	s0 =	sadd.s32 s4, s23  }
0x20b: {  	[hbm:s0@s28], [sflag:s8] =	dma.strided [spmem:s11@s30], $0x80, s18, $0x10   }
0x20c: {  	s11 =	sld [smem:$0x7D1];
	_ =	sdelay $0x1  }
0x20d: {  	s15 =	sadd.s32 s4, s24  }
0x20e: {  	[hbm:s15@s28], [sflag:s8] =	dma.strided [spmem:s11@s30], $0x80, s18, $0x10   }
0x20f: {  	s11 =	sld [smem:$0x7D2];
	_ =	sdelay $0x1  }
0x210: {  	s0 =	sadd.s32 s4, s25  }
0x211: {  	[hbm:s0@s28], [sflag:s8] =	dma.strided [spmem:s11@s30], $0x80, s18, $0x10   }
0x212: {  	s10 =	sld [smem:$0x7D3];
	_ =	sdelay $0x1  }
0x213: {  	s4 =	sadd.s32 s4, s26  }
0x214: {  	[hbm:s4@s28], [sflag:s8] =	dma.strided [spmem:s10@s30], $0x80, s18, $0x10   }
0x215: {  	s10 =	sld [smem:$0x7F4];
	_ =	sdelay $0x2  }
0x216: {  	s11 =	sor.u32 s10, s9  }
0x217: {  	s4 =	sshrl.u32 s11, $0x3  }
0x218: {  	s0 =	sshrl.u32 s31, $0x3;
	s15 =	sadd.s32 s1, s4  }
0x219: {  	[hbm:s15@s28], [sflag:s8] =	dma.strided [spmem:s0@s30], $0x80, s18, $0x10   }
0x21a: {  	s11 =	sld [smem:$0x7D4];
	_ =	sdelay $0x1  }
0x21b: {  	s15 =	sadd.s32 s4, s20  }
0x21c: {  	[hbm:s15@s28], [sflag:s8] =	dma.strided [spmem:s11@s30], $0x80, s18, $0x10   }
0x21d: {  	s11 =	sld [smem:$0x7D5];
	_ =	sdelay $0x1  }
0x21e: {  	s0 =	sadd.s32 s4, s21  }
0x21f: {  	[hbm:s0@s28], [sflag:s8] =	dma.strided [spmem:s11@s30], $0x80, s18, $0x10   }
0x220: {  	s11 =	sld [smem:$0x7D6];
	_ =	sdelay $0x1  }
0x221: {  	s15 =	sadd.s32 s4, s22  }
0x222: {  	[hbm:s15@s28], [sflag:s8] =	dma.strided [spmem:s11@s30], $0x80, s18, $0x10   }
0x223: {  	s11 =	sld [smem:$0x7D7];
	_ =	sdelay $0x1  }
0x224: {  	s0 =	sadd.s32 s4, s23  }
0x225: {  	[hbm:s0@s28], [sflag:s8] =	dma.strided [spmem:s11@s30], $0x80, s18, $0x10   }
0x226: {  	s11 =	sld [smem:$0x7D8];
	_ =	sdelay $0x1  }
0x227: {  	s15 =	sadd.s32 s4, s24  }
0x228: {  	[hbm:s15@s28], [sflag:s8] =	dma.strided [spmem:s11@s30], $0x80, s18, $0x10   }
0x229: {  	s11 =	sld [smem:$0x7D9];
	_ =	sdelay $0x1  }
0x22a: {  	s0 =	sadd.s32 s4, s25  }
0x22b: {  	[hbm:s0@s28], [sflag:s8] =	dma.strided [spmem:s11@s30], $0x80, s18, $0x10   }
0x22c: {  	s10 =	sld [smem:$0x7DA];
	_ =	sdelay $0x1  }
0x22d: {  	s4 =	sadd.s32 s4, s26  }
0x22e: {  	[hbm:s4@s28], [sflag:s8] =	dma.strided [spmem:s10@s30], $0x80, s18, $0x10   }
0x22f: {  	s4 =	sld [smem:$0x7F5];
	_ =	sdelay $0x1  }
0x230: {  	s0 =	sld [smem:$0x7FB]  }
0x231: {  	s10 =	sor.u32 s4, s9  }
0x232: {  	s4 =	sshrl.u32 s10, $0x3  }
0x233: {  	s15 =	sshrl.u32 s0, $0x3;
	s11 =	sadd.s32 s1, s4  }
0x234: {  	[hbm:s11@s28], [sflag:s8] =	dma.strided [spmem:s15@s30], $0x80, s18, $0x10   }
0x235: {  	s11 =	sld [smem:$0x7DB];
	_ =	sdelay $0x1  }
0x236: {  	s15 =	sadd.s32 s4, s20  }
0x237: {  	[hbm:s15@s28], [sflag:s8] =	dma.strided [spmem:s11@s30], $0x80, s18, $0x10   }
0x238: {  	s11 =	sld [smem:$0x7DC];
	_ =	sdelay $0x1  }
0x239: {  	s15 =	sadd.s32 s4, s21  }
0x23a: {  	[hbm:s15@s28], [sflag:s8] =	dma.strided [spmem:s11@s30], $0x80, s18, $0x10   }
0x23b: {  	s11 =	sld [smem:$0x7DD];
	_ =	sdelay $0x1  }
0x23c: {  	s15 =	sadd.s32 s4, s22  }
0x23d: {  	[hbm:s15@s28], [sflag:s8] =	dma.strided [spmem:s11@s30], $0x80, s18, $0x10   }
0x23e: {  	s11 =	sld [smem:$0x7DE];
	_ =	sdelay $0x1  }
0x23f: {  	s15 =	sadd.s32 s4, s23  }
0x240: {  	[hbm:s15@s28], [sflag:s8] =	dma.strided [spmem:s11@s30], $0x80, s18, $0x10   }
0x241: {  	s11 =	sld [smem:$0x7DF];
	_ =	sdelay $0x1  }
0x242: {  	s15 =	sadd.s32 s4, s24  }
0x243: {  	[hbm:s15@s28], [sflag:s8] =	dma.strided [spmem:s11@s30], $0x80, s18, $0x10   }
0x244: {  	s11 =	sld [smem:$0x7E0];
	_ =	sdelay $0x1  }
0x245: {  	s15 =	sadd.s32 s4, s25  }
0x246: {  	[hbm:s15@s28], [sflag:s8] =	dma.strided [spmem:s11@s30], $0x80, s18, $0x10   }
0x247: {  	s10 =	sld [smem:$0x7E1];
	_ =	sdelay $0x1  }
0x248: {  	s4 =	sadd.s32 s4, s26  }
0x249: {  	[hbm:s4@s28], [sflag:s8] =	dma.strided [spmem:s10@s30], $0x80, s18, $0x10   }
0x24a: {  	s4 =	sld [smem:$0x7F6];
	_ =	sdelay $0x1  }
0x24b: {  	s15 =	sld [smem:$0x7FC]  }
0x24c: {  	s4 =	sor.u32 s4, s9  }
0x24d: {  	s4 =	sshrl.u32 s4, $0x3  }
0x24e: {  	s11 =	sshrl.u32 s15, $0x3;
	s10 =	sadd.s32 s1, s4  }
0x24f: {  	[hbm:s10@s28], [sflag:s8] =	dma.strided [spmem:s11@s30], $0x80, s18, $0x10   }
0x250: {  	s11 =	sld [smem:$0x7E2];
	_ =	sdelay $0x1  }
0x251: {  	s10 =	sadd.s32 s4, s20  }
0x252: {  	[hbm:s10@s28], [sflag:s8] =	dma.strided [spmem:s11@s30], $0x80, s18, $0x10   }
0x253: {  	s11 =	sld [smem:$0x7E3];
	_ =	sdelay $0x1  }
0x254: {  	s10 =	sadd.s32 s4, s21  }
0x255: {  	[hbm:s10@s28], [sflag:s8] =	dma.strided [spmem:s11@s30], $0x80, s18, $0x10   }
0x256: {  	s11 =	sld [smem:$0x7E4];
	_ =	sdelay $0x1  }
0x257: {  	s10 =	sadd.s32 s4, s22  }
0x258: {  	[hbm:s10@s28], [sflag:s8] =	dma.strided [spmem:s11@s30], $0x80, s18, $0x10   }
0x259: {  	s11 =	sld [smem:$0x7E5];
	_ =	sdelay $0x1  }
0x25a: {  	s10 =	sadd.s32 s4, s23  }
0x25b: {  	[hbm:s10@s28], [sflag:s8] =	dma.strided [spmem:s11@s30], $0x80, s18, $0x10   }
0x25c: {  	s11 =	sld [smem:$0x7E6];
	_ =	sdelay $0x1  }
0x25d: {  	s10 =	sadd.s32 s4, s24  }
0x25e: {  	[hbm:s10@s28], [sflag:s8] =	dma.strided [spmem:s11@s30], $0x80, s18, $0x10   }
0x25f: {  	s11 =	sld [smem:$0x7E7];
	_ =	sdelay $0x1  }
0x260: {  	s10 =	sadd.s32 s4, s25  }
0x261: {  	[hbm:s10@s28], [sflag:s8] =	dma.strided [spmem:s11@s30], $0x80, s18, $0x10   }
0x262: {  	s10 =	sld [smem:$0x7E8];
	_ =	sdelay $0x1  }
0x263: {  	s4 =	sadd.s32 s4, s26  }
0x264: {  	[hbm:s4@s28], [sflag:s8] =	dma.strided [spmem:s10@s30], $0x80, s18, $0x10   }
0x265: {  	s4 =	sld [smem:$0x7F7];
	_ =	sdelay $0x1  }
0x266: {  	s11 =	sld [smem:$0x7FD]  }
0x267: {  	s4 =	sor.u32 s4, s9  }
0x268: {  	s4 =	sshrl.u32 s4, $0x3  }
0x269: {  	s10 =	sshrl.u32 s11, $0x3;
	s9 =	sadd.s32 s1, s4  }
0x26a: {  	[hbm:s9@s28], [sflag:s8] =	dma.strided [spmem:s10@s30], $0x80, s18, $0x10   }
0x26b: {  	s10 =	sld [smem:$0x7E9];
	_ =	sdelay $0x1  }
0x26c: {  	s9 =	sadd.s32 s4, s20  }
0x26d: {  	[hbm:s9@s28], [sflag:s8] =	dma.strided [spmem:s10@s30], $0x80, s18, $0x10   }
0x26e: {  	s10 =	sld [smem:$0x7EA];
	_ =	sdelay $0x1  }
0x26f: {  	s9 =	sadd.s32 s4, s21  }
0x270: {  	[hbm:s9@s28], [sflag:s8] =	dma.strided [spmem:s10@s30], $0x80, s18, $0x10   }
0x271: {  	s10 =	sld [smem:$0x7EB];
	_ =	sdelay $0x1  }
0x272: {  	s9 =	sadd.s32 s4, s22  }
0x273: {  	[hbm:s9@s28], [sflag:s8] =	dma.strided [spmem:s10@s30], $0x80, s18, $0x10   }
0x274: {  	s10 =	sld [smem:$0x7EC];
	_ =	sdelay $0x1  }
0x275: {  	s9 =	sadd.s32 s4, s23  }
0x276: {  	[hbm:s9@s28], [sflag:s8] =	dma.strided [spmem:s10@s30], $0x80, s18, $0x10   }
0x277: {  	s10 =	sld [smem:$0x7ED];
	_ =	sdelay $0x1  }
0x278: {  	s9 =	sadd.s32 s4, s24  }
0x279: {  	[hbm:s9@s28], [sflag:s8] =	dma.strided [spmem:s10@s30], $0x80, s18, $0x10   }
0x27a: {  	s10 =	sld [smem:$0x7EE];
	_ =	sdelay $0x1  }
0x27b: {  	s9 =	sadd.s32 s4, s25  }
0x27c: {  	[hbm:s9@s28], [sflag:s8] =	dma.strided [spmem:s10@s30], $0x80, s18, $0x10   }
0x27d: {  	s9 =	sld [smem:$0x7EF];
	_ =	sdelay $0x1  }
0x27e: {  	s4 =	sadd.s32 s4, s26  }
0x27f: {  	[hbm:s4@s28], [sflag:s8] =	dma.strided [spmem:s9@s30], $0x80, s18, $0x10   }
0x280: {  	_ =	swait.ge [sflag:s18], $0x80  }
0x281: {  	[sflag:s18] =	ssyncset.done $0x0  }
0x282: {  	[sflag:s18] =	ssyncadd.s32 $0xFFFFFF80  }
0x283: {  	_ =	swait.ge [sflag:s18], $0x80  }
0x284: {  	[sflag:s18] =	ssyncset.done $0x0  }
0x285: {  	[sflag:s18] =	ssyncadd.s32 $0xFFFFFF80  }
0x286: {  	_ =	swait.ge [sflag:s18], $0x80  }
0x287: {  	[sflag:s18] =	ssyncset.done $0x0  }
0x288: {  	[sflag:s18] =	ssyncadd.s32 $0xFFFFFF80  }
0x289: {  	_ =	swait.ge [sflag:s18], $0x80  }
0x28a: {  	[sflag:s18] =	ssyncset.done $0x0  }
0x28b: {  	[sflag:s18] =	ssyncadd.s32 $0xFFFFFF80  }
0x28c: {  	_ =	swait.ge [sflag:s18], $0x80  }
0x28d: {  	[sflag:s18] =	ssyncset.done $0x0  }
0x28e: {  	[sflag:s18] =	ssyncadd.s32 $0xFFFFFF80  }
0x28f: {  	_ =	swait.ge [sflag:s18], $0x80  }
0x290: {  	[sflag:s18] =	ssyncset.done $0x0  }
0x291: {  	[sflag:s18] =	ssyncadd.s32 $0xFFFFFF80  }
0x292: {  	_ =	swait.ge [sflag:s18], $0x80  }
0x293: {  	[sflag:s18] =	ssyncset.done $0x0  }
0x294: {  	[sflag:s18] =	ssyncadd.s32 $0xFFFFFF80  }
0x295: {  	_ =	swait.ge [sflag:s18], $0x80  }
0x296: {  	[sflag:s18] =	ssyncset.done $0x0  }
0x297: {  	[sflag:s18] =	ssyncadd.s32 $0xFFFFFF80  }
0x298: {  	_ =	swait.ge [sflag:s18], $0x80  }
0x299: {  	[sflag:s18] =	ssyncset.done $0x0  }
0x29a: {  	[sflag:s18] =	ssyncadd.s32 $0xFFFFFF80  }
0x29b: {  	_ =	swait.ge [sflag:s18], $0x80  }
0x29c: {  	[sflag:s18] =	ssyncset.done $0x0  }
0x29d: {  	[sflag:s18] =	ssyncadd.s32 $0xFFFFFF80  }
0x29e: {  	_ =	swait.ge [sflag:s18], $0x80  }
0x29f: {  	[sflag:s18] =	ssyncset.done $0x0  }
0x2a0: {  	[sflag:s18] =	ssyncadd.s32 $0xFFFFFF80  }
0x2a1: {  	_ =	swait.ge [sflag:s18], $0x80  }
0x2a2: {  	[sflag:s18] =	ssyncset.done $0x0  }
0x2a3: {  	[sflag:s18] =	ssyncadd.s32 $0xFFFFFF80  }
0x2a4: {  	_ =	swait.ge [sflag:s18], $0x80  }
0x2a5: {  	[sflag:s18] =	ssyncset.done $0x0  }
0x2a6: {  	[sflag:s18] =	ssyncadd.s32 $0xFFFFFF80  }
0x2a7: {  	_ =	swait.ge [sflag:s18], $0x80  }
0x2a8: {  	[sflag:s18] =	ssyncset.done $0x0  }
0x2a9: {  	[sflag:s18] =	ssyncadd.s32 $0xFFFFFF80  }
0x2aa: {  	_ =	swait.ge [sflag:s18], $0x80  }
0x2ab: {  	[sflag:s18] =	ssyncset.done $0x0  }
0x2ac: {  	[sflag:s18] =	ssyncadd.s32 $0xFFFFFF80  }
0x2ad: {  	_ =	swait.ge [sflag:s18], $0x80  }
0x2ae: {  	[sflag:s18] =	ssyncset.done $0x0  }
0x2af: {  	[sflag:s18] =	ssyncadd.s32 $0xFFFFFF80  }
0x2b0: {  	_ =	swait.ge [sflag:s18], $0x80  }
0x2b1: {  	[sflag:s18] =	ssyncset.done $0x0  }
0x2b2: {  	[sflag:s18] =	ssyncadd.s32 $0xFFFFFF80  }
0x2b3: {  	_ =	swait.ge [sflag:s18], $0x80  }
0x2b4: {  	[sflag:s18] =	ssyncset.done $0x0  }
0x2b5: {  	[sflag:s18] =	ssyncadd.s32 $0xFFFFFF80  }
0x2b6: {  	_ =	swait.ge [sflag:s18], $0x80  }
0x2b7: {  	[sflag:s18] =	ssyncset.done $0x0  }
0x2b8: {  	[sflag:s18] =	ssyncadd.s32 $0xFFFFFF80  }
0x2b9: {  	_ =	swait.ge [sflag:s18], $0x80  }
0x2ba: {  	[sflag:s18] =	ssyncset.done $0x0  }
0x2bb: {  	[sflag:s18] =	ssyncadd.s32 $0xFFFFFF80  }
0x2bc: {  	_ =	swait.ge [sflag:s18], $0x80  }
0x2bd: {  	[sflag:s18] =	ssyncset.done $0x0  }
0x2be: {  	[sflag:s18] =	ssyncadd.s32 $0xFFFFFF80  }
0x2bf: {  	_ =	swait.ge [sflag:s18], $0x80  }
0x2c0: {  	[sflag:s18] =	ssyncset.done $0x0  }
0x2c1: {  	[sflag:s18] =	ssyncadd.s32 $0xFFFFFF80  }
0x2c2: {  	_ =	swait.ge [sflag:s18], $0x80  }
0x2c3: {  	[sflag:s18] =	ssyncset.done $0x0  }
0x2c4: {  	[sflag:s18] =	ssyncadd.s32 $0xFFFFFF80  }
0x2c5: {  	_ =	swait.ge [sflag:s18], $0x80  }
0x2c6: {  	[sflag:s18] =	ssyncset.done $0x0  }
0x2c7: {  	[sflag:s18] =	ssyncadd.s32 $0xFFFFFF80  }
0x2c8: {  	_ =	swait.ge [sflag:s18], $0x80  }
0x2c9: {  	[sflag:s18] =	ssyncset.done $0x0  }
0x2ca: {  	[sflag:s18] =	ssyncadd.s32 $0xFFFFFF80  }
0x2cb: {  	_ =	swait.ge [sflag:s18], $0x80  }
0x2cc: {  	[sflag:s18] =	ssyncset.done $0x0  }
0x2cd: {  	[sflag:s18] =	ssyncadd.s32 $0xFFFFFF80  }
0x2ce: {  	_ =	swait.ge [sflag:s18], $0x80  }
0x2cf: {  	[sflag:s18] =	ssyncset.done $0x0  }
0x2d0: {  	[sflag:s18] =	ssyncadd.s32 $0xFFFFFF80  }
0x2d1: {  	_ =	swait.ge [sflag:s18], $0x80  }
0x2d2: {  	[sflag:s18] =	ssyncset.done $0x0  }
0x2d3: {  	[sflag:s18] =	ssyncadd.s32 $0xFFFFFF80  }
0x2d4: {  	_ =	swait.ge [sflag:s18], $0x80  }
0x2d5: {  	[sflag:s18] =	ssyncset.done $0x0  }
0x2d6: {  	[sflag:s18] =	ssyncadd.s32 $0xFFFFFF80  }
0x2d7: {  	_ =	swait.ge [sflag:s18], $0x80  }
0x2d8: {  	[sflag:s18] =	ssyncset.done $0x0  }
0x2d9: {  	[sflag:s18] =	ssyncadd.s32 $0xFFFFFF80  }
0x2da: {  	_ =	swait.ge [sflag:s18], $0x80  }
0x2db: {  	[sflag:s18] =	ssyncset.done $0x0  }
0x2dc: {  	[sflag:s18] =	ssyncadd.s32 $0xFFFFFF80  }
0x2dd: {  	_ =	swait.ge [sflag:s18], $0x80  }
0x2de: {  	[sflag:s18] =	ssyncset.done $0x0  }
0x2df: {  	[sflag:s18] =	ssyncadd.s32 $0xFFFFFF80  }
0x2e0: {  	_ =	swait.ge [sflag:s18], $0x80  }
0x2e1: {  	[sflag:s18] =	ssyncset.done $0x0  }
0x2e2: {  	[sflag:s18] =	ssyncadd.s32 $0xFFFFFF80  }
0x2e3: {  	_ =	swait.ge [sflag:s18], $0x80  }
0x2e4: {  	[sflag:s18] =	ssyncset.done $0x0  }
0x2e5: {  	[sflag:s18] =	ssyncadd.s32 $0xFFFFFF80  }
0x2e6: {  	_ =	swait.ge [sflag:s18], $0x80  }
0x2e7: {  	[sflag:s18] =	ssyncset.done $0x0  }
0x2e8: {  	[sflag:s18] =	ssyncadd.s32 $0xFFFFFF80  }
0x2e9: {  	_ =	swait.ge [sflag:s18], $0x80  }
0x2ea: {  	[sflag:s18] =	ssyncset.done $0x0  }
0x2eb: {  	[sflag:s18] =	ssyncadd.s32 $0xFFFFFF80  }
0x2ec: {  	_ =	swait.ge [sflag:s18], $0x80  }
0x2ed: {  	[sflag:s18] =	ssyncset.done $0x0  }
0x2ee: {  	[sflag:s18] =	ssyncadd.s32 $0xFFFFFF80  }
0x2ef: {  	_ =	swait.ge [sflag:s18], $0x80  }
0x2f0: {  	[sflag:s18] =	ssyncset.done $0x0  }
0x2f1: {  	[sflag:s18] =	ssyncadd.s32 $0xFFFFFF80  }
0x2f2: {  	_ =	swait.ge [sflag:s18], $0x80  }
0x2f3: {  	[sflag:s18] =	ssyncset.done $0x0  }
0x2f4: {  	[sflag:s18] =	ssyncadd.s32 $0xFFFFFF80  }
0x2f5: {  	_ =	swait.ge [sflag:s18], $0x80  }
0x2f6: {  	[sflag:s18] =	ssyncset.done $0x0  }
0x2f7: {  	[sflag:s18] =	ssyncadd.s32 $0xFFFFFF80  }
0x2f8: {  	_ =	swait.ge [sflag:s18], $0x80  }
0x2f9: {  	[sflag:s18] =	ssyncset.done $0x0  }
0x2fa: {  	[sflag:s18] =	ssyncadd.s32 $0xFFFFFF80  }
0x2fb: {  	_ =	swait.ge [sflag:s18], $0x80  }
0x2fc: {  	[sflag:s18] =	ssyncset.done $0x0  }
0x2fd: {  	[sflag:s18] =	ssyncadd.s32 $0xFFFFFF80  }
0x2fe: {  	_ =	swait.ge [sflag:s18], $0x80  }
0x2ff: {  	[sflag:s18] =	ssyncset.done $0x0  }
0x300: {  	[sflag:s18] =	ssyncadd.s32 $0xFFFFFF80  }
0x301: {  	_ =	swait.ge [sflag:s18], $0x80  }
0x302: {  	[sflag:s18] =	ssyncset.done $0x0  }
0x303: {  	[sflag:s18] =	ssyncadd.s32 $0xFFFFFF80  }
0x304: {  	_ =	swait.ge [sflag:s18], $0x80  }
0x305: {  	[sflag:s18] =	ssyncset.done $0x0  }
0x306: {  	[sflag:s18] =	ssyncadd.s32 $0xFFFFFF80  }
0x307: {  	_ =	swait.ge [sflag:s18], $0x80  }
0x308: {  	[sflag:s18] =	ssyncset.done $0x0  }
0x309: {  	[sflag:s18] =	ssyncadd.s32 $0xFFFFFF80  }
0x30a: {  	_ =	swait.ge [sflag:s18], $0x80  }
0x30b: {  	[sflag:s18] =	ssyncset.done $0x0  }
0x30c: {  	[sflag:s18] =	ssyncadd.s32 $0xFFFFFF80  }
0x30d: {  	_ =	swait.ge [sflag:s18], $0x80  }
0x30e: {  	[sflag:s18] =	ssyncset.done $0x0  }
0x30f: {  	[sflag:s18] =	ssyncadd.s32 $0xFFFFFF80  }
0x310: {  	_ =	swait.ge [sflag:s18], $0x80  }
0x311: {  	[sflag:s18] =	ssyncset.done $0x0  }
0x312: {  	[sflag:s18] =	ssyncadd.s32 $0xFFFFFF80  }
0x313: {  	_ =	swait.ge [sflag:s18], $0x80  }
0x314: {  	[sflag:s18] =	ssyncset.done $0x0  }
0x315: {  	[sflag:s18] =	ssyncadd.s32 $0xFFFFFF80  }
0x316: {  	_ =	swait.ge [sflag:s18], $0x80  }
0x317: {  	[sflag:s18] =	ssyncset.done $0x0  }
0x318: {  	[sflag:s18] =	ssyncadd.s32 $0xFFFFFF80  }
0x319: {  	_ =	swait.ge [sflag:s18], $0x80  }
0x31a: {  	[sflag:s18] =	ssyncset.done $0x0  }
0x31b: {  	[sflag:s18] =	ssyncadd.s32 $0xFFFFFF80  }
0x31c: {  	_ =	swait.ge [sflag:s18], $0x80  }
0x31d: {  	[sflag:s18] =	ssyncset.done $0x0  }
0x31e: {  	[sflag:s18] =	ssyncadd.s32 $0xFFFFFF80  }
0x31f: {  	_ =	swait.ge [sflag:s18], $0x80  }
0x320: {  	[sflag:s18] =	ssyncset.done $0x0  }
0x321: {  	[sflag:s18] =	ssyncadd.s32 $0xFFFFFF80  }
0x322: {  	_ =	swait.ge [sflag:s18], $0x80  }
0x323: {  	[sflag:s18] =	ssyncset.done $0x0  }
0x324: {  	[sflag:s18] =	ssyncadd.s32 $0xFFFFFF80  }
0x325: {  	_ =	swait.ge [sflag:s18], $0x80  }
0x326: {  	[sflag:s18] =	ssyncset.done $0x0  }
0x327: {  	[sflag:s18] =	ssyncadd.s32 $0xFFFFFF80  }
0x328: {  	_ =	swait.ge [sflag:s18], $0x80  }
0x329: {  	[sflag:s18] =	ssyncset.done $0x0  }
0x32a: {  	[sflag:s18] =	ssyncadd.s32 $0xFFFFFF80  }
0x32b: {  	_ =	swait.ge [sflag:s18], $0x80  }
0x32c: {  	[sflag:s18] =	ssyncset.done $0x0  }
0x32d: {  	[sflag:s18] =	ssyncadd.s32 $0xFFFFFF80  }
0x32e: {  	_ =	swait.ge [sflag:s18], $0x80  }
0x32f: {  	[sflag:s18] =	ssyncset.done $0x0  }
0x330: {  	[sflag:s18] =	ssyncadd.s32 $0xFFFFFF80  }
0x331: {  	_ =	swait.ge [sflag:s18], $0x80  }
0x332: {  	[sflag:s18] =	ssyncset.done $0x0  }
0x333: {  	[sflag:s18] =	ssyncadd.s32 $0xFFFFFF80  }
0x334: {  	_ =	swait.ge [sflag:s18], $0x80  }
0x335: {  	[sflag:s18] =	ssyncset.done $0x0  }
0x336: {  	[sflag:s18] =	ssyncadd.s32 $0xFFFFFF80  }
0x337: {  	_ =	swait.ge [sflag:s18], $0x80  }
0x338: {  	[sflag:s18] =	ssyncset.done $0x0  }
0x339: {  	s3 =	sadd.s32 $0x1, s3;
	[sflag:s18] =	ssyncadd.s32 $0xFFFFFF80  }
0x33a: {  	p0 =	sne.s32 s3, $0x4;
	_ =	swait.ge [sflag:s18], $0x80  }
.Ltmp8:
0x33b: {  	[sflag:s18] =	ssyncset.done $0x0;
	(pc) =	sbr.rel @p0 .LBB2_4-.Ltmp8, $4  }
0x33c: {  	[sflag:s18] =	ssyncadd.s32 $0xFFFFFF80  }
0x33d: {  	_ =	swait.ge [sflag:s18], $0x80  }
0x33e: {  	[sflag:s18] =	ssyncset.done $0x0  }
0x33f: {  	s8 =	smov.u32 s15;
	s4 =	smov.u32 s0;
	[sflag:s18] =	ssyncadd.s32 $0xFFFFFF80  }
0x340: {  	s0 =	rddreg [dreg:$0x4]  }
0x341: {  	s3 =	rddreg [dreg:$0x8];
	s0 =	sadd.s32 $0x1, s0  }
0x342: {  	p0 =	sne.s32 s0, s3  }
.Ltmp9:
0x343: {  	_ = 	snop;
	(pc) =	sbr.rel @p0 .LBB2_1-.Ltmp9, $2  }
0x344: {  	_ =	sdelay $0x2  }
0x345: {  	[dreg:$0x4] =	wrdreg s0  }
0x346: {  	_ =	sfence.sel $0x180000  }
0x347: {  	[bflag:$0x0] =	sbarrier.arrive $0xFFFF  }
0x348: {  	_ =	strace $0x90000047  }
0x349: {  	s0 =	stileid.u32;
	[bflag:$0x2] =	sbarrier.arrive $0xFFFF  }
0x34a: {  	p0 =	sne.s32 s0, $0x0;
	s0 =	rddreg [dreg:$0x3]  }
0x34b: {  	s0 =	sadd.s32 @!p0 $0x100000, s0  }
0x34c: {  	[sflag:s0] =	ssyncadd.tile.s32 @!p0 $0x1;
	_ =	shalt  }
.Lfunc_end2:
_tile_overlayer_lowered:
.L_overlay_start_2:
0x34d: {  	(tag) =	ssettag $0x2  }
0x34e: {  	s0 =	rddreg [dreg:$0x0];
	s2 =	stileid.u32  }
0x34f: {  	s1 =	rddreg [dreg:$0x1];
	p0 =	sne.s32 s2, $0x0  }
0x350: {  	s3 =	rddreg [dreg:$0x2];
	[bflag:$0x3] =	sbarrier.arrive $0xFFFF;
	s2 =	simm.s32 @!p0 $0x1C03  }
0x351: {  	[timem:s3], [sflag:s2] =	dma.local @!p0 [hbm:s0], s1  }
0x352: {  	s0 =	simm.s32 @!p0 $0x3  }
0x353: {  	_ =	swait.ge @!p0 [sflag:s0], s1  }
0x354: {  	s1 =	ssub.s32 @!p0 $0x0, s1;
	[sflag:s0] =	ssyncset.done @!p0 $0x0  }
0x355: {  	[sflag:s0] =	ssyncadd.s32 @!p0 s1  }
0x356: {  	[bflag:$0x3] =	sbarrier.arrive $0xFFFF  }
0x357: {  	_ =	shalt  }

</sc_bundles>
